<compile_context>
chip_gen: v7x
topology: tpu7x:2x2x1
jax: 0.10.2.dev20260603
libtpu: 0.0.44.dev20260713+nightly
codegen_flags: <defaults>
</compile_context>

<pallas_src>
import functools

import jax
import jax.numpy as jnp
from jax import lax
from jax.experimental import pallas as pl
from jax.experimental.pallas import tpu as pltpu
from jax.experimental.pallas import tpu_sc as plsc

TOP_K = 2
CAP = 192

NC = 2
NS = 16
NW = NC * NS
LANES = 16

INVALID = 1 << 30



def _router_body(x_ref, gw_ref, w_ref, gs_ref, gg_ref, xb_ref, cnt_ref):
    tb = x_ref.shape[0]
    n_e = gw_ref.shape[0]

    @pl.when(pl.program_id(0) == 0)
    def _():
        cnt_ref[...] = jnp.zeros_like(cnt_ref)

    x = x_ref[...]
    dh = x_ref.shape[1] // 2

    def _rne(v):
        iv = lax.bitcast_convert_type(v, jnp.int32)
        rnd = ((iv >> 16) & 1) + 0x7FFF
        return iv + rnd

    ia = _rne(x[:, :dh])
    ib = _rne(x[:, dh:])
    xb_ref[...] = lax.shift_right_logical(ia, 16) | (
        ib & jnp.int32(-65536))
    gw = gw_ref[...]
    logits = lax.dot_general(x, gw, (((1,), (1,)), ((), ())),
                             preferred_element_type=jnp.float32)
    eidx = lax.broadcasted_iota(jnp.int32, (tb, n_e), 1)
    m1 = jnp.max(logits, axis=1, keepdims=True)
    e1 = jnp.min(jnp.where(logits == m1, eidx, n_e), axis=1, keepdims=True)
    l2 = jnp.where(eidx == e1, jnp.float32(-1e30), logits)
    m2 = jnp.max(l2, axis=1, keepdims=True)
    e2 = jnp.min(jnp.where(l2 == m2, eidx, n_e), axis=1, keepdims=True)
    w1 = jax.nn.sigmoid(m1 - m2)
    w2 = jax.nn.sigmoid(m2 - m1)

    hit = ((eidx == e1) | (eidx == e2)).astype(jnp.float32)
    ri = lax.broadcasted_iota(jnp.int32, (tb, tb), 0)
    ci = lax.broadcasted_iota(jnp.int32, (tb, tb), 1)
    ltri = (ci < ri).astype(jnp.float32)
    pos = lax.dot_general(ltri, hit, (((1,), (0,)), ((), ())),
                          preferred_element_type=jnp.float32) + cnt_ref[...]
    cnt_ref[...] = cnt_ref[...] + jnp.sum(hit, axis=0, keepdims=True)

    pos1 = jnp.sum(jnp.where(eidx == e1, pos, 0.0), axis=1,
                   keepdims=True).astype(jnp.int32)
    pos2 = jnp.sum(jnp.where(eidx == e2, pos, 0.0), axis=1,
                   keepdims=True).astype(jnp.int32)
    v1 = pos1 < CAP
    v2 = pos2 < CAP
    g1 = e1 * CAP + pos1
    g2 = e2 * CAP + pos2
    w_ref[...] = jnp.concatenate(
        [jnp.where(v1, w1, 0.0), jnp.where(v2, w2, 0.0)], axis=1)
    gs_ref[...] = jnp.concatenate(
        [jnp.where(v1, g1, INVALID), jnp.where(v2, g2, INVALID)], axis=1)
    gg_ref[...] = jnp.concatenate(
        [jnp.where(v1, g1, 0), jnp.where(v2, g2, 0)], axis=1)


def _router(x, gate_w):
    t, d = x.shape
    n_e = gate_w.shape[0]
    tb = 1024
    grid = (t // tb,)
    return pl.pallas_call(
        _router_body,
        grid=grid,
        in_specs=[
            pl.BlockSpec((tb, d), lambda i: (i, 0)),
            pl.BlockSpec((n_e, d), lambda i: (0, 0)),
        ],
        out_specs=[
            pl.BlockSpec((tb, TOP_K), lambda i: (i, 0)),
            pl.BlockSpec((tb, TOP_K), lambda i: (i, 0)),
            pl.BlockSpec((tb, TOP_K), lambda i: (i, 0)),
            pl.BlockSpec((tb, d // 2), lambda i: (i, 0)),
        ],
        out_shape=[
            jax.ShapeDtypeStruct((t, TOP_K), jnp.float32),
            jax.ShapeDtypeStruct((t, TOP_K), jnp.int32),
            jax.ShapeDtypeStruct((t, TOP_K), jnp.int32),
            jax.ShapeDtypeStruct((t, d // 2), jnp.int32),
        ],
        scratch_shapes=[pltpu.VMEM((1, n_e), jnp.float32)],
    )(x, gate_w)



def _make_dispatch(t, d, n_e):
    slots = n_e * CAP
    xs_rows = slots + CAP
    toks_per_w = t // NW
    mesh = plsc.VectorSubcoreMesh(core_axis_name="c", subcore_axis_name="s")

    @functools.partial(
        pl.kernel,
        out_type=jax.ShapeDtypeStruct((xs_rows, d), jnp.int32),
        mesh=mesh,
        scratch_types=[
            pltpu.VMEM((toks_per_w, d), jnp.int32),
            pltpu.VMEM((toks_per_w,), jnp.int32),
            pltpu.VMEM((toks_per_w,), jnp.int32),
            pltpu.SemaphoreType.DMA,
        ],
        compiler_params=pltpu.CompilerParams(needs_layout_passes=False),
    )
    def dispatch(gs_hbm, xb_hbm, xs_hbm, rows_v, dst0_v, dst1_v, sem):
        wid = lax.axis_index("s") * NC + lax.axis_index("c")
        tok0 = wid * toks_per_w
        c_rows = pltpu.async_copy(xb_hbm.at[pl.ds(tok0, toks_per_w)],
                                  rows_v, sem)
        pltpu.sync_copy(gs_hbm.at[0, pl.ds(tok0, toks_per_w)], dst0_v)
        pltpu.sync_copy(gs_hbm.at[1, pl.ds(tok0, toks_per_w)], dst1_v)
        trash = slots + wid
        for m in range(toks_per_w // LANES):
            sl = pl.ds(m * LANES, LANES)
            v0 = dst0_v[sl]
            dst0_v[sl] = jnp.where(v0 < slots, v0, trash)
            v1 = dst1_v[sl]
            dst1_v[sl] = jnp.where(v1 < slots, v1, trash)
        c_rows.wait()
        c0 = pltpu.async_copy(rows_v, xs_hbm.at[dst0_v], sem)
        c1 = pltpu.async_copy(rows_v, xs_hbm.at[dst1_v], sem)
        c0.wait()
        c1.wait()

    return dispatch



def _expert_body(xs_ref, wgu_ref, wd_ref, ys_ref):
    ff = wd_ref.shape[1]
    xp = xs_ref[...]
    xa = lax.bitcast_convert_type(lax.shift_left(xp, 16), jnp.float32)
    xb = lax.bitcast_convert_type(xp & jnp.int32(-65536), jnp.float32)
    xs = jnp.concatenate([xa, xb], axis=1).astype(jnp.bfloat16)
    wgu = wgu_ref[0].astype(jnp.bfloat16)
    gu = lax.dot_general(xs, wgu, (((1,), (0,)), ((), ())),
                         preferred_element_type=jnp.float32)
    gate = gu[:, :ff]
    up = gu[:, ff:]
    h = (up * (gate * jax.nn.sigmoid(gate))).astype(jnp.bfloat16)
    wd = wd_ref[0].astype(jnp.bfloat16)
    ys_ref[...] = lax.dot_general(h, wd, (((1,), (0,)), ((), ())),
                                  preferred_element_type=jnp.float32)


def _experts(xs, w_gate_up, w_down):
    n_e, d, dff2 = w_gate_up.shape
    ff = w_down.shape[1]
    return pl.pallas_call(
        _expert_body,
        grid=(n_e,),
        in_specs=[
            pl.BlockSpec((CAP, d // 2), lambda e: (e, 0)),
            pl.BlockSpec((1, d, dff2), lambda e: (e, 0, 0)),
            pl.BlockSpec((1, ff, d), lambda e: (e, 0, 0)),
        ],
        out_specs=pl.BlockSpec((CAP, d), lambda e: (e, 0)),
        out_shape=jax.ShapeDtypeStruct((n_e * CAP, d), jnp.float32),
    )(xs, w_gate_up, w_down)



def _make_combine(t, d, n_e):
    toks_per_w = t // NW
    tchunk = 16
    n_chunks = toks_per_w // tchunk
    nd = d // LANES
    mesh = plsc.VectorSubcoreMesh(core_axis_name="c", subcore_axis_name="s")

    @functools.partial(
        pl.kernel,
        out_type=jax.ShapeDtypeStruct((t, d), jnp.float32),
        mesh=mesh,
        scratch_types=[
            pltpu.VMEM((toks_per_w,), jnp.float32),
            pltpu.VMEM((toks_per_w,), jnp.float32),
            pltpu.VMEM((toks_per_w,), jnp.int32),
            pltpu.VMEM((toks_per_w,), jnp.int32),
            pltpu.VMEM((2, tchunk, d), jnp.float32),
            pltpu.VMEM((2, tchunk, d), jnp.float32),
            pltpu.VMEM((2, tchunk, d), jnp.float32),
            pltpu.SemaphoreType.DMA,
            pltpu.SemaphoreType.DMA,
        ],
        compiler_params=pltpu.CompilerParams(needs_layout_passes=False),
    )
    def combine(ys_hbm, gg_hbm, w_hbm, out_hbm, w0_v, w1_v, i0_v, i1_v,
                r0_v, r1_v, out_v, semg, semw):
        wid = lax.axis_index("s") * NC + lax.axis_index("c")
        tok0 = wid * toks_per_w
        pltpu.sync_copy(w_hbm.at[0, pl.ds(tok0, toks_per_w)], w0_v)
        pltpu.sync_copy(w_hbm.at[1, pl.ds(tok0, toks_per_w)], w1_v)
        pltpu.sync_copy(gg_hbm.at[0, pl.ds(tok0, toks_per_w)], i0_v)
        pltpu.sync_copy(gg_hbm.at[1, pl.ds(tok0, toks_per_w)], i1_v)

        def start_gather(j):
            b = j % 2
            c0 = pltpu.async_copy(
                ys_hbm.at[i0_v.at[pl.ds(j * tchunk, tchunk)]],
                r0_v.at[b], semg)
            c1 = pltpu.async_copy(
                ys_hbm.at[i1_v.at[pl.ds(j * tchunk, tchunk)]],
                r1_v.at[b], semg)
            return c0, c1

        gathers = {0: start_gather(0)}
        writes = {}
        for j in range(n_chunks):
            b = j % 2
            c0, c1 = gathers.pop(j)
            c0.wait()
            c1.wait()
            if j + 1 < n_chunks:
                gathers[j + 1] = start_gather(j + 1)
            if j >= 2:
                writes.pop(j - 2).wait()

            def row_body(i, c2, j=j, b=b):
                ia = jnp.full((LANES,), j * tchunk + i, jnp.int32)
                wa = plsc.load_gather(w0_v, [ia])
                wb = plsc.load_gather(w1_v, [ia])
                for s in range(nd):
                    sl = pl.ds(s * LANES, LANES)
                    out_v[b, i, sl] = (r0_v[b, i, sl] * wa
                                       + r1_v[b, i, sl] * wb)
                return c2

            lax.fori_loop(0, tchunk, row_body, 0)
            writes[j] = pltpu.async_copy(
                out_v.at[b], out_hbm.at[pl.ds(tok0 + j * tchunk, tchunk)],
                semw)
        for j in sorted(writes):
            writes.pop(j).wait()

    return combine



def kernel(hidden_states, gate_w, w_gate_up, w_down):
    b, s, d = hidden_states.shape
    t = b * s
    n_e = gate_w.shape[0]
    x = hidden_states.reshape(t, d)

    w_sel, gs, gg, xb = _router(x, gate_w)
    gs_t = gs.T.reshape(TOP_K, t)
    gg_t = gg.T.reshape(TOP_K, t)
    w_t = w_sel.T.reshape(TOP_K, t)
    xs = _make_dispatch(t, d // 2, n_e)(gs_t, xb)
    ys = _experts(xs, w_gate_up, w_down)
    out = _make_combine(t, d, n_e)(ys, gg_t, w_t)
    return out.reshape(b, s, d)

# --- scband reference (transcript-rebuilt; emitter-appended) ---
"""Pipeline reference for scband-mlp-57002805952962 (READ-ONLY COPY).

The authoritative reference and input builder live on the scoring server;
editing this copy changes nothing except your own understanding.
"""

import jax, jax.numpy as jnp
import numpy as np

B, S, D = 1, 2048, 768
E = 64
FF = 768
TOP_K = 2
CAP = 192  # per-expert token capacity (mean load ~64, std ~8)


def setup_inputs(seed: int = 0) -> dict:
    key = jax.random.key(seed)
    ks = jax.random.split(key, 4)
    hidden_states = jax.random.normal(ks[0], (B, S, D), dtype=jnp.float32)
    gate_w = jax.random.normal(ks[1], (E, D), dtype=jnp.float32) * 0.02
    w_gate_up = jax.random.normal(ks[2], (E, D, 2 * FF), dtype=jnp.float32) * 0.02
    w_down = jax.random.normal(ks[3], (E, FF, D), dtype=jnp.float32) * 0.02
    return {"hidden_states": hidden_states, "gate_w": gate_w, "w_gate_up": w_gate_up, "w_down": w_down}


def _moe_forward(hs, gate_w, w_gate_up, w_down):
    b, s, d = hs.shape
    x = hs.reshape(-1, d)
    T = x.shape[0]
    n_experts = gate_w.shape[0]
    # router (qwen3_moe path): softmax over all experts, then top-k, then renormalize
    router_logits = x @ gate_w.T
    probs = jax.nn.softmax(router_logits.astype(jnp.float32), axis=-1)
    routing_weights, selected_experts = jax.lax.top_k(probs, TOP_K)
    routing_weights = routing_weights / jnp.sum(routing_weights, axis=-1, keepdims=True)
    routing_weights = routing_weights.astype(x.dtype)
    # per-token per-expert combine weight (scatter-add of top-k weights)
    comb = jnp.zeros((T, n_experts), dtype=x.dtype).at[jnp.arange(T)[:, None], selected_experts].add(routing_weights)
    out = jnp.zeros((T, d), dtype=x.dtype)
    for e in range(n_experts):
        we = comb[:, e]
        hit = we > 0
        cnt = jnp.sum(hit)
        idx = jnp.nonzero(hit, size=CAP, fill_value=0)[0]
        valid = jnp.arange(CAP) < cnt
        w_tok = jnp.where(valid, we[idx], jnp.zeros((), dtype=x.dtype))
        xs = jnp.take(x, idx, axis=0)
        gu = xs @ w_gate_up[e]
        gate, up = jnp.split(gu, 2, axis=-1)
        ye = (up * jax.nn.silu(gate)) @ w_down[e]
        out = out.at[idx].add(ye * w_tok[:, None])
    return out.reshape(b, s, d)


def reference(hidden_states, gate_w, w_gate_up, w_down):
    return _moe_forward(hidden_states, gate_w, w_gate_up, w_down)

if __name__ == "__main__":
    import jax
    _d = setup_inputs()
    print(jax.jit(kernel)(*tuple(_d.values())))

</pallas_src>

<mosaic_0001>
#map = affine_map<(d0, d1) -> (0, 0)>
module attributes {stable_mosaic.version = 14 : i64} {
  func.func @dispatch(%arg0: i32, %arg1: i32, %arg2: memref<2x2048xi32, #tpu.memory_space<hbm>>, %arg3: memref<2048x384xi32, #tpu.memory_space<hbm>>, %arg4: memref<12480x384xi32, #tpu.memory_space<hbm>>, %arg5: memref<64x384xi32, #tpu.memory_space<vmem>>, %arg6: memref<64xi32, #tpu.memory_space<vmem>>, %arg7: memref<64xi32, #tpu.memory_space<vmem>>, %arg8: memref<!tpu.dma_semaphore, #tpu.memory_space<semaphore_mem>>) attributes {dimension_semantics = [#tpu.dimension_semantics<core_parallel>, #tpu.dimension_semantics<subcore_parallel>], iteration_bounds = array<i64: 2, 16>, scalar_prefetch = 0 : i64, scratch_operands = 4 : i64, tpu.core_type = #tpu.core_type<sc_vector_subcore>, window_params = [{transform_indices = #map}, {transform_indices = #map}, {transform_indices = #map}]} {
    %mul3A = arith.constant 2 : i32
    %mul3A_0 = arith.muli %arg1, %mul3A : i32
    %add3A = arith.addi %mul3A_0, %arg0 : i32
    %mul3A_1 = arith.constant 64 : i32
    %mul3A_2 = arith.muli %add3A, %mul3A_1 : i32
    %dma_start3A = arith.constant 0 : i32
    %dma_start3A_3 = tpu.memref_slice %arg3[%mul3A_2, %dma_start3A] : memref<2048x384xi32, #tpu.memory_space<hbm>> -> memref<64x384xi32, #tpu.memory_space<hbm>>
    %dma_start3A_4 = arith.constant 0 : i32
    %dma_start3A_5 = tpu.memref_slice %arg3[%mul3A_2, %dma_start3A_4] : memref<2048x384xi32, #tpu.memory_space<hbm>> -> memref<64x384xi32, #tpu.memory_space<hbm>>
    tpu.enqueue_dma source(%dma_start3A_5 : memref<64x384xi32, #tpu.memory_space<hbm>>) target(%arg5 : memref<64x384xi32, #tpu.memory_space<vmem>>) target_semaphore(%arg8 : memref<!tpu.dma_semaphore, #tpu.memory_space<semaphore_mem>>)
    %run_scoped3A = arith.constant 0 : i32
    "tpu.region"() ({
      %run_scoped3A_91 = tpu.sem_alloc : memref<!tpu.dma_semaphore, #tpu.memory_space<semaphore_mem>>
      %dma_start3A_92 = tpu.memref_slice %arg2[%run_scoped3A, %mul3A_2] : memref<2x2048xi32, #tpu.memory_space<hbm>> -> memref<1x64xi32, #tpu.memory_space<hbm>>
      %dma_start3A_93 = tpu.memref_squeeze %dma_start3A_92 : memref<1x64xi32, #tpu.memory_space<hbm>> -> memref<64xi32, #tpu.memory_space<hbm>>
      %dma_start3A_94 = tpu.memref_slice %arg2[%run_scoped3A, %mul3A_2] : memref<2x2048xi32, #tpu.memory_space<hbm>> -> memref<1x64xi32, #tpu.memory_space<hbm>>
      %dma_start3A_95 = tpu.memref_squeeze %dma_start3A_94 : memref<1x64xi32, #tpu.memory_space<hbm>> -> memref<64xi32, #tpu.memory_space<hbm>>
      tpu.enqueue_dma source(%dma_start3A_95 : memref<64xi32, #tpu.memory_space<hbm>>) target(%arg6 : memref<64xi32, #tpu.memory_space<vmem>>) target_semaphore(%run_scoped3A_91 : memref<!tpu.dma_semaphore, #tpu.memory_space<semaphore_mem>>)
      %dma_wait3A_96 = tpu.memref_slice %arg2[%run_scoped3A, %mul3A_2] : memref<2x2048xi32, #tpu.memory_space<hbm>> -> memref<1x64xi32, #tpu.memory_space<hbm>>
      %dma_wait3A_97 = tpu.memref_squeeze %dma_wait3A_96 : memref<1x64xi32, #tpu.memory_space<hbm>> -> memref<64xi32, #tpu.memory_space<hbm>>
      %dma_wait3A_98 = tpu.memref_slice %arg2[%run_scoped3A, %mul3A_2] : memref<2x2048xi32, #tpu.memory_space<hbm>> -> memref<1x64xi32, #tpu.memory_space<hbm>>
      %dma_wait3A_99 = tpu.memref_squeeze %dma_wait3A_98 : memref<1x64xi32, #tpu.memory_space<hbm>> -> memref<64xi32, #tpu.memory_space<hbm>>
      tpu.wait_dma2 semaphore(%run_scoped3A_91 : memref<!tpu.dma_semaphore, #tpu.memory_space<semaphore_mem>>) src(%dma_wait3A_99 : memref<64xi32, #tpu.memory_space<hbm>>) dst(%arg6 : memref<64xi32, #tpu.memory_space<vmem>>)
      tpu.yield
    }) : () -> ()
    %run_scoped3A_6 = arith.constant 1 : i32
    "tpu.region"() ({
      %run_scoped3A_91 = tpu.sem_alloc : memref<!tpu.dma_semaphore, #tpu.memory_space<semaphore_mem>>
      %dma_start3A_92 = tpu.memref_slice %arg2[%run_scoped3A_6, %mul3A_2] : memref<2x2048xi32, #tpu.memory_space<hbm>> -> memref<1x64xi32, #tpu.memory_space<hbm>>
      %dma_start3A_93 = tpu.memref_squeeze %dma_start3A_92 : memref<1x64xi32, #tpu.memory_space<hbm>> -> memref<64xi32, #tpu.memory_space<hbm>>
      %dma_start3A_94 = tpu.memref_slice %arg2[%run_scoped3A_6, %mul3A_2] : memref<2x2048xi32, #tpu.memory_space<hbm>> -> memref<1x64xi32, #tpu.memory_space<hbm>>
      %dma_start3A_95 = tpu.memref_squeeze %dma_start3A_94 : memref<1x64xi32, #tpu.memory_space<hbm>> -> memref<64xi32, #tpu.memory_space<hbm>>
      tpu.enqueue_dma source(%dma_start3A_95 : memref<64xi32, #tpu.memory_space<hbm>>) target(%arg7 : memref<64xi32, #tpu.memory_space<vmem>>) target_semaphore(%run_scoped3A_91 : memref<!tpu.dma_semaphore, #tpu.memory_space<semaphore_mem>>)
      %dma_wait3A_96 = tpu.memref_slice %arg2[%run_scoped3A_6, %mul3A_2] : memref<2x2048xi32, #tpu.memory_space<hbm>> -> memref<1x64xi32, #tpu.memory_space<hbm>>
      %dma_wait3A_97 = tpu.memref_squeeze %dma_wait3A_96 : memref<1x64xi32, #tpu.memory_space<hbm>> -> memref<64xi32, #tpu.memory_space<hbm>>
      %dma_wait3A_98 = tpu.memref_slice %arg2[%run_scoped3A_6, %mul3A_2] : memref<2x2048xi32, #tpu.memory_space<hbm>> -> memref<1x64xi32, #tpu.memory_space<hbm>>
      %dma_wait3A_99 = tpu.memref_squeeze %dma_wait3A_98 : memref<1x64xi32, #tpu.memory_space<hbm>> -> memref<64xi32, #tpu.memory_space<hbm>>
      tpu.wait_dma2 semaphore(%run_scoped3A_91 : memref<!tpu.dma_semaphore, #tpu.memory_space<semaphore_mem>>) src(%dma_wait3A_99 : memref<64xi32, #tpu.memory_space<hbm>>) dst(%arg7 : memref<64xi32, #tpu.memory_space<vmem>>)
      tpu.yield
    }) : () -> ()
    %add3A_7 = arith.constant 12288 : i32
    %add3A_8 = arith.addi %add3A_7, %add3A : i32
    %get3A = arith.constant 0 : index
    %get3A_9 = tpu.vector_load %arg6[%get3A] {strides = array<i32>} : memref<64xi32, #tpu.memory_space<vmem>>, vector<16xi32>,
    %lt3A = arith.constant 12288 : i32
    %lt3A_10 = vector.broadcast %lt3A : i32 to vector<16xi32>
    %lt3A_11 = arith.cmpi slt, %get3A_9, %lt3A_10 : vector<16xi32>
    %broadcast_in_dim3A = vector.broadcast %add3A_8 : i32 to vector<16xi32>
    %select_n3A = arith.select %lt3A_11, %get3A_9, %broadcast_in_dim3A : vector<16xi1>, vector<16xi32>
    %swap3A = arith.constant 0 : index
    %swap3A_12 = tpu.vector_load %arg6[%swap3A] {strides = array<i32>} : memref<64xi32, #tpu.memory_space<vmem>>, vector<16xi32>,
    tpu.vector_store %arg6[%swap3A], %select_n3A {strides = array<i32>} : memref<64xi32, #tpu.memory_space<vmem>>, vector<16xi32>,
    %get3A_13 = arith.constant 0 : index
    %get3A_14 = tpu.vector_load %arg7[%get3A_13] {strides = array<i32>} : memref<64xi32, #tpu.memory_space<vmem>>, vector<16xi32>,
    %lt3A_15 = arith.constant 12288 : i32
    %lt3A_16 = vector.broadcast %lt3A_15 : i32 to vector<16xi32>
    %lt3A_17 = arith.cmpi slt, %get3A_14, %lt3A_16 : vector<16xi32>
    %broadcast_in_dim3A_18 = vector.broadcast %add3A_8 : i32 to vector<16xi32>
    %select_n3A_19 = arith.select %lt3A_17, %get3A_14, %broadcast_in_dim3A_18 : vector<16xi1>, vector<16xi32>
    %swap3A_20 = arith.constant 0 : index
    %swap3A_21 = tpu.vector_load %arg7[%swap3A_20] {strides = array<i32>} : memref<64xi32, #tpu.memory_space<vmem>>, vector<16xi32>,
    tpu.vector_store %arg7[%swap3A_20], %select_n3A_19 {strides = array<i32>} : memref<64xi32, #tpu.memory_space<vmem>>, vector<16xi32>,
    %get3A_22 = arith.constant 16 : index
    %get3A_23 = tpu.vector_load %arg6[%get3A_22] {strides = array<i32>} : memref<64xi32, #tpu.memory_space<vmem>>, vector<16xi32>,
    %lt3A_24 = arith.constant 12288 : i32
    %lt3A_25 = vector.broadcast %lt3A_24 : i32 to vector<16xi32>
    %lt3A_26 = arith.cmpi slt, %get3A_23, %lt3A_25 : vector<16xi32>
    %broadcast_in_dim3A_27 = vector.broadcast %add3A_8 : i32 to vector<16xi32>
    %select_n3A_28 = arith.select %lt3A_26, %get3A_23, %broadcast_in_dim3A_27 : vector<16xi1>, vector<16xi32>
    %swap3A_29 = arith.constant 16 : index
    %swap3A_30 = tpu.vector_load %arg6[%swap3A_29] {strides = array<i32>} : memref<64xi32, #tpu.memory_space<vmem>>, vector<16xi32>,
    tpu.vector_store %arg6[%swap3A_29], %select_n3A_28 {strides = array<i32>} : memref<64xi32, #tpu.memory_space<vmem>>, vector<16xi32>,
    %get3A_31 = arith.constant 16 : index
    %get3A_32 = tpu.vector_load %arg7[%get3A_31] {strides = array<i32>} : memref<64xi32, #tpu.memory_space<vmem>>, vector<16xi32>,
    %lt3A_33 = arith.constant 12288 : i32
    %lt3A_34 = vector.broadcast %lt3A_33 : i32 to vector<16xi32>
    %lt3A_35 = arith.cmpi slt, %get3A_32, %lt3A_34 : vector<16xi32>
    %broadcast_in_dim3A_36 = vector.broadcast %add3A_8 : i32 to vector<16xi32>
    %select_n3A_37 = arith.select %lt3A_35, %get3A_32, %broadcast_in_dim3A_36 : vector<16xi1>, vector<16xi32>
    %swap3A_38 = arith.constant 16 : index
    %swap3A_39 = tpu.vector_load %arg7[%swap3A_38] {strides = array<i32>} : memref<64xi32, #tpu.memory_space<vmem>>, vector<16xi32>,
    tpu.vector_store %arg7[%swap3A_38], %select_n3A_37 {strides = array<i32>} : memref<64xi32, #tpu.memory_space<vmem>>, vector<16xi32>,
    %get3A_40 = arith.constant 32 : index
    %get3A_41 = tpu.vector_load %arg6[%get3A_40] {strides = array<i32>} : memref<64xi32, #tpu.memory_space<vmem>>, vector<16xi32>,
    %lt3A_42 = arith.constant 12288 : i32
    %lt3A_43 = vector.broadcast %lt3A_42 : i32 to vector<16xi32>
    %lt3A_44 = arith.cmpi slt, %get3A_41, %lt3A_43 : vector<16xi32>
    %broadcast_in_dim3A_45 = vector.broadcast %add3A_8 : i32 to vector<16xi32>
    %select_n3A_46 = arith.select %lt3A_44, %get3A_41, %broadcast_in_dim3A_45 : vector<16xi1>, vector<16xi32>
    %swap3A_47 = arith.constant 32 : index
    %swap3A_48 = tpu.vector_load %arg6[%swap3A_47] {strides = array<i32>} : memref<64xi32, #tpu.memory_space<vmem>>, vector<16xi32>,
    tpu.vector_store %arg6[%swap3A_47], %select_n3A_46 {strides = array<i32>} : memref<64xi32, #tpu.memory_space<vmem>>, vector<16xi32>,
    %get3A_49 = arith.constant 32 : index
    %get3A_50 = tpu.vector_load %arg7[%get3A_49] {strides = array<i32>} : memref<64xi32, #tpu.memory_space<vmem>>, vector<16xi32>,
    %lt3A_51 = arith.constant 12288 : i32
    %lt3A_52 = vector.broadcast %lt3A_51 : i32 to vector<16xi32>
    %lt3A_53 = arith.cmpi slt, %get3A_50, %lt3A_52 : vector<16xi32>
    %broadcast_in_dim3A_54 = vector.broadcast %add3A_8 : i32 to vector<16xi32>
    %select_n3A_55 = arith.select %lt3A_53, %get3A_50, %broadcast_in_dim3A_54 : vector<16xi1>, vector<16xi32>
    %swap3A_56 = arith.constant 32 : index
    %swap3A_57 = tpu.vector_load %arg7[%swap3A_56] {strides = array<i32>} : memref<64xi32, #tpu.memory_space<vmem>>, vector<16xi32>,
    tpu.vector_store %arg7[%swap3A_56], %select_n3A_55 {strides = array<i32>} : memref<64xi32, #tpu.memory_space<vmem>>, vector<16xi32>,
    %get3A_58 = arith.constant 48 : index
    %get3A_59 = tpu.vector_load %arg6[%get3A_58] {strides = array<i32>} : memref<64xi32, #tpu.memory_space<vmem>>, vector<16xi32>,
    %lt3A_60 = arith.constant 12288 : i32
    %lt3A_61 = vector.broadcast %lt3A_60 : i32 to vector<16xi32>
    %lt3A_62 = arith.cmpi slt, %get3A_59, %lt3A_61 : vector<16xi32>
    %broadcast_in_dim3A_63 = vector.broadcast %add3A_8 : i32 to vector<16xi32>
    %select_n3A_64 = arith.select %lt3A_62, %get3A_59, %broadcast_in_dim3A_63 : vector<16xi1>, vector<16xi32>
    %swap3A_65 = arith.constant 48 : index
    %swap3A_66 = tpu.vector_load %arg6[%swap3A_65] {strides = array<i32>} : memref<64xi32, #tpu.memory_space<vmem>>, vector<16xi32>,
    tpu.vector_store %arg6[%swap3A_65], %select_n3A_64 {strides = array<i32>} : memref<64xi32, #tpu.memory_space<vmem>>, vector<16xi32>,
    %get3A_67 = arith.constant 48 : index
    %get3A_68 = tpu.vector_load %arg7[%get3A_67] {strides = array<i32>} : memref<64xi32, #tpu.memory_space<vmem>>, vector<16xi32>,
    %lt3A_69 = arith.constant 12288 : i32
    %lt3A_70 = vector.broadcast %lt3A_69 : i32 to vector<16xi32>
    %lt3A_71 = arith.cmpi slt, %get3A_68, %lt3A_70 : vector<16xi32>
    %broadcast_in_dim3A_72 = vector.broadcast %add3A_8 : i32 to vector<16xi32>
    %select_n3A_73 = arith.select %lt3A_71, %get3A_68, %broadcast_in_dim3A_72 : vector<16xi1>, vector<16xi32>
    %swap3A_74 = arith.constant 48 : index
    %swap3A_75 = tpu.vector_load %arg7[%swap3A_74] {strides = array<i32>} : memref<64xi32, #tpu.memory_space<vmem>>, vector<16xi32>,
    tpu.vector_store %arg7[%swap3A_74], %select_n3A_73 {strides = array<i32>} : memref<64xi32, #tpu.memory_space<vmem>>, vector<16xi32>,
    %dma_wait3A = arith.constant 0 : i32
    %dma_wait3A_76 = tpu.memref_slice %arg3[%mul3A_2, %dma_wait3A] : memref<2048x384xi32, #tpu.memory_space<hbm>> -> memref<64x384xi32, #tpu.memory_space<hbm>>
    %dma_wait3A_77 = arith.constant 0 : i32
    %dma_wait3A_78 = tpu.memref_slice %arg3[%mul3A_2, %dma_wait3A_77] : memref<2048x384xi32, #tpu.memory_space<hbm>> -> memref<64x384xi32, #tpu.memory_space<hbm>>
    tpu.wait_dma2 semaphore(%arg8 : memref<!tpu.dma_semaphore, #tpu.memory_space<semaphore_mem>>) src(%dma_wait3A_78 : memref<64x384xi32, #tpu.memory_space<hbm>>) dst(%arg5 : memref<64x384xi32, #tpu.memory_space<vmem>>)
    %dma_start3A_79 = arith.constant 0 : i32
    %dma_start3A_80 = arith.constant 0 : i32
    %dma_start3A_81 = tpu.memref_slice %arg4[%dma_start3A_79, %dma_start3A_80] : memref<12480x384xi32, #tpu.memory_space<hbm>> -> memref<12480x384xi32, #tpu.memory_space<hbm>>
    tpu.enqueue_indirect_dma source(%arg5 : memref<64x384xi32, #tpu.memory_space<vmem>>) target(%dma_start3A_81 : memref<12480x384xi32, #tpu.memory_space<hbm>>) offsets(%arg6 : memref<64xi32, #tpu.memory_space<vmem>>) semaphore(%arg8 : memref<!tpu.dma_semaphore, #tpu.memory_space<semaphore_mem>>)
    %dma_start3A_82 = arith.constant 0 : i32
    %dma_start3A_83 = arith.constant 0 : i32
    %dma_start3A_84 = tpu.memref_slice %arg4[%dma_start3A_82, %dma_start3A_83] : memref<12480x384xi32, #tpu.memory_space<hbm>> -> memref<12480x384xi32, #tpu.memory_space<hbm>>
    tpu.enqueue_indirect_dma source(%arg5 : memref<64x384xi32, #tpu.memory_space<vmem>>) target(%dma_start3A_84 : memref<12480x384xi32, #tpu.memory_space<hbm>>) offsets(%arg7 : memref<64xi32, #tpu.memory_space<vmem>>) semaphore(%arg8 : memref<!tpu.dma_semaphore, #tpu.memory_space<semaphore_mem>>)
    %dma_wait3A_85 = arith.constant 0 : i32
    %dma_wait3A_86 = arith.constant 0 : i32
    %dma_wait3A_87 = tpu.memref_slice %arg4[%dma_wait3A_85, %dma_wait3A_86] : memref<12480x384xi32, #tpu.memory_space<hbm>> -> memref<12480x384xi32, #tpu.memory_space<hbm>>
    tpu.wait_indirect_dma semaphore(%arg8 : memref<!tpu.dma_semaphore, #tpu.memory_space<semaphore_mem>>) src(%arg5 : memref<64x384xi32, #tpu.memory_space<vmem>>) dst(%dma_wait3A_87 : memref<12480x384xi32, #tpu.memory_space<hbm>>)
    %dma_wait3A_88 = arith.constant 0 : i32
    %dma_wait3A_89 = arith.constant 0 : i32
    %dma_wait3A_90 = tpu.memref_slice %arg4[%dma_wait3A_88, %dma_wait3A_89] : memref<12480x384xi32, #tpu.memory_space<hbm>> -> memref<12480x384xi32, #tpu.memory_space<hbm>>
    tpu.wait_indirect_dma semaphore(%arg8 : memref<!tpu.dma_semaphore, #tpu.memory_space<semaphore_mem>>) src(%arg5 : memref<64x384xi32, #tpu.memory_space<vmem>>) dst(%dma_wait3A_90 : memref<12480x384xi32, #tpu.memory_space<hbm>>)
    return
  }
}

#map = affine_map<(d0, d1) -> (0, 0)>
module attributes {stable_mosaic.version = 14 : i64} {
  func.func @combine(%arg0: i32, %arg1: i32, %arg2: memref<12288x768xf32, #tpu.memory_space<hbm>>, %arg3: memref<2x2048xi32, #tpu.memory_space<hbm>>, %arg4: memref<2x2048xf32, #tpu.memory_space<hbm>>, %arg5: memref<2048x768xf32, #tpu.memory_space<hbm>>, %arg6: memref<64xf32, #tpu.memory_space<vmem>>, %arg7: memref<64xf32, #tpu.memory_space<vmem>>, %arg8: memref<64xi32, #tpu.memory_space<vmem>>, %arg9: memref<64xi32, #tpu.memory_space<vmem>>, %arg10: memref<2x16x768xf32, #tpu.memory_space<vmem>>, %arg11: memref<2x16x768xf32, #tpu.memory_space<vmem>>, %arg12: memref<2x16x768xf32, #tpu.memory_space<vmem>>, %arg13: memref<!tpu.dma_semaphore, #tpu.memory_space<semaphore_mem>>, %arg14: memref<!tpu.dma_semaphore, #tpu.memory_space<semaphore_mem>>) attributes {dimension_semantics = [#tpu.dimension_semantics<core_parallel>, #tpu.dimension_semantics<subcore_parallel>], iteration_bounds = array<i64: 2, 16>, scalar_prefetch = 0 : i64, scratch_operands = 9 : i64, tpu.core_type = #tpu.core_type<sc_vector_subcore>, window_params = [{transform_indices = #map}, {transform_indices = #map}, {transform_indices = #map}, {transform_indices = #map}]} {
    %mul3A = arith.constant 2 : i32
    %mul3A_0 = arith.muli %arg1, %mul3A : i32
    %add3A = arith.addi %mul3A_0, %arg0 : i32
    %mul3A_1 = arith.constant 64 : i32
    %mul3A_2 = arith.muli %add3A, %mul3A_1 : i32
    %run_scoped3A = arith.constant 0 : i32
    "tpu.region"() ({
      %run_scoped3A_299 = tpu.sem_alloc : memref<!tpu.dma_semaphore, #tpu.memory_space<semaphore_mem>>
      %dma_start3A_300 = tpu.memref_slice %arg4[%run_scoped3A, %mul3A_2] : memref<2x2048xf32, #tpu.memory_space<hbm>> -> memref<1x64xf32, #tpu.memory_space<hbm>>
      %dma_start3A_301 = tpu.memref_squeeze %dma_start3A_300 : memref<1x64xf32, #tpu.memory_space<hbm>> -> memref<64xf32, #tpu.memory_space<hbm>>
      %dma_start3A_302 = tpu.memref_slice %arg4[%run_scoped3A, %mul3A_2] : memref<2x2048xf32, #tpu.memory_space<hbm>> -> memref<1x64xf32, #tpu.memory_space<hbm>>
      %dma_start3A_303 = tpu.memref_squeeze %dma_start3A_302 : memref<1x64xf32, #tpu.memory_space<hbm>> -> memref<64xf32, #tpu.memory_space<hbm>>
      tpu.enqueue_dma source(%dma_start3A_303 : memref<64xf32, #tpu.memory_space<hbm>>) target(%arg6 : memref<64xf32, #tpu.memory_space<vmem>>) target_semaphore(%run_scoped3A_299 : memref<!tpu.dma_semaphore, #tpu.memory_space<semaphore_mem>>)
      %dma_wait3A_304 = tpu.memref_slice %arg4[%run_scoped3A, %mul3A_2] : memref<2x2048xf32, #tpu.memory_space<hbm>> -> memref<1x64xf32, #tpu.memory_space<hbm>>
      %dma_wait3A_305 = tpu.memref_squeeze %dma_wait3A_304 : memref<1x64xf32, #tpu.memory_space<hbm>> -> memref<64xf32, #tpu.memory_space<hbm>>
      %dma_wait3A_306 = tpu.memref_slice %arg4[%run_scoped3A, %mul3A_2] : memref<2x2048xf32, #tpu.memory_space<hbm>> -> memref<1x64xf32, #tpu.memory_space<hbm>>
      %dma_wait3A_307 = tpu.memref_squeeze %dma_wait3A_306 : memref<1x64xf32, #tpu.memory_space<hbm>> -> memref<64xf32, #tpu.memory_space<hbm>>
      tpu.wait_dma2 semaphore(%run_scoped3A_299 : memref<!tpu.dma_semaphore, #tpu.memory_space<semaphore_mem>>) src(%dma_wait3A_307 : memref<64xf32, #tpu.memory_space<hbm>>) dst(%arg6 : memref<64xf32, #tpu.memory_space<vmem>>)
      tpu.yield
    }) : () -> ()
    %run_scoped3A_3 = arith.constant 1 : i32
    "tpu.region"() ({
      %run_scoped3A_299 = tpu.sem_alloc : memref<!tpu.dma_semaphore, #tpu.memory_space<semaphore_mem>>
      %dma_start3A_300 = tpu.memref_slice %arg4[%run_scoped3A_3, %mul3A_2] : memref<2x2048xf32, #tpu.memory_space<hbm>> -> memref<1x64xf32, #tpu.memory_space<hbm>>
      %dma_start3A_301 = tpu.memref_squeeze %dma_start3A_300 : memref<1x64xf32, #tpu.memory_space<hbm>> -> memref<64xf32, #tpu.memory_space<hbm>>
      %dma_start3A_302 = tpu.memref_slice %arg4[%run_scoped3A_3, %mul3A_2] : memref<2x2048xf32, #tpu.memory_space<hbm>> -> memref<1x64xf32, #tpu.memory_space<hbm>>
      %dma_start3A_303 = tpu.memref_squeeze %dma_start3A_302 : memref<1x64xf32, #tpu.memory_space<hbm>> -> memref<64xf32, #tpu.memory_space<hbm>>
      tpu.enqueue_dma source(%dma_start3A_303 : memref<64xf32, #tpu.memory_space<hbm>>) target(%arg7 : memref<64xf32, #tpu.memory_space<vmem>>) target_semaphore(%run_scoped3A_299 : memref<!tpu.dma_semaphore, #tpu.memory_space<semaphore_mem>>)
      %dma_wait3A_304 = tpu.memref_slice %arg4[%run_scoped3A_3, %mul3A_2] : memref<2x2048xf32, #tpu.memory_space<hbm>> -> memref<1x64xf32, #tpu.memory_space<hbm>>
      %dma_wait3A_305 = tpu.memref_squeeze %dma_wait3A_304 : memref<1x64xf32, #tpu.memory_space<hbm>> -> memref<64xf32, #tpu.memory_space<hbm>>
      %dma_wait3A_306 = tpu.memref_slice %arg4[%run_scoped3A_3, %mul3A_2] : memref<2x2048xf32, #tpu.memory_space<hbm>> -> memref<1x64xf32, #tpu.memory_space<hbm>>
      %dma_wait3A_307 = tpu.memref_squeeze %dma_wait3A_306 : memref<1x64xf32, #tpu.memory_space<hbm>> -> memref<64xf32, #tpu.memory_space<hbm>>
      tpu.wait_dma2 semaphore(%run_scoped3A_299 : memref<!tpu.dma_semaphore, #tpu.memory_space<semaphore_mem>>) src(%dma_wait3A_307 : memref<64xf32, #tpu.memory_space<hbm>>) dst(%arg7 : memref<64xf32, #tpu.memory_space<vmem>>)
      tpu.yield
    }) : () -> ()
    %run_scoped3A_4 = arith.constant 0 : i32
    "tpu.region"() ({
      %run_scoped3A_299 = tpu.sem_alloc : memref<!tpu.dma_semaphore, #tpu.memory_space<semaphore_mem>>
      %dma_start3A_300 = tpu.memref_slice %arg3[%run_scoped3A_4, %mul3A_2] : memref<2x2048xi32, #tpu.memory_space<hbm>> -> memref<1x64xi32, #tpu.memory_space<hbm>>
      %dma_start3A_301 = tpu.memref_squeeze %dma_start3A_300 : memref<1x64xi32, #tpu.memory_space<hbm>> -> memref<64xi32, #tpu.memory_space<hbm>>
      %dma_start3A_302 = tpu.memref_slice %arg3[%run_scoped3A_4, %mul3A_2] : memref<2x2048xi32, #tpu.memory_space<hbm>> -> memref<1x64xi32, #tpu.memory_space<hbm>>
      %dma_start3A_303 = tpu.memref_squeeze %dma_start3A_302 : memref<1x64xi32, #tpu.memory_space<hbm>> -> memref<64xi32, #tpu.memory_space<hbm>>
      tpu.enqueue_dma source(%dma_start3A_303 : memref<64xi32, #tpu.memory_space<hbm>>) target(%arg8 : memref<64xi32, #tpu.memory_space<vmem>>) target_semaphore(%run_scoped3A_299 : memref<!tpu.dma_semaphore, #tpu.memory_space<semaphore_mem>>)
      %dma_wait3A_304 = tpu.memref_slice %arg3[%run_scoped3A_4, %mul3A_2] : memref<2x2048xi32, #tpu.memory_space<hbm>> -> memref<1x64xi32, #tpu.memory_space<hbm>>
      %dma_wait3A_305 = tpu.memref_squeeze %dma_wait3A_304 : memref<1x64xi32, #tpu.memory_space<hbm>> -> memref<64xi32, #tpu.memory_space<hbm>>
      %dma_wait3A_306 = tpu.memref_slice %arg3[%run_scoped3A_4, %mul3A_2] : memref<2x2048xi32, #tpu.memory_space<hbm>> -> memref<1x64xi32, #tpu.memory_space<hbm>>
      %dma_wait3A_307 = tpu.memref_squeeze %dma_wait3A_306 : memref<1x64xi32, #tpu.memory_space<hbm>> -> memref<64xi32, #tpu.memory_space<hbm>>
      tpu.wait_dma2 semaphore(%run_scoped3A_299 : memref<!tpu.dma_semaphore, #tpu.memory_space<semaphore_mem>>) src(%dma_wait3A_307 : memref<64xi32, #tpu.memory_space<hbm>>) dst(%arg8 : memref<64xi32, #tpu.memory_space<vmem>>)
      tpu.yield
    }) : () -> ()
    %run_scoped3A_5 = arith.constant 1 : i32
    "tpu.region"() ({
      %run_scoped3A_299 = tpu.sem_alloc : memref<!tpu.dma_semaphore, #tpu.memory_space<semaphore_mem>>
      %dma_start3A_300 = tpu.memref_slice %arg3[%run_scoped3A_5, %mul3A_2] : memref<2x2048xi32, #tpu.memory_space<hbm>> -> memref<1x64xi32, #tpu.memory_space<hbm>>
      %dma_start3A_301 = tpu.memref_squeeze %dma_start3A_300 : memref<1x64xi32, #tpu.memory_space<hbm>> -> memref<64xi32, #tpu.memory_space<hbm>>
      %dma_start3A_302 = tpu.memref_slice %arg3[%run_scoped3A_5, %mul3A_2] : memref<2x2048xi32, #tpu.memory_space<hbm>> -> memref<1x64xi32, #tpu.memory_space<hbm>>
      %dma_start3A_303 = tpu.memref_squeeze %dma_start3A_302 : memref<1x64xi32, #tpu.memory_space<hbm>> -> memref<64xi32, #tpu.memory_space<hbm>>
      tpu.enqueue_dma source(%dma_start3A_303 : memref<64xi32, #tpu.memory_space<hbm>>) target(%arg9 : memref<64xi32, #tpu.memory_space<vmem>>) target_semaphore(%run_scoped3A_299 : memref<!tpu.dma_semaphore, #tpu.memory_space<semaphore_mem>>)
      %dma_wait3A_304 = tpu.memref_slice %arg3[%run_scoped3A_5, %mul3A_2] : memref<2x2048xi32, #tpu.memory_space<hbm>> -> memref<1x64xi32, #tpu.memory_space<hbm>>
      %dma_wait3A_305 = tpu.memref_squeeze %dma_wait3A_304 : memref<1x64xi32, #tpu.memory_space<hbm>> -> memref<64xi32, #tpu.memory_space<hbm>>
      %dma_wait3A_306 = tpu.memref_slice %arg3[%run_scoped3A_5, %mul3A_2] : memref<2x2048xi32, #tpu.memory_space<hbm>> -> memref<1x64xi32, #tpu.memory_space<hbm>>
      %dma_wait3A_307 = tpu.memref_squeeze %dma_wait3A_306 : memref<1x64xi32, #tpu.memory_space<hbm>> -> memref<64xi32, #tpu.memory_space<hbm>>
      tpu.wait_dma2 semaphore(%run_scoped3A_299 : memref<!tpu.dma_semaphore, #tpu.memory_space<semaphore_mem>>) src(%dma_wait3A_307 : memref<64xi32, #tpu.memory_space<hbm>>) dst(%arg9 : memref<64xi32, #tpu.memory_space<vmem>>)
      tpu.yield
    }) : () -> ()
    %dma_start3A = arith.constant 0 : i32
    %dma_start3A_6 = arith.constant 0 : i32
    %dma_start3A_7 = arith.constant 0 : i32
    %dma_start3A_8 = tpu.memref_slice %arg10[%dma_start3A, %dma_start3A_6, %dma_start3A_7] : memref<2x16x768xf32, #tpu.memory_space<vmem>> -> memref<1x16x768xf32, #tpu.memory_space<vmem>>
    %dma_start3A_9 = tpu.memref_squeeze %dma_start3A_8 : memref<1x16x768xf32, #tpu.memory_space<vmem>> -> memref<16x768xf32, #tpu.memory_space<vmem>>
    %dma_start3A_10 = arith.constant 0 : i32
    %dma_start3A_11 = tpu.memref_slice %arg8[%dma_start3A_10] : memref<64xi32, #tpu.memory_space<vmem>> -> memref<16xi32, #tpu.memory_space<vmem>>
    %dma_start3A_12 = arith.constant 0 : i32
    %dma_start3A_13 = arith.constant 0 : i32
    %dma_start3A_14 = tpu.memref_slice %arg2[%dma_start3A_12, %dma_start3A_13] : memref<12288x768xf32, #tpu.memory_space<hbm>> -> memref<12288x768xf32, #tpu.memory_space<hbm>>
    tpu.enqueue_indirect_dma source(%dma_start3A_14 : memref<12288x768xf32, #tpu.memory_space<hbm>>) target(%dma_start3A_9 : memref<16x768xf32, #tpu.memory_space<vmem>>) offsets(%dma_start3A_11 : memref<16xi32, #tpu.memory_space<vmem>>) semaphore(%arg13 : memref<!tpu.dma_semaphore, #tpu.memory_space<semaphore_mem>>)
    %dma_start3A_15 = arith.constant 0 : i32
    %dma_start3A_16 = arith.constant 0 : i32
    %dma_start3A_17 = arith.constant 0 : i32
    %dma_start3A_18 = tpu.memref_slice %arg11[%dma_start3A_15, %dma_start3A_16, %dma_start3A_17] : memref<2x16x768xf32, #tpu.memory_space<vmem>> -> memref<1x16x768xf32, #tpu.memory_space<vmem>>
    %dma_start3A_19 = tpu.memref_squeeze %dma_start3A_18 : memref<1x16x768xf32, #tpu.memory_space<vmem>> -> memref<16x768xf32, #tpu.memory_space<vmem>>
    %dma_start3A_20 = arith.constant 0 : i32
    %dma_start3A_21 = tpu.memref_slice %arg9[%dma_start3A_20] : memref<64xi32, #tpu.memory_space<vmem>> -> memref<16xi32, #tpu.memory_space<vmem>>
    %dma_start3A_22 = arith.constant 0 : i32
    %dma_start3A_23 = arith.constant 0 : i32
    %dma_start3A_24 = tpu.memref_slice %arg2[%dma_start3A_22, %dma_start3A_23] : memref<12288x768xf32, #tpu.memory_space<hbm>> -> memref<12288x768xf32, #tpu.memory_space<hbm>>
    tpu.enqueue_indirect_dma source(%dma_start3A_24 : memref<12288x768xf32, #tpu.memory_space<hbm>>) target(%dma_start3A_19 : memref<16x768xf32, #tpu.memory_space<vmem>>) offsets(%dma_start3A_21 : memref<16xi32, #tpu.memory_space<vmem>>) semaphore(%arg13 : memref<!tpu.dma_semaphore, #tpu.memory_space<semaphore_mem>>)
    %dma_wait3A = arith.constant 0 : i32
    %dma_wait3A_25 = arith.constant 0 : i32
    %dma_wait3A_26 = arith.constant 0 : i32
    %dma_wait3A_27 = tpu.memref_slice %arg10[%dma_wait3A, %dma_wait3A_25, %dma_wait3A_26] : memref<2x16x768xf32, #tpu.memory_space<vmem>> -> memref<1x16x768xf32, #tpu.memory_space<vmem>>
    %dma_wait3A_28 = tpu.memref_squeeze %dma_wait3A_27 : memref<1x16x768xf32, #tpu.memory_space<vmem>> -> memref<16x768xf32, #tpu.memory_space<vmem>>
    %dma_wait3A_29 = arith.constant 0 : i32
    %dma_wait3A_30 = tpu.memref_slice %arg8[%dma_wait3A_29] : memref<64xi32, #tpu.memory_space<vmem>> -> memref<16xi32, #tpu.memory_space<vmem>>
    %dma_wait3A_31 = arith.constant 0 : i32
    %dma_wait3A_32 = arith.constant 0 : i32
    %dma_wait3A_33 = tpu.memref_slice %arg2[%dma_wait3A_31, %dma_wait3A_32] : memref<12288x768xf32, #tpu.memory_space<hbm>> -> memref<12288x768xf32, #tpu.memory_space<hbm>>
    tpu.wait_indirect_dma semaphore(%arg13 : memref<!tpu.dma_semaphore, #tpu.memory_space<semaphore_mem>>) src(%dma_wait3A_33 : memref<12288x768xf32, #tpu.memory_space<hbm>>) dst(%dma_wait3A_28 : memref<16x768xf32, #tpu.memory_space<vmem>>)
    %dma_wait3A_34 = arith.constant 0 : i32
    %dma_wait3A_35 = arith.constant 0 : i32
    %dma_wait3A_36 = arith.constant 0 : i32
    %dma_wait3A_37 = tpu.memref_slice %arg11[%dma_wait3A_34, %dma_wait3A_35, %dma_wait3A_36] : memref<2x16x768xf32, #tpu.memory_space<vmem>> -> memref<1x16x768xf32, #tpu.memory_space<vmem>>
    %dma_wait3A_38 = tpu.memref_squeeze %dma_wait3A_37 : memref<1x16x768xf32, #tpu.memory_space<vmem>> -> memref<16x768xf32, #tpu.memory_space<vmem>>
    %dma_wait3A_39 = arith.constant 0 : i32
    %dma_wait3A_40 = tpu.memref_slice %arg9[%dma_wait3A_39] : memref<64xi32, #tpu.memory_space<vmem>> -> memref<16xi32, #tpu.memory_space<vmem>>
    %dma_wait3A_41 = arith.constant 0 : i32
    %dma_wait3A_42 = arith.constant 0 : i32
    %dma_wait3A_43 = tpu.memref_slice %arg2[%dma_wait3A_41, %dma_wait3A_42] : memref<12288x768xf32, #tpu.memory_space<hbm>> -> memref<12288x768xf32, #tpu.memory_space<hbm>>
    tpu.wait_indirect_dma semaphore(%arg13 : memref<!tpu.dma_semaphore, #tpu.memory_space<semaphore_mem>>) src(%dma_wait3A_43 : memref<12288x768xf32, #tpu.memory_space<hbm>>) dst(%dma_wait3A_38 : memref<16x768xf32, #tpu.memory_space<vmem>>)
    %dma_start3A_44 = arith.constant 1 : i32
    %dma_start3A_45 = arith.constant 0 : i32
    %dma_start3A_46 = arith.constant 0 : i32
    %dma_start3A_47 = tpu.memref_slice %arg10[%dma_start3A_44, %dma_start3A_45, %dma_start3A_46] : memref<2x16x768xf32, #tpu.memory_space<vmem>> -> memref<1x16x768xf32, #tpu.memory_space<vmem>>
    %dma_start3A_48 = tpu.memref_squeeze %dma_start3A_47 : memref<1x16x768xf32, #tpu.memory_space<vmem>> -> memref<16x768xf32, #tpu.memory_space<vmem>>
    %dma_start3A_49 = arith.constant 16 : i32
    %dma_start3A_50 = tpu.memref_slice %arg8[%dma_start3A_49] : memref<64xi32, #tpu.memory_space<vmem>> -> memref<16xi32, #tpu.memory_space<vmem>>
    %dma_start3A_51 = arith.constant 0 : i32
    %dma_start3A_52 = arith.constant 0 : i32
    %dma_start3A_53 = tpu.memref_slice %arg2[%dma_start3A_51, %dma_start3A_52] : memref<12288x768xf32, #tpu.memory_space<hbm>> -> memref<12288x768xf32, #tpu.memory_space<hbm>>
    tpu.enqueue_indirect_dma source(%dma_start3A_53 : memref<12288x768xf32, #tpu.memory_space<hbm>>) target(%dma_start3A_48 : memref<16x768xf32, #tpu.memory_space<vmem>>) offsets(%dma_start3A_50 : memref<16xi32, #tpu.memory_space<vmem>>) semaphore(%arg13 : memref<!tpu.dma_semaphore, #tpu.memory_space<semaphore_mem>>)
    %dma_start3A_54 = arith.constant 1 : i32
    %dma_start3A_55 = arith.constant 0 : i32
    %dma_start3A_56 = arith.constant 0 : i32
    %dma_start3A_57 = tpu.memref_slice %arg11[%dma_start3A_54, %dma_start3A_55, %dma_start3A_56] : memref<2x16x768xf32, #tpu.memory_space<vmem>> -> memref<1x16x768xf32, #tpu.memory_space<vmem>>
    %dma_start3A_58 = tpu.memref_squeeze %dma_start3A_57 : memref<1x16x768xf32, #tpu.memory_space<vmem>> -> memref<16x768xf32, #tpu.memory_space<vmem>>
    %dma_start3A_59 = arith.constant 16 : i32
    %dma_start3A_60 = tpu.memref_slice %arg9[%dma_start3A_59] : memref<64xi32, #tpu.memory_space<vmem>> -> memref<16xi32, #tpu.memory_space<vmem>>
    %dma_start3A_61 = arith.constant 0 : i32
    %dma_start3A_62 = arith.constant 0 : i32
    %dma_start3A_63 = tpu.memref_slice %arg2[%dma_start3A_61, %dma_start3A_62] : memref<12288x768xf32, #tpu.memory_space<hbm>> -> memref<12288x768xf32, #tpu.memory_space<hbm>>
    tpu.enqueue_indirect_dma source(%dma_start3A_63 : memref<12288x768xf32, #tpu.memory_space<hbm>>) target(%dma_start3A_58 : memref<16x768xf32, #tpu.memory_space<vmem>>) offsets(%dma_start3A_60 : memref<16xi32, #tpu.memory_space<vmem>>) semaphore(%arg13 : memref<!tpu.dma_semaphore, #tpu.memory_space<semaphore_mem>>)
    %scan3A = arith.constant 0 : i32
    %scan3A_64 = arith.constant 0 : i32
    %scan3A_65 = arith.constant 16 : i32
    %scan3A_66 = arith.addi %scan3A_64, %scan3A_65 : i32
    %scan3A_67 = arith.constant 1 : i32
    scf.for %scan3A_299 = %scan3A_64 to %scan3A_66 step %scan3A_67  : i32 {
      %add3A_300 = arith.constant 0 : i32
      %add3A_301 = arith.addi %add3A_300, %scan3A_299 : i32
      %broadcast_in_dim3A = vector.broadcast %add3A_301 : i32 to vector<16xi32>
      %gather3A = tpu.vector_load_idx %arg6[%broadcast_in_dim3A] : memref<64xf32, #tpu.memory_space<vmem>>[vector<16xi32>], vector<16xf32>,
      %gather3A_302 = tpu.vector_load_idx %arg7[%broadcast_in_dim3A] : memref<64xf32, #tpu.memory_space<vmem>>[vector<16xi32>], vector<16xf32>,
      %get3A = arith.constant 0 : i32
      %get3A_303 = arith.index_cast %get3A : i32 to index
      %get3A_304 = arith.index_cast %scan3A_299 : i32 to index
      %get3A_305 = arith.constant 0 : index
      %get3A_306 = tpu.vector_load %arg10[%get3A_303, %get3A_304, %get3A_305] {strides = array<i32>} : memref<2x16x768xf32, #tpu.memory_space<vmem>>, vector<16xf32>,
      %mul3A_307 = arith.mulf %get3A_306, %gather3A : vector<16xf32>
      %get3A_308 = arith.constant 0 : i32
      %get3A_309 = arith.index_cast %get3A_308 : i32 to index
      %get3A_310 = arith.index_cast %scan3A_299 : i32 to index
      %get3A_311 = arith.constant 0 : index
      %get3A_312 = tpu.vector_load %arg11[%get3A_309, %get3A_310, %get3A_311] {strides = array<i32>} : memref<2x16x768xf32, #tpu.memory_space<vmem>>, vector<16xf32>,
      %mul3A_313 = arith.mulf %get3A_312, %gather3A_302 : vector<16xf32>
      %add3A_314 = arith.addf %mul3A_307, %mul3A_313 : vector<16xf32>
      %swap3A = arith.constant 0 : i32
      %swap3A_315 = arith.index_cast %swap3A : i32 to index
      %swap3A_316 = arith.index_cast %scan3A_299 : i32 to index
      %swap3A_317 = arith.constant 0 : index
      %swap3A_318 = tpu.vector_load %arg12[%swap3A_315, %swap3A_316, %swap3A_317] {strides = array<i32>} : memref<2x16x768xf32, #tpu.memory_space<vmem>>, vector<16xf32>,
      tpu.vector_store %arg12[%swap3A_315, %swap3A_316, %swap3A_317], %add3A_314 {strides = array<i32>} : memref<2x16x768xf32, #tpu.memory_space<vmem>>, vector<16xf32>,
      %get3A_319 = arith.constant 0 : i32
      %get3A_320 = arith.index_cast %get3A_319 : i32 to index
      %get3A_321 = arith.index_cast %scan3A_299 : i32 to index
      %get3A_322 = arith.constant 16 : index
      %get3A_323 = tpu.vector_load %arg10[%get3A_320, %get3A_321, %get3A_322] {strides = array<i32>} : memref<2x16x768xf32, #tpu.memory_space<vmem>>, vector<16xf32>,
      %mul3A_324 = arith.mulf %get3A_323, %gather3A : vector<16xf32>
      %get3A_325 = arith.constant 0 : i32
      %get3A_326 = arith.index_cast %get3A_325 : i32 to index
      %get3A_327 = arith.index_cast %scan3A_299 : i32 to index
      %get3A_328 = arith.constant 16 : index
      %get3A_329 = tpu.vector_load %arg11[%get3A_326, %get3A_327, %get3A_328] {strides = array<i32>} : memref<2x16x768xf32, #tpu.memory_space<vmem>>, vector<16xf32>,
      %mul3A_330 = arith.mulf %get3A_329, %gather3A_302 : vector<16xf32>
      %add3A_331 = arith.addf %mul3A_324, %mul3A_330 : vector<16xf32>
      %swap3A_332 = arith.constant 0 : i32
      %swap3A_333 = arith.index_cast %swap3A_332 : i32 to index
      %swap3A_334 = arith.index_cast %scan3A_299 : i32 to index
      %swap3A_335 = arith.constant 16 : index
      %swap3A_336 = tpu.vector_load %arg12[%swap3A_333, %swap3A_334, %swap3A_335] {strides = array<i32>} : memref<2x16x768xf32, #tpu.memory_space<vmem>>, vector<16xf32>,
      tpu.vector_store %arg12[%swap3A_333, %swap3A_334, %swap3A_335], %add3A_331 {strides = array<i32>} : memref<2x16x768xf32, #tpu.memory_space<vmem>>, vector<16xf32>,
      %get3A_337 = arith.constant 0 : i32
      %get3A_338 = arith.index_cast %get3A_337 : i32 to index
      %get3A_339 = arith.index_cast %scan3A_299 : i32 to index
      %get3A_340 = arith.constant 32 : index
      %get3A_341 = tpu.vector_load %arg10[%get3A_338, %get3A_339, %get3A_340] {strides = array<i32>} : memref<2x16x768xf32, #tpu.memory_space<vmem>>, vector<16xf32>,
      %mul3A_342 = arith.mulf %get3A_341, %gather3A : vector<16xf32>
      %get3A_343 = arith.constant 0 : i32
      %get3A_344 = arith.index_cast %get3A_343 : i32 to index
      %get3A_345 = arith.index_cast %scan3A_299 : i32 to index
      %get3A_346 = arith.constant 32 : index
      %get3A_347 = tpu.vector_load %arg11[%get3A_344, %get3A_345, %get3A_346] {strides = array<i32>} : memref<2x16x768xf32, #tpu.memory_space<vmem>>, vector<16xf32>,
      %mul3A_348 = arith.mulf %get3A_347, %gather3A_302 : vector<16xf32>
      %add3A_349 = arith.addf %mul3A_342, %mul3A_348 : vector<16xf32>
      %swap3A_350 = arith.constant 0 : i32
      %swap3A_351 = arith.index_cast %swap3A_350 : i32 to index
      %swap3A_352 = arith.index_cast %scan3A_299 : i32 to index
      %swap3A_353 = arith.constant 32 : index
      %swap3A_354 = tpu.vector_load %arg12[%swap3A_351, %swap3A_352, %swap3A_353] {strides = array<i32>} : memref<2x16x768xf32, #tpu.memory_space<vmem>>, vector<16xf32>,
      tpu.vector_store %arg12[%swap3A_351, %swap3A_352, %swap3A_353], %add3A_349 {strides = array<i32>} : memref<2x16x768xf32, #tpu.memory_space<vmem>>, vector<16xf32>,
      %get3A_355 = arith.constant 0 : i32
      %get3A_356 = arith.index_cast %get3A_355 : i32 to index
      %get3A_357 = arith.index_cast %scan3A_299 : i32 to index
      %get3A_358 = arith.constant 48 : index
      %get3A_359 = tpu.vector_load %arg10[%get3A_356, %get3A_357, %get3A_358] {strides = array<i32>} : memref<2x16x768xf32, #tpu.memory_space<vmem>>, vector<16xf32>,
      %mul3A_360 = arith.mulf %get3A_359, %gather3A : vector<16xf32>
      %get3A_361 = arith.constant 0 : i32
      %get3A_362 = arith.index_cast %get3A_361 : i32 to index
      %get3A_363 = arith.index_cast %scan3A_299 : i32 to index
      %get3A_364 = arith.constant 48 : index
      %get3A_365 = tpu.vector_load %arg11[%get3A_362, %get3A_363, %get3A_364] {strides = array<i32>} : memref<2x16x768xf32, #tpu.memory_space<vmem>>, vector<16xf32>,
      %mul3A_366 = arith.mulf %get3A_365, %gather3A_302 : vector<16xf32>
      %add3A_367 = arith.addf %mul3A_360, %mul3A_366 : vector<16xf32>
      %swap3A_368 = arith.constant 0 : i32
      %swap3A_369 = arith.index_cast %swap3A_368 : i32 to index
      %swap3A_370 = arith.index_cast %scan3A_299 : i32 to index
      %swap3A_371 = arith.constant 48 : index
      %swap3A_372 = tpu.vector_load %arg12[%swap3A_369, %swap3A_370, %swap3A_371] {strides = array<i32>} : memref<2x16x768xf32, #tpu.memory_space<vmem>>, vector<16xf32>,
      tpu.vector_store %arg12[%swap3A_369, %swap3A_370, %swap3A_371], %add3A_367 {strides = array<i32>} : memref<2x16x768xf32, #tpu.memory_space<vmem>>, vector<16xf32>,
      %get3A_373 = arith.constant 0 : i32
      %get3A_374 = arith.index_cast %get3A_373 : i32 to index
      %get3A_375 = arith.index_cast %scan3A_299 : i32 to index
      %get3A_376 = arith.constant 64 : index
      %get3A_377 = tpu.vector_load %arg10[%get3A_374, %get3A_375, %get3A_376] {strides = array<i32>} : memref<2x16x768xf32, #tpu.memory_space<vmem>>, vector<16xf32>,
      %mul3A_378 = arith.mulf %get3A_377, %gather3A : vector<16xf32>
      %get3A_379 = arith.constant 0 : i32
      %get3A_380 = arith.index_cast %get3A_379 : i32 to index
      %get3A_381 = arith.index_cast %scan3A_299 : i32 to index
      %get3A_382 = arith.constant 64 : index
      %get3A_383 = tpu.vector_load %arg11[%get3A_380, %get3A_381, %get3A_382] {strides = array<i32>} : memref<2x16x768xf32, #tpu.memory_space<vmem>>, vector<16xf32>,
      %mul3A_384 = arith.mulf %get3A_383, %gather3A_302 : vector<16xf32>
      %add3A_385 = arith.addf %mul3A_378, %mul3A_384 : vector<16xf32>
      %swap3A_386 = arith.constant 0 : i32
      %swap3A_387 = arith.index_cast %swap3A_386 : i32 to index
      %swap3A_388 = arith.index_cast %scan3A_299 : i32 to index
      %swap3A_389 = arith.constant 64 : index
      %swap3A_390 = tpu.vector_load %arg12[%swap3A_387, %swap3A_388, %swap3A_389] {strides = array<i32>} : memref<2x16x768xf32, #tpu.memory_space<vmem>>, vector<16xf32>,
      tpu.vector_store %arg12[%swap3A_387, %swap3A_388, %swap3A_389], %add3A_385 {strides = array<i32>} : memref<2x16x768xf32, #tpu.memory_space<vmem>>, vector<16xf32>,
      %get3A_391 = arith.constant 0 : i32
      %get3A_392 = arith.index_cast %get3A_391 : i32 to index
      %get3A_393 = arith.index_cast %scan3A_299 : i32 to index
      %get3A_394 = arith.constant 80 : index
      %get3A_395 = tpu.vector_load %arg10[%get3A_392, %get3A_393, %get3A_394] {strides = array<i32>} : memref<2x16x768xf32, #tpu.memory_space<vmem>>, vector<16xf32>,
      %mul3A_396 = arith.mulf %get3A_395, %gather3A : vector<16xf32>
      %get3A_397 = arith.constant 0 : i32
      %get3A_398 = arith.index_cast %get3A_397 : i32 to index
      %get3A_399 = arith.index_cast %scan3A_299 : i32 to index
      %get3A_400 = arith.constant 80 : index
      %get3A_401 = tpu.vector_load %arg11[%get3A_398, %get3A_399, %get3A_400] {strides = array<i32>} : memref<2x16x768xf32, #tpu.memory_space<vmem>>, vector<16xf32>,
      %mul3A_402 = arith.mulf %get3A_401, %gather3A_302 : vector<16xf32>
      %add3A_403 = arith.addf %mul3A_396, %mul3A_402 : vector<16xf32>
      %swap3A_404 = arith.constant 0 : i32
      %swap3A_405 = arith.index_cast %swap3A_404 : i32 to index
      %swap3A_406 = arith.index_cast %scan3A_299 : i32 to index
      %swap3A_407 = arith.constant 80 : index
      %swap3A_408 = tpu.vector_load %arg12[%swap3A_405, %swap3A_406, %swap3A_407] {strides = array<i32>} : memref<2x16x768xf32, #tpu.memory_space<vmem>>, vector<16xf32>,
      tpu.vector_store %arg12[%swap3A_405, %swap3A_406, %swap3A_407], %add3A_403 {strides = array<i32>} : memref<2x16x768xf32, #tpu.memory_space<vmem>>, vector<16xf32>,
      %get3A_409 = arith.constant 0 : i32
      %get3A_410 = arith.index_cast %get3A_409 : i32 to index
      %get3A_411 = arith.index_cast %scan3A_299 : i32 to index
      %get3A_412 = arith.constant 96 : index
      %get3A_413 = tpu.vector_load %arg10[%get3A_410, %get3A_411, %get3A_412] {strides = array<i32>} : memref<2x16x768xf32, #tpu.memory_space<vmem>>, vector<16xf32>,
      %mul3A_414 = arith.mulf %get3A_413, %gather3A : vector<16xf32>
      %get3A_415 = arith.constant 0 : i32
      %get3A_416 = arith.index_cast %get3A_415 : i32 to index
      %get3A_417 = arith.index_cast %scan3A_299 : i32 to index
      %get3A_418 = arith.constant 96 : index
      %get3A_419 = tpu.vector_load %arg11[%get3A_416, %get3A_417, %get3A_418] {strides = array<i32>} : memref<2x16x768xf32, #tpu.memory_space<vmem>>, vector<16xf32>,
      %mul3A_420 = arith.mulf %get3A_419, %gather3A_302 : vector<16xf32>
      %add3A_421 = arith.addf %mul3A_414, %mul3A_420 : vector<16xf32>
      %swap3A_422 = arith.constant 0 : i32
      %swap3A_423 = arith.index_cast %swap3A_422 : i32 to index
      %swap3A_424 = arith.index_cast %scan3A_299 : i32 to index
      %swap3A_425 = arith.constant 96 : index
      %swap3A_426 = tpu.vector_load %arg12[%swap3A_423, %swap3A_424, %swap3A_425] {strides = array<i32>} : memref<2x16x768xf32, #tpu.memory_space<vmem>>, vector<16xf32>,
      tpu.vector_store %arg12[%swap3A_423, %swap3A_424, %swap3A_425], %add3A_421 {strides = array<i32>} : memref<2x16x768xf32, #tpu.memory_space<vmem>>, vector<16xf32>,
      %get3A_427 = arith.constant 0 : i32
      %get3A_428 = arith.index_cast %get3A_427 : i32 to index
      %get3A_429 = arith.index_cast %scan3A_299 : i32 to index
      %get3A_430 = arith.constant 112 : index
      %get3A_431 = tpu.vector_load %arg10[%get3A_428, %get3A_429, %get3A_430] {strides = array<i32>} : memref<2x16x768xf32, #tpu.memory_space<vmem>>, vector<16xf32>,
      %mul3A_432 = arith.mulf %get3A_431, %gather3A : vector<16xf32>
      %get3A_433 = arith.constant 0 : i32
      %get3A_434 = arith.index_cast %get3A_433 : i32 to index
      %get3A_435 = arith.index_cast %scan3A_299 : i32 to index
      %get3A_436 = arith.constant 112 : index
      %get3A_437 = tpu.vector_load %arg11[%get3A_434, %get3A_435, %get3A_436] {strides = array<i32>} : memref<2x16x768xf32, #tpu.memory_space<vmem>>, vector<16xf32>,
      %mul3A_438 = arith.mulf %get3A_437, %gather3A_302 : vector<16xf32>
      %add3A_439 = arith.addf %mul3A_432, %mul3A_438 : vector<16xf32>
      %swap3A_440 = arith.constant 0 : i32
      %swap3A_441 = arith.index_cast %swap3A_440 : i32 to index
      %swap3A_442 = arith.index_cast %scan3A_299 : i32 to index
      %swap3A_443 = arith.constant 112 : index
      %swap3A_444 = tpu.vector_load %arg12[%swap3A_441, %swap3A_442, %swap3A_443] {strides = array<i32>} : memref<2x16x768xf32, #tpu.memory_space<vmem>>, vector<16xf32>,
      tpu.vector_store %arg12[%swap3A_441, %swap3A_442, %swap3A_443], %add3A_439 {strides = array<i32>} : memref<2x16x768xf32, #tpu.memory_space<vmem>>, vector<16xf32>,
      %get3A_445 = arith.constant 0 : i32
      %get3A_446 = arith.index_cast %get3A_445 : i32 to index
      %get3A_447 = arith.index_cast %scan3A_299 : i32 to index
      %get3A_448 = arith.constant 128 : index
      %get3A_449 = tpu.vector_load %arg10[%get3A_446, %get3A_447, %get3A_448] {strides = array<i32>} : memref<2x16x768xf32, #tpu.memory_space<vmem>>, vector<16xf32>,
      %mul3A_450 = arith.mulf %get3A_449, %gather3A : vector<16xf32>
      %get3A_451 = arith.constant 0 : i32
      %get3A_452 = arith.index_cast %get3A_451 : i32 to index
      %get3A_453 = arith.index_cast %scan3A_299 : i32 to index
      %get3A_454 = arith.constant 128 : index
      %get3A_455 = tpu.vector_load %arg11[%get3A_452, %get3A_453, %get3A_454] {strides = array<i32>} : memref<2x16x768xf32, #tpu.memory_space<vmem>>, vector<16xf32>,
      %mul3A_456 = arith.mulf %get3A_455, %gather3A_302 : vector<16xf32>
      %add3A_457 = arith.addf %mul3A_450, %mul3A_456 : vector<16xf32>
      %swap3A_458 = arith.constant 0 : i32
      %swap3A_459 = arith.index_cast %swap3A_458 : i32 to index
      %swap3A_460 = arith.index_cast %scan3A_299 : i32 to index
      %swap3A_461 = arith.constant 128 : index
      %swap3A_462 = tpu.vector_load %arg12[%swap3A_459, %swap3A_460, %swap3A_461] {strides = array<i32>} : memref<2x16x768xf32, #tpu.memory_space<vmem>>, vector<16xf32>,
      tpu.vector_store %arg12[%swap3A_459, %swap3A_460, %swap3A_461], %add3A_457 {strides = array<i32>} : memref<2x16x768xf32, #tpu.memory_space<vmem>>, vector<16xf32>,
      %get3A_463 = arith.constant 0 : i32
      %get3A_464 = arith.index_cast %get3A_463 : i32 to index
      %get3A_465 = arith.index_cast %scan3A_299 : i32 to index
      %get3A_466 = arith.constant 144 : index
      %get3A_467 = tpu.vector_load %arg10[%get3A_464, %get3A_465, %get3A_466] {strides = array<i32>} : memref<2x16x768xf32, #tpu.memory_space<vmem>>, vector<16xf32>,
      %mul3A_468 = arith.mulf %get3A_467, %gather3A : vector<16xf32>
      %get3A_469 = arith.constant 0 : i32
      %get3A_470 = arith.index_cast %get3A_469 : i32 to index
      %get3A_471 = arith.index_cast %scan3A_299 : i32 to index
      %get3A_472 = arith.constant 144 : index
      %get3A_473 = tpu.vector_load %arg11[%get3A_470, %get3A_471, %get3A_472] {strides = array<i32>} : memref<2x16x768xf32, #tpu.memory_space<vmem>>, vector<16xf32>,
      %mul3A_474 = arith.mulf %get3A_473, %gather3A_302 : vector<16xf32>
      %add3A_475 = arith.addf %mul3A_468, %mul3A_474 : vector<16xf32>
      %swap3A_476 = arith.constant 0 : i32
      %swap3A_477 = arith.index_cast %swap3A_476 : i32 to index
      %swap3A_478 = arith.index_cast %scan3A_299 : i32 to index
      %swap3A_479 = arith.constant 144 : index
      %swap3A_480 = tpu.vector_load %arg12[%swap3A_477, %swap3A_478, %swap3A_479] {strides = array<i32>} : memref<2x16x768xf32, #tpu.memory_space<vmem>>, vector<16xf32>,
      tpu.vector_store %arg12[%swap3A_477, %swap3A_478, %swap3A_479], %add3A_475 {strides = array<i32>} : memref<2x16x768xf32, #tpu.memory_space<vmem>>, vector<16xf32>,
      %get3A_481 = arith.constant 0 : i32
      %get3A_482 = arith.index_cast %get3A_481 : i32 to index
      %get3A_483 = arith.index_cast %scan3A_299 : i32 to index
      %get3A_484 = arith.constant 160 : index
      %get3A_485 = tpu.vector_load %arg10[%get3A_482, %get3A_483, %get3A_484] {strides = array<i32>} : memref<2x16x768xf32, #tpu.memory_space<vmem>>, vector<16xf32>,
      %mul3A_486 = arith.mulf %get3A_485, %gather3A : vector<16xf32>
      %get3A_487 = arith.constant 0 : i32
      %get3A_488 = arith.index_cast %get3A_487 : i32 to index
      %get3A_489 = arith.index_cast %scan3A_299 : i32 to index
      %get3A_490 = arith.constant 160 : index
      %get3A_491 = tpu.vector_load %arg11[%get3A_488, %get3A_489, %get3A_490] {strides = array<i32>} : memref<2x16x768xf32, #tpu.memory_space<vmem>>, vector<16xf32>,
      %mul3A_492 = arith.mulf %get3A_491, %gather3A_302 : vector<16xf32>
      %add3A_493 = arith.addf %mul3A_486, %mul3A_492 : vector<16xf32>
      %swap3A_494 = arith.constant 0 : i32
      %swap3A_495 = arith.index_cast %swap3A_494 : i32 to index
      %swap3A_496 = arith.index_cast %scan3A_299 : i32 to index
      %swap3A_497 = arith.constant 160 : index
      %swap3A_498 = tpu.vector_load %arg12[%swap3A_495, %swap3A_496, %swap3A_497] {strides = array<i32>} : memref<2x16x768xf32, #tpu.memory_space<vmem>>, vector<16xf32>,
      tpu.vector_store %arg12[%swap3A_495, %swap3A_496, %swap3A_497], %add3A_493 {strides = array<i32>} : memref<2x16x768xf32, #tpu.memory_space<vmem>>, vector<16xf32>,
      %get3A_499 = arith.constant 0 : i32
      %get3A_500 = arith.index_cast %get3A_499 : i32 to index
      %get3A_501 = arith.index_cast %scan3A_299 : i32 to index
      %get3A_502 = arith.constant 176 : index
      %get3A_503 = tpu.vector_load %arg10[%get3A_500, %get3A_501, %get3A_502] {strides = array<i32>} : memref<2x16x768xf32, #tpu.memory_space<vmem>>, vector<16xf32>,
      %mul3A_504 = arith.mulf %get3A_503, %gather3A : vector<16xf32>
      %get3A_505 = arith.constant 0 : i32
      %get3A_506 = arith.index_cast %get3A_505 : i32 to index
      %get3A_507 = arith.index_cast %scan3A_299 : i32 to index
      %get3A_508 = arith.constant 176 : index
      %get3A_509 = tpu.vector_load %arg11[%get3A_506, %get3A_507, %get3A_508] {strides = array<i32>} : memref<2x16x768xf32, #tpu.memory_space<vmem>>, vector<16xf32>,
      %mul3A_510 = arith.mulf %get3A_509, %gather3A_302 : vector<16xf32>
      %add3A_511 = arith.addf %mul3A_504, %mul3A_510 : vector<16xf32>
      %swap3A_512 = arith.constant 0 : i32
      %swap3A_513 = arith.index_cast %swap3A_512 : i32 to index
      %swap3A_514 = arith.index_cast %scan3A_299 : i32 to index
      %swap3A_515 = arith.constant 176 : index
      %swap3A_516 = tpu.vector_load %arg12[%swap3A_513, %swap3A_514, %swap3A_515] {strides = array<i32>} : memref<2x16x768xf32, #tpu.memory_space<vmem>>, vector<16xf32>,
      tpu.vector_store %arg12[%swap3A_513, %swap3A_514, %swap3A_515], %add3A_511 {strides = array<i32>} : memref<2x16x768xf32, #tpu.memory_space<vmem>>, vector<16xf32>,
      %get3A_517 = arith.constant 0 : i32
      %get3A_518 = arith.index_cast %get3A_517 : i32 to index
      %get3A_519 = arith.index_cast %scan3A_299 : i32 to index
      %get3A_520 = arith.constant 192 : index
      %get3A_521 = tpu.vector_load %arg10[%get3A_518, %get3A_519, %get3A_520] {strides = array<i32>} : memref<2x16x768xf32, #tpu.memory_space<vmem>>, vector<16xf32>,
      %mul3A_522 = arith.mulf %get3A_521, %gather3A : vector<16xf32>
      %get3A_523 = arith.constant 0 : i32
      %get3A_524 = arith.index_cast %get3A_523 : i32 to index
      %get3A_525 = arith.index_cast %scan3A_299 : i32 to index
      %get3A_526 = arith.constant 192 : index
      %get3A_527 = tpu.vector_load %arg11[%get3A_524, %get3A_525, %get3A_526] {strides = array<i32>} : memref<2x16x768xf32, #tpu.memory_space<vmem>>, vector<16xf32>,
      %mul3A_528 = arith.mulf %get3A_527, %gather3A_302 : vector<16xf32>
      %add3A_529 = arith.addf %mul3A_522, %mul3A_528 : vector<16xf32>
      %swap3A_530 = arith.constant 0 : i32
      %swap3A_531 = arith.index_cast %swap3A_530 : i32 to index
      %swap3A_532 = arith.index_cast %scan3A_299 : i32 to index
      %swap3A_533 = arith.constant 192 : index
      %swap3A_534 = tpu.vector_load %arg12[%swap3A_531, %swap3A_532, %swap3A_533] {strides = array<i32>} : memref<2x16x768xf32, #tpu.memory_space<vmem>>, vector<16xf32>,
      tpu.vector_store %arg12[%swap3A_531, %swap3A_532, %swap3A_533], %add3A_529 {strides = array<i32>} : memref<2x16x768xf32, #tpu.memory_space<vmem>>, vector<16xf32>,
      %get3A_535 = arith.constant 0 : i32
      %get3A_536 = arith.index_cast %get3A_535 : i32 to index
      %get3A_537 = arith.index_cast %scan3A_299 : i32 to index
      %get3A_538 = arith.constant 208 : index
      %get3A_539 = tpu.vector_load %arg10[%get3A_536, %get3A_537, %get3A_538] {strides = array<i32>} : memref<2x16x768xf32, #tpu.memory_space<vmem>>, vector<16xf32>,
      %mul3A_540 = arith.mulf %get3A_539, %gather3A : vector<16xf32>
      %get3A_541 = arith.constant 0 : i32
      %get3A_542 = arith.index_cast %get3A_541 : i32 to index
      %get3A_543 = arith.index_cast %scan3A_299 : i32 to index
      %get3A_544 = arith.constant 208 : index
      %get3A_545 = tpu.vector_load %arg11[%get3A_542, %get3A_543, %get3A_544] {strides = array<i32>} : memref<2x16x768xf32, #tpu.memory_space<vmem>>, vector<16xf32>,
      %mul3A_546 = arith.mulf %get3A_545, %gather3A_302 : vector<16xf32>
      %add3A_547 = arith.addf %mul3A_540, %mul3A_546 : vector<16xf32>
      %swap3A_548 = arith.constant 0 : i32
      %swap3A_549 = arith.index_cast %swap3A_548 : i32 to index
      %swap3A_550 = arith.index_cast %scan3A_299 : i32 to index
      %swap3A_551 = arith.constant 208 : index
      %swap3A_552 = tpu.vector_load %arg12[%swap3A_549, %swap3A_550, %swap3A_551] {strides = array<i32>} : memref<2x16x768xf32, #tpu.memory_space<vmem>>, vector<16xf32>,
      tpu.vector_store %arg12[%swap3A_549, %swap3A_550, %swap3A_551], %add3A_547 {strides = array<i32>} : memref<2x16x768xf32, #tpu.memory_space<vmem>>, vector<16xf32>,
      %get3A_553 = arith.constant 0 : i32
      %get3A_554 = arith.index_cast %get3A_553 : i32 to index
      %get3A_555 = arith.index_cast %scan3A_299 : i32 to index
      %get3A_556 = arith.constant 224 : index
      %get3A_557 = tpu.vector_load %arg10[%get3A_554, %get3A_555, %get3A_556] {strides = array<i32>} : memref<2x16x768xf32, #tpu.memory_space<vmem>>, vector<16xf32>,
      %mul3A_558 = arith.mulf %get3A_557, %gather3A : vector<16xf32>
      %get3A_559 = arith.constant 0 : i32
      %get3A_560 = arith.index_cast %get3A_559 : i32 to index
      %get3A_561 = arith.index_cast %scan3A_299 : i32 to index
      %get3A_562 = arith.constant 224 : index
      %get3A_563 = tpu.vector_load %arg11[%get3A_560, %get3A_561, %get3A_562] {strides = array<i32>} : memref<2x16x768xf32, #tpu.memory_space<vmem>>, vector<16xf32>,
      %mul3A_564 = arith.mulf %get3A_563, %gather3A_302 : vector<16xf32>
      %add3A_565 = arith.addf %mul3A_558, %mul3A_564 : vector<16xf32>
      %swap3A_566 = arith.constant 0 : i32
      %swap3A_567 = arith.index_cast %swap3A_566 : i32 to index
      %swap3A_568 = arith.index_cast %scan3A_299 : i32 to index
      %swap3A_569 = arith.constant 224 : index
      %swap3A_570 = tpu.vector_load %arg12[%swap3A_567, %swap3A_568, %swap3A_569] {strides = array<i32>} : memref<2x16x768xf32, #tpu.memory_space<vmem>>, vector<16xf32>,
      tpu.vector_store %arg12[%swap3A_567, %swap3A_568, %swap3A_569], %add3A_565 {strides = array<i32>} : memref<2x16x768xf32, #tpu.memory_space<vmem>>, vector<16xf32>,
      %get3A_571 = arith.constant 0 : i32
      %get3A_572 = arith.index_cast %get3A_571 : i32 to index
      %get3A_573 = arith.index_cast %scan3A_299 : i32 to index
      %get3A_574 = arith.constant 240 : index
      %get3A_575 = tpu.vector_load %arg10[%get3A_572, %get3A_573, %get3A_574] {strides = array<i32>} : memref<2x16x768xf32, #tpu.memory_space<vmem>>, vector<16xf32>,
      %mul3A_576 = arith.mulf %get3A_575, %gather3A : vector<16xf32>
      %get3A_577 = arith.constant 0 : i32
      %get3A_578 = arith.index_cast %get3A_577 : i32 to index
      %get3A_579 = arith.index_cast %scan3A_299 : i32 to index
      %get3A_580 = arith.constant 240 : index
      %get3A_581 = tpu.vector_load %arg11[%get3A_578, %get3A_579, %get3A_580] {strides = array<i32>} : memref<2x16x768xf32, #tpu.memory_space<vmem>>, vector<16xf32>,
      %mul3A_582 = arith.mulf %get3A_581, %gather3A_302 : vector<16xf32>
      %add3A_583 = arith.addf %mul3A_576, %mul3A_582 : vector<16xf32>
      %swap3A_584 = arith.constant 0 : i32
      %swap3A_585 = arith.index_cast %swap3A_584 : i32 to index
      %swap3A_586 = arith.index_cast %scan3A_299 : i32 to index
      %swap3A_587 = arith.constant 240 : index
      %swap3A_588 = tpu.vector_load %arg12[%swap3A_585, %swap3A_586, %swap3A_587] {strides = array<i32>} : memref<2x16x768xf32, #tpu.memory_space<vmem>>, vector<16xf32>,
      tpu.vector_store %arg12[%swap3A_585, %swap3A_586, %swap3A_587], %add3A_583 {strides = array<i32>} : memref<2x16x768xf32, #tpu.memory_space<vmem>>, vector<16xf32>,
      %get3A_589 = arith.constant 0 : i32
      %get3A_590 = arith.index_cast %get3A_589 : i32 to index
      %get3A_591 = arith.index_cast %scan3A_299 : i32 to index
      %get3A_592 = arith.constant 256 : index
      %get3A_593 = tpu.vector_load %arg10[%get3A_590, %get3A_591, %get3A_592] {strides = array<i32>} : memref<2x16x768xf32, #tpu.memory_space<vmem>>, vector<16xf32>,
      %mul3A_594 = arith.mulf %get3A_593, %gather3A : vector<16xf32>
      %get3A_595 = arith.constant 0 : i32
      %get3A_596 = arith.index_cast %get3A_595 : i32 to index
      %get3A_597 = arith.index_cast %scan3A_299 : i32 to index
      %get3A_598 = arith.constant 256 : index
      %get3A_599 = tpu.vector_load %arg11[%get3A_596, %get3A_597, %get3A_598] {strides = array<i32>} : memref<2x16x768xf32, #tpu.memory_space<vmem>>, vector<16xf32>,
      %mul3A_600 = arith.mulf %get3A_599, %gather3A_302 : vector<16xf32>
      %add3A_601 = arith.addf %mul3A_594, %mul3A_600 : vector<16xf32>
      %swap3A_602 = arith.constant 0 : i32
      %swap3A_603 = arith.index_cast %swap3A_602 : i32 to index
      %swap3A_604 = arith.index_cast %scan3A_299 : i32 to index
      %swap3A_605 = arith.constant 256 : index
      %swap3A_606 = tpu.vector_load %arg12[%swap3A_603, %swap3A_604, %swap3A_605] {strides = array<i32>} : memref<2x16x768xf32, #tpu.memory_space<vmem>>, vector<16xf32>,
      tpu.vector_store %arg12[%swap3A_603, %swap3A_604, %swap3A_605], %add3A_601 {strides = array<i32>} : memref<2x16x768xf32, #tpu.memory_space<vmem>>, vector<16xf32>,
      %get3A_607 = arith.constant 0 : i32
      %get3A_608 = arith.index_cast %get3A_607 : i32 to index
      %get3A_609 = arith.index_cast %scan3A_299 : i32 to index
      %get3A_610 = arith.constant 272 : index
      %get3A_611 = tpu.vector_load %arg10[%get3A_608, %get3A_609, %get3A_610] {strides = array<i32>} : memref<2x16x768xf32, #tpu.memory_space<vmem>>, vector<16xf32>,
      %mul3A_612 = arith.mulf %get3A_611, %gather3A : vector<16xf32>
      %get3A_613 = arith.constant 0 : i32
      %get3A_614 = arith.index_cast %get3A_613 : i32 to index
      %get3A_615 = arith.index_cast %scan3A_299 : i32 to index
      %get3A_616 = arith.constant 272 : index
      %get3A_617 = tpu.vector_load %arg11[%get3A_614, %get3A_615, %get3A_616] {strides = array<i32>} : memref<2x16x768xf32, #tpu.memory_space<vmem>>, vector<16xf32>,
      %mul3A_618 = arith.mulf %get3A_617, %gather3A_302 : vector<16xf32>
      %add3A_619 = arith.addf %mul3A_612, %mul3A_618 : vector<16xf32>
      %swap3A_620 = arith.constant 0 : i32
      %swap3A_621 = arith.index_cast %swap3A_620 : i32 to index
      %swap3A_622 = arith.index_cast %scan3A_299 : i32 to index
      %swap3A_623 = arith.constant 272 : index
      %swap3A_624 = tpu.vector_load %arg12[%swap3A_621, %swap3A_622, %swap3A_623] {strides = array<i32>} : memref<2x16x768xf32, #tpu.memory_space<vmem>>, vector<16xf32>,
      tpu.vector_store %arg12[%swap3A_621, %swap3A_622, %swap3A_623], %add3A_619 {strides = array<i32>} : memref<2x16x768xf32, #tpu.memory_space<vmem>>, vector<16xf32>,
      %get3A_625 = arith.constant 0 : i32
      %get3A_626 = arith.index_cast %get3A_625 : i32 to index
      %get3A_627 = arith.index_cast %scan3A_299 : i32 to index
      %get3A_628 = arith.constant 288 : index
      %get3A_629 = tpu.vector_load %arg10[%get3A_626, %get3A_627, %get3A_628] {strides = array<i32>} : memref<2x16x768xf32, #tpu.memory_space<vmem>>, vector<16xf32>,
      %mul3A_630 = arith.mulf %get3A_629, %gather3A : vector<16xf32>
      %get3A_631 = arith.constant 0 : i32
      %get3A_632 = arith.index_cast %get3A_631 : i32 to index
      %get3A_633 = arith.index_cast %scan3A_299 : i32 to index
      %get3A_634 = arith.constant 288 : index
      %get3A_635 = tpu.vector_load %arg11[%get3A_632, %get3A_633, %get3A_634] {strides = array<i32>} : memref<2x16x768xf32, #tpu.memory_space<vmem>>, vector<16xf32>,
      %mul3A_636 = arith.mulf %get3A_635, %gather3A_302 : vector<16xf32>
      %add3A_637 = arith.addf %mul3A_630, %mul3A_636 : vector<16xf32>
      %swap3A_638 = arith.constant 0 : i32
      %swap3A_639 = arith.index_cast %swap3A_638 : i32 to index
      %swap3A_640 = arith.index_cast %scan3A_299 : i32 to index
      %swap3A_641 = arith.constant 288 : index
      %swap3A_642 = tpu.vector_load %arg12[%swap3A_639, %swap3A_640, %swap3A_641] {strides = array<i32>} : memref<2x16x768xf32, #tpu.memory_space<vmem>>, vector<16xf32>,
      tpu.vector_store %arg12[%swap3A_639, %swap3A_640, %swap3A_641], %add3A_637 {strides = array<i32>} : memref<2x16x768xf32, #tpu.memory_space<vmem>>, vector<16xf32>,
      %get3A_643 = arith.constant 0 : i32
      %get3A_644 = arith.index_cast %get3A_643 : i32 to index
      %get3A_645 = arith.index_cast %scan3A_299 : i32 to index
      %get3A_646 = arith.constant 304 : index
      %get3A_647 = tpu.vector_load %arg10[%get3A_644, %get3A_645, %get3A_646] {strides = array<i32>} : memref<2x16x768xf32, #tpu.memory_space<vmem>>, vector<16xf32>,
      %mul3A_648 = arith.mulf %get3A_647, %gather3A : vector<16xf32>
      %get3A_649 = arith.constant 0 : i32
      %get3A_650 = arith.index_cast %get3A_649 : i32 to index
      %get3A_651 = arith.index_cast %scan3A_299 : i32 to index
      %get3A_652 = arith.constant 304 : index
      %get3A_653 = tpu.vector_load %arg11[%get3A_650, %get3A_651, %get3A_652] {strides = array<i32>} : memref<2x16x768xf32, #tpu.memory_space<vmem>>, vector<16xf32>,
      %mul3A_654 = arith.mulf %get3A_653, %gather3A_302 : vector<16xf32>
      %add3A_655 = arith.addf %mul3A_648, %mul3A_654 : vector<16xf32>
      %swap3A_656 = arith.constant 0 : i32
      %swap3A_657 = arith.index_cast %swap3A_656 : i32 to index
      %swap3A_658 = arith.index_cast %scan3A_299 : i32 to index
      %swap3A_659 = arith.constant 304 : index
      %swap3A_660 = tpu.vector_load %arg12[%swap3A_657, %swap3A_658, %swap3A_659] {strides = array<i32>} : memref<2x16x768xf32, #tpu.memory_space<vmem>>, vector<16xf32>,
      tpu.vector_store %arg12[%swap3A_657, %swap3A_658, %swap3A_659], %add3A_655 {strides = array<i32>} : memref<2x16x768xf32, #tpu.memory_space<vmem>>, vector<16xf32>,
      %get3A_661 = arith.constant 0 : i32
      %get3A_662 = arith.index_cast %get3A_661 : i32 to index
      %get3A_663 = arith.index_cast %scan3A_299 : i32 to index
      %get3A_664 = arith.constant 320 : index
      %get3A_665 = tpu.vector_load %arg10[%get3A_662, %get3A_663, %get3A_664] {strides = array<i32>} : memref<2x16x768xf32, #tpu.memory_space<vmem>>, vector<16xf32>,
      %mul3A_666 = arith.mulf %get3A_665, %gather3A : vector<16xf32>
      %get3A_667 = arith.constant 0 : i32
      %get3A_668 = arith.index_cast %get3A_667 : i32 to index
      %get3A_669 = arith.index_cast %scan3A_299 : i32 to index
      %get3A_670 = arith.constant 320 : index
      %get3A_671 = tpu.vector_load %arg11[%get3A_668, %get3A_669, %get3A_670] {strides = array<i32>} : memref<2x16x768xf32, #tpu.memory_space<vmem>>, vector<16xf32>,
      %mul3A_672 = arith.mulf %get3A_671, %gather3A_302 : vector<16xf32>
      %add3A_673 = arith.addf %mul3A_666, %mul3A_672 : vector<16xf32>
      %swap3A_674 = arith.constant 0 : i32
      %swap3A_675 = arith.index_cast %swap3A_674 : i32 to index
      %swap3A_676 = arith.index_cast %scan3A_299 : i32 to index
      %swap3A_677 = arith.constant 320 : index
      %swap3A_678 = tpu.vector_load %arg12[%swap3A_675, %swap3A_676, %swap3A_677] {strides = array<i32>} : memref<2x16x768xf32, #tpu.memory_space<vmem>>, vector<16xf32>,
      tpu.vector_store %arg12[%swap3A_675, %swap3A_676, %swap3A_677], %add3A_673 {strides = array<i32>} : memref<2x16x768xf32, #tpu.memory_space<vmem>>, vector<16xf32>,
      %get3A_679 = arith.constant 0 : i32
      %get3A_680 = arith.index_cast %get3A_679 : i32 to index
      %get3A_681 = arith.index_cast %scan3A_299 : i32 to index
      %get3A_682 = arith.constant 336 : index
      %get3A_683 = tpu.vector_load %arg10[%get3A_680, %get3A_681, %get3A_682] {strides = array<i32>} : memref<2x16x768xf32, #tpu.memory_space<vmem>>, vector<16xf32>,
      %mul3A_684 = arith.mulf %get3A_683, %gather3A : vector<16xf32>
      %get3A_685 = arith.constant 0 : i32
      %get3A_686 = arith.index_cast %get3A_685 : i32 to index
      %get3A_687 = arith.index_cast %scan3A_299 : i32 to index
      %get3A_688 = arith.constant 336 : index
      %get3A_689 = tpu.vector_load %arg11[%get3A_686, %get3A_687, %get3A_688] {strides = array<i32>} : memref<2x16x768xf32, #tpu.memory_space<vmem>>, vector<16xf32>,
      %mul3A_690 = arith.mulf %get3A_689, %gather3A_302 : vector<16xf32>
      %add3A_691 = arith.addf %mul3A_684, %mul3A_690 : vector<16xf32>
      %swap3A_692 = arith.constant 0 : i32
      %swap3A_693 = arith.index_cast %swap3A_692 : i32 to index
      %swap3A_694 = arith.index_cast %scan3A_299 : i32 to index
      %swap3A_695 = arith.constant 336 : index
      %swap3A_696 = tpu.vector_load %arg12[%swap3A_693, %swap3A_694, %swap3A_695] {strides = array<i32>} : memref<2x16x768xf32, #tpu.memory_space<vmem>>, vector<16xf32>,
      tpu.vector_store %arg12[%swap3A_693, %swap3A_694, %swap3A_695], %add3A_691 {strides = array<i32>} : memref<2x16x768xf32, #tpu.memory_space<vmem>>, vector<16xf32>,
      %get3A_697 = arith.constant 0 : i32
      %get3A_698 = arith.index_cast %get3A_697 : i32 to index
      %get3A_699 = arith.index_cast %scan3A_299 : i32 to index
      %get3A_700 = arith.constant 352 : index
      %get3A_701 = tpu.vector_load %arg10[%get3A_698, %get3A_699, %get3A_700] {strides = array<i32>} : memref<2x16x768xf32, #tpu.memory_space<vmem>>, vector<16xf32>,
      %mul3A_702 = arith.mulf %get3A_701, %gather3A : vector<16xf32>
      %get3A_703 = arith.constant 0 : i32
      %get3A_704 = arith.index_cast %get3A_703 : i32 to index
      %get3A_705 = arith.index_cast %scan3A_299 : i32 to index
      %get3A_706 = arith.constant 352 : index
      %get3A_707 = tpu.vector_load %arg11[%get3A_704, %get3A_705, %get3A_706] {strides = array<i32>} : memref<2x16x768xf32, #tpu.memory_space<vmem>>, vector<16xf32>,
      %mul3A_708 = arith.mulf %get3A_707, %gather3A_302 : vector<16xf32>
      %add3A_709 = arith.addf %mul3A_702, %mul3A_708 : vector<16xf32>
      %swap3A_710 = arith.constant 0 : i32
      %swap3A_711 = arith.index_cast %swap3A_710 : i32 to index
      %swap3A_712 = arith.index_cast %scan3A_299 : i32 to index
      %swap3A_713 = arith.constant 352 : index
      %swap3A_714 = tpu.vector_load %arg12[%swap3A_711, %swap3A_712, %swap3A_713] {strides = array<i32>} : memref<2x16x768xf32, #tpu.memory_space<vmem>>, vector<16xf32>,
      tpu.vector_store %arg12[%swap3A_711, %swap3A_712, %swap3A_713], %add3A_709 {strides = array<i32>} : memref<2x16x768xf32, #tpu.memory_space<vmem>>, vector<16xf32>,
      %get3A_715 = arith.constant 0 : i32
      %get3A_716 = arith.index_cast %get3A_715 : i32 to index
      %get3A_717 = arith.index_cast %scan3A_299 : i32 to index
      %get3A_718 = arith.constant 368 : index
      %get3A_719 = tpu.vector_load %arg10[%get3A_716, %get3A_717, %get3A_718] {strides = array<i32>} : memref<2x16x768xf32, #tpu.memory_space<vmem>>, vector<16xf32>,
      %mul3A_720 = arith.mulf %get3A_719, %gather3A : vector<16xf32>
      %get3A_721 = arith.constant 0 : i32
      %get3A_722 = arith.index_cast %get3A_721 : i32 to index
      %get3A_723 = arith.index_cast %scan3A_299 : i32 to index
      %get3A_724 = arith.constant 368 : index
      %get3A_725 = tpu.vector_load %arg11[%get3A_722, %get3A_723, %get3A_724] {strides = array<i32>} : memref<2x16x768xf32, #tpu.memory_space<vmem>>, vector<16xf32>,
      %mul3A_726 = arith.mulf %get3A_725, %gather3A_302 : vector<16xf32>
      %add3A_727 = arith.addf %mul3A_720, %mul3A_726 : vector<16xf32>
      %swap3A_728 = arith.constant 0 : i32
      %swap3A_729 = arith.index_cast %swap3A_728 : i32 to index
      %swap3A_730 = arith.index_cast %scan3A_299 : i32 to index
      %swap3A_731 = arith.constant 368 : index
      %swap3A_732 = tpu.vector_load %arg12[%swap3A_729, %swap3A_730, %swap3A_731] {strides = array<i32>} : memref<2x16x768xf32, #tpu.memory_space<vmem>>, vector<16xf32>,
      tpu.vector_store %arg12[%swap3A_729, %swap3A_730, %swap3A_731], %add3A_727 {strides = array<i32>} : memref<2x16x768xf32, #tpu.memory_space<vmem>>, vector<16xf32>,
      %get3A_733 = arith.constant 0 : i32
      %get3A_734 = arith.index_cast %get3A_733 : i32 to index
      %get3A_735 = arith.index_cast %scan3A_299 : i32 to index
      %get3A_736 = arith.constant 384 : index
      %get3A_737 = tpu.vector_load %arg10[%get3A_734, %get3A_735, %get3A_736] {strides = array<i32>} : memref<2x16x768xf32, #tpu.memory_space<vmem>>, vector<16xf32>,
      %mul3A_738 = arith.mulf %get3A_737, %gather3A : vector<16xf32>
      %get3A_739 = arith.constant 0 : i32
      %get3A_740 = arith.index_cast %get3A_739 : i32 to index
      %get3A_741 = arith.index_cast %scan3A_299 : i32 to index
      %get3A_742 = arith.constant 384 : index
      %get3A_743 = tpu.vector_load %arg11[%get3A_740, %get3A_741, %get3A_742] {strides = array<i32>} : memref<2x16x768xf32, #tpu.memory_space<vmem>>, vector<16xf32>,
      %mul3A_744 = arith.mulf %get3A_743, %gather3A_302 : vector<16xf32>
      %add3A_745 = arith.addf %mul3A_738, %mul3A_744 : vector<16xf32>
      %swap3A_746 = arith.constant 0 : i32
      %swap3A_747 = arith.index_cast %swap3A_746 : i32 to index
      %swap3A_748 = arith.index_cast %scan3A_299 : i32 to index
      %swap3A_749 = arith.constant 384 : index
      %swap3A_750 = tpu.vector_load %arg12[%swap3A_747, %swap3A_748, %swap3A_749] {strides = array<i32>} : memref<2x16x768xf32, #tpu.memory_space<vmem>>, vector<16xf32>,
      tpu.vector_store %arg12[%swap3A_747, %swap3A_748, %swap3A_749], %add3A_745 {strides = array<i32>} : memref<2x16x768xf32, #tpu.memory_space<vmem>>, vector<16xf32>,
      %get3A_751 = arith.constant 0 : i32
      %get3A_752 = arith.index_cast %get3A_751 : i32 to index
      %get3A_753 = arith.index_cast %scan3A_299 : i32 to index
      %get3A_754 = arith.constant 400 : index
      %get3A_755 = tpu.vector_load %arg10[%get3A_752, %get3A_753, %get3A_754] {strides = array<i32>} : memref<2x16x768xf32, #tpu.memory_space<vmem>>, vector<16xf32>,
      %mul3A_756 = arith.mulf %get3A_755, %gather3A : vector<16xf32>
      %get3A_757 = arith.constant 0 : i32
      %get3A_758 = arith.index_cast %get3A_757 : i32 to index
      %get3A_759 = arith.index_cast %scan3A_299 : i32 to index
      %get3A_760 = arith.constant 400 : index
      %get3A_761 = tpu.vector_load %arg11[%get3A_758, %get3A_759, %get3A_760] {strides = array<i32>} : memref<2x16x768xf32, #tpu.memory_space<vmem>>, vector<16xf32>,
      %mul3A_762 = arith.mulf %get3A_761, %gather3A_302 : vector<16xf32>
      %add3A_763 = arith.addf %mul3A_756, %mul3A_762 : vector<16xf32>
      %swap3A_764 = arith.constant 0 : i32
      %swap3A_765 = arith.index_cast %swap3A_764 : i32 to index
      %swap3A_766 = arith.index_cast %scan3A_299 : i32 to index
      %swap3A_767 = arith.constant 400 : index
      %swap3A_768 = tpu.vector_load %arg12[%swap3A_765, %swap3A_766, %swap3A_767] {strides = array<i32>} : memref<2x16x768xf32, #tpu.memory_space<vmem>>, vector<16xf32>,
      tpu.vector_store %arg12[%swap3A_765, %swap3A_766, %swap3A_767], %add3A_763 {strides = array<i32>} : memref<2x16x768xf32, #tpu.memory_space<vmem>>, vector<16xf32>,
      %get3A_769 = arith.constant 0 : i32
      %get3A_770 = arith.index_cast %get3A_769 : i32 to index
      %get3A_771 = arith.index_cast %scan3A_299 : i32 to index
      %get3A_772 = arith.constant 416 : index
      %get3A_773 = tpu.vector_load %arg10[%get3A_770, %get3A_771, %get3A_772] {strides = array<i32>} : memref<2x16x768xf32, #tpu.memory_space<vmem>>, vector<16xf32>,
      %mul3A_774 = arith.mulf %get3A_773, %gather3A : vector<16xf32>
      %get3A_775 = arith.constant 0 : i32
      %get3A_776 = arith.index_cast %get3A_775 : i32 to index
      %get3A_777 = arith.index_cast %scan3A_299 : i32 to index
      %get3A_778 = arith.constant 416 : index
      %get3A_779 = tpu.vector_load %arg11[%get3A_776, %get3A_777, %get3A_778] {strides = array<i32>} : memref<2x16x768xf32, #tpu.memory_space<vmem>>, vector<16xf32>,
      %mul3A_780 = arith.mulf %get3A_779, %gather3A_302 : vector<16xf32>
      %add3A_781 = arith.addf %mul3A_774, %mul3A_780 : vector<16xf32>
      %swap3A_782 = arith.constant 0 : i32
      %swap3A_783 = arith.index_cast %swap3A_782 : i32 to index
      %swap3A_784 = arith.index_cast %scan3A_299 : i32 to index
      %swap3A_785 = arith.constant 416 : index
      %swap3A_786 = tpu.vector_load %arg12[%swap3A_783, %swap3A_784, %swap3A_785] {strides = array<i32>} : memref<2x16x768xf32, #tpu.memory_space<vmem>>, vector<16xf32>,
      tpu.vector_store %arg12[%swap3A_783, %swap3A_784, %swap3A_785], %add3A_781 {strides = array<i32>} : memref<2x16x768xf32, #tpu.memory_space<vmem>>, vector<16xf32>,
      %get3A_787 = arith.constant 0 : i32
      %get3A_788 = arith.index_cast %get3A_787 : i32 to index
      %get3A_789 = arith.index_cast %scan3A_299 : i32 to index
      %get3A_790 = arith.constant 432 : index
      %get3A_791 = tpu.vector_load %arg10[%get3A_788, %get3A_789, %get3A_790] {strides = array<i32>} : memref<2x16x768xf32, #tpu.memory_space<vmem>>, vector<16xf32>,
      %mul3A_792 = arith.mulf %get3A_791, %gather3A : vector<16xf32>
      %get3A_793 = arith.constant 0 : i32
      %get3A_794 = arith.index_cast %get3A_793 : i32 to index
      %get3A_795 = arith.index_cast %scan3A_299 : i32 to index
      %get3A_796 = arith.constant 432 : index
      %get3A_797 = tpu.vector_load %arg11[%get3A_794, %get3A_795, %get3A_796] {strides = array<i32>} : memref<2x16x768xf32, #tpu.memory_space<vmem>>, vector<16xf32>,
      %mul3A_798 = arith.mulf %get3A_797, %gather3A_302 : vector<16xf32>
      %add3A_799 = arith.addf %mul3A_792, %mul3A_798 : vector<16xf32>
      %swap3A_800 = arith.constant 0 : i32
      %swap3A_801 = arith.index_cast %swap3A_800 : i32 to index
      %swap3A_802 = arith.index_cast %scan3A_299 : i32 to index
      %swap3A_803 = arith.constant 432 : index
      %swap3A_804 = tpu.vector_load %arg12[%swap3A_801, %swap3A_802, %swap3A_803] {strides = array<i32>} : memref<2x16x768xf32, #tpu.memory_space<vmem>>, vector<16xf32>,
      tpu.vector_store %arg12[%swap3A_801, %swap3A_802, %swap3A_803], %add3A_799 {strides = array<i32>} : memref<2x16x768xf32, #tpu.memory_space<vmem>>, vector<16xf32>,
      %get3A_805 = arith.constant 0 : i32
      %get3A_806 = arith.index_cast %get3A_805 : i32 to index
      %get3A_807 = arith.index_cast %scan3A_299 : i32 to index
      %get3A_808 = arith.constant 448 : index
      %get3A_809 = tpu.vector_load %arg10[%get3A_806, %get3A_807, %get3A_808] {strides = array<i32>} : memref<2x16x768xf32, #tpu.memory_space<vmem>>, vector<16xf32>,
      %mul3A_810 = arith.mulf %get3A_809, %gather3A : vector<16xf32>
      %get3A_811 = arith.constant 0 : i32
      %get3A_812 = arith.index_cast %get3A_811 : i32 to index
      %get3A_813 = arith.index_cast %scan3A_299 : i32 to index
      %get3A_814 = arith.constant 448 : index
      %get3A_815 = tpu.vector_load %arg11[%get3A_812, %get3A_813, %get3A_814] {strides = array<i32>} : memref<2x16x768xf32, #tpu.memory_space<vmem>>, vector<16xf32>,
      %mul3A_816 = arith.mulf %get3A_815, %gather3A_302 : vector<16xf32>
      %add3A_817 = arith.addf %mul3A_810, %mul3A_816 : vector<16xf32>
      %swap3A_818 = arith.constant 0 : i32
      %swap3A_819 = arith.index_cast %swap3A_818 : i32 to index
      %swap3A_820 = arith.index_cast %scan3A_299 : i32 to index
      %swap3A_821 = arith.constant 448 : index
      %swap3A_822 = tpu.vector_load %arg12[%swap3A_819, %swap3A_820, %swap3A_821] {strides = array<i32>} : memref<2x16x768xf32, #tpu.memory_space<vmem>>, vector<16xf32>,
      tpu.vector_store %arg12[%swap3A_819, %swap3A_820, %swap3A_821], %add3A_817 {strides = array<i32>} : memref<2x16x768xf32, #tpu.memory_space<vmem>>, vector<16xf32>,
      %get3A_823 = arith.constant 0 : i32
      %get3A_824 = arith.index_cast %get3A_823 : i32 to index
      %get3A_825 = arith.index_cast %scan3A_299 : i32 to index
      %get3A_826 = arith.constant 464 : index
      %get3A_827 = tpu.vector_load %arg10[%get3A_824, %get3A_825, %get3A_826] {strides = array<i32>} : memref<2x16x768xf32, #tpu.memory_space<vmem>>, vector<16xf32>,
      %mul3A_828 = arith.mulf %get3A_827, %gather3A : vector<16xf32>
      %get3A_829 = arith.constant 0 : i32
      %get3A_830 = arith.index_cast %get3A_829 : i32 to index
      %get3A_831 = arith.index_cast %scan3A_299 : i32 to index
      %get3A_832 = arith.constant 464 : index
      %get3A_833 = tpu.vector_load %arg11[%get3A_830, %get3A_831, %get3A_832] {strides = array<i32>} : memref<2x16x768xf32, #tpu.memory_space<vmem>>, vector<16xf32>,
      %mul3A_834 = arith.mulf %get3A_833, %gather3A_302 : vector<16xf32>
      %add3A_835 = arith.addf %mul3A_828, %mul3A_834 : vector<16xf32>
      %swap3A_836 = arith.constant 0 : i32
      %swap3A_837 = arith.index_cast %swap3A_836 : i32 to index
      %swap3A_838 = arith.index_cast %scan3A_299 : i32 to index
      %swap3A_839 = arith.constant 464 : index
      %swap3A_840 = tpu.vector_load %arg12[%swap3A_837, %swap3A_838, %swap3A_839] {strides = array<i32>} : memref<2x16x768xf32, #tpu.memory_space<vmem>>, vector<16xf32>,
      tpu.vector_store %arg12[%swap3A_837, %swap3A_838, %swap3A_839], %add3A_835 {strides = array<i32>} : memref<2x16x768xf32, #tpu.memory_space<vmem>>, vector<16xf32>,
      %get3A_841 = arith.constant 0 : i32
      %get3A_842 = arith.index_cast %get3A_841 : i32 to index
      %get3A_843 = arith.index_cast %scan3A_299 : i32 to index
      %get3A_844 = arith.constant 480 : index
      %get3A_845 = tpu.vector_load %arg10[%get3A_842, %get3A_843, %get3A_844] {strides = array<i32>} : memref<2x16x768xf32, #tpu.memory_space<vmem>>, vector<16xf32>,
      %mul3A_846 = arith.mulf %get3A_845, %gather3A : vector<16xf32>
      %get3A_847 = arith.constant 0 : i32
      %get3A_848 = arith.index_cast %get3A_847 : i32 to index
      %get3A_849 = arith.index_cast %scan3A_299 : i32 to index
      %get3A_850 = arith.constant 480 : index
      %get3A_851 = tpu.vector_load %arg11[%get3A_848, %get3A_849, %get3A_850] {strides = array<i32>} : memref<2x16x768xf32, #tpu.memory_space<vmem>>, vector<16xf32>,
      %mul3A_852 = arith.mulf %get3A_851, %gather3A_302 : vector<16xf32>
      %add3A_853 = arith.addf %mul3A_846, %mul3A_852 : vector<16xf32>
      %swap3A_854 = arith.constant 0 : i32
      %swap3A_855 = arith.index_cast %swap3A_854 : i32 to index
      %swap3A_856 = arith.index_cast %scan3A_299 : i32 to index
      %swap3A_857 = arith.constant 480 : index
      %swap3A_858 = tpu.vector_load %arg12[%swap3A_855, %swap3A_856, %swap3A_857] {strides = array<i32>} : memref<2x16x768xf32, #tpu.memory_space<vmem>>, vector<16xf32>,
      tpu.vector_store %arg12[%swap3A_855, %swap3A_856, %swap3A_857], %add3A_853 {strides = array<i32>} : memref<2x16x768xf32, #tpu.memory_space<vmem>>, vector<16xf32>,
      %get3A_859 = arith.constant 0 : i32
      %get3A_860 = arith.index_cast %get3A_859 : i32 to index
      %get3A_861 = arith.index_cast %scan3A_299 : i32 to index
      %get3A_862 = arith.constant 496 : index
      %get3A_863 = tpu.vector_load %arg10[%get3A_860, %get3A_861, %get3A_862] {strides = array<i32>} : memref<2x16x768xf32, #tpu.memory_space<vmem>>, vector<16xf32>,
      %mul3A_864 = arith.mulf %get3A_863, %gather3A : vector<16xf32>
      %get3A_865 = arith.constant 0 : i32
      %get3A_866 = arith.index_cast %get3A_865 : i32 to index
      %get3A_867 = arith.index_cast %scan3A_299 : i32 to index
      %get3A_868 = arith.constant 496 : index
      %get3A_869 = tpu.vector_load %arg11[%get3A_866, %get3A_867, %get3A_868] {strides = array<i32>} : memref<2x16x768xf32, #tpu.memory_space<vmem>>, vector<16xf32>,
      %mul3A_870 = arith.mulf %get3A_869, %gather3A_302 : vector<16xf32>
      %add3A_871 = arith.addf %mul3A_864, %mul3A_870 : vector<16xf32>
      %swap3A_872 = arith.constant 0 : i32
      %swap3A_873 = arith.index_cast %swap3A_872 : i32 to index
      %swap3A_874 = arith.index_cast %scan3A_299 : i32 to index
      %swap3A_875 = arith.constant 496 : index
      %swap3A_876 = tpu.vector_load %arg12[%swap3A_873, %swap3A_874, %swap3A_875] {strides = array<i32>} : memref<2x16x768xf32, #tpu.memory_space<vmem>>, vector<16xf32>,
      tpu.vector_store %arg12[%swap3A_873, %swap3A_874, %swap3A_875], %add3A_871 {strides = array<i32>} : memref<2x16x768xf32, #tpu.memory_space<vmem>>, vector<16xf32>,
      %get3A_877 = arith.constant 0 : i32
      %get3A_878 = arith.index_cast %get3A_877 : i32 to index
      %get3A_879 = arith.index_cast %scan3A_299 : i32 to index
      %get3A_880 = arith.constant 512 : index
      %get3A_881 = tpu.vector_load %arg10[%get3A_878, %get3A_879, %get3A_880] {strides = array<i32>} : memref<2x16x768xf32, #tpu.memory_space<vmem>>, vector<16xf32>,
      %mul3A_882 = arith.mulf %get3A_881, %gather3A : vector<16xf32>
      %get3A_883 = arith.constant 0 : i32
      %get3A_884 = arith.index_cast %get3A_883 : i32 to index
      %get3A_885 = arith.index_cast %scan3A_299 : i32 to index
      %get3A_886 = arith.constant 512 : index
      %get3A_887 = tpu.vector_load %arg11[%get3A_884, %get3A_885, %get3A_886] {strides = array<i32>} : memref<2x16x768xf32, #tpu.memory_space<vmem>>, vector<16xf32>,
      %mul3A_888 = arith.mulf %get3A_887, %gather3A_302 : vector<16xf32>
      %add3A_889 = arith.addf %mul3A_882, %mul3A_888 : vector<16xf32>
      %swap3A_890 = arith.constant 0 : i32
      %swap3A_891 = arith.index_cast %swap3A_890 : i32 to index
      %swap3A_892 = arith.index_cast %scan3A_299 : i32 to index
      %swap3A_893 = arith.constant 512 : index
      %swap3A_894 = tpu.vector_load %arg12[%swap3A_891, %swap3A_892, %swap3A_893] {strides = array<i32>} : memref<2x16x768xf32, #tpu.memory_space<vmem>>, vector<16xf32>,
      tpu.vector_store %arg12[%swap3A_891, %swap3A_892, %swap3A_893], %add3A_889 {strides = array<i32>} : memref<2x16x768xf32, #tpu.memory_space<vmem>>, vector<16xf32>,
      %get3A_895 = arith.constant 0 : i32
      %get3A_896 = arith.index_cast %get3A_895 : i32 to index
      %get3A_897 = arith.index_cast %scan3A_299 : i32 to index
      %get3A_898 = arith.constant 528 : index
      %get3A_899 = tpu.vector_load %arg10[%get3A_896, %get3A_897, %get3A_898] {strides = array<i32>} : memref<2x16x768xf32, #tpu.memory_space<vmem>>, vector<16xf32>,
      %mul3A_900 = arith.mulf %get3A_899, %gather3A : vector<16xf32>
      %get3A_901 = arith.constant 0 : i32
      %get3A_902 = arith.index_cast %get3A_901 : i32 to index
      %get3A_903 = arith.index_cast %scan3A_299 : i32 to index
      %get3A_904 = arith.constant 528 : index
      %get3A_905 = tpu.vector_load %arg11[%get3A_902, %get3A_903, %get3A_904] {strides = array<i32>} : memref<2x16x768xf32, #tpu.memory_space<vmem>>, vector<16xf32>,
      %mul3A_906 = arith.mulf %get3A_905, %gather3A_302 : vector<16xf32>
      %add3A_907 = arith.addf %mul3A_900, %mul3A_906 : vector<16xf32>
      %swap3A_908 = arith.constant 0 : i32
      %swap3A_909 = arith.index_cast %swap3A_908 : i32 to index
      %swap3A_910 = arith.index_cast %scan3A_299 : i32 to index
      %swap3A_911 = arith.constant 528 : index
      %swap3A_912 = tpu.vector_load %arg12[%swap3A_909, %swap3A_910, %swap3A_911] {strides = array<i32>} : memref<2x16x768xf32, #tpu.memory_space<vmem>>, vector<16xf32>,
      tpu.vector_store %arg12[%swap3A_909, %swap3A_910, %swap3A_911], %add3A_907 {strides = array<i32>} : memref<2x16x768xf32, #tpu.memory_space<vmem>>, vector<16xf32>,
      %get3A_913 = arith.constant 0 : i32
      %get3A_914 = arith.index_cast %get3A_913 : i32 to index
      %get3A_915 = arith.index_cast %scan3A_299 : i32 to index
      %get3A_916 = arith.constant 544 : index
      %get3A_917 = tpu.vector_load %arg10[%get3A_914, %get3A_915, %get3A_916] {strides = array<i32>} : memref<2x16x768xf32, #tpu.memory_space<vmem>>, vector<16xf32>,
      %mul3A_918 = arith.mulf %get3A_917, %gather3A : vector<16xf32>
      %get3A_919 = arith.constant 0 : i32
      %get3A_920 = arith.index_cast %get3A_919 : i32 to index
      %get3A_921 = arith.index_cast %scan3A_299 : i32 to index
      %get3A_922 = arith.constant 544 : index
      %get3A_923 = tpu.vector_load %arg11[%get3A_920, %get3A_921, %get3A_922] {strides = array<i32>} : memref<2x16x768xf32, #tpu.memory_space<vmem>>, vector<16xf32>,
      %mul3A_924 = arith.mulf %get3A_923, %gather3A_302 : vector<16xf32>
      %add3A_925 = arith.addf %mul3A_918, %mul3A_924 : vector<16xf32>
      %swap3A_926 = arith.constant 0 : i32
      %swap3A_927 = arith.index_cast %swap3A_926 : i32 to index
      %swap3A_928 = arith.index_cast %scan3A_299 : i32 to index
      %swap3A_929 = arith.constant 544 : index
      %swap3A_930 = tpu.vector_load %arg12[%swap3A_927, %swap3A_928, %swap3A_929] {strides = array<i32>} : memref<2x16x768xf32, #tpu.memory_space<vmem>>, vector<16xf32>,
      tpu.vector_store %arg12[%swap3A_927, %swap3A_928, %swap3A_929], %add3A_925 {strides = array<i32>} : memref<2x16x768xf32, #tpu.memory_space<vmem>>, vector<16xf32>,
      %get3A_931 = arith.constant 0 : i32
      %get3A_932 = arith.index_cast %get3A_931 : i32 to index
      %get3A_933 = arith.index_cast %scan3A_299 : i32 to index
      %get3A_934 = arith.constant 560 : index
      %get3A_935 = tpu.vector_load %arg10[%get3A_932, %get3A_933, %get3A_934] {strides = array<i32>} : memref<2x16x768xf32, #tpu.memory_space<vmem>>, vector<16xf32>,
      %mul3A_936 = arith.mulf %get3A_935, %gather3A : vector<16xf32>
      %get3A_937 = arith.constant 0 : i32
      %get3A_938 = arith.index_cast %get3A_937 : i32 to index
      %get3A_939 = arith.index_cast %scan3A_299 : i32 to index
      %get3A_940 = arith.constant 560 : index
      %get3A_941 = tpu.vector_load %arg11[%get3A_938, %get3A_939, %get3A_940] {strides = array<i32>} : memref<2x16x768xf32, #tpu.memory_space<vmem>>, vector<16xf32>,
      %mul3A_942 = arith.mulf %get3A_941, %gather3A_302 : vector<16xf32>
      %add3A_943 = arith.addf %mul3A_936, %mul3A_942 : vector<16xf32>
      %swap3A_944 = arith.constant 0 : i32
      %swap3A_945 = arith.index_cast %swap3A_944 : i32 to index
      %swap3A_946 = arith.index_cast %scan3A_299 : i32 to index
      %swap3A_947 = arith.constant 560 : index
      %swap3A_948 = tpu.vector_load %arg12[%swap3A_945, %swap3A_946, %swap3A_947] {strides = array<i32>} : memref<2x16x768xf32, #tpu.memory_space<vmem>>, vector<16xf32>,
      tpu.vector_store %arg12[%swap3A_945, %swap3A_946, %swap3A_947], %add3A_943 {strides = array<i32>} : memref<2x16x768xf32, #tpu.memory_space<vmem>>, vector<16xf32>,
      %get3A_949 = arith.constant 0 : i32
      %get3A_950 = arith.index_cast %get3A_949 : i32 to index
      %get3A_951 = arith.index_cast %scan3A_299 : i32 to index
      %get3A_952 = arith.constant 576 : index
      %get3A_953 = tpu.vector_load %arg10[%get3A_950, %get3A_951, %get3A_952] {strides = array<i32>} : memref<2x16x768xf32, #tpu.memory_space<vmem>>, vector<16xf32>,
      %mul3A_954 = arith.mulf %get3A_953, %gather3A : vector<16xf32>
      %get3A_955 = arith.constant 0 : i32
      %get3A_956 = arith.index_cast %get3A_955 : i32 to index
      %get3A_957 = arith.index_cast %scan3A_299 : i32 to index
      %get3A_958 = arith.constant 576 : index
      %get3A_959 = tpu.vector_load %arg11[%get3A_956, %get3A_957, %get3A_958] {strides = array<i32>} : memref<2x16x768xf32, #tpu.memory_space<vmem>>, vector<16xf32>,
      %mul3A_960 = arith.mulf %get3A_959, %gather3A_302 : vector<16xf32>
      %add3A_961 = arith.addf %mul3A_954, %mul3A_960 : vector<16xf32>
      %swap3A_962 = arith.constant 0 : i32
      %swap3A_963 = arith.index_cast %swap3A_962 : i32 to index
      %swap3A_964 = arith.index_cast %scan3A_299 : i32 to index
      %swap3A_965 = arith.constant 576 : index
      %swap3A_966 = tpu.vector_load %arg12[%swap3A_963, %swap3A_964, %swap3A_965] {strides = array<i32>} : memref<2x16x768xf32, #tpu.memory_space<vmem>>, vector<16xf32>,
      tpu.vector_store %arg12[%swap3A_963, %swap3A_964, %swap3A_965], %add3A_961 {strides = array<i32>} : memref<2x16x768xf32, #tpu.memory_space<vmem>>, vector<16xf32>,
      %get3A_967 = arith.constant 0 : i32
      %get3A_968 = arith.index_cast %get3A_967 : i32 to index
      %get3A_969 = arith.index_cast %scan3A_299 : i32 to index
      %get3A_970 = arith.constant 592 : index
      %get3A_971 = tpu.vector_load %arg10[%get3A_968, %get3A_969, %get3A_970] {strides = array<i32>} : memref<2x16x768xf32, #tpu.memory_space<vmem>>, vector<16xf32>,
      %mul3A_972 = arith.mulf %get3A_971, %gather3A : vector<16xf32>
      %get3A_973 = arith.constant 0 : i32
      %get3A_974 = arith.index_cast %get3A_973 : i32 to index
      %get3A_975 = arith.index_cast %scan3A_299 : i32 to index
      %get3A_976 = arith.constant 592 : index
      %get3A_977 = tpu.vector_load %arg11[%get3A_974, %get3A_975, %get3A_976] {strides = array<i32>} : memref<2x16x768xf32, #tpu.memory_space<vmem>>, vector<16xf32>,
      %mul3A_978 = arith.mulf %get3A_977, %gather3A_302 : vector<16xf32>
      %add3A_979 = arith.addf %mul3A_972, %mul3A_978 : vector<16xf32>
      %swap3A_980 = arith.constant 0 : i32
      %swap3A_981 = arith.index_cast %swap3A_980 : i32 to index
      %swap3A_982 = arith.index_cast %scan3A_299 : i32 to index
      %swap3A_983 = arith.constant 592 : index
      %swap3A_984 = tpu.vector_load %arg12[%swap3A_981, %swap3A_982, %swap3A_983] {strides = array<i32>} : memref<2x16x768xf32, #tpu.memory_space<vmem>>, vector<16xf32>,
      tpu.vector_store %arg12[%swap3A_981, %swap3A_982, %swap3A_983], %add3A_979 {strides = array<i32>} : memref<2x16x768xf32, #tpu.memory_space<vmem>>, vector<16xf32>,
      %get3A_985 = arith.constant 0 : i32
      %get3A_986 = arith.index_cast %get3A_985 : i32 to index
      %get3A_987 = arith.index_cast %scan3A_299 : i32 to index
      %get3A_988 = arith.constant 608 : index
      %get3A_989 = tpu.vector_load %arg10[%get3A_986, %get3A_987, %get3A_988] {strides = array<i32>} : memref<2x16x768xf32, #tpu.memory_space<vmem>>, vector<16xf32>,
      %mul3A_990 = arith.mulf %get3A_989, %gather3A : vector<16xf32>
      %get3A_991 = arith.constant 0 : i32
      %get3A_992 = arith.index_cast %get3A_991 : i32 to index
      %get3A_993 = arith.index_cast %scan3A_299 : i32 to index
      %get3A_994 = arith.constant 608 : index
      %get3A_995 = tpu.vector_load %arg11[%get3A_992, %get3A_993, %get3A_994] {strides = array<i32>} : memref<2x16x768xf32, #tpu.memory_space<vmem>>, vector<16xf32>,
      %mul3A_996 = arith.mulf %get3A_995, %gather3A_302 : vector<16xf32>
      %add3A_997 = arith.addf %mul3A_990, %mul3A_996 : vector<16xf32>
      %swap3A_998 = arith.constant 0 : i32
      %swap3A_999 = arith.index_cast %swap3A_998 : i32 to index
      %swap3A_1000 = arith.index_cast %scan3A_299 : i32 to index
      %swap3A_1001 = arith.constant 608 : index
      %swap3A_1002 = tpu.vector_load %arg12[%swap3A_999, %swap3A_1000, %swap3A_1001] {strides = array<i32>} : memref<2x16x768xf32, #tpu.memory_space<vmem>>, vector<16xf32>,
      tpu.vector_store %arg12[%swap3A_999, %swap3A_1000, %swap3A_1001], %add3A_997 {strides = array<i32>} : memref<2x16x768xf32, #tpu.memory_space<vmem>>, vector<16xf32>,
      %get3A_1003 = arith.constant 0 : i32
      %get3A_1004 = arith.index_cast %get3A_1003 : i32 to index
      %get3A_1005 = arith.index_cast %scan3A_299 : i32 to index
      %get3A_1006 = arith.constant 624 : index
      %get3A_1007 = tpu.vector_load %arg10[%get3A_1004, %get3A_1005, %get3A_1006] {strides = array<i32>} : memref<2x16x768xf32, #tpu.memory_space<vmem>>, vector<16xf32>,
      %mul3A_1008 = arith.mulf %get3A_1007, %gather3A : vector<16xf32>
      %get3A_1009 = arith.constant 0 : i32
      %get3A_1010 = arith.index_cast %get3A_1009 : i32 to index
      %get3A_1011 = arith.index_cast %scan3A_299 : i32 to index
      %get3A_1012 = arith.constant 624 : index
      %get3A_1013 = tpu.vector_load %arg11[%get3A_1010, %get3A_1011, %get3A_1012] {strides = array<i32>} : memref<2x16x768xf32, #tpu.memory_space<vmem>>, vector<16xf32>,
      %mul3A_1014 = arith.mulf %get3A_1013, %gather3A_302 : vector<16xf32>
      %add3A_1015 = arith.addf %mul3A_1008, %mul3A_1014 : vector<16xf32>
      %swap3A_1016 = arith.constant 0 : i32
      %swap3A_1017 = arith.index_cast %swap3A_1016 : i32 to index
      %swap3A_1018 = arith.index_cast %scan3A_299 : i32 to index
      %swap3A_1019 = arith.constant 624 : index
      %swap3A_1020 = tpu.vector_load %arg12[%swap3A_1017, %swap3A_1018, %swap3A_1019] {strides = array<i32>} : memref<2x16x768xf32, #tpu.memory_space<vmem>>, vector<16xf32>,
      tpu.vector_store %arg12[%swap3A_1017, %swap3A_1018, %swap3A_1019], %add3A_1015 {strides = array<i32>} : memref<2x16x768xf32, #tpu.memory_space<vmem>>, vector<16xf32>,
      %get3A_1021 = arith.constant 0 : i32
      %get3A_1022 = arith.index_cast %get3A_1021 : i32 to index
      %get3A_1023 = arith.index_cast %scan3A_299 : i32 to index
      %get3A_1024 = arith.constant 640 : index
      %get3A_1025 = tpu.vector_load %arg10[%get3A_1022, %get3A_1023, %get3A_1024] {strides = array<i32>} : memref<2x16x768xf32, #tpu.memory_space<vmem>>, vector<16xf32>,
      %mul3A_1026 = arith.mulf %get3A_1025, %gather3A : vector<16xf32>
      %get3A_1027 = arith.constant 0 : i32
      %get3A_1028 = arith.index_cast %get3A_1027 : i32 to index
      %get3A_1029 = arith.index_cast %scan3A_299 : i32 to index
      %get3A_1030 = arith.constant 640 : index
      %get3A_1031 = tpu.vector_load %arg11[%get3A_1028, %get3A_1029, %get3A_1030] {strides = array<i32>} : memref<2x16x768xf32, #tpu.memory_space<vmem>>, vector<16xf32>,
      %mul3A_1032 = arith.mulf %get3A_1031, %gather3A_302 : vector<16xf32>
      %add3A_1033 = arith.addf %mul3A_1026, %mul3A_1032 : vector<16xf32>
      %swap3A_1034 = arith.constant 0 : i32
      %swap3A_1035 = arith.index_cast %swap3A_1034 : i32 to index
      %swap3A_1036 = arith.index_cast %scan3A_299 : i32 to index
      %swap3A_1037 = arith.constant 640 : index
      %swap3A_1038 = tpu.vector_load %arg12[%swap3A_1035, %swap3A_1036, %swap3A_1037] {strides = array<i32>} : memref<2x16x768xf32, #tpu.memory_space<vmem>>, vector<16xf32>,
      tpu.vector_store %arg12[%swap3A_1035, %swap3A_1036, %swap3A_1037], %add3A_1033 {strides = array<i32>} : memref<2x16x768xf32, #tpu.memory_space<vmem>>, vector<16xf32>,
      %get3A_1039 = arith.constant 0 : i32
      %get3A_1040 = arith.index_cast %get3A_1039 : i32 to index
      %get3A_1041 = arith.index_cast %scan3A_299 : i32 to index
      %get3A_1042 = arith.constant 656 : index
      %get3A_1043 = tpu.vector_load %arg10[%get3A_1040, %get3A_1041, %get3A_1042] {strides = array<i32>} : memref<2x16x768xf32, #tpu.memory_space<vmem>>, vector<16xf32>,
      %mul3A_1044 = arith.mulf %get3A_1043, %gather3A : vector<16xf32>
      %get3A_1045 = arith.constant 0 : i32
      %get3A_1046 = arith.index_cast %get3A_1045 : i32 to index
      %get3A_1047 = arith.index_cast %scan3A_299 : i32 to index
      %get3A_1048 = arith.constant 656 : index
      %get3A_1049 = tpu.vector_load %arg11[%get3A_1046, %get3A_1047, %get3A_1048] {strides = array<i32>} : memref<2x16x768xf32, #tpu.memory_space<vmem>>, vector<16xf32>,
      %mul3A_1050 = arith.mulf %get3A_1049, %gather3A_302 : vector<16xf32>
      %add3A_1051 = arith.addf %mul3A_1044, %mul3A_1050 : vector<16xf32>
      %swap3A_1052 = arith.constant 0 : i32
      %swap3A_1053 = arith.index_cast %swap3A_1052 : i32 to index
      %swap3A_1054 = arith.index_cast %scan3A_299 : i32 to index
      %swap3A_1055 = arith.constant 656 : index
      %swap3A_1056 = tpu.vector_load %arg12[%swap3A_1053, %swap3A_1054, %swap3A_1055] {strides = array<i32>} : memref<2x16x768xf32, #tpu.memory_space<vmem>>, vector<16xf32>,
      tpu.vector_store %arg12[%swap3A_1053, %swap3A_1054, %swap3A_1055], %add3A_1051 {strides = array<i32>} : memref<2x16x768xf32, #tpu.memory_space<vmem>>, vector<16xf32>,
      %get3A_1057 = arith.constant 0 : i32
      %get3A_1058 = arith.index_cast %get3A_1057 : i32 to index
      %get3A_1059 = arith.index_cast %scan3A_299 : i32 to index
      %get3A_1060 = arith.constant 672 : index
      %get3A_1061 = tpu.vector_load %arg10[%get3A_1058, %get3A_1059, %get3A_1060] {strides = array<i32>} : memref<2x16x768xf32, #tpu.memory_space<vmem>>, vector<16xf32>,
      %mul3A_1062 = arith.mulf %get3A_1061, %gather3A : vector<16xf32>
      %get3A_1063 = arith.constant 0 : i32
      %get3A_1064 = arith.index_cast %get3A_1063 : i32 to index
      %get3A_1065 = arith.index_cast %scan3A_299 : i32 to index
      %get3A_1066 = arith.constant 672 : index
      %get3A_1067 = tpu.vector_load %arg11[%get3A_1064, %get3A_1065, %get3A_1066] {strides = array<i32>} : memref<2x16x768xf32, #tpu.memory_space<vmem>>, vector<16xf32>,
      %mul3A_1068 = arith.mulf %get3A_1067, %gather3A_302 : vector<16xf32>
      %add3A_1069 = arith.addf %mul3A_1062, %mul3A_1068 : vector<16xf32>
      %swap3A_1070 = arith.constant 0 : i32
      %swap3A_1071 = arith.index_cast %swap3A_1070 : i32 to index
      %swap3A_1072 = arith.index_cast %scan3A_299 : i32 to index
      %swap3A_1073 = arith.constant 672 : index
      %swap3A_1074 = tpu.vector_load %arg12[%swap3A_1071, %swap3A_1072, %swap3A_1073] {strides = array<i32>} : memref<2x16x768xf32, #tpu.memory_space<vmem>>, vector<16xf32>,
      tpu.vector_store %arg12[%swap3A_1071, %swap3A_1072, %swap3A_1073], %add3A_1069 {strides = array<i32>} : memref<2x16x768xf32, #tpu.memory_space<vmem>>, vector<16xf32>,
      %get3A_1075 = arith.constant 0 : i32
      %get3A_1076 = arith.index_cast %get3A_1075 : i32 to index
      %get3A_1077 = arith.index_cast %scan3A_299 : i32 to index
      %get3A_1078 = arith.constant 688 : index
      %get3A_1079 = tpu.vector_load %arg10[%get3A_1076, %get3A_1077, %get3A_1078] {strides = array<i32>} : memref<2x16x768xf32, #tpu.memory_space<vmem>>, vector<16xf32>,
      %mul3A_1080 = arith.mulf %get3A_1079, %gather3A : vector<16xf32>
      %get3A_1081 = arith.constant 0 : i32
      %get3A_1082 = arith.index_cast %get3A_1081 : i32 to index
      %get3A_1083 = arith.index_cast %scan3A_299 : i32 to index
      %get3A_1084 = arith.constant 688 : index
      %get3A_1085 = tpu.vector_load %arg11[%get3A_1082, %get3A_1083, %get3A_1084] {strides = array<i32>} : memref<2x16x768xf32, #tpu.memory_space<vmem>>, vector<16xf32>,
      %mul3A_1086 = arith.mulf %get3A_1085, %gather3A_302 : vector<16xf32>
      %add3A_1087 = arith.addf %mul3A_1080, %mul3A_1086 : vector<16xf32>
      %swap3A_1088 = arith.constant 0 : i32
      %swap3A_1089 = arith.index_cast %swap3A_1088 : i32 to index
      %swap3A_1090 = arith.index_cast %scan3A_299 : i32 to index
      %swap3A_1091 = arith.constant 688 : index
      %swap3A_1092 = tpu.vector_load %arg12[%swap3A_1089, %swap3A_1090, %swap3A_1091] {strides = array<i32>} : memref<2x16x768xf32, #tpu.memory_space<vmem>>, vector<16xf32>,
      tpu.vector_store %arg12[%swap3A_1089, %swap3A_1090, %swap3A_1091], %add3A_1087 {strides = array<i32>} : memref<2x16x768xf32, #tpu.memory_space<vmem>>, vector<16xf32>,
      %get3A_1093 = arith.constant 0 : i32
      %get3A_1094 = arith.index_cast %get3A_1093 : i32 to index
      %get3A_1095 = arith.index_cast %scan3A_299 : i32 to index
      %get3A_1096 = arith.constant 704 : index
      %get3A_1097 = tpu.vector_load %arg10[%get3A_1094, %get3A_1095, %get3A_1096] {strides = array<i32>} : memref<2x16x768xf32, #tpu.memory_space<vmem>>, vector<16xf32>,
      %mul3A_1098 = arith.mulf %get3A_1097, %gather3A : vector<16xf32>
      %get3A_1099 = arith.constant 0 : i32
      %get3A_1100 = arith.index_cast %get3A_1099 : i32 to index
      %get3A_1101 = arith.index_cast %scan3A_299 : i32 to index
      %get3A_1102 = arith.constant 704 : index
      %get3A_1103 = tpu.vector_load %arg11[%get3A_1100, %get3A_1101, %get3A_1102] {strides = array<i32>} : memref<2x16x768xf32, #tpu.memory_space<vmem>>, vector<16xf32>,
      %mul3A_1104 = arith.mulf %get3A_1103, %gather3A_302 : vector<16xf32>
      %add3A_1105 = arith.addf %mul3A_1098, %mul3A_1104 : vector<16xf32>
      %swap3A_1106 = arith.constant 0 : i32
      %swap3A_1107 = arith.index_cast %swap3A_1106 : i32 to index
      %swap3A_1108 = arith.index_cast %scan3A_299 : i32 to index
      %swap3A_1109 = arith.constant 704 : index
      %swap3A_1110 = tpu.vector_load %arg12[%swap3A_1107, %swap3A_1108, %swap3A_1109] {strides = array<i32>} : memref<2x16x768xf32, #tpu.memory_space<vmem>>, vector<16xf32>,
      tpu.vector_store %arg12[%swap3A_1107, %swap3A_1108, %swap3A_1109], %add3A_1105 {strides = array<i32>} : memref<2x16x768xf32, #tpu.memory_space<vmem>>, vector<16xf32>,
      %get3A_1111 = arith.constant 0 : i32
      %get3A_1112 = arith.index_cast %get3A_1111 : i32 to index
      %get3A_1113 = arith.index_cast %scan3A_299 : i32 to index
      %get3A_1114 = arith.constant 720 : index
      %get3A_1115 = tpu.vector_load %arg10[%get3A_1112, %get3A_1113, %get3A_1114] {strides = array<i32>} : memref<2x16x768xf32, #tpu.memory_space<vmem>>, vector<16xf32>,
      %mul3A_1116 = arith.mulf %get3A_1115, %gather3A : vector<16xf32>
      %get3A_1117 = arith.constant 0 : i32
      %get3A_1118 = arith.index_cast %get3A_1117 : i32 to index
      %get3A_1119 = arith.index_cast %scan3A_299 : i32 to index
      %get3A_1120 = arith.constant 720 : index
      %get3A_1121 = tpu.vector_load %arg11[%get3A_1118, %get3A_1119, %get3A_1120] {strides = array<i32>} : memref<2x16x768xf32, #tpu.memory_space<vmem>>, vector<16xf32>,
      %mul3A_1122 = arith.mulf %get3A_1121, %gather3A_302 : vector<16xf32>
      %add3A_1123 = arith.addf %mul3A_1116, %mul3A_1122 : vector<16xf32>
      %swap3A_1124 = arith.constant 0 : i32
      %swap3A_1125 = arith.index_cast %swap3A_1124 : i32 to index
      %swap3A_1126 = arith.index_cast %scan3A_299 : i32 to index
      %swap3A_1127 = arith.constant 720 : index
      %swap3A_1128 = tpu.vector_load %arg12[%swap3A_1125, %swap3A_1126, %swap3A_1127] {strides = array<i32>} : memref<2x16x768xf32, #tpu.memory_space<vmem>>, vector<16xf32>,
      tpu.vector_store %arg12[%swap3A_1125, %swap3A_1126, %swap3A_1127], %add3A_1123 {strides = array<i32>} : memref<2x16x768xf32, #tpu.memory_space<vmem>>, vector<16xf32>,
      %get3A_1129 = arith.constant 0 : i32
      %get3A_1130 = arith.index_cast %get3A_1129 : i32 to index
      %get3A_1131 = arith.index_cast %scan3A_299 : i32 to index
      %get3A_1132 = arith.constant 736 : index
      %get3A_1133 = tpu.vector_load %arg10[%get3A_1130, %get3A_1131, %get3A_1132] {strides = array<i32>} : memref<2x16x768xf32, #tpu.memory_space<vmem>>, vector<16xf32>,
      %mul3A_1134 = arith.mulf %get3A_1133, %gather3A : vector<16xf32>
      %get3A_1135 = arith.constant 0 : i32
      %get3A_1136 = arith.index_cast %get3A_1135 : i32 to index
      %get3A_1137 = arith.index_cast %scan3A_299 : i32 to index
      %get3A_1138 = arith.constant 736 : index
      %get3A_1139 = tpu.vector_load %arg11[%get3A_1136, %get3A_1137, %get3A_1138] {strides = array<i32>} : memref<2x16x768xf32, #tpu.memory_space<vmem>>, vector<16xf32>,
      %mul3A_1140 = arith.mulf %get3A_1139, %gather3A_302 : vector<16xf32>
      %add3A_1141 = arith.addf %mul3A_1134, %mul3A_1140 : vector<16xf32>
      %swap3A_1142 = arith.constant 0 : i32
      %swap3A_1143 = arith.index_cast %swap3A_1142 : i32 to index
      %swap3A_1144 = arith.index_cast %scan3A_299 : i32 to index
      %swap3A_1145 = arith.constant 736 : index
      %swap3A_1146 = tpu.vector_load %arg12[%swap3A_1143, %swap3A_1144, %swap3A_1145] {strides = array<i32>} : memref<2x16x768xf32, #tpu.memory_space<vmem>>, vector<16xf32>,
      tpu.vector_store %arg12[%swap3A_1143, %swap3A_1144, %swap3A_1145], %add3A_1141 {strides = array<i32>} : memref<2x16x768xf32, #tpu.memory_space<vmem>>, vector<16xf32>,
      %get3A_1147 = arith.constant 0 : i32
      %get3A_1148 = arith.index_cast %get3A_1147 : i32 to index
      %get3A_1149 = arith.index_cast %scan3A_299 : i32 to index
      %get3A_1150 = arith.constant 752 : index
      %get3A_1151 = tpu.vector_load %arg10[%get3A_1148, %get3A_1149, %get3A_1150] {strides = array<i32>} : memref<2x16x768xf32, #tpu.memory_space<vmem>>, vector<16xf32>,
      %mul3A_1152 = arith.mulf %get3A_1151, %gather3A : vector<16xf32>
      %get3A_1153 = arith.constant 0 : i32
      %get3A_1154 = arith.index_cast %get3A_1153 : i32 to index
      %get3A_1155 = arith.index_cast %scan3A_299 : i32 to index
      %get3A_1156 = arith.constant 752 : index
      %get3A_1157 = tpu.vector_load %arg11[%get3A_1154, %get3A_1155, %get3A_1156] {strides = array<i32>} : memref<2x16x768xf32, #tpu.memory_space<vmem>>, vector<16xf32>,
      %mul3A_1158 = arith.mulf %get3A_1157, %gather3A_302 : vector<16xf32>
      %add3A_1159 = arith.addf %mul3A_1152, %mul3A_1158 : vector<16xf32>
      %swap3A_1160 = arith.constant 0 : i32
      %swap3A_1161 = arith.index_cast %swap3A_1160 : i32 to index
      %swap3A_1162 = arith.index_cast %scan3A_299 : i32 to index
      %swap3A_1163 = arith.constant 752 : index
      %swap3A_1164 = tpu.vector_load %arg12[%swap3A_1161, %swap3A_1162, %swap3A_1163] {strides = array<i32>} : memref<2x16x768xf32, #tpu.memory_space<vmem>>, vector<16xf32>,
      tpu.vector_store %arg12[%swap3A_1161, %swap3A_1162, %swap3A_1163], %add3A_1159 {strides = array<i32>} : memref<2x16x768xf32, #tpu.memory_space<vmem>>, vector<16xf32>,
    }
    %scan3A_68 = arith.constant 16 : i32
    %add3A_69 = arith.constant 0 : i32
    %add3A_70 = arith.addi %mul3A_2, %add3A_69 : i32
    %dma_start3A_71 = arith.constant 0 : i32
    %dma_start3A_72 = arith.constant 0 : i32
    %dma_start3A_73 = arith.constant 0 : i32
    %dma_start3A_74 = tpu.memref_slice %arg12[%dma_start3A_71, %dma_start3A_72, %dma_start3A_73] : memref<2x16x768xf32, #tpu.memory_space<vmem>> -> memref<1x16x768xf32, #tpu.memory_space<vmem>>
    %dma_start3A_75 = tpu.memref_squeeze %dma_start3A_74 : memref<1x16x768xf32, #tpu.memory_space<vmem>> -> memref<16x768xf32, #tpu.memory_space<vmem>>
    %dma_start3A_76 = arith.constant 0 : i32
    %dma_start3A_77 = tpu.memref_slice %arg5[%add3A_70, %dma_start3A_76] : memref<2048x768xf32, #tpu.memory_space<hbm>> -> memref<16x768xf32, #tpu.memory_space<hbm>>
    %dma_start3A_78 = arith.constant 0 : i32
    %dma_start3A_79 = tpu.memref_slice %arg5[%add3A_70, %dma_start3A_78] : memref<2048x768xf32, #tpu.memory_space<hbm>> -> memref<16x768xf32, #tpu.memory_space<hbm>>
    %dma_start3A_80 = arith.constant 0 : i32
    %dma_start3A_81 = arith.constant 0 : i32
    %dma_start3A_82 = tpu.memref_slice %arg12[%dma_start3A_71, %dma_start3A_80, %dma_start3A_81] : memref<2x16x768xf32, #tpu.memory_space<vmem>> -> memref<1x16x768xf32, #tpu.memory_space<vmem>>
    %dma_start3A_83 = tpu.memref_squeeze %dma_start3A_82 : memref<1x16x768xf32, #tpu.memory_space<vmem>> -> memref<16x768xf32, #tpu.memory_space<vmem>>
    tpu.enqueue_dma source(%dma_start3A_83 : memref<16x768xf32, #tpu.memory_space<vmem>>) target(%dma_start3A_79 : memref<16x768xf32, #tpu.memory_space<hbm>>) target_semaphore(%arg14 : memref<!tpu.dma_semaphore, #tpu.memory_space<semaphore_mem>>)
    %dma_wait3A_84 = arith.constant 1 : i32
    %dma_wait3A_85 = arith.constant 0 : i32
    %dma_wait3A_86 = arith.constant 0 : i32
    %dma_wait3A_87 = tpu.memref_slice %arg10[%dma_wait3A_84, %dma_wait3A_85, %dma_wait3A_86] : memref<2x16x768xf32, #tpu.memory_space<vmem>> -> memref<1x16x768xf32, #tpu.memory_space<vmem>>
    %dma_wait3A_88 = tpu.memref_squeeze %dma_wait3A_87 : memref<1x16x768xf32, #tpu.memory_space<vmem>> -> memref<16x768xf32, #tpu.memory_space<vmem>>
    %dma_wait3A_89 = arith.constant 16 : i32
    %dma_wait3A_90 = tpu.memref_slice %arg8[%dma_wait3A_89] : memref<64xi32, #tpu.memory_space<vmem>> -> memref<16xi32, #tpu.memory_space<vmem>>
    %dma_wait3A_91 = arith.constant 0 : i32
    %dma_wait3A_92 = arith.constant 0 : i32
    %dma_wait3A_93 = tpu.memref_slice %arg2[%dma_wait3A_91, %dma_wait3A_92] : memref<12288x768xf32, #tpu.memory_space<hbm>> -> memref<12288x768xf32, #tpu.memory_space<hbm>>
    tpu.wait_indirect_dma semaphore(%arg13 : memref<!tpu.dma_semaphore, #tpu.memory_space<semaphore_mem>>) src(%dma_wait3A_93 : memref<12288x768xf32, #tpu.memory_space<hbm>>) dst(%dma_wait3A_88 : memref<16x768xf32, #tpu.memory_space<vmem>>)
    %dma_wait3A_94 = arith.constant 1 : i32
    %dma_wait3A_95 = arith.constant 0 : i32
    %dma_wait3A_96 = arith.constant 0 : i32
    %dma_wait3A_97 = tpu.memref_slice %arg11[%dma_wait3A_94, %dma_wait3A_95, %dma_wait3A_96] : memref<2x16x768xf32, #tpu.memory_space<vmem>> -> memref<1x16x768xf32, #tpu.memory_space<vmem>>
    %dma_wait3A_98 = tpu.memref_squeeze %dma_wait3A_97 : memref<1x16x768xf32, #tpu.memory_space<vmem>> -> memref<16x768xf32, #tpu.memory_space<vmem>>
    %dma_wait3A_99 = arith.constant 16 : i32
    %dma_wait3A_100 = tpu.memref_slice %arg9[%dma_wait3A_99] : memref<64xi32, #tpu.memory_space<vmem>> -> memref<16xi32, #tpu.memory_space<vmem>>
    %dma_wait3A_101 = arith.constant 0 : i32
    %dma_wait3A_102 = arith.constant 0 : i32
    %dma_wait3A_103 = tpu.memref_slice %arg2[%dma_wait3A_101, %dma_wait3A_102] : memref<12288x768xf32, #tpu.memory_space<hbm>> -> memref<12288x768xf32, #tpu.memory_space<hbm>>
    tpu.wait_indirect_dma semaphore(%arg13 : memref<!tpu.dma_semaphore, #tpu.memory_space<semaphore_mem>>) src(%dma_wait3A_103 : memref<12288x768xf32, #tpu.memory_space<hbm>>) dst(%dma_wait3A_98 : memref<16x768xf32, #tpu.memory_space<vmem>>)
    %dma_start3A_104 = arith.constant 0 : i32
    %dma_start3A_105 = arith.constant 0 : i32
    %dma_start3A_106 = arith.constant 0 : i32
    %dma_start3A_107 = tpu.memref_slice %arg10[%dma_start3A_104, %dma_start3A_105, %dma_start3A_106] : memref<2x16x768xf32, #tpu.memory_space<vmem>> -> memref<1x16x768xf32, #tpu.memory_space<vmem>>
    %dma_start3A_108 = tpu.memref_squeeze %dma_start3A_107 : memref<1x16x768xf32, #tpu.memory_space<vmem>> -> memref<16x768xf32, #tpu.memory_space<vmem>>
    %dma_start3A_109 = arith.constant 32 : i32
    %dma_start3A_110 = tpu.memref_slice %arg8[%dma_start3A_109] : memref<64xi32, #tpu.memory_space<vmem>> -> memref<16xi32, #tpu.memory_space<vmem>>
    %dma_start3A_111 = arith.constant 0 : i32
    %dma_start3A_112 = arith.constant 0 : i32
    %dma_start3A_113 = tpu.memref_slice %arg2[%dma_start3A_111, %dma_start3A_112] : memref<12288x768xf32, #tpu.memory_space<hbm>> -> memref<12288x768xf32, #tpu.memory_space<hbm>>
    tpu.enqueue_indirect_dma source(%dma_start3A_113 : memref<12288x768xf32, #tpu.memory_space<hbm>>) target(%dma_start3A_108 : memref<16x768xf32, #tpu.memory_space<vmem>>) offsets(%dma_start3A_110 : memref<16xi32, #tpu.memory_space<vmem>>) semaphore(%arg13 : memref<!tpu.dma_semaphore, #tpu.memory_space<semaphore_mem>>)
    %dma_start3A_114 = arith.constant 0 : i32
    %dma_start3A_115 = arith.constant 0 : i32
    %dma_start3A_116 = arith.constant 0 : i32
    %dma_start3A_117 = tpu.memref_slice %arg11[%dma_start3A_114, %dma_start3A_115, %dma_start3A_116] : memref<2x16x768xf32, #tpu.memory_space<vmem>> -> memref<1x16x768xf32, #tpu.memory_space<vmem>>
    %dma_start3A_118 = tpu.memref_squeeze %dma_start3A_117 : memref<1x16x768xf32, #tpu.memory_space<vmem>> -> memref<16x768xf32, #tpu.memory_space<vmem>>
    %dma_start3A_119 = arith.constant 32 : i32
    %dma_start3A_120 = tpu.memref_slice %arg9[%dma_start3A_119] : memref<64xi32, #tpu.memory_space<vmem>> -> memref<16xi32, #tpu.memory_space<vmem>>
    %dma_start3A_121 = arith.constant 0 : i32
    %dma_start3A_122 = arith.constant 0 : i32
    %dma_start3A_123 = tpu.memref_slice %arg2[%dma_start3A_121, %dma_start3A_122] : memref<12288x768xf32, #tpu.memory_space<hbm>> -> memref<12288x768xf32, #tpu.memory_space<hbm>>
    tpu.enqueue_indirect_dma source(%dma_start3A_123 : memref<12288x768xf32, #tpu.memory_space<hbm>>) target(%dma_start3A_118 : memref<16x768xf32, #tpu.memory_space<vmem>>) offsets(%dma_start3A_120 : memref<16xi32, #tpu.memory_space<vmem>>) semaphore(%arg13 : memref<!tpu.dma_semaphore, #tpu.memory_space<semaphore_mem>>)
    %scan3A_124 = arith.constant 0 : i32
    %scan3A_125 = arith.constant 0 : i32
    %scan3A_126 = arith.constant 16 : i32
    %scan3A_127 = arith.addi %scan3A_125, %scan3A_126 : i32
    %scan3A_128 = arith.constant 1 : i32
    scf.for %scan3A_299 = %scan3A_125 to %scan3A_127 step %scan3A_128  : i32 {
      %add3A_300 = arith.constant 16 : i32
      %add3A_301 = arith.addi %add3A_300, %scan3A_299 : i32
      %broadcast_in_dim3A = vector.broadcast %add3A_301 : i32 to vector<16xi32>
      %gather3A = tpu.vector_load_idx %arg6[%broadcast_in_dim3A] : memref<64xf32, #tpu.memory_space<vmem>>[vector<16xi32>], vector<16xf32>,
      %gather3A_302 = tpu.vector_load_idx %arg7[%broadcast_in_dim3A] : memref<64xf32, #tpu.memory_space<vmem>>[vector<16xi32>], vector<16xf32>,
      %get3A = arith.constant 1 : i32
      %get3A_303 = arith.index_cast %get3A : i32 to index
      %get3A_304 = arith.index_cast %scan3A_299 : i32 to index
      %get3A_305 = arith.constant 0 : index
      %get3A_306 = tpu.vector_load %arg10[%get3A_303, %get3A_304, %get3A_305] {strides = array<i32>} : memref<2x16x768xf32, #tpu.memory_space<vmem>>, vector<16xf32>,
      %mul3A_307 = arith.mulf %get3A_306, %gather3A : vector<16xf32>
      %get3A_308 = arith.constant 1 : i32
      %get3A_309 = arith.index_cast %get3A_308 : i32 to index
      %get3A_310 = arith.index_cast %scan3A_299 : i32 to index
      %get3A_311 = arith.constant 0 : index
      %get3A_312 = tpu.vector_load %arg11[%get3A_309, %get3A_310, %get3A_311] {strides = array<i32>} : memref<2x16x768xf32, #tpu.memory_space<vmem>>, vector<16xf32>,
      %mul3A_313 = arith.mulf %get3A_312, %gather3A_302 : vector<16xf32>
      %add3A_314 = arith.addf %mul3A_307, %mul3A_313 : vector<16xf32>
      %swap3A = arith.constant 1 : i32
      %swap3A_315 = arith.index_cast %swap3A : i32 to index
      %swap3A_316 = arith.index_cast %scan3A_299 : i32 to index
      %swap3A_317 = arith.constant 0 : index
      %swap3A_318 = tpu.vector_load %arg12[%swap3A_315, %swap3A_316, %swap3A_317] {strides = array<i32>} : memref<2x16x768xf32, #tpu.memory_space<vmem>>, vector<16xf32>,
      tpu.vector_store %arg12[%swap3A_315, %swap3A_316, %swap3A_317], %add3A_314 {strides = array<i32>} : memref<2x16x768xf32, #tpu.memory_space<vmem>>, vector<16xf32>,
      %get3A_319 = arith.constant 1 : i32
      %get3A_320 = arith.index_cast %get3A_319 : i32 to index
      %get3A_321 = arith.index_cast %scan3A_299 : i32 to index
      %get3A_322 = arith.constant 16 : index
      %get3A_323 = tpu.vector_load %arg10[%get3A_320, %get3A_321, %get3A_322] {strides = array<i32>} : memref<2x16x768xf32, #tpu.memory_space<vmem>>, vector<16xf32>,
      %mul3A_324 = arith.mulf %get3A_323, %gather3A : vector<16xf32>
      %get3A_325 = arith.constant 1 : i32
      %get3A_326 = arith.index_cast %get3A_325 : i32 to index
      %get3A_327 = arith.index_cast %scan3A_299 : i32 to index
      %get3A_328 = arith.constant 16 : index
      %get3A_329 = tpu.vector_load %arg11[%get3A_326, %get3A_327, %get3A_328] {strides = array<i32>} : memref<2x16x768xf32, #tpu.memory_space<vmem>>, vector<16xf32>,
      %mul3A_330 = arith.mulf %get3A_329, %gather3A_302 : vector<16xf32>
      %add3A_331 = arith.addf %mul3A_324, %mul3A_330 : vector<16xf32>
      %swap3A_332 = arith.constant 1 : i32
      %swap3A_333 = arith.index_cast %swap3A_332 : i32 to index
      %swap3A_334 = arith.index_cast %scan3A_299 : i32 to index
      %swap3A_335 = arith.constant 16 : index
      %swap3A_336 = tpu.vector_load %arg12[%swap3A_333, %swap3A_334, %swap3A_335] {strides = array<i32>} : memref<2x16x768xf32, #tpu.memory_space<vmem>>, vector<16xf32>,
      tpu.vector_store %arg12[%swap3A_333, %swap3A_334, %swap3A_335], %add3A_331 {strides = array<i32>} : memref<2x16x768xf32, #tpu.memory_space<vmem>>, vector<16xf32>,
      %get3A_337 = arith.constant 1 : i32
      %get3A_338 = arith.index_cast %get3A_337 : i32 to index
      %get3A_339 = arith.index_cast %scan3A_299 : i32 to index
      %get3A_340 = arith.constant 32 : index
      %get3A_341 = tpu.vector_load %arg10[%get3A_338, %get3A_339, %get3A_340] {strides = array<i32>} : memref<2x16x768xf32, #tpu.memory_space<vmem>>, vector<16xf32>,
      %mul3A_342 = arith.mulf %get3A_341, %gather3A : vector<16xf32>
      %get3A_343 = arith.constant 1 : i32
      %get3A_344 = arith.index_cast %get3A_343 : i32 to index
      %get3A_345 = arith.index_cast %scan3A_299 : i32 to index
      %get3A_346 = arith.constant 32 : index
      %get3A_347 = tpu.vector_load %arg11[%get3A_344, %get3A_345, %get3A_346] {strides = array<i32>} : memref<2x16x768xf32, #tpu.memory_space<vmem>>, vector<16xf32>,
      %mul3A_348 = arith.mulf %get3A_347, %gather3A_302 : vector<16xf32>
      %add3A_349 = arith.addf %mul3A_342, %mul3A_348 : vector<16xf32>
      %swap3A_350 = arith.constant 1 : i32
      %swap3A_351 = arith.index_cast %swap3A_350 : i32 to index
      %swap3A_352 = arith.index_cast %scan3A_299 : i32 to index
      %swap3A_353 = arith.constant 32 : index
      %swap3A_354 = tpu.vector_load %arg12[%swap3A_351, %swap3A_352, %swap3A_353] {strides = array<i32>} : memref<2x16x768xf32, #tpu.memory_space<vmem>>, vector<16xf32>,
      tpu.vector_store %arg12[%swap3A_351, %swap3A_352, %swap3A_353], %add3A_349 {strides = array<i32>} : memref<2x16x768xf32, #tpu.memory_space<vmem>>, vector<16xf32>,
      %get3A_355 = arith.constant 1 : i32
      %get3A_356 = arith.index_cast %get3A_355 : i32 to index
      %get3A_357 = arith.index_cast %scan3A_299 : i32 to index
      %get3A_358 = arith.constant 48 : index
      %get3A_359 = tpu.vector_load %arg10[%get3A_356, %get3A_357, %get3A_358] {strides = array<i32>} : memref<2x16x768xf32, #tpu.memory_space<vmem>>, vector<16xf32>,
      %mul3A_360 = arith.mulf %get3A_359, %gather3A : vector<16xf32>
      %get3A_361 = arith.constant 1 : i32
      %get3A_362 = arith.index_cast %get3A_361 : i32 to index
      %get3A_363 = arith.index_cast %scan3A_299 : i32 to index
      %get3A_364 = arith.constant 48 : index
      %get3A_365 = tpu.vector_load %arg11[%get3A_362, %get3A_363, %get3A_364] {strides = array<i32>} : memref<2x16x768xf32, #tpu.memory_space<vmem>>, vector<16xf32>,
      %mul3A_366 = arith.mulf %get3A_365, %gather3A_302 : vector<16xf32>
      %add3A_367 = arith.addf %mul3A_360, %mul3A_366 : vector<16xf32>
      %swap3A_368 = arith.constant 1 : i32
      %swap3A_369 = arith.index_cast %swap3A_368 : i32 to index
      %swap3A_370 = arith.index_cast %scan3A_299 : i32 to index
      %swap3A_371 = arith.constant 48 : index
      %swap3A_372 = tpu.vector_load %arg12[%swap3A_369, %swap3A_370, %swap3A_371] {strides = array<i32>} : memref<2x16x768xf32, #tpu.memory_space<vmem>>, vector<16xf32>,
      tpu.vector_store %arg12[%swap3A_369, %swap3A_370, %swap3A_371], %add3A_367 {strides = array<i32>} : memref<2x16x768xf32, #tpu.memory_space<vmem>>, vector<16xf32>,
      %get3A_373 = arith.constant 1 : i32
      %get3A_374 = arith.index_cast %get3A_373 : i32 to index
      %get3A_375 = arith.index_cast %scan3A_299 : i32 to index
      %get3A_376 = arith.constant 64 : index
      %get3A_377 = tpu.vector_load %arg10[%get3A_374, %get3A_375, %get3A_376] {strides = array<i32>} : memref<2x16x768xf32, #tpu.memory_space<vmem>>, vector<16xf32>,
      %mul3A_378 = arith.mulf %get3A_377, %gather3A : vector<16xf32>
      %get3A_379 = arith.constant 1 : i32
      %get3A_380 = arith.index_cast %get3A_379 : i32 to index
      %get3A_381 = arith.index_cast %scan3A_299 : i32 to index
      %get3A_382 = arith.constant 64 : index
      %get3A_383 = tpu.vector_load %arg11[%get3A_380, %get3A_381, %get3A_382] {strides = array<i32>} : memref<2x16x768xf32, #tpu.memory_space<vmem>>, vector<16xf32>,
      %mul3A_384 = arith.mulf %get3A_383, %gather3A_302 : vector<16xf32>
      %add3A_385 = arith.addf %mul3A_378, %mul3A_384 : vector<16xf32>
      %swap3A_386 = arith.constant 1 : i32
      %swap3A_387 = arith.index_cast %swap3A_386 : i32 to index
      %swap3A_388 = arith.index_cast %scan3A_299 : i32 to index
      %swap3A_389 = arith.constant 64 : index
      %swap3A_390 = tpu.vector_load %arg12[%swap3A_387, %swap3A_388, %swap3A_389] {strides = array<i32>} : memref<2x16x768xf32, #tpu.memory_space<vmem>>, vector<16xf32>,
      tpu.vector_store %arg12[%swap3A_387, %swap3A_388, %swap3A_389], %add3A_385 {strides = array<i32>} : memref<2x16x768xf32, #tpu.memory_space<vmem>>, vector<16xf32>,
      %get3A_391 = arith.constant 1 : i32
      %get3A_392 = arith.index_cast %get3A_391 : i32 to index
      %get3A_393 = arith.index_cast %scan3A_299 : i32 to index
      %get3A_394 = arith.constant 80 : index
      %get3A_395 = tpu.vector_load %arg10[%get3A_392, %get3A_393, %get3A_394] {strides = array<i32>} : memref<2x16x768xf32, #tpu.memory_space<vmem>>, vector<16xf32>,
      %mul3A_396 = arith.mulf %get3A_395, %gather3A : vector<16xf32>
      %get3A_397 = arith.constant 1 : i32
      %get3A_398 = arith.index_cast %get3A_397 : i32 to index
      %get3A_399 = arith.index_cast %scan3A_299 : i32 to index
      %get3A_400 = arith.constant 80 : index
      %get3A_401 = tpu.vector_load %arg11[%get3A_398, %get3A_399, %get3A_400] {strides = array<i32>} : memref<2x16x768xf32, #tpu.memory_space<vmem>>, vector<16xf32>,
      %mul3A_402 = arith.mulf %get3A_401, %gather3A_302 : vector<16xf32>
      %add3A_403 = arith.addf %mul3A_396, %mul3A_402 : vector<16xf32>
      %swap3A_404 = arith.constant 1 : i32
      %swap3A_405 = arith.index_cast %swap3A_404 : i32 to index
      %swap3A_406 = arith.index_cast %scan3A_299 : i32 to index
      %swap3A_407 = arith.constant 80 : index
      %swap3A_408 = tpu.vector_load %arg12[%swap3A_405, %swap3A_406, %swap3A_407] {strides = array<i32>} : memref<2x16x768xf32, #tpu.memory_space<vmem>>, vector<16xf32>,
      tpu.vector_store %arg12[%swap3A_405, %swap3A_406, %swap3A_407], %add3A_403 {strides = array<i32>} : memref<2x16x768xf32, #tpu.memory_space<vmem>>, vector<16xf32>,
      %get3A_409 = arith.constant 1 : i32
      %get3A_410 = arith.index_cast %get3A_409 : i32 to index
      %get3A_411 = arith.index_cast %scan3A_299 : i32 to index
      %get3A_412 = arith.constant 96 : index
      %get3A_413 = tpu.vector_load %arg10[%get3A_410, %get3A_411, %get3A_412] {strides = array<i32>} : memref<2x16x768xf32, #tpu.memory_space<vmem>>, vector<16xf32>,
      %mul3A_414 = arith.mulf %get3A_413, %gather3A : vector<16xf32>
      %get3A_415 = arith.constant 1 : i32
      %get3A_416 = arith.index_cast %get3A_415 : i32 to index
      %get3A_417 = arith.index_cast %scan3A_299 : i32 to index
      %get3A_418 = arith.constant 96 : index
      %get3A_419 = tpu.vector_load %arg11[%get3A_416, %get3A_417, %get3A_418] {strides = array<i32>} : memref<2x16x768xf32, #tpu.memory_space<vmem>>, vector<16xf32>,
      %mul3A_420 = arith.mulf %get3A_419, %gather3A_302 : vector<16xf32>
      %add3A_421 = arith.addf %mul3A_414, %mul3A_420 : vector<16xf32>
      %swap3A_422 = arith.constant 1 : i32
      %swap3A_423 = arith.index_cast %swap3A_422 : i32 to index
      %swap3A_424 = arith.index_cast %scan3A_299 : i32 to index
      %swap3A_425 = arith.constant 96 : index
      %swap3A_426 = tpu.vector_load %arg12[%swap3A_423, %swap3A_424, %swap3A_425] {strides = array<i32>} : memref<2x16x768xf32, #tpu.memory_space<vmem>>, vector<16xf32>,
      tpu.vector_store %arg12[%swap3A_423, %swap3A_424, %swap3A_425], %add3A_421 {strides = array<i32>} : memref<2x16x768xf32, #tpu.memory_space<vmem>>, vector<16xf32>,
      %get3A_427 = arith.constant 1 : i32
      %get3A_428 = arith.index_cast %get3A_427 : i32 to index
      %get3A_429 = arith.index_cast %scan3A_299 : i32 to index
      %get3A_430 = arith.constant 112 : index
      %get3A_431 = tpu.vector_load %arg10[%get3A_428, %get3A_429, %get3A_430] {strides = array<i32>} : memref<2x16x768xf32, #tpu.memory_space<vmem>>, vector<16xf32>,
      %mul3A_432 = arith.mulf %get3A_431, %gather3A : vector<16xf32>
      %get3A_433 = arith.constant 1 : i32
      %get3A_434 = arith.index_cast %get3A_433 : i32 to index
      %get3A_435 = arith.index_cast %scan3A_299 : i32 to index
      %get3A_436 = arith.constant 112 : index
      %get3A_437 = tpu.vector_load %arg11[%get3A_434, %get3A_435, %get3A_436] {strides = array<i32>} : memref<2x16x768xf32, #tpu.memory_space<vmem>>, vector<16xf32>,
      %mul3A_438 = arith.mulf %get3A_437, %gather3A_302 : vector<16xf32>
      %add3A_439 = arith.addf %mul3A_432, %mul3A_438 : vector<16xf32>
      %swap3A_440 = arith.constant 1 : i32
      %swap3A_441 = arith.index_cast %swap3A_440 : i32 to index
      %swap3A_442 = arith.index_cast %scan3A_299 : i32 to index
      %swap3A_443 = arith.constant 112 : index
      %swap3A_444 = tpu.vector_load %arg12[%swap3A_441, %swap3A_442, %swap3A_443] {strides = array<i32>} : memref<2x16x768xf32, #tpu.memory_space<vmem>>, vector<16xf32>,
      tpu.vector_store %arg12[%swap3A_441, %swap3A_442, %swap3A_443], %add3A_439 {strides = array<i32>} : memref<2x16x768xf32, #tpu.memory_space<vmem>>, vector<16xf32>,
      %get3A_445 = arith.constant 1 : i32
      %get3A_446 = arith.index_cast %get3A_445 : i32 to index
      %get3A_447 = arith.index_cast %scan3A_299 : i32 to index
      %get3A_448 = arith.constant 128 : index
      %get3A_449 = tpu.vector_load %arg10[%get3A_446, %get3A_447, %get3A_448] {strides = array<i32>} : memref<2x16x768xf32, #tpu.memory_space<vmem>>, vector<16xf32>,
      %mul3A_450 = arith.mulf %get3A_449, %gather3A : vector<16xf32>
      %get3A_451 = arith.constant 1 : i32
      %get3A_452 = arith.index_cast %get3A_451 : i32 to index
      %get3A_453 = arith.index_cast %scan3A_299 : i32 to index
      %get3A_454 = arith.constant 128 : index
      %get3A_455 = tpu.vector_load %arg11[%get3A_452, %get3A_453, %get3A_454] {strides = array<i32>} : memref<2x16x768xf32, #tpu.memory_space<vmem>>, vector<16xf32>,
      %mul3A_456 = arith.mulf %get3A_455, %gather3A_302 : vector<16xf32>
      %add3A_457 = arith.addf %mul3A_450, %mul3A_456 : vector<16xf32>
      %swap3A_458 = arith.constant 1 : i32
      %swap3A_459 = arith.index_cast %swap3A_458 : i32 to index
      %swap3A_460 = arith.index_cast %scan3A_299 : i32 to index
      %swap3A_461 = arith.constant 128 : index
      %swap3A_462 = tpu.vector_load %arg12[%swap3A_459, %swap3A_460, %swap3A_461] {strides = array<i32>} : memref<2x16x768xf32, #tpu.memory_space<vmem>>, vector<16xf32>,
      tpu.vector_store %arg12[%swap3A_459, %swap3A_460, %swap3A_461], %add3A_457 {strides = array<i32>} : memref<2x16x768xf32, #tpu.memory_space<vmem>>, vector<16xf32>,
      %get3A_463 = arith.constant 1 : i32
      %get3A_464 = arith.index_cast %get3A_463 : i32 to index
      %get3A_465 = arith.index_cast %scan3A_299 : i32 to index
      %get3A_466 = arith.constant 144 : index
      %get3A_467 = tpu.vector_load %arg10[%get3A_464, %get3A_465, %get3A_466] {strides = array<i32>} : memref<2x16x768xf32, #tpu.memory_space<vmem>>, vector<16xf32>,
      %mul3A_468 = arith.mulf %get3A_467, %gather3A : vector<16xf32>
      %get3A_469 = arith.constant 1 : i32
      %get3A_470 = arith.index_cast %get3A_469 : i32 to index
      %get3A_471 = arith.index_cast %scan3A_299 : i32 to index
      %get3A_472 = arith.constant 144 : index
      %get3A_473 = tpu.vector_load %arg11[%get3A_470, %get3A_471, %get3A_472] {strides = array<i32>} : memref<2x16x768xf32, #tpu.memory_space<vmem>>, vector<16xf32>,
      %mul3A_474 = arith.mulf %get3A_473, %gather3A_302 : vector<16xf32>
      %add3A_475 = arith.addf %mul3A_468, %mul3A_474 : vector<16xf32>
      %swap3A_476 = arith.constant 1 : i32
      %swap3A_477 = arith.index_cast %swap3A_476 : i32 to index
      %swap3A_478 = arith.index_cast %scan3A_299 : i32 to index
      %swap3A_479 = arith.constant 144 : index
      %swap3A_480 = tpu.vector_load %arg12[%swap3A_477, %swap3A_478, %swap3A_479] {strides = array<i32>} : memref<2x16x768xf32, #tpu.memory_space<vmem>>, vector<16xf32>,
      tpu.vector_store %arg12[%swap3A_477, %swap3A_478, %swap3A_479], %add3A_475 {strides = array<i32>} : memref<2x16x768xf32, #tpu.memory_space<vmem>>, vector<16xf32>,
      %get3A_481 = arith.constant 1 : i32
      %get3A_482 = arith.index_cast %get3A_481 : i32 to index
      %get3A_483 = arith.index_cast %scan3A_299 : i32 to index
      %get3A_484 = arith.constant 160 : index
      %get3A_485 = tpu.vector_load %arg10[%get3A_482, %get3A_483, %get3A_484] {strides = array<i32>} : memref<2x16x768xf32, #tpu.memory_space<vmem>>, vector<16xf32>,
      %mul3A_486 = arith.mulf %get3A_485, %gather3A : vector<16xf32>
      %get3A_487 = arith.constant 1 : i32
      %get3A_488 = arith.index_cast %get3A_487 : i32 to index
      %get3A_489 = arith.index_cast %scan3A_299 : i32 to index
      %get3A_490 = arith.constant 160 : index
      %get3A_491 = tpu.vector_load %arg11[%get3A_488, %get3A_489, %get3A_490] {strides = array<i32>} : memref<2x16x768xf32, #tpu.memory_space<vmem>>, vector<16xf32>,
      %mul3A_492 = arith.mulf %get3A_491, %gather3A_302 : vector<16xf32>
      %add3A_493 = arith.addf %mul3A_486, %mul3A_492 : vector<16xf32>
      %swap3A_494 = arith.constant 1 : i32
      %swap3A_495 = arith.index_cast %swap3A_494 : i32 to index
      %swap3A_496 = arith.index_cast %scan3A_299 : i32 to index
      %swap3A_497 = arith.constant 160 : index
      %swap3A_498 = tpu.vector_load %arg12[%swap3A_495, %swap3A_496, %swap3A_497] {strides = array<i32>} : memref<2x16x768xf32, #tpu.memory_space<vmem>>, vector<16xf32>,
      tpu.vector_store %arg12[%swap3A_495, %swap3A_496, %swap3A_497], %add3A_493 {strides = array<i32>} : memref<2x16x768xf32, #tpu.memory_space<vmem>>, vector<16xf32>,
      %get3A_499 = arith.constant 1 : i32
      %get3A_500 = arith.index_cast %get3A_499 : i32 to index
      %get3A_501 = arith.index_cast %scan3A_299 : i32 to index
      %get3A_502 = arith.constant 176 : index
      %get3A_503 = tpu.vector_load %arg10[%get3A_500, %get3A_501, %get3A_502] {strides = array<i32>} : memref<2x16x768xf32, #tpu.memory_space<vmem>>, vector<16xf32>,
      %mul3A_504 = arith.mulf %get3A_503, %gather3A : vector<16xf32>
      %get3A_505 = arith.constant 1 : i32
      %get3A_506 = arith.index_cast %get3A_505 : i32 to index
      %get3A_507 = arith.index_cast %scan3A_299 : i32 to index
      %get3A_508 = arith.constant 176 : index
      %get3A_509 = tpu.vector_load %arg11[%get3A_506, %get3A_507, %get3A_508] {strides = array<i32>} : memref<2x16x768xf32, #tpu.memory_space<vmem>>, vector<16xf32>,
      %mul3A_510 = arith.mulf %get3A_509, %gather3A_302 : vector<16xf32>
      %add3A_511 = arith.addf %mul3A_504, %mul3A_510 : vector<16xf32>
      %swap3A_512 = arith.constant 1 : i32
      %swap3A_513 = arith.index_cast %swap3A_512 : i32 to index
      %swap3A_514 = arith.index_cast %scan3A_299 : i32 to index
      %swap3A_515 = arith.constant 176 : index
      %swap3A_516 = tpu.vector_load %arg12[%swap3A_513, %swap3A_514, %swap3A_515] {strides = array<i32>} : memref<2x16x768xf32, #tpu.memory_space<vmem>>, vector<16xf32>,
      tpu.vector_store %arg12[%swap3A_513, %swap3A_514, %swap3A_515], %add3A_511 {strides = array<i32>} : memref<2x16x768xf32, #tpu.memory_space<vmem>>, vector<16xf32>,
      %get3A_517 = arith.constant 1 : i32
      %get3A_518 = arith.index_cast %get3A_517 : i32 to index
      %get3A_519 = arith.index_cast %scan3A_299 : i32 to index
      %get3A_520 = arith.constant 192 : index
      %get3A_521 = tpu.vector_load %arg10[%get3A_518, %get3A_519, %get3A_520] {strides = array<i32>} : memref<2x16x768xf32, #tpu.memory_space<vmem>>, vector<16xf32>,
      %mul3A_522 = arith.mulf %get3A_521, %gather3A : vector<16xf32>
      %get3A_523 = arith.constant 1 : i32
      %get3A_524 = arith.index_cast %get3A_523 : i32 to index
      %get3A_525 = arith.index_cast %scan3A_299 : i32 to index
      %get3A_526 = arith.constant 192 : index
      %get3A_527 = tpu.vector_load %arg11[%get3A_524, %get3A_525, %get3A_526] {strides = array<i32>} : memref<2x16x768xf32, #tpu.memory_space<vmem>>, vector<16xf32>,
      %mul3A_528 = arith.mulf %get3A_527, %gather3A_302 : vector<16xf32>
      %add3A_529 = arith.addf %mul3A_522, %mul3A_528 : vector<16xf32>
      %swap3A_530 = arith.constant 1 : i32
      %swap3A_531 = arith.index_cast %swap3A_530 : i32 to index
      %swap3A_532 = arith.index_cast %scan3A_299 : i32 to index
      %swap3A_533 = arith.constant 192 : index
      %swap3A_534 = tpu.vector_load %arg12[%swap3A_531, %swap3A_532, %swap3A_533] {strides = array<i32>} : memref<2x16x768xf32, #tpu.memory_space<vmem>>, vector<16xf32>,
      tpu.vector_store %arg12[%swap3A_531, %swap3A_532, %swap3A_533], %add3A_529 {strides = array<i32>} : memref<2x16x768xf32, #tpu.memory_space<vmem>>, vector<16xf32>,
      %get3A_535 = arith.constant 1 : i32
      %get3A_536 = arith.index_cast %get3A_535 : i32 to index
      %get3A_537 = arith.index_cast %scan3A_299 : i32 to index
      %get3A_538 = arith.constant 208 : index
      %get3A_539 = tpu.vector_load %arg10[%get3A_536, %get3A_537, %get3A_538] {strides = array<i32>} : memref<2x16x768xf32, #tpu.memory_space<vmem>>, vector<16xf32>,
      %mul3A_540 = arith.mulf %get3A_539, %gather3A : vector<16xf32>
      %get3A_541 = arith.constant 1 : i32
      %get3A_542 = arith.index_cast %get3A_541 : i32 to index
      %get3A_543 = arith.index_cast %scan3A_299 : i32 to index
      %get3A_544 = arith.constant 208 : index
      %get3A_545 = tpu.vector_load %arg11[%get3A_542, %get3A_543, %get3A_544] {strides = array<i32>} : memref<2x16x768xf32, #tpu.memory_space<vmem>>, vector<16xf32>,
      %mul3A_546 = arith.mulf %get3A_545, %gather3A_302 : vector<16xf32>
      %add3A_547 = arith.addf %mul3A_540, %mul3A_546 : vector<16xf32>
      %swap3A_548 = arith.constant 1 : i32
      %swap3A_549 = arith.index_cast %swap3A_548 : i32 to index
      %swap3A_550 = arith.index_cast %scan3A_299 : i32 to index
      %swap3A_551 = arith.constant 208 : index
      %swap3A_552 = tpu.vector_load %arg12[%swap3A_549, %swap3A_550, %swap3A_551] {strides = array<i32>} : memref<2x16x768xf32, #tpu.memory_space<vmem>>, vector<16xf32>,
      tpu.vector_store %arg12[%swap3A_549, %swap3A_550, %swap3A_551], %add3A_547 {strides = array<i32>} : memref<2x16x768xf32, #tpu.memory_space<vmem>>, vector<16xf32>,
      %get3A_553 = arith.constant 1 : i32
      %get3A_554 = arith.index_cast %get3A_553 : i32 to index
      %get3A_555 = arith.index_cast %scan3A_299 : i32 to index
      %get3A_556 = arith.constant 224 : index
      %get3A_557 = tpu.vector_load %arg10[%get3A_554, %get3A_555, %get3A_556] {strides = array<i32>} : memref<2x16x768xf32, #tpu.memory_space<vmem>>, vector<16xf32>,
      %mul3A_558 = arith.mulf %get3A_557, %gather3A : vector<16xf32>
      %get3A_559 = arith.constant 1 : i32
      %get3A_560 = arith.index_cast %get3A_559 : i32 to index
      %get3A_561 = arith.index_cast %scan3A_299 : i32 to index
      %get3A_562 = arith.constant 224 : index
      %get3A_563 = tpu.vector_load %arg11[%get3A_560, %get3A_561, %get3A_562] {strides = array<i32>} : memref<2x16x768xf32, #tpu.memory_space<vmem>>, vector<16xf32>,
      %mul3A_564 = arith.mulf %get3A_563, %gather3A_302 : vector<16xf32>
      %add3A_565 = arith.addf %mul3A_558, %mul3A_564 : vector<16xf32>
      %swap3A_566 = arith.constant 1 : i32
      %swap3A_567 = arith.index_cast %swap3A_566 : i32 to index
      %swap3A_568 = arith.index_cast %scan3A_299 : i32 to index
      %swap3A_569 = arith.constant 224 : index
      %swap3A_570 = tpu.vector_load %arg12[%swap3A_567, %swap3A_568, %swap3A_569] {strides = array<i32>} : memref<2x16x768xf32, #tpu.memory_space<vmem>>, vector<16xf32>,
      tpu.vector_store %arg12[%swap3A_567, %swap3A_568, %swap3A_569], %add3A_565 {strides = array<i32>} : memref<2x16x768xf32, #tpu.memory_space<vmem>>, vector<16xf32>,
      %get3A_571 = arith.constant 1 : i32
      %get3A_572 = arith.index_cast %get3A_571 : i32 to index
      %get3A_573 = arith.index_cast %scan3A_299 : i32 to index
      %get3A_574 = arith.constant 240 : index
      %get3A_575 = tpu.vector_load %arg10[%get3A_572, %get3A_573, %get3A_574] {strides = array<i32>} : memref<2x16x768xf32, #tpu.memory_space<vmem>>, vector<16xf32>,
      %mul3A_576 = arith.mulf %get3A_575, %gather3A : vector<16xf32>
      %get3A_577 = arith.constant 1 : i32
      %get3A_578 = arith.index_cast %get3A_577 : i32 to index
      %get3A_579 = arith.index_cast %scan3A_299 : i32 to index
      %get3A_580 = arith.constant 240 : index
      %get3A_581 = tpu.vector_load %arg11[%get3A_578, %get3A_579, %get3A_580] {strides = array<i32>} : memref<2x16x768xf32, #tpu.memory_space<vmem>>, vector<16xf32>,
      %mul3A_582 = arith.mulf %get3A_581, %gather3A_302 : vector<16xf32>
      %add3A_583 = arith.addf %mul3A_576, %mul3A_582 : vector<16xf32>
      %swap3A_584 = arith.constant 1 : i32
      %swap3A_585 = arith.index_cast %swap3A_584 : i32 to index
      %swap3A_586 = arith.index_cast %scan3A_299 : i32 to index
      %swap3A_587 = arith.constant 240 : index
      %swap3A_588 = tpu.vector_load %arg12[%swap3A_585, %swap3A_586, %swap3A_587] {strides = array<i32>} : memref<2x16x768xf32, #tpu.memory_space<vmem>>, vector<16xf32>,
      tpu.vector_store %arg12[%swap3A_585, %swap3A_586, %swap3A_587], %add3A_583 {strides = array<i32>} : memref<2x16x768xf32, #tpu.memory_space<vmem>>, vector<16xf32>,
      %get3A_589 = arith.constant 1 : i32
      %get3A_590 = arith.index_cast %get3A_589 : i32 to index
      %get3A_591 = arith.index_cast %scan3A_299 : i32 to index
      %get3A_592 = arith.constant 256 : index
      %get3A_593 = tpu.vector_load %arg10[%get3A_590, %get3A_591, %get3A_592] {strides = array<i32>} : memref<2x16x768xf32, #tpu.memory_space<vmem>>, vector<16xf32>,
      %mul3A_594 = arith.mulf %get3A_593, %gather3A : vector<16xf32>
      %get3A_595 = arith.constant 1 : i32
      %get3A_596 = arith.index_cast %get3A_595 : i32 to index
      %get3A_597 = arith.index_cast %scan3A_299 : i32 to index
      %get3A_598 = arith.constant 256 : index
      %get3A_599 = tpu.vector_load %arg11[%get3A_596, %get3A_597, %get3A_598] {strides = array<i32>} : memref<2x16x768xf32, #tpu.memory_space<vmem>>, vector<16xf32>,
      %mul3A_600 = arith.mulf %get3A_599, %gather3A_302 : vector<16xf32>
      %add3A_601 = arith.addf %mul3A_594, %mul3A_600 : vector<16xf32>
      %swap3A_602 = arith.constant 1 : i32
      %swap3A_603 = arith.index_cast %swap3A_602 : i32 to index
      %swap3A_604 = arith.index_cast %scan3A_299 : i32 to index
      %swap3A_605 = arith.constant 256 : index
      %swap3A_606 = tpu.vector_load %arg12[%swap3A_603, %swap3A_604, %swap3A_605] {strides = array<i32>} : memref<2x16x768xf32, #tpu.memory_space<vmem>>, vector<16xf32>,
      tpu.vector_store %arg12[%swap3A_603, %swap3A_604, %swap3A_605], %add3A_601 {strides = array<i32>} : memref<2x16x768xf32, #tpu.memory_space<vmem>>, vector<16xf32>,
      %get3A_607 = arith.constant 1 : i32
      %get3A_608 = arith.index_cast %get3A_607 : i32 to index
      %get3A_609 = arith.index_cast %scan3A_299 : i32 to index
      %get3A_610 = arith.constant 272 : index
      %get3A_611 = tpu.vector_load %arg10[%get3A_608, %get3A_609, %get3A_610] {strides = array<i32>} : memref<2x16x768xf32, #tpu.memory_space<vmem>>, vector<16xf32>,
      %mul3A_612 = arith.mulf %get3A_611, %gather3A : vector<16xf32>
      %get3A_613 = arith.constant 1 : i32
      %get3A_614 = arith.index_cast %get3A_613 : i32 to index
      %get3A_615 = arith.index_cast %scan3A_299 : i32 to index
      %get3A_616 = arith.constant 272 : index
      %get3A_617 = tpu.vector_load %arg11[%get3A_614, %get3A_615, %get3A_616] {strides = array<i32>} : memref<2x16x768xf32, #tpu.memory_space<vmem>>, vector<16xf32>,
      %mul3A_618 = arith.mulf %get3A_617, %gather3A_302 : vector<16xf32>
      %add3A_619 = arith.addf %mul3A_612, %mul3A_618 : vector<16xf32>
      %swap3A_620 = arith.constant 1 : i32
      %swap3A_621 = arith.index_cast %swap3A_620 : i32 to index
      %swap3A_622 = arith.index_cast %scan3A_299 : i32 to index
      %swap3A_623 = arith.constant 272 : index
      %swap3A_624 = tpu.vector_load %arg12[%swap3A_621, %swap3A_622, %swap3A_623] {strides = array<i32>} : memref<2x16x768xf32, #tpu.memory_space<vmem>>, vector<16xf32>,
      tpu.vector_store %arg12[%swap3A_621, %swap3A_622, %swap3A_623], %add3A_619 {strides = array<i32>} : memref<2x16x768xf32, #tpu.memory_space<vmem>>, vector<16xf32>,
      %get3A_625 = arith.constant 1 : i32
      %get3A_626 = arith.index_cast %get3A_625 : i32 to index
      %get3A_627 = arith.index_cast %scan3A_299 : i32 to index
      %get3A_628 = arith.constant 288 : index
      %get3A_629 = tpu.vector_load %arg10[%get3A_626, %get3A_627, %get3A_628] {strides = array<i32>} : memref<2x16x768xf32, #tpu.memory_space<vmem>>, vector<16xf32>,
      %mul3A_630 = arith.mulf %get3A_629, %gather3A : vector<16xf32>
      %get3A_631 = arith.constant 1 : i32
      %get3A_632 = arith.index_cast %get3A_631 : i32 to index
      %get3A_633 = arith.index_cast %scan3A_299 : i32 to index
      %get3A_634 = arith.constant 288 : index
      %get3A_635 = tpu.vector_load %arg11[%get3A_632, %get3A_633, %get3A_634] {strides = array<i32>} : memref<2x16x768xf32, #tpu.memory_space<vmem>>, vector<16xf32>,
      %mul3A_636 = arith.mulf %get3A_635, %gather3A_302 : vector<16xf32>
      %add3A_637 = arith.addf %mul3A_630, %mul3A_636 : vector<16xf32>
      %swap3A_638 = arith.constant 1 : i32
      %swap3A_639 = arith.index_cast %swap3A_638 : i32 to index
      %swap3A_640 = arith.index_cast %scan3A_299 : i32 to index
      %swap3A_641 = arith.constant 288 : index
      %swap3A_642 = tpu.vector_load %arg12[%swap3A_639, %swap3A_640, %swap3A_641] {strides = array<i32>} : memref<2x16x768xf32, #tpu.memory_space<vmem>>, vector<16xf32>,
      tpu.vector_store %arg12[%swap3A_639, %swap3A_640, %swap3A_641], %add3A_637 {strides = array<i32>} : memref<2x16x768xf32, #tpu.memory_space<vmem>>, vector<16xf32>,
      %get3A_643 = arith.constant 1 : i32
      %get3A_644 = arith.index_cast %get3A_643 : i32 to index
      %get3A_645 = arith.index_cast %scan3A_299 : i32 to index
      %get3A_646 = arith.constant 304 : index
      %get3A_647 = tpu.vector_load %arg10[%get3A_644, %get3A_645, %get3A_646] {strides = array<i32>} : memref<2x16x768xf32, #tpu.memory_space<vmem>>, vector<16xf32>,
      %mul3A_648 = arith.mulf %get3A_647, %gather3A : vector<16xf32>
      %get3A_649 = arith.constant 1 : i32
      %get3A_650 = arith.index_cast %get3A_649 : i32 to index
      %get3A_651 = arith.index_cast %scan3A_299 : i32 to index
      %get3A_652 = arith.constant 304 : index
      %get3A_653 = tpu.vector_load %arg11[%get3A_650, %get3A_651, %get3A_652] {strides = array<i32>} : memref<2x16x768xf32, #tpu.memory_space<vmem>>, vector<16xf32>,
      %mul3A_654 = arith.mulf %get3A_653, %gather3A_302 : vector<16xf32>
      %add3A_655 = arith.addf %mul3A_648, %mul3A_654 : vector<16xf32>
      %swap3A_656 = arith.constant 1 : i32
      %swap3A_657 = arith.index_cast %swap3A_656 : i32 to index
      %swap3A_658 = arith.index_cast %scan3A_299 : i32 to index
      %swap3A_659 = arith.constant 304 : index
      %swap3A_660 = tpu.vector_load %arg12[%swap3A_657, %swap3A_658, %swap3A_659] {strides = array<i32>} : memref<2x16x768xf32, #tpu.memory_space<vmem>>, vector<16xf32>,
      tpu.vector_store %arg12[%swap3A_657, %swap3A_658, %swap3A_659], %add3A_655 {strides = array<i32>} : memref<2x16x768xf32, #tpu.memory_space<vmem>>, vector<16xf32>,
      %get3A_661 = arith.constant 1 : i32
      %get3A_662 = arith.index_cast %get3A_661 : i32 to index
      %get3A_663 = arith.index_cast %scan3A_299 : i32 to index
      %get3A_664 = arith.constant 320 : index
      %get3A_665 = tpu.vector_load %arg10[%get3A_662, %get3A_663, %get3A_664] {strides = array<i32>} : memref<2x16x768xf32, #tpu.memory_space<vmem>>, vector<16xf32>,
      %mul3A_666 = arith.mulf %get3A_665, %gather3A : vector<16xf32>
      %get3A_667 = arith.constant 1 : i32
      %get3A_668 = arith.index_cast %get3A_667 : i32 to index
      %get3A_669 = arith.index_cast %scan3A_299 : i32 to index
      %get3A_670 = arith.constant 320 : index
      %get3A_671 = tpu.vector_load %arg11[%get3A_668, %get3A_669, %get3A_670] {strides = array<i32>} : memref<2x16x768xf32, #tpu.memory_space<vmem>>, vector<16xf32>,
      %mul3A_672 = arith.mulf %get3A_671, %gather3A_302 : vector<16xf32>
      %add3A_673 = arith.addf %mul3A_666, %mul3A_672 : vector<16xf32>
      %swap3A_674 = arith.constant 1 : i32
      %swap3A_675 = arith.index_cast %swap3A_674 : i32 to index
      %swap3A_676 = arith.index_cast %scan3A_299 : i32 to index
      %swap3A_677 = arith.constant 320 : index
      %swap3A_678 = tpu.vector_load %arg12[%swap3A_675, %swap3A_676, %swap3A_677] {strides = array<i32>} : memref<2x16x768xf32, #tpu.memory_space<vmem>>, vector<16xf32>,
      tpu.vector_store %arg12[%swap3A_675, %swap3A_676, %swap3A_677], %add3A_673 {strides = array<i32>} : memref<2x16x768xf32, #tpu.memory_space<vmem>>, vector<16xf32>,
      %get3A_679 = arith.constant 1 : i32
      %get3A_680 = arith.index_cast %get3A_679 : i32 to index
      %get3A_681 = arith.index_cast %scan3A_299 : i32 to index
      %get3A_682 = arith.constant 336 : index
      %get3A_683 = tpu.vector_load %arg10[%get3A_680, %get3A_681, %get3A_682] {strides = array<i32>} : memref<2x16x768xf32, #tpu.memory_space<vmem>>, vector<16xf32>,
      %mul3A_684 = arith.mulf %get3A_683, %gather3A : vector<16xf32>
      %get3A_685 = arith.constant 1 : i32
      %get3A_686 = arith.index_cast %get3A_685 : i32 to index
      %get3A_687 = arith.index_cast %scan3A_299 : i32 to index
      %get3A_688 = arith.constant 336 : index
      %get3A_689 = tpu.vector_load %arg11[%get3A_686, %get3A_687, %get3A_688] {strides = array<i32>} : memref<2x16x768xf32, #tpu.memory_space<vmem>>, vector<16xf32>,
      %mul3A_690 = arith.mulf %get3A_689, %gather3A_302 : vector<16xf32>
      %add3A_691 = arith.addf %mul3A_684, %mul3A_690 : vector<16xf32>
      %swap3A_692 = arith.constant 1 : i32
      %swap3A_693 = arith.index_cast %swap3A_692 : i32 to index
      %swap3A_694 = arith.index_cast %scan3A_299 : i32 to index
      %swap3A_695 = arith.constant 336 : index
      %swap3A_696 = tpu.vector_load %arg12[%swap3A_693, %swap3A_694, %swap3A_695] {strides = array<i32>} : memref<2x16x768xf32, #tpu.memory_space<vmem>>, vector<16xf32>,
      tpu.vector_store %arg12[%swap3A_693, %swap3A_694, %swap3A_695], %add3A_691 {strides = array<i32>} : memref<2x16x768xf32, #tpu.memory_space<vmem>>, vector<16xf32>,
      %get3A_697 = arith.constant 1 : i32
      %get3A_698 = arith.index_cast %get3A_697 : i32 to index
      %get3A_699 = arith.index_cast %scan3A_299 : i32 to index
      %get3A_700 = arith.constant 352 : index
      %get3A_701 = tpu.vector_load %arg10[%get3A_698, %get3A_699, %get3A_700] {strides = array<i32>} : memref<2x16x768xf32, #tpu.memory_space<vmem>>, vector<16xf32>,
      %mul3A_702 = arith.mulf %get3A_701, %gather3A : vector<16xf32>
      %get3A_703 = arith.constant 1 : i32
      %get3A_704 = arith.index_cast %get3A_703 : i32 to index
      %get3A_705 = arith.index_cast %scan3A_299 : i32 to index
      %get3A_706 = arith.constant 352 : index
      %get3A_707 = tpu.vector_load %arg11[%get3A_704, %get3A_705, %get3A_706] {strides = array<i32>} : memref<2x16x768xf32, #tpu.memory_space<vmem>>, vector<16xf32>,
      %mul3A_708 = arith.mulf %get3A_707, %gather3A_302 : vector<16xf32>
      %add3A_709 = arith.addf %mul3A_702, %mul3A_708 : vector<16xf32>
      %swap3A_710 = arith.constant 1 : i32
      %swap3A_711 = arith.index_cast %swap3A_710 : i32 to index
      %swap3A_712 = arith.index_cast %scan3A_299 : i32 to index
      %swap3A_713 = arith.constant 352 : index
      %swap3A_714 = tpu.vector_load %arg12[%swap3A_711, %swap3A_712, %swap3A_713] {strides = array<i32>} : memref<2x16x768xf32, #tpu.memory_space<vmem>>, vector<16xf32>,
      tpu.vector_store %arg12[%swap3A_711, %swap3A_712, %swap3A_713], %add3A_709 {strides = array<i32>} : memref<2x16x768xf32, #tpu.memory_space<vmem>>, vector<16xf32>,
      %get3A_715 = arith.constant 1 : i32
      %get3A_716 = arith.index_cast %get3A_715 : i32 to index
      %get3A_717 = arith.index_cast %scan3A_299 : i32 to index
      %get3A_718 = arith.constant 368 : index
      %get3A_719 = tpu.vector_load %arg10[%get3A_716, %get3A_717, %get3A_718] {strides = array<i32>} : memref<2x16x768xf32, #tpu.memory_space<vmem>>, vector<16xf32>,
      %mul3A_720 = arith.mulf %get3A_719, %gather3A : vector<16xf32>
      %get3A_721 = arith.constant 1 : i32
      %get3A_722 = arith.index_cast %get3A_721 : i32 to index
      %get3A_723 = arith.index_cast %scan3A_299 : i32 to index
      %get3A_724 = arith.constant 368 : index
      %get3A_725 = tpu.vector_load %arg11[%get3A_722, %get3A_723, %get3A_724] {strides = array<i32>} : memref<2x16x768xf32, #tpu.memory_space<vmem>>, vector<16xf32>,
      %mul3A_726 = arith.mulf %get3A_725, %gather3A_302 : vector<16xf32>
      %add3A_727 = arith.addf %mul3A_720, %mul3A_726 : vector<16xf32>
      %swap3A_728 = arith.constant 1 : i32
      %swap3A_729 = arith.index_cast %swap3A_728 : i32 to index
      %swap3A_730 = arith.index_cast %scan3A_299 : i32 to index
      %swap3A_731 = arith.constant 368 : index
      %swap3A_732 = tpu.vector_load %arg12[%swap3A_729, %swap3A_730, %swap3A_731] {strides = array<i32>} : memref<2x16x768xf32, #tpu.memory_space<vmem>>, vector<16xf32>,
      tpu.vector_store %arg12[%swap3A_729, %swap3A_730, %swap3A_731], %add3A_727 {strides = array<i32>} : memref<2x16x768xf32, #tpu.memory_space<vmem>>, vector<16xf32>,
      %get3A_733 = arith.constant 1 : i32
      %get3A_734 = arith.index_cast %get3A_733 : i32 to index
      %get3A_735 = arith.index_cast %scan3A_299 : i32 to index
      %get3A_736 = arith.constant 384 : index
      %get3A_737 = tpu.vector_load %arg10[%get3A_734, %get3A_735, %get3A_736] {strides = array<i32>} : memref<2x16x768xf32, #tpu.memory_space<vmem>>, vector<16xf32>,
      %mul3A_738 = arith.mulf %get3A_737, %gather3A : vector<16xf32>
      %get3A_739 = arith.constant 1 : i32
      %get3A_740 = arith.index_cast %get3A_739 : i32 to index
      %get3A_741 = arith.index_cast %scan3A_299 : i32 to index
      %get3A_742 = arith.constant 384 : index
      %get3A_743 = tpu.vector_load %arg11[%get3A_740, %get3A_741, %get3A_742] {strides = array<i32>} : memref<2x16x768xf32, #tpu.memory_space<vmem>>, vector<16xf32>,
      %mul3A_744 = arith.mulf %get3A_743, %gather3A_302 : vector<16xf32>
      %add3A_745 = arith.addf %mul3A_738, %mul3A_744 : vector<16xf32>
      %swap3A_746 = arith.constant 1 : i32
      %swap3A_747 = arith.index_cast %swap3A_746 : i32 to index
      %swap3A_748 = arith.index_cast %scan3A_299 : i32 to index
      %swap3A_749 = arith.constant 384 : index
      %swap3A_750 = tpu.vector_load %arg12[%swap3A_747, %swap3A_748, %swap3A_749] {strides = array<i32>} : memref<2x16x768xf32, #tpu.memory_space<vmem>>, vector<16xf32>,
      tpu.vector_store %arg12[%swap3A_747, %swap3A_748, %swap3A_749], %add3A_745 {strides = array<i32>} : memref<2x16x768xf32, #tpu.memory_space<vmem>>, vector<16xf32>,
      %get3A_751 = arith.constant 1 : i32
      %get3A_752 = arith.index_cast %get3A_751 : i32 to index
      %get3A_753 = arith.index_cast %scan3A_299 : i32 to index
      %get3A_754 = arith.constant 400 : index
      %get3A_755 = tpu.vector_load %arg10[%get3A_752, %get3A_753, %get3A_754] {strides = array<i32>} : memref<2x16x768xf32, #tpu.memory_space<vmem>>, vector<16xf32>,
      %mul3A_756 = arith.mulf %get3A_755, %gather3A : vector<16xf32>
      %get3A_757 = arith.constant 1 : i32
      %get3A_758 = arith.index_cast %get3A_757 : i32 to index
      %get3A_759 = arith.index_cast %scan3A_299 : i32 to index
      %get3A_760 = arith.constant 400 : index
      %get3A_761 = tpu.vector_load %arg11[%get3A_758, %get3A_759, %get3A_760] {strides = array<i32>} : memref<2x16x768xf32, #tpu.memory_space<vmem>>, vector<16xf32>,
      %mul3A_762 = arith.mulf %get3A_761, %gather3A_302 : vector<16xf32>
      %add3A_763 = arith.addf %mul3A_756, %mul3A_762 : vector<16xf32>
      %swap3A_764 = arith.constant 1 : i32
      %swap3A_765 = arith.index_cast %swap3A_764 : i32 to index
      %swap3A_766 = arith.index_cast %scan3A_299 : i32 to index
      %swap3A_767 = arith.constant 400 : index
      %swap3A_768 = tpu.vector_load %arg12[%swap3A_765, %swap3A_766, %swap3A_767] {strides = array<i32>} : memref<2x16x768xf32, #tpu.memory_space<vmem>>, vector<16xf32>,
      tpu.vector_store %arg12[%swap3A_765, %swap3A_766, %swap3A_767], %add3A_763 {strides = array<i32>} : memref<2x16x768xf32, #tpu.memory_space<vmem>>, vector<16xf32>,
      %get3A_769 = arith.constant 1 : i32
      %get3A_770 = arith.index_cast %get3A_769 : i32 to index
      %get3A_771 = arith.index_cast %scan3A_299 : i32 to index
      %get3A_772 = arith.constant 416 : index
      %get3A_773 = tpu.vector_load %arg10[%get3A_770, %get3A_771, %get3A_772] {strides = array<i32>} : memref<2x16x768xf32, #tpu.memory_space<vmem>>, vector<16xf32>,
      %mul3A_774 = arith.mulf %get3A_773, %gather3A : vector<16xf32>
      %get3A_775 = arith.constant 1 : i32
      %get3A_776 = arith.index_cast %get3A_775 : i32 to index
      %get3A_777 = arith.index_cast %scan3A_299 : i32 to index
      %get3A_778 = arith.constant 416 : index
      %get3A_779 = tpu.vector_load %arg11[%get3A_776, %get3A_777, %get3A_778] {strides = array<i32>} : memref<2x16x768xf32, #tpu.memory_space<vmem>>, vector<16xf32>,
      %mul3A_780 = arith.mulf %get3A_779, %gather3A_302 : vector<16xf32>
      %add3A_781 = arith.addf %mul3A_774, %mul3A_780 : vector<16xf32>
      %swap3A_782 = arith.constant 1 : i32
      %swap3A_783 = arith.index_cast %swap3A_782 : i32 to index
      %swap3A_784 = arith.index_cast %scan3A_299 : i32 to index
      %swap3A_785 = arith.constant 416 : index
      %swap3A_786 = tpu.vector_load %arg12[%swap3A_783, %swap3A_784, %swap3A_785] {strides = array<i32>} : memref<2x16x768xf32, #tpu.memory_space<vmem>>, vector<16xf32>,
      tpu.vector_store %arg12[%swap3A_783, %swap3A_784, %swap3A_785], %add3A_781 {strides = array<i32>} : memref<2x16x768xf32, #tpu.memory_space<vmem>>, vector<16xf32>,
      %get3A_787 = arith.constant 1 : i32
      %get3A_788 = arith.index_cast %get3A_787 : i32 to index
      %get3A_789 = arith.index_cast %scan3A_299 : i32 to index
      %get3A_790 = arith.constant 432 : index
      %get3A_791 = tpu.vector_load %arg10[%get3A_788, %get3A_789, %get3A_790] {strides = array<i32>} : memref<2x16x768xf32, #tpu.memory_space<vmem>>, vector<16xf32>,
      %mul3A_792 = arith.mulf %get3A_791, %gather3A : vector<16xf32>
      %get3A_793 = arith.constant 1 : i32
      %get3A_794 = arith.index_cast %get3A_793 : i32 to index
      %get3A_795 = arith.index_cast %scan3A_299 : i32 to index
      %get3A_796 = arith.constant 432 : index
      %get3A_797 = tpu.vector_load %arg11[%get3A_794, %get3A_795, %get3A_796] {strides = array<i32>} : memref<2x16x768xf32, #tpu.memory_space<vmem>>, vector<16xf32>,
      %mul3A_798 = arith.mulf %get3A_797, %gather3A_302 : vector<16xf32>
      %add3A_799 = arith.addf %mul3A_792, %mul3A_798 : vector<16xf32>
      %swap3A_800 = arith.constant 1 : i32
      %swap3A_801 = arith.index_cast %swap3A_800 : i32 to index
      %swap3A_802 = arith.index_cast %scan3A_299 : i32 to index
      %swap3A_803 = arith.constant 432 : index
      %swap3A_804 = tpu.vector_load %arg12[%swap3A_801, %swap3A_802, %swap3A_803] {strides = array<i32>} : memref<2x16x768xf32, #tpu.memory_space<vmem>>, vector<16xf32>,
      tpu.vector_store %arg12[%swap3A_801, %swap3A_802, %swap3A_803], %add3A_799 {strides = array<i32>} : memref<2x16x768xf32, #tpu.memory_space<vmem>>, vector<16xf32>,
      %get3A_805 = arith.constant 1 : i32
      %get3A_806 = arith.index_cast %get3A_805 : i32 to index
      %get3A_807 = arith.index_cast %scan3A_299 : i32 to index
      %get3A_808 = arith.constant 448 : index
      %get3A_809 = tpu.vector_load %arg10[%get3A_806, %get3A_807, %get3A_808] {strides = array<i32>} : memref<2x16x768xf32, #tpu.memory_space<vmem>>, vector<16xf32>,
      %mul3A_810 = arith.mulf %get3A_809, %gather3A : vector<16xf32>
      %get3A_811 = arith.constant 1 : i32
      %get3A_812 = arith.index_cast %get3A_811 : i32 to index
      %get3A_813 = arith.index_cast %scan3A_299 : i32 to index
      %get3A_814 = arith.constant 448 : index
      %get3A_815 = tpu.vector_load %arg11[%get3A_812, %get3A_813, %get3A_814] {strides = array<i32>} : memref<2x16x768xf32, #tpu.memory_space<vmem>>, vector<16xf32>,
      %mul3A_816 = arith.mulf %get3A_815, %gather3A_302 : vector<16xf32>
      %add3A_817 = arith.addf %mul3A_810, %mul3A_816 : vector<16xf32>
      %swap3A_818 = arith.constant 1 : i32
      %swap3A_819 = arith.index_cast %swap3A_818 : i32 to index
      %swap3A_820 = arith.index_cast %scan3A_299 : i32 to index
      %swap3A_821 = arith.constant 448 : index
      %swap3A_822 = tpu.vector_load %arg12[%swap3A_819, %swap3A_820, %swap3A_821] {strides = array<i32>} : memref<2x16x768xf32, #tpu.memory_space<vmem>>, vector<16xf32>,
      tpu.vector_store %arg12[%swap3A_819, %swap3A_820, %swap3A_821], %add3A_817 {strides = array<i32>} : memref<2x16x768xf32, #tpu.memory_space<vmem>>, vector<16xf32>,
      %get3A_823 = arith.constant 1 : i32
      %get3A_824 = arith.index_cast %get3A_823 : i32 to index
      %get3A_825 = arith.index_cast %scan3A_299 : i32 to index
      %get3A_826 = arith.constant 464 : index
      %get3A_827 = tpu.vector_load %arg10[%get3A_824, %get3A_825, %get3A_826] {strides = array<i32>} : memref<2x16x768xf32, #tpu.memory_space<vmem>>, vector<16xf32>,
      %mul3A_828 = arith.mulf %get3A_827, %gather3A : vector<16xf32>
      %get3A_829 = arith.constant 1 : i32
      %get3A_830 = arith.index_cast %get3A_829 : i32 to index
      %get3A_831 = arith.index_cast %scan3A_299 : i32 to index
      %get3A_832 = arith.constant 464 : index
      %get3A_833 = tpu.vector_load %arg11[%get3A_830, %get3A_831, %get3A_832] {strides = array<i32>} : memref<2x16x768xf32, #tpu.memory_space<vmem>>, vector<16xf32>,
      %mul3A_834 = arith.mulf %get3A_833, %gather3A_302 : vector<16xf32>
      %add3A_835 = arith.addf %mul3A_828, %mul3A_834 : vector<16xf32>
      %swap3A_836 = arith.constant 1 : i32
      %swap3A_837 = arith.index_cast %swap3A_836 : i32 to index
      %swap3A_838 = arith.index_cast %scan3A_299 : i32 to index
      %swap3A_839 = arith.constant 464 : index
      %swap3A_840 = tpu.vector_load %arg12[%swap3A_837, %swap3A_838, %swap3A_839] {strides = array<i32>} : memref<2x16x768xf32, #tpu.memory_space<vmem>>, vector<16xf32>,
      tpu.vector_store %arg12[%swap3A_837, %swap3A_838, %swap3A_839], %add3A_835 {strides = array<i32>} : memref<2x16x768xf32, #tpu.memory_space<vmem>>, vector<16xf32>,
      %get3A_841 = arith.constant 1 : i32
      %get3A_842 = arith.index_cast %get3A_841 : i32 to index
      %get3A_843 = arith.index_cast %scan3A_299 : i32 to index
      %get3A_844 = arith.constant 480 : index
      %get3A_845 = tpu.vector_load %arg10[%get3A_842, %get3A_843, %get3A_844] {strides = array<i32>} : memref<2x16x768xf32, #tpu.memory_space<vmem>>, vector<16xf32>,
      %mul3A_846 = arith.mulf %get3A_845, %gather3A : vector<16xf32>
      %get3A_847 = arith.constant 1 : i32
      %get3A_848 = arith.index_cast %get3A_847 : i32 to index
      %get3A_849 = arith.index_cast %scan3A_299 : i32 to index
      %get3A_850 = arith.constant 480 : index
      %get3A_851 = tpu.vector_load %arg11[%get3A_848, %get3A_849, %get3A_850] {strides = array<i32>} : memref<2x16x768xf32, #tpu.memory_space<vmem>>, vector<16xf32>,
      %mul3A_852 = arith.mulf %get3A_851, %gather3A_302 : vector<16xf32>
      %add3A_853 = arith.addf %mul3A_846, %mul3A_852 : vector<16xf32>
      %swap3A_854 = arith.constant 1 : i32
      %swap3A_855 = arith.index_cast %swap3A_854 : i32 to index
      %swap3A_856 = arith.index_cast %scan3A_299 : i32 to index
      %swap3A_857 = arith.constant 480 : index
      %swap3A_858 = tpu.vector_load %arg12[%swap3A_855, %swap3A_856, %swap3A_857] {strides = array<i32>} : memref<2x16x768xf32, #tpu.memory_space<vmem>>, vector<16xf32>,
      tpu.vector_store %arg12[%swap3A_855, %swap3A_856, %swap3A_857], %add3A_853 {strides = array<i32>} : memref<2x16x768xf32, #tpu.memory_space<vmem>>, vector<16xf32>,
      %get3A_859 = arith.constant 1 : i32
      %get3A_860 = arith.index_cast %get3A_859 : i32 to index
      %get3A_861 = arith.index_cast %scan3A_299 : i32 to index
      %get3A_862 = arith.constant 496 : index
      %get3A_863 = tpu.vector_load %arg10[%get3A_860, %get3A_861, %get3A_862] {strides = array<i32>} : memref<2x16x768xf32, #tpu.memory_space<vmem>>, vector<16xf32>,
      %mul3A_864 = arith.mulf %get3A_863, %gather3A : vector<16xf32>
      %get3A_865 = arith.constant 1 : i32
      %get3A_866 = arith.index_cast %get3A_865 : i32 to index
      %get3A_867 = arith.index_cast %scan3A_299 : i32 to index
      %get3A_868 = arith.constant 496 : index
      %get3A_869 = tpu.vector_load %arg11[%get3A_866, %get3A_867, %get3A_868] {strides = array<i32>} : memref<2x16x768xf32, #tpu.memory_space<vmem>>, vector<16xf32>,
      %mul3A_870 = arith.mulf %get3A_869, %gather3A_302 : vector<16xf32>
      %add3A_871 = arith.addf %mul3A_864, %mul3A_870 : vector<16xf32>
      %swap3A_872 = arith.constant 1 : i32
      %swap3A_873 = arith.index_cast %swap3A_872 : i32 to index
      %swap3A_874 = arith.index_cast %scan3A_299 : i32 to index
      %swap3A_875 = arith.constant 496 : index
      %swap3A_876 = tpu.vector_load %arg12[%swap3A_873, %swap3A_874, %swap3A_875] {strides = array<i32>} : memref<2x16x768xf32, #tpu.memory_space<vmem>>, vector<16xf32>,
      tpu.vector_store %arg12[%swap3A_873, %swap3A_874, %swap3A_875], %add3A_871 {strides = array<i32>} : memref<2x16x768xf32, #tpu.memory_space<vmem>>, vector<16xf32>,
      %get3A_877 = arith.constant 1 : i32
      %get3A_878 = arith.index_cast %get3A_877 : i32 to index
      %get3A_879 = arith.index_cast %scan3A_299 : i32 to index
      %get3A_880 = arith.constant 512 : index
      %get3A_881 = tpu.vector_load %arg10[%get3A_878, %get3A_879, %get3A_880] {strides = array<i32>} : memref<2x16x768xf32, #tpu.memory_space<vmem>>, vector<16xf32>,
      %mul3A_882 = arith.mulf %get3A_881, %gather3A : vector<16xf32>
      %get3A_883 = arith.constant 1 : i32
      %get3A_884 = arith.index_cast %get3A_883 : i32 to index
      %get3A_885 = arith.index_cast %scan3A_299 : i32 to index
      %get3A_886 = arith.constant 512 : index
      %get3A_887 = tpu.vector_load %arg11[%get3A_884, %get3A_885, %get3A_886] {strides = array<i32>} : memref<2x16x768xf32, #tpu.memory_space<vmem>>, vector<16xf32>,
      %mul3A_888 = arith.mulf %get3A_887, %gather3A_302 : vector<16xf32>
      %add3A_889 = arith.addf %mul3A_882, %mul3A_888 : vector<16xf32>
      %swap3A_890 = arith.constant 1 : i32
      %swap3A_891 = arith.index_cast %swap3A_890 : i32 to index
      %swap3A_892 = arith.index_cast %scan3A_299 : i32 to index
      %swap3A_893 = arith.constant 512 : index
      %swap3A_894 = tpu.vector_load %arg12[%swap3A_891, %swap3A_892, %swap3A_893] {strides = array<i32>} : memref<2x16x768xf32, #tpu.memory_space<vmem>>, vector<16xf32>,
      tpu.vector_store %arg12[%swap3A_891, %swap3A_892, %swap3A_893], %add3A_889 {strides = array<i32>} : memref<2x16x768xf32, #tpu.memory_space<vmem>>, vector<16xf32>,
      %get3A_895 = arith.constant 1 : i32
      %get3A_896 = arith.index_cast %get3A_895 : i32 to index
      %get3A_897 = arith.index_cast %scan3A_299 : i32 to index
      %get3A_898 = arith.constant 528 : index
      %get3A_899 = tpu.vector_load %arg10[%get3A_896, %get3A_897, %get3A_898] {strides = array<i32>} : memref<2x16x768xf32, #tpu.memory_space<vmem>>, vector<16xf32>,
      %mul3A_900 = arith.mulf %get3A_899, %gather3A : vector<16xf32>
      %get3A_901 = arith.constant 1 : i32
      %get3A_902 = arith.index_cast %get3A_901 : i32 to index
      %get3A_903 = arith.index_cast %scan3A_299 : i32 to index
      %get3A_904 = arith.constant 528 : index
      %get3A_905 = tpu.vector_load %arg11[%get3A_902, %get3A_903, %get3A_904] {strides = array<i32>} : memref<2x16x768xf32, #tpu.memory_space<vmem>>, vector<16xf32>,
      %mul3A_906 = arith.mulf %get3A_905, %gather3A_302 : vector<16xf32>
      %add3A_907 = arith.addf %mul3A_900, %mul3A_906 : vector<16xf32>
      %swap3A_908 = arith.constant 1 : i32
      %swap3A_909 = arith.index_cast %swap3A_908 : i32 to index
      %swap3A_910 = arith.index_cast %scan3A_299 : i32 to index
      %swap3A_911 = arith.constant 528 : index
      %swap3A_912 = tpu.vector_load %arg12[%swap3A_909, %swap3A_910, %swap3A_911] {strides = array<i32>} : memref<2x16x768xf32, #tpu.memory_space<vmem>>, vector<16xf32>,
      tpu.vector_store %arg12[%swap3A_909, %swap3A_910, %swap3A_911], %add3A_907 {strides = array<i32>} : memref<2x16x768xf32, #tpu.memory_space<vmem>>, vector<16xf32>,
      %get3A_913 = arith.constant 1 : i32
      %get3A_914 = arith.index_cast %get3A_913 : i32 to index
      %get3A_915 = arith.index_cast %scan3A_299 : i32 to index
      %get3A_916 = arith.constant 544 : index
      %get3A_917 = tpu.vector_load %arg10[%get3A_914, %get3A_915, %get3A_916] {strides = array<i32>} : memref<2x16x768xf32, #tpu.memory_space<vmem>>, vector<16xf32>,
      %mul3A_918 = arith.mulf %get3A_917, %gather3A : vector<16xf32>
      %get3A_919 = arith.constant 1 : i32
      %get3A_920 = arith.index_cast %get3A_919 : i32 to index
      %get3A_921 = arith.index_cast %scan3A_299 : i32 to index
      %get3A_922 = arith.constant 544 : index
      %get3A_923 = tpu.vector_load %arg11[%get3A_920, %get3A_921, %get3A_922] {strides = array<i32>} : memref<2x16x768xf32, #tpu.memory_space<vmem>>, vector<16xf32>,
      %mul3A_924 = arith.mulf %get3A_923, %gather3A_302 : vector<16xf32>
      %add3A_925 = arith.addf %mul3A_918, %mul3A_924 : vector<16xf32>
      %swap3A_926 = arith.constant 1 : i32
      %swap3A_927 = arith.index_cast %swap3A_926 : i32 to index
      %swap3A_928 = arith.index_cast %scan3A_299 : i32 to index
      %swap3A_929 = arith.constant 544 : index
      %swap3A_930 = tpu.vector_load %arg12[%swap3A_927, %swap3A_928, %swap3A_929] {strides = array<i32>} : memref<2x16x768xf32, #tpu.memory_space<vmem>>, vector<16xf32>,
      tpu.vector_store %arg12[%swap3A_927, %swap3A_928, %swap3A_929], %add3A_925 {strides = array<i32>} : memref<2x16x768xf32, #tpu.memory_space<vmem>>, vector<16xf32>,
      %get3A_931 = arith.constant 1 : i32
      %get3A_932 = arith.index_cast %get3A_931 : i32 to index
      %get3A_933 = arith.index_cast %scan3A_299 : i32 to index
      %get3A_934 = arith.constant 560 : index
      %get3A_935 = tpu.vector_load %arg10[%get3A_932, %get3A_933, %get3A_934] {strides = array<i32>} : memref<2x16x768xf32, #tpu.memory_space<vmem>>, vector<16xf32>,
      %mul3A_936 = arith.mulf %get3A_935, %gather3A : vector<16xf32>
      %get3A_937 = arith.constant 1 : i32
      %get3A_938 = arith.index_cast %get3A_937 : i32 to index
      %get3A_939 = arith.index_cast %scan3A_299 : i32 to index
      %get3A_940 = arith.constant 560 : index
      %get3A_941 = tpu.vector_load %arg11[%get3A_938, %get3A_939, %get3A_940] {strides = array<i32>} : memref<2x16x768xf32, #tpu.memory_space<vmem>>, vector<16xf32>,
      %mul3A_942 = arith.mulf %get3A_941, %gather3A_302 : vector<16xf32>
      %add3A_943 = arith.addf %mul3A_936, %mul3A_942 : vector<16xf32>
      %swap3A_944 = arith.constant 1 : i32
      %swap3A_945 = arith.index_cast %swap3A_944 : i32 to index
      %swap3A_946 = arith.index_cast %scan3A_299 : i32 to index
      %swap3A_947 = arith.constant 560 : index
      %swap3A_948 = tpu.vector_load %arg12[%swap3A_945, %swap3A_946, %swap3A_947] {strides = array<i32>} : memref<2x16x768xf32, #tpu.memory_space<vmem>>, vector<16xf32>,
      tpu.vector_store %arg12[%swap3A_945, %swap3A_946, %swap3A_947], %add3A_943 {strides = array<i32>} : memref<2x16x768xf32, #tpu.memory_space<vmem>>, vector<16xf32>,
      %get3A_949 = arith.constant 1 : i32
      %get3A_950 = arith.index_cast %get3A_949 : i32 to index
      %get3A_951 = arith.index_cast %scan3A_299 : i32 to index
      %get3A_952 = arith.constant 576 : index
      %get3A_953 = tpu.vector_load %arg10[%get3A_950, %get3A_951, %get3A_952] {strides = array<i32>} : memref<2x16x768xf32, #tpu.memory_space<vmem>>, vector<16xf32>,
      %mul3A_954 = arith.mulf %get3A_953, %gather3A : vector<16xf32>
      %get3A_955 = arith.constant 1 : i32
      %get3A_956 = arith.index_cast %get3A_955 : i32 to index
      %get3A_957 = arith.index_cast %scan3A_299 : i32 to index
      %get3A_958 = arith.constant 576 : index
      %get3A_959 = tpu.vector_load %arg11[%get3A_956, %get3A_957, %get3A_958] {strides = array<i32>} : memref<2x16x768xf32, #tpu.memory_space<vmem>>, vector<16xf32>,
      %mul3A_960 = arith.mulf %get3A_959, %gather3A_302 : vector<16xf32>
      %add3A_961 = arith.addf %mul3A_954, %mul3A_960 : vector<16xf32>
      %swap3A_962 = arith.constant 1 : i32
      %swap3A_963 = arith.index_cast %swap3A_962 : i32 to index
      %swap3A_964 = arith.index_cast %scan3A_299 : i32 to index
      %swap3A_965 = arith.constant 576 : index
      %swap3A_966 = tpu.vector_load %arg12[%swap3A_963, %swap3A_964, %swap3A_965] {strides = array<i32>} : memref<2x16x768xf32, #tpu.memory_space<vmem>>, vector<16xf32>,
      tpu.vector_store %arg12[%swap3A_963, %swap3A_964, %swap3A_965], %add3A_961 {strides = array<i32>} : memref<2x16x768xf32, #tpu.memory_space<vmem>>, vector<16xf32>,
      %get3A_967 = arith.constant 1 : i32
      %get3A_968 = arith.index_cast %get3A_967 : i32 to index
      %get3A_969 = arith.index_cast %scan3A_299 : i32 to index
      %get3A_970 = arith.constant 592 : index
      %get3A_971 = tpu.vector_load %arg10[%get3A_968, %get3A_969, %get3A_970] {strides = array<i32>} : memref<2x16x768xf32, #tpu.memory_space<vmem>>, vector<16xf32>,
      %mul3A_972 = arith.mulf %get3A_971, %gather3A : vector<16xf32>
      %get3A_973 = arith.constant 1 : i32
      %get3A_974 = arith.index_cast %get3A_973 : i32 to index
      %get3A_975 = arith.index_cast %scan3A_299 : i32 to index
      %get3A_976 = arith.constant 592 : index
      %get3A_977 = tpu.vector_load %arg11[%get3A_974, %get3A_975, %get3A_976] {strides = array<i32>} : memref<2x16x768xf32, #tpu.memory_space<vmem>>, vector<16xf32>,
      %mul3A_978 = arith.mulf %get3A_977, %gather3A_302 : vector<16xf32>
      %add3A_979 = arith.addf %mul3A_972, %mul3A_978 : vector<16xf32>
      %swap3A_980 = arith.constant 1 : i32
      %swap3A_981 = arith.index_cast %swap3A_980 : i32 to index
      %swap3A_982 = arith.index_cast %scan3A_299 : i32 to index
      %swap3A_983 = arith.constant 592 : index
      %swap3A_984 = tpu.vector_load %arg12[%swap3A_981, %swap3A_982, %swap3A_983] {strides = array<i32>} : memref<2x16x768xf32, #tpu.memory_space<vmem>>, vector<16xf32>,
      tpu.vector_store %arg12[%swap3A_981, %swap3A_982, %swap3A_983], %add3A_979 {strides = array<i32>} : memref<2x16x768xf32, #tpu.memory_space<vmem>>, vector<16xf32>,
      %get3A_985 = arith.constant 1 : i32
      %get3A_986 = arith.index_cast %get3A_985 : i32 to index
      %get3A_987 = arith.index_cast %scan3A_299 : i32 to index
      %get3A_988 = arith.constant 608 : index
      %get3A_989 = tpu.vector_load %arg10[%get3A_986, %get3A_987, %get3A_988] {strides = array<i32>} : memref<2x16x768xf32, #tpu.memory_space<vmem>>, vector<16xf32>,
      %mul3A_990 = arith.mulf %get3A_989, %gather3A : vector<16xf32>
      %get3A_991 = arith.constant 1 : i32
      %get3A_992 = arith.index_cast %get3A_991 : i32 to index
      %get3A_993 = arith.index_cast %scan3A_299 : i32 to index
      %get3A_994 = arith.constant 608 : index
      %get3A_995 = tpu.vector_load %arg11[%get3A_992, %get3A_993, %get3A_994] {strides = array<i32>} : memref<2x16x768xf32, #tpu.memory_space<vmem>>, vector<16xf32>,
      %mul3A_996 = arith.mulf %get3A_995, %gather3A_302 : vector<16xf32>
      %add3A_997 = arith.addf %mul3A_990, %mul3A_996 : vector<16xf32>
      %swap3A_998 = arith.constant 1 : i32
      %swap3A_999 = arith.index_cast %swap3A_998 : i32 to index
      %swap3A_1000 = arith.index_cast %scan3A_299 : i32 to index
      %swap3A_1001 = arith.constant 608 : index
      %swap3A_1002 = tpu.vector_load %arg12[%swap3A_999, %swap3A_1000, %swap3A_1001] {strides = array<i32>} : memref<2x16x768xf32, #tpu.memory_space<vmem>>, vector<16xf32>,
      tpu.vector_store %arg12[%swap3A_999, %swap3A_1000, %swap3A_1001], %add3A_997 {strides = array<i32>} : memref<2x16x768xf32, #tpu.memory_space<vmem>>, vector<16xf32>,
      %get3A_1003 = arith.constant 1 : i32
      %get3A_1004 = arith.index_cast %get3A_1003 : i32 to index
      %get3A_1005 = arith.index_cast %scan3A_299 : i32 to index
      %get3A_1006 = arith.constant 624 : index
      %get3A_1007 = tpu.vector_load %arg10[%get3A_1004, %get3A_1005, %get3A_1006] {strides = array<i32>} : memref<2x16x768xf32, #tpu.memory_space<vmem>>, vector<16xf32>,
      %mul3A_1008 = arith.mulf %get3A_1007, %gather3A : vector<16xf32>
      %get3A_1009 = arith.constant 1 : i32
      %get3A_1010 = arith.index_cast %get3A_1009 : i32 to index
      %get3A_1011 = arith.index_cast %scan3A_299 : i32 to index
      %get3A_1012 = arith.constant 624 : index
      %get3A_1013 = tpu.vector_load %arg11[%get3A_1010, %get3A_1011, %get3A_1012] {strides = array<i32>} : memref<2x16x768xf32, #tpu.memory_space<vmem>>, vector<16xf32>,
      %mul3A_1014 = arith.mulf %get3A_1013, %gather3A_302 : vector<16xf32>
      %add3A_1015 = arith.addf %mul3A_1008, %mul3A_1014 : vector<16xf32>
      %swap3A_1016 = arith.constant 1 : i32
      %swap3A_1017 = arith.index_cast %swap3A_1016 : i32 to index
      %swap3A_1018 = arith.index_cast %scan3A_299 : i32 to index
      %swap3A_1019 = arith.constant 624 : index
      %swap3A_1020 = tpu.vector_load %arg12[%swap3A_1017, %swap3A_1018, %swap3A_1019] {strides = array<i32>} : memref<2x16x768xf32, #tpu.memory_space<vmem>>, vector<16xf32>,
      tpu.vector_store %arg12[%swap3A_1017, %swap3A_1018, %swap3A_1019], %add3A_1015 {strides = array<i32>} : memref<2x16x768xf32, #tpu.memory_space<vmem>>, vector<16xf32>,
      %get3A_1021 = arith.constant 1 : i32
      %get3A_1022 = arith.index_cast %get3A_1021 : i32 to index
      %get3A_1023 = arith.index_cast %scan3A_299 : i32 to index
      %get3A_1024 = arith.constant 640 : index
      %get3A_1025 = tpu.vector_load %arg10[%get3A_1022, %get3A_1023, %get3A_1024] {strides = array<i32>} : memref<2x16x768xf32, #tpu.memory_space<vmem>>, vector<16xf32>,
      %mul3A_1026 = arith.mulf %get3A_1025, %gather3A : vector<16xf32>
      %get3A_1027 = arith.constant 1 : i32
      %get3A_1028 = arith.index_cast %get3A_1027 : i32 to index
      %get3A_1029 = arith.index_cast %scan3A_299 : i32 to index
      %get3A_1030 = arith.constant 640 : index
      %get3A_1031 = tpu.vector_load %arg11[%get3A_1028, %get3A_1029, %get3A_1030] {strides = array<i32>} : memref<2x16x768xf32, #tpu.memory_space<vmem>>, vector<16xf32>,
      %mul3A_1032 = arith.mulf %get3A_1031, %gather3A_302 : vector<16xf32>
      %add3A_1033 = arith.addf %mul3A_1026, %mul3A_1032 : vector<16xf32>
      %swap3A_1034 = arith.constant 1 : i32
      %swap3A_1035 = arith.index_cast %swap3A_1034 : i32 to index
      %swap3A_1036 = arith.index_cast %scan3A_299 : i32 to index
      %swap3A_1037 = arith.constant 640 : index
      %swap3A_1038 = tpu.vector_load %arg12[%swap3A_1035, %swap3A_1036, %swap3A_1037] {strides = array<i32>} : memref<2x16x768xf32, #tpu.memory_space<vmem>>, vector<16xf32>,
      tpu.vector_store %arg12[%swap3A_1035, %swap3A_1036, %swap3A_1037], %add3A_1033 {strides = array<i32>} : memref<2x16x768xf32, #tpu.memory_space<vmem>>, vector<16xf32>,
      %get3A_1039 = arith.constant 1 : i32
      %get3A_1040 = arith.index_cast %get3A_1039 : i32 to index
      %get3A_1041 = arith.index_cast %scan3A_299 : i32 to index
      %get3A_1042 = arith.constant 656 : index
      %get3A_1043 = tpu.vector_load %arg10[%get3A_1040, %get3A_1041, %get3A_1042] {strides = array<i32>} : memref<2x16x768xf32, #tpu.memory_space<vmem>>, vector<16xf32>,
      %mul3A_1044 = arith.mulf %get3A_1043, %gather3A : vector<16xf32>
      %get3A_1045 = arith.constant 1 : i32
      %get3A_1046 = arith.index_cast %get3A_1045 : i32 to index
      %get3A_1047 = arith.index_cast %scan3A_299 : i32 to index
      %get3A_1048 = arith.constant 656 : index
      %get3A_1049 = tpu.vector_load %arg11[%get3A_1046, %get3A_1047, %get3A_1048] {strides = array<i32>} : memref<2x16x768xf32, #tpu.memory_space<vmem>>, vector<16xf32>,
      %mul3A_1050 = arith.mulf %get3A_1049, %gather3A_302 : vector<16xf32>
      %add3A_1051 = arith.addf %mul3A_1044, %mul3A_1050 : vector<16xf32>
      %swap3A_1052 = arith.constant 1 : i32
      %swap3A_1053 = arith.index_cast %swap3A_1052 : i32 to index
      %swap3A_1054 = arith.index_cast %scan3A_299 : i32 to index
      %swap3A_1055 = arith.constant 656 : index
      %swap3A_1056 = tpu.vector_load %arg12[%swap3A_1053, %swap3A_1054, %swap3A_1055] {strides = array<i32>} : memref<2x16x768xf32, #tpu.memory_space<vmem>>, vector<16xf32>,
      tpu.vector_store %arg12[%swap3A_1053, %swap3A_1054, %swap3A_1055], %add3A_1051 {strides = array<i32>} : memref<2x16x768xf32, #tpu.memory_space<vmem>>, vector<16xf32>,
      %get3A_1057 = arith.constant 1 : i32
      %get3A_1058 = arith.index_cast %get3A_1057 : i32 to index
      %get3A_1059 = arith.index_cast %scan3A_299 : i32 to index
      %get3A_1060 = arith.constant 672 : index
      %get3A_1061 = tpu.vector_load %arg10[%get3A_1058, %get3A_1059, %get3A_1060] {strides = array<i32>} : memref<2x16x768xf32, #tpu.memory_space<vmem>>, vector<16xf32>,
      %mul3A_1062 = arith.mulf %get3A_1061, %gather3A : vector<16xf32>
      %get3A_1063 = arith.constant 1 : i32
      %get3A_1064 = arith.index_cast %get3A_1063 : i32 to index
      %get3A_1065 = arith.index_cast %scan3A_299 : i32 to index
      %get3A_1066 = arith.constant 672 : index
      %get3A_1067 = tpu.vector_load %arg11[%get3A_1064, %get3A_1065, %get3A_1066] {strides = array<i32>} : memref<2x16x768xf32, #tpu.memory_space<vmem>>, vector<16xf32>,
      %mul3A_1068 = arith.mulf %get3A_1067, %gather3A_302 : vector<16xf32>
      %add3A_1069 = arith.addf %mul3A_1062, %mul3A_1068 : vector<16xf32>
      %swap3A_1070 = arith.constant 1 : i32
      %swap3A_1071 = arith.index_cast %swap3A_1070 : i32 to index
      %swap3A_1072 = arith.index_cast %scan3A_299 : i32 to index
      %swap3A_1073 = arith.constant 672 : index
      %swap3A_1074 = tpu.vector_load %arg12[%swap3A_1071, %swap3A_1072, %swap3A_1073] {strides = array<i32>} : memref<2x16x768xf32, #tpu.memory_space<vmem>>, vector<16xf32>,
      tpu.vector_store %arg12[%swap3A_1071, %swap3A_1072, %swap3A_1073], %add3A_1069 {strides = array<i32>} : memref<2x16x768xf32, #tpu.memory_space<vmem>>, vector<16xf32>,
      %get3A_1075 = arith.constant 1 : i32
      %get3A_1076 = arith.index_cast %get3A_1075 : i32 to index
      %get3A_1077 = arith.index_cast %scan3A_299 : i32 to index
      %get3A_1078 = arith.constant 688 : index
      %get3A_1079 = tpu.vector_load %arg10[%get3A_1076, %get3A_1077, %get3A_1078] {strides = array<i32>} : memref<2x16x768xf32, #tpu.memory_space<vmem>>, vector<16xf32>,
      %mul3A_1080 = arith.mulf %get3A_1079, %gather3A : vector<16xf32>
      %get3A_1081 = arith.constant 1 : i32
      %get3A_1082 = arith.index_cast %get3A_1081 : i32 to index
      %get3A_1083 = arith.index_cast %scan3A_299 : i32 to index
      %get3A_1084 = arith.constant 688 : index
      %get3A_1085 = tpu.vector_load %arg11[%get3A_1082, %get3A_1083, %get3A_1084] {strides = array<i32>} : memref<2x16x768xf32, #tpu.memory_space<vmem>>, vector<16xf32>,
      %mul3A_1086 = arith.mulf %get3A_1085, %gather3A_302 : vector<16xf32>
      %add3A_1087 = arith.addf %mul3A_1080, %mul3A_1086 : vector<16xf32>
      %swap3A_1088 = arith.constant 1 : i32
      %swap3A_1089 = arith.index_cast %swap3A_1088 : i32 to index
      %swap3A_1090 = arith.index_cast %scan3A_299 : i32 to index
      %swap3A_1091 = arith.constant 688 : index
      %swap3A_1092 = tpu.vector_load %arg12[%swap3A_1089, %swap3A_1090, %swap3A_1091] {strides = array<i32>} : memref<2x16x768xf32, #tpu.memory_space<vmem>>, vector<16xf32>,
      tpu.vector_store %arg12[%swap3A_1089, %swap3A_1090, %swap3A_1091], %add3A_1087 {strides = array<i32>} : memref<2x16x768xf32, #tpu.memory_space<vmem>>, vector<16xf32>,
      %get3A_1093 = arith.constant 1 : i32
      %get3A_1094 = arith.index_cast %get3A_1093 : i32 to index
      %get3A_1095 = arith.index_cast %scan3A_299 : i32 to index
      %get3A_1096 = arith.constant 704 : index
      %get3A_1097 = tpu.vector_load %arg10[%get3A_1094, %get3A_1095, %get3A_1096] {strides = array<i32>} : memref<2x16x768xf32, #tpu.memory_space<vmem>>, vector<16xf32>,
      %mul3A_1098 = arith.mulf %get3A_1097, %gather3A : vector<16xf32>
      %get3A_1099 = arith.constant 1 : i32
      %get3A_1100 = arith.index_cast %get3A_1099 : i32 to index
      %get3A_1101 = arith.index_cast %scan3A_299 : i32 to index
      %get3A_1102 = arith.constant 704 : index
      %get3A_1103 = tpu.vector_load %arg11[%get3A_1100, %get3A_1101, %get3A_1102] {strides = array<i32>} : memref<2x16x768xf32, #tpu.memory_space<vmem>>, vector<16xf32>,
      %mul3A_1104 = arith.mulf %get3A_1103, %gather3A_302 : vector<16xf32>
      %add3A_1105 = arith.addf %mul3A_1098, %mul3A_1104 : vector<16xf32>
      %swap3A_1106 = arith.constant 1 : i32
      %swap3A_1107 = arith.index_cast %swap3A_1106 : i32 to index
      %swap3A_1108 = arith.index_cast %scan3A_299 : i32 to index
      %swap3A_1109 = arith.constant 704 : index
      %swap3A_1110 = tpu.vector_load %arg12[%swap3A_1107, %swap3A_1108, %swap3A_1109] {strides = array<i32>} : memref<2x16x768xf32, #tpu.memory_space<vmem>>, vector<16xf32>,
      tpu.vector_store %arg12[%swap3A_1107, %swap3A_1108, %swap3A_1109], %add3A_1105 {strides = array<i32>} : memref<2x16x768xf32, #tpu.memory_space<vmem>>, vector<16xf32>,
      %get3A_1111 = arith.constant 1 : i32
      %get3A_1112 = arith.index_cast %get3A_1111 : i32 to index
      %get3A_1113 = arith.index_cast %scan3A_299 : i32 to index
      %get3A_1114 = arith.constant 720 : index
      %get3A_1115 = tpu.vector_load %arg10[%get3A_1112, %get3A_1113, %get3A_1114] {strides = array<i32>} : memref<2x16x768xf32, #tpu.memory_space<vmem>>, vector<16xf32>,
      %mul3A_1116 = arith.mulf %get3A_1115, %gather3A : vector<16xf32>
      %get3A_1117 = arith.constant 1 : i32
      %get3A_1118 = arith.index_cast %get3A_1117 : i32 to index
      %get3A_1119 = arith.index_cast %scan3A_299 : i32 to index
      %get3A_1120 = arith.constant 720 : index
      %get3A_1121 = tpu.vector_load %arg11[%get3A_1118, %get3A_1119, %get3A_1120] {strides = array<i32>} : memref<2x16x768xf32, #tpu.memory_space<vmem>>, vector<16xf32>,
      %mul3A_1122 = arith.mulf %get3A_1121, %gather3A_302 : vector<16xf32>
      %add3A_1123 = arith.addf %mul3A_1116, %mul3A_1122 : vector<16xf32>
      %swap3A_1124 = arith.constant 1 : i32
      %swap3A_1125 = arith.index_cast %swap3A_1124 : i32 to index
      %swap3A_1126 = arith.index_cast %scan3A_299 : i32 to index
      %swap3A_1127 = arith.constant 720 : index
      %swap3A_1128 = tpu.vector_load %arg12[%swap3A_1125, %swap3A_1126, %swap3A_1127] {strides = array<i32>} : memref<2x16x768xf32, #tpu.memory_space<vmem>>, vector<16xf32>,
      tpu.vector_store %arg12[%swap3A_1125, %swap3A_1126, %swap3A_1127], %add3A_1123 {strides = array<i32>} : memref<2x16x768xf32, #tpu.memory_space<vmem>>, vector<16xf32>,
      %get3A_1129 = arith.constant 1 : i32
      %get3A_1130 = arith.index_cast %get3A_1129 : i32 to index
      %get3A_1131 = arith.index_cast %scan3A_299 : i32 to index
      %get3A_1132 = arith.constant 736 : index
      %get3A_1133 = tpu.vector_load %arg10[%get3A_1130, %get3A_1131, %get3A_1132] {strides = array<i32>} : memref<2x16x768xf32, #tpu.memory_space<vmem>>, vector<16xf32>,
      %mul3A_1134 = arith.mulf %get3A_1133, %gather3A : vector<16xf32>
      %get3A_1135 = arith.constant 1 : i32
      %get3A_1136 = arith.index_cast %get3A_1135 : i32 to index
      %get3A_1137 = arith.index_cast %scan3A_299 : i32 to index
      %get3A_1138 = arith.constant 736 : index
      %get3A_1139 = tpu.vector_load %arg11[%get3A_1136, %get3A_1137, %get3A_1138] {strides = array<i32>} : memref<2x16x768xf32, #tpu.memory_space<vmem>>, vector<16xf32>,
      %mul3A_1140 = arith.mulf %get3A_1139, %gather3A_302 : vector<16xf32>
      %add3A_1141 = arith.addf %mul3A_1134, %mul3A_1140 : vector<16xf32>
      %swap3A_1142 = arith.constant 1 : i32
      %swap3A_1143 = arith.index_cast %swap3A_1142 : i32 to index
      %swap3A_1144 = arith.index_cast %scan3A_299 : i32 to index
      %swap3A_1145 = arith.constant 736 : index
      %swap3A_1146 = tpu.vector_load %arg12[%swap3A_1143, %swap3A_1144, %swap3A_1145] {strides = array<i32>} : memref<2x16x768xf32, #tpu.memory_space<vmem>>, vector<16xf32>,
      tpu.vector_store %arg12[%swap3A_1143, %swap3A_1144, %swap3A_1145], %add3A_1141 {strides = array<i32>} : memref<2x16x768xf32, #tpu.memory_space<vmem>>, vector<16xf32>,
      %get3A_1147 = arith.constant 1 : i32
      %get3A_1148 = arith.index_cast %get3A_1147 : i32 to index
      %get3A_1149 = arith.index_cast %scan3A_299 : i32 to index
      %get3A_1150 = arith.constant 752 : index
      %get3A_1151 = tpu.vector_load %arg10[%get3A_1148, %get3A_1149, %get3A_1150] {strides = array<i32>} : memref<2x16x768xf32, #tpu.memory_space<vmem>>, vector<16xf32>,
      %mul3A_1152 = arith.mulf %get3A_1151, %gather3A : vector<16xf32>
      %get3A_1153 = arith.constant 1 : i32
      %get3A_1154 = arith.index_cast %get3A_1153 : i32 to index
      %get3A_1155 = arith.index_cast %scan3A_299 : i32 to index
      %get3A_1156 = arith.constant 752 : index
      %get3A_1157 = tpu.vector_load %arg11[%get3A_1154, %get3A_1155, %get3A_1156] {strides = array<i32>} : memref<2x16x768xf32, #tpu.memory_space<vmem>>, vector<16xf32>,
      %mul3A_1158 = arith.mulf %get3A_1157, %gather3A_302 : vector<16xf32>
      %add3A_1159 = arith.addf %mul3A_1152, %mul3A_1158 : vector<16xf32>
      %swap3A_1160 = arith.constant 1 : i32
      %swap3A_1161 = arith.index_cast %swap3A_1160 : i32 to index
      %swap3A_1162 = arith.index_cast %scan3A_299 : i32 to index
      %swap3A_1163 = arith.constant 752 : index
      %swap3A_1164 = tpu.vector_load %arg12[%swap3A_1161, %swap3A_1162, %swap3A_1163] {strides = array<i32>} : memref<2x16x768xf32, #tpu.memory_space<vmem>>, vector<16xf32>,
      tpu.vector_store %arg12[%swap3A_1161, %swap3A_1162, %swap3A_1163], %add3A_1159 {strides = array<i32>} : memref<2x16x768xf32, #tpu.memory_space<vmem>>, vector<16xf32>,
    }
    %scan3A_129 = arith.constant 16 : i32
    %add3A_130 = arith.constant 16 : i32
    %add3A_131 = arith.addi %mul3A_2, %add3A_130 : i32
    %dma_start3A_132 = arith.constant 1 : i32
    %dma_start3A_133 = arith.constant 0 : i32
    %dma_start3A_134 = arith.constant 0 : i32
    %dma_start3A_135 = tpu.memref_slice %arg12[%dma_start3A_132, %dma_start3A_133, %dma_start3A_134] : memref<2x16x768xf32, #tpu.memory_space<vmem>> -> memref<1x16x768xf32, #tpu.memory_space<vmem>>
    %dma_start3A_136 = tpu.memref_squeeze %dma_start3A_135 : memref<1x16x768xf32, #tpu.memory_space<vmem>> -> memref<16x768xf32, #tpu.memory_space<vmem>>
    %dma_start3A_137 = arith.constant 0 : i32
    %dma_start3A_138 = tpu.memref_slice %arg5[%add3A_131, %dma_start3A_137] : memref<2048x768xf32, #tpu.memory_space<hbm>> -> memref<16x768xf32, #tpu.memory_space<hbm>>
    %dma_start3A_139 = arith.constant 0 : i32
    %dma_start3A_140 = tpu.memref_slice %arg5[%add3A_131, %dma_start3A_139] : memref<2048x768xf32, #tpu.memory_space<hbm>> -> memref<16x768xf32, #tpu.memory_space<hbm>>
    %dma_start3A_141 = arith.constant 0 : i32
    %dma_start3A_142 = arith.constant 0 : i32
    %dma_start3A_143 = tpu.memref_slice %arg12[%dma_start3A_132, %dma_start3A_141, %dma_start3A_142] : memref<2x16x768xf32, #tpu.memory_space<vmem>> -> memref<1x16x768xf32, #tpu.memory_space<vmem>>
    %dma_start3A_144 = tpu.memref_squeeze %dma_start3A_143 : memref<1x16x768xf32, #tpu.memory_space<vmem>> -> memref<16x768xf32, #tpu.memory_space<vmem>>
    tpu.enqueue_dma source(%dma_start3A_144 : memref<16x768xf32, #tpu.memory_space<vmem>>) target(%dma_start3A_140 : memref<16x768xf32, #tpu.memory_space<hbm>>) target_semaphore(%arg14 : memref<!tpu.dma_semaphore, #tpu.memory_space<semaphore_mem>>)
    %dma_wait3A_145 = arith.constant 0 : i32
    %dma_wait3A_146 = arith.constant 0 : i32
    %dma_wait3A_147 = arith.constant 0 : i32
    %dma_wait3A_148 = tpu.memref_slice %arg10[%dma_wait3A_145, %dma_wait3A_146, %dma_wait3A_147] : memref<2x16x768xf32, #tpu.memory_space<vmem>> -> memref<1x16x768xf32, #tpu.memory_space<vmem>>
    %dma_wait3A_149 = tpu.memref_squeeze %dma_wait3A_148 : memref<1x16x768xf32, #tpu.memory_space<vmem>> -> memref<16x768xf32, #tpu.memory_space<vmem>>
    %dma_wait3A_150 = arith.constant 32 : i32
    %dma_wait3A_151 = tpu.memref_slice %arg8[%dma_wait3A_150] : memref<64xi32, #tpu.memory_space<vmem>> -> memref<16xi32, #tpu.memory_space<vmem>>
    %dma_wait3A_152 = arith.constant 0 : i32
    %dma_wait3A_153 = arith.constant 0 : i32
    %dma_wait3A_154 = tpu.memref_slice %arg2[%dma_wait3A_152, %dma_wait3A_153] : memref<12288x768xf32, #tpu.memory_space<hbm>> -> memref<12288x768xf32, #tpu.memory_space<hbm>>
    tpu.wait_indirect_dma semaphore(%arg13 : memref<!tpu.dma_semaphore, #tpu.memory_space<semaphore_mem>>) src(%dma_wait3A_154 : memref<12288x768xf32, #tpu.memory_space<hbm>>) dst(%dma_wait3A_149 : memref<16x768xf32, #tpu.memory_space<vmem>>)
    %dma_wait3A_155 = arith.constant 0 : i32
    %dma_wait3A_156 = arith.constant 0 : i32
    %dma_wait3A_157 = arith.constant 0 : i32
    %dma_wait3A_158 = tpu.memref_slice %arg11[%dma_wait3A_155, %dma_wait3A_156, %dma_wait3A_157] : memref<2x16x768xf32, #tpu.memory_space<vmem>> -> memref<1x16x768xf32, #tpu.memory_space<vmem>>
    %dma_wait3A_159 = tpu.memref_squeeze %dma_wait3A_158 : memref<1x16x768xf32, #tpu.memory_space<vmem>> -> memref<16x768xf32, #tpu.memory_space<vmem>>
    %dma_wait3A_160 = arith.constant 32 : i32
    %dma_wait3A_161 = tpu.memref_slice %arg9[%dma_wait3A_160] : memref<64xi32, #tpu.memory_space<vmem>> -> memref<16xi32, #tpu.memory_space<vmem>>
    %dma_wait3A_162 = arith.constant 0 : i32
    %dma_wait3A_163 = arith.constant 0 : i32
    %dma_wait3A_164 = tpu.memref_slice %arg2[%dma_wait3A_162, %dma_wait3A_163] : memref<12288x768xf32, #tpu.memory_space<hbm>> -> memref<12288x768xf32, #tpu.memory_space<hbm>>
    tpu.wait_indirect_dma semaphore(%arg13 : memref<!tpu.dma_semaphore, #tpu.memory_space<semaphore_mem>>) src(%dma_wait3A_164 : memref<12288x768xf32, #tpu.memory_space<hbm>>) dst(%dma_wait3A_159 : memref<16x768xf32, #tpu.memory_space<vmem>>)
    %dma_start3A_165 = arith.constant 1 : i32
    %dma_start3A_166 = arith.constant 0 : i32
    %dma_start3A_167 = arith.constant 0 : i32
    %dma_start3A_168 = tpu.memref_slice %arg10[%dma_start3A_165, %dma_start3A_166, %dma_start3A_167] : memref<2x16x768xf32, #tpu.memory_space<vmem>> -> memref<1x16x768xf32, #tpu.memory_space<vmem>>
    %dma_start3A_169 = tpu.memref_squeeze %dma_start3A_168 : memref<1x16x768xf32, #tpu.memory_space<vmem>> -> memref<16x768xf32, #tpu.memory_space<vmem>>
    %dma_start3A_170 = arith.constant 48 : i32
    %dma_start3A_171 = tpu.memref_slice %arg8[%dma_start3A_170] : memref<64xi32, #tpu.memory_space<vmem>> -> memref<16xi32, #tpu.memory_space<vmem>>
    %dma_start3A_172 = arith.constant 0 : i32
    %dma_start3A_173 = arith.constant 0 : i32
    %dma_start3A_174 = tpu.memref_slice %arg2[%dma_start3A_172, %dma_start3A_173] : memref<12288x768xf32, #tpu.memory_space<hbm>> -> memref<12288x768xf32, #tpu.memory_space<hbm>>
    tpu.enqueue_indirect_dma source(%dma_start3A_174 : memref<12288x768xf32, #tpu.memory_space<hbm>>) target(%dma_start3A_169 : memref<16x768xf32, #tpu.memory_space<vmem>>) offsets(%dma_start3A_171 : memref<16xi32, #tpu.memory_space<vmem>>) semaphore(%arg13 : memref<!tpu.dma_semaphore, #tpu.memory_space<semaphore_mem>>)
    %dma_start3A_175 = arith.constant 1 : i32
    %dma_start3A_176 = arith.constant 0 : i32
    %dma_start3A_177 = arith.constant 0 : i32
    %dma_start3A_178 = tpu.memref_slice %arg11[%dma_start3A_175, %dma_start3A_176, %dma_start3A_177] : memref<2x16x768xf32, #tpu.memory_space<vmem>> -> memref<1x16x768xf32, #tpu.memory_space<vmem>>
    %dma_start3A_179 = tpu.memref_squeeze %dma_start3A_178 : memref<1x16x768xf32, #tpu.memory_space<vmem>> -> memref<16x768xf32, #tpu.memory_space<vmem>>
    %dma_start3A_180 = arith.constant 48 : i32
    %dma_start3A_181 = tpu.memref_slice %arg9[%dma_start3A_180] : memref<64xi32, #tpu.memory_space<vmem>> -> memref<16xi32, #tpu.memory_space<vmem>>
    %dma_start3A_182 = arith.constant 0 : i32
    %dma_start3A_183 = arith.constant 0 : i32
    %dma_start3A_184 = tpu.memref_slice %arg2[%dma_start3A_182, %dma_start3A_183] : memref<12288x768xf32, #tpu.memory_space<hbm>> -> memref<12288x768xf32, #tpu.memory_space<hbm>>
    tpu.enqueue_indirect_dma source(%dma_start3A_184 : memref<12288x768xf32, #tpu.memory_space<hbm>>) target(%dma_start3A_179 : memref<16x768xf32, #tpu.memory_space<vmem>>) offsets(%dma_start3A_181 : memref<16xi32, #tpu.memory_space<vmem>>) semaphore(%arg13 : memref<!tpu.dma_semaphore, #tpu.memory_space<semaphore_mem>>)
    %dma_wait3A_185 = arith.constant 0 : i32
    %dma_wait3A_186 = arith.constant 0 : i32
    %dma_wait3A_187 = arith.constant 0 : i32
    %dma_wait3A_188 = tpu.memref_slice %arg12[%dma_wait3A_185, %dma_wait3A_186, %dma_wait3A_187] : memref<2x16x768xf32, #tpu.memory_space<vmem>> -> memref<1x16x768xf32, #tpu.memory_space<vmem>>
    %dma_wait3A_189 = tpu.memref_squeeze %dma_wait3A_188 : memref<1x16x768xf32, #tpu.memory_space<vmem>> -> memref<16x768xf32, #tpu.memory_space<vmem>>
    %dma_wait3A_190 = arith.constant 0 : i32
    %dma_wait3A_191 = tpu.memref_slice %arg5[%add3A_70, %dma_wait3A_190] : memref<2048x768xf32, #tpu.memory_space<hbm>> -> memref<16x768xf32, #tpu.memory_space<hbm>>
    %dma_wait3A_192 = arith.constant 0 : i32
    %dma_wait3A_193 = tpu.memref_slice %arg5[%add3A_70, %dma_wait3A_192] : memref<2048x768xf32, #tpu.memory_space<hbm>> -> memref<16x768xf32, #tpu.memory_space<hbm>>
    %dma_wait3A_194 = arith.constant 0 : i32
    %dma_wait3A_195 = arith.constant 0 : i32
    %dma_wait3A_196 = tpu.memref_slice %arg12[%dma_wait3A_185, %dma_wait3A_194, %dma_wait3A_195] : memref<2x16x768xf32, #tpu.memory_space<vmem>> -> memref<1x16x768xf32, #tpu.memory_space<vmem>>
    %dma_wait3A_197 = tpu.memref_squeeze %dma_wait3A_196 : memref<1x16x768xf32, #tpu.memory_space<vmem>> -> memref<16x768xf32, #tpu.memory_space<vmem>>
    tpu.wait_dma2 semaphore(%arg14 : memref<!tpu.dma_semaphore, #tpu.memory_space<semaphore_mem>>) src(%dma_wait3A_197 : memref<16x768xf32, #tpu.memory_space<vmem>>) dst(%dma_wait3A_193 : memref<16x768xf32, #tpu.memory_space<hbm>>)
    %scan3A_198 = arith.constant 0 : i32
    %scan3A_199 = arith.constant 0 : i32
    %scan3A_200 = arith.constant 16 : i32
    %scan3A_201 = arith.addi %scan3A_199, %scan3A_200 : i32
    %scan3A_202 = arith.constant 1 : i32
    scf.for %scan3A_299 = %scan3A_199 to %scan3A_201 step %scan3A_202  : i32 {
      %add3A_300 = arith.constant 32 : i32
      %add3A_301 = arith.addi %add3A_300, %scan3A_299 : i32
      %broadcast_in_dim3A = vector.broadcast %add3A_301 : i32 to vector<16xi32>
      %gather3A = tpu.vector_load_idx %arg6[%broadcast_in_dim3A] : memref<64xf32, #tpu.memory_space<vmem>>[vector<16xi32>], vector<16xf32>,
      %gather3A_302 = tpu.vector_load_idx %arg7[%broadcast_in_dim3A] : memref<64xf32, #tpu.memory_space<vmem>>[vector<16xi32>], vector<16xf32>,
      %get3A = arith.constant 0 : i32
      %get3A_303 = arith.index_cast %get3A : i32 to index
      %get3A_304 = arith.index_cast %scan3A_299 : i32 to index
      %get3A_305 = arith.constant 0 : index
      %get3A_306 = tpu.vector_load %arg10[%get3A_303, %get3A_304, %get3A_305] {strides = array<i32>} : memref<2x16x768xf32, #tpu.memory_space<vmem>>, vector<16xf32>,
      %mul3A_307 = arith.mulf %get3A_306, %gather3A : vector<16xf32>
      %get3A_308 = arith.constant 0 : i32
      %get3A_309 = arith.index_cast %get3A_308 : i32 to index
      %get3A_310 = arith.index_cast %scan3A_299 : i32 to index
      %get3A_311 = arith.constant 0 : index
      %get3A_312 = tpu.vector_load %arg11[%get3A_309, %get3A_310, %get3A_311] {strides = array<i32>} : memref<2x16x768xf32, #tpu.memory_space<vmem>>, vector<16xf32>,
      %mul3A_313 = arith.mulf %get3A_312, %gather3A_302 : vector<16xf32>
      %add3A_314 = arith.addf %mul3A_307, %mul3A_313 : vector<16xf32>
      %swap3A = arith.constant 0 : i32
      %swap3A_315 = arith.index_cast %swap3A : i32 to index
      %swap3A_316 = arith.index_cast %scan3A_299 : i32 to index
      %swap3A_317 = arith.constant 0 : index
      %swap3A_318 = tpu.vector_load %arg12[%swap3A_315, %swap3A_316, %swap3A_317] {strides = array<i32>} : memref<2x16x768xf32, #tpu.memory_space<vmem>>, vector<16xf32>,
      tpu.vector_store %arg12[%swap3A_315, %swap3A_316, %swap3A_317], %add3A_314 {strides = array<i32>} : memref<2x16x768xf32, #tpu.memory_space<vmem>>, vector<16xf32>,
      %get3A_319 = arith.constant 0 : i32
      %get3A_320 = arith.index_cast %get3A_319 : i32 to index
      %get3A_321 = arith.index_cast %scan3A_299 : i32 to index
      %get3A_322 = arith.constant 16 : index
      %get3A_323 = tpu.vector_load %arg10[%get3A_320, %get3A_321, %get3A_322] {strides = array<i32>} : memref<2x16x768xf32, #tpu.memory_space<vmem>>, vector<16xf32>,
      %mul3A_324 = arith.mulf %get3A_323, %gather3A : vector<16xf32>
      %get3A_325 = arith.constant 0 : i32
      %get3A_326 = arith.index_cast %get3A_325 : i32 to index
      %get3A_327 = arith.index_cast %scan3A_299 : i32 to index
      %get3A_328 = arith.constant 16 : index
      %get3A_329 = tpu.vector_load %arg11[%get3A_326, %get3A_327, %get3A_328] {strides = array<i32>} : memref<2x16x768xf32, #tpu.memory_space<vmem>>, vector<16xf32>,
      %mul3A_330 = arith.mulf %get3A_329, %gather3A_302 : vector<16xf32>
      %add3A_331 = arith.addf %mul3A_324, %mul3A_330 : vector<16xf32>
      %swap3A_332 = arith.constant 0 : i32
      %swap3A_333 = arith.index_cast %swap3A_332 : i32 to index
      %swap3A_334 = arith.index_cast %scan3A_299 : i32 to index
      %swap3A_335 = arith.constant 16 : index
      %swap3A_336 = tpu.vector_load %arg12[%swap3A_333, %swap3A_334, %swap3A_335] {strides = array<i32>} : memref<2x16x768xf32, #tpu.memory_space<vmem>>, vector<16xf32>,
      tpu.vector_store %arg12[%swap3A_333, %swap3A_334, %swap3A_335], %add3A_331 {strides = array<i32>} : memref<2x16x768xf32, #tpu.memory_space<vmem>>, vector<16xf32>,
      %get3A_337 = arith.constant 0 : i32
      %get3A_338 = arith.index_cast %get3A_337 : i32 to index
      %get3A_339 = arith.index_cast %scan3A_299 : i32 to index
      %get3A_340 = arith.constant 32 : index
      %get3A_341 = tpu.vector_load %arg10[%get3A_338, %get3A_339, %get3A_340] {strides = array<i32>} : memref<2x16x768xf32, #tpu.memory_space<vmem>>, vector<16xf32>,
      %mul3A_342 = arith.mulf %get3A_341, %gather3A : vector<16xf32>
      %get3A_343 = arith.constant 0 : i32
      %get3A_344 = arith.index_cast %get3A_343 : i32 to index
      %get3A_345 = arith.index_cast %scan3A_299 : i32 to index
      %get3A_346 = arith.constant 32 : index
      %get3A_347 = tpu.vector_load %arg11[%get3A_344, %get3A_345, %get3A_346] {strides = array<i32>} : memref<2x16x768xf32, #tpu.memory_space<vmem>>, vector<16xf32>,
      %mul3A_348 = arith.mulf %get3A_347, %gather3A_302 : vector<16xf32>
      %add3A_349 = arith.addf %mul3A_342, %mul3A_348 : vector<16xf32>
      %swap3A_350 = arith.constant 0 : i32
      %swap3A_351 = arith.index_cast %swap3A_350 : i32 to index
      %swap3A_352 = arith.index_cast %scan3A_299 : i32 to index
      %swap3A_353 = arith.constant 32 : index
      %swap3A_354 = tpu.vector_load %arg12[%swap3A_351, %swap3A_352, %swap3A_353] {strides = array<i32>} : memref<2x16x768xf32, #tpu.memory_space<vmem>>, vector<16xf32>,
      tpu.vector_store %arg12[%swap3A_351, %swap3A_352, %swap3A_353], %add3A_349 {strides = array<i32>} : memref<2x16x768xf32, #tpu.memory_space<vmem>>, vector<16xf32>,
      %get3A_355 = arith.constant 0 : i32
      %get3A_356 = arith.index_cast %get3A_355 : i32 to index
      %get3A_357 = arith.index_cast %scan3A_299 : i32 to index
      %get3A_358 = arith.constant 48 : index
      %get3A_359 = tpu.vector_load %arg10[%get3A_356, %get3A_357, %get3A_358] {strides = array<i32>} : memref<2x16x768xf32, #tpu.memory_space<vmem>>, vector<16xf32>,
      %mul3A_360 = arith.mulf %get3A_359, %gather3A : vector<16xf32>
      %get3A_361 = arith.constant 0 : i32
      %get3A_362 = arith.index_cast %get3A_361 : i32 to index
      %get3A_363 = arith.index_cast %scan3A_299 : i32 to index
      %get3A_364 = arith.constant 48 : index
      %get3A_365 = tpu.vector_load %arg11[%get3A_362, %get3A_363, %get3A_364] {strides = array<i32>} : memref<2x16x768xf32, #tpu.memory_space<vmem>>, vector<16xf32>,
      %mul3A_366 = arith.mulf %get3A_365, %gather3A_302 : vector<16xf32>
      %add3A_367 = arith.addf %mul3A_360, %mul3A_366 : vector<16xf32>
      %swap3A_368 = arith.constant 0 : i32
      %swap3A_369 = arith.index_cast %swap3A_368 : i32 to index
      %swap3A_370 = arith.index_cast %scan3A_299 : i32 to index
      %swap3A_371 = arith.constant 48 : index
      %swap3A_372 = tpu.vector_load %arg12[%swap3A_369, %swap3A_370, %swap3A_371] {strides = array<i32>} : memref<2x16x768xf32, #tpu.memory_space<vmem>>, vector<16xf32>,
      tpu.vector_store %arg12[%swap3A_369, %swap3A_370, %swap3A_371], %add3A_367 {strides = array<i32>} : memref<2x16x768xf32, #tpu.memory_space<vmem>>, vector<16xf32>,
      %get3A_373 = arith.constant 0 : i32
      %get3A_374 = arith.index_cast %get3A_373 : i32 to index
      %get3A_375 = arith.index_cast %scan3A_299 : i32 to index
      %get3A_376 = arith.constant 64 : index
      %get3A_377 = tpu.vector_load %arg10[%get3A_374, %get3A_375, %get3A_376] {strides = array<i32>} : memref<2x16x768xf32, #tpu.memory_space<vmem>>, vector<16xf32>,
      %mul3A_378 = arith.mulf %get3A_377, %gather3A : vector<16xf32>
      %get3A_379 = arith.constant 0 : i32
      %get3A_380 = arith.index_cast %get3A_379 : i32 to index
      %get3A_381 = arith.index_cast %scan3A_299 : i32 to index
      %get3A_382 = arith.constant 64 : index
      %get3A_383 = tpu.vector_load %arg11[%get3A_380, %get3A_381, %get3A_382] {strides = array<i32>} : memref<2x16x768xf32, #tpu.memory_space<vmem>>, vector<16xf32>,
      %mul3A_384 = arith.mulf %get3A_383, %gather3A_302 : vector<16xf32>
      %add3A_385 = arith.addf %mul3A_378, %mul3A_384 : vector<16xf32>
      %swap3A_386 = arith.constant 0 : i32
      %swap3A_387 = arith.index_cast %swap3A_386 : i32 to index
      %swap3A_388 = arith.index_cast %scan3A_299 : i32 to index
      %swap3A_389 = arith.constant 64 : index
      %swap3A_390 = tpu.vector_load %arg12[%swap3A_387, %swap3A_388, %swap3A_389] {strides = array<i32>} : memref<2x16x768xf32, #tpu.memory_space<vmem>>, vector<16xf32>,
      tpu.vector_store %arg12[%swap3A_387, %swap3A_388, %swap3A_389], %add3A_385 {strides = array<i32>} : memref<2x16x768xf32, #tpu.memory_space<vmem>>, vector<16xf32>,
      %get3A_391 = arith.constant 0 : i32
      %get3A_392 = arith.index_cast %get3A_391 : i32 to index
      %get3A_393 = arith.index_cast %scan3A_299 : i32 to index
      %get3A_394 = arith.constant 80 : index
      %get3A_395 = tpu.vector_load %arg10[%get3A_392, %get3A_393, %get3A_394] {strides = array<i32>} : memref<2x16x768xf32, #tpu.memory_space<vmem>>, vector<16xf32>,
      %mul3A_396 = arith.mulf %get3A_395, %gather3A : vector<16xf32>
      %get3A_397 = arith.constant 0 : i32
      %get3A_398 = arith.index_cast %get3A_397 : i32 to index
      %get3A_399 = arith.index_cast %scan3A_299 : i32 to index
      %get3A_400 = arith.constant 80 : index
      %get3A_401 = tpu.vector_load %arg11[%get3A_398, %get3A_399, %get3A_400] {strides = array<i32>} : memref<2x16x768xf32, #tpu.memory_space<vmem>>, vector<16xf32>,
      %mul3A_402 = arith.mulf %get3A_401, %gather3A_302 : vector<16xf32>
      %add3A_403 = arith.addf %mul3A_396, %mul3A_402 : vector<16xf32>
      %swap3A_404 = arith.constant 0 : i32
      %swap3A_405 = arith.index_cast %swap3A_404 : i32 to index
      %swap3A_406 = arith.index_cast %scan3A_299 : i32 to index
      %swap3A_407 = arith.constant 80 : index
      %swap3A_408 = tpu.vector_load %arg12[%swap3A_405, %swap3A_406, %swap3A_407] {strides = array<i32>} : memref<2x16x768xf32, #tpu.memory_space<vmem>>, vector<16xf32>,
      tpu.vector_store %arg12[%swap3A_405, %swap3A_406, %swap3A_407], %add3A_403 {strides = array<i32>} : memref<2x16x768xf32, #tpu.memory_space<vmem>>, vector<16xf32>,
      %get3A_409 = arith.constant 0 : i32
      %get3A_410 = arith.index_cast %get3A_409 : i32 to index
      %get3A_411 = arith.index_cast %scan3A_299 : i32 to index
      %get3A_412 = arith.constant 96 : index
      %get3A_413 = tpu.vector_load %arg10[%get3A_410, %get3A_411, %get3A_412] {strides = array<i32>} : memref<2x16x768xf32, #tpu.memory_space<vmem>>, vector<16xf32>,
      %mul3A_414 = arith.mulf %get3A_413, %gather3A : vector<16xf32>
      %get3A_415 = arith.constant 0 : i32
      %get3A_416 = arith.index_cast %get3A_415 : i32 to index
      %get3A_417 = arith.index_cast %scan3A_299 : i32 to index
      %get3A_418 = arith.constant 96 : index
      %get3A_419 = tpu.vector_load %arg11[%get3A_416, %get3A_417, %get3A_418] {strides = array<i32>} : memref<2x16x768xf32, #tpu.memory_space<vmem>>, vector<16xf32>,
      %mul3A_420 = arith.mulf %get3A_419, %gather3A_302 : vector<16xf32>
      %add3A_421 = arith.addf %mul3A_414, %mul3A_420 : vector<16xf32>
      %swap3A_422 = arith.constant 0 : i32
      %swap3A_423 = arith.index_cast %swap3A_422 : i32 to index
      %swap3A_424 = arith.index_cast %scan3A_299 : i32 to index
      %swap3A_425 = arith.constant 96 : index
      %swap3A_426 = tpu.vector_load %arg12[%swap3A_423, %swap3A_424, %swap3A_425] {strides = array<i32>} : memref<2x16x768xf32, #tpu.memory_space<vmem>>, vector<16xf32>,
      tpu.vector_store %arg12[%swap3A_423, %swap3A_424, %swap3A_425], %add3A_421 {strides = array<i32>} : memref<2x16x768xf32, #tpu.memory_space<vmem>>, vector<16xf32>,
      %get3A_427 = arith.constant 0 : i32
      %get3A_428 = arith.index_cast %get3A_427 : i32 to index
      %get3A_429 = arith.index_cast %scan3A_299 : i32 to index
      %get3A_430 = arith.constant 112 : index
      %get3A_431 = tpu.vector_load %arg10[%get3A_428, %get3A_429, %get3A_430] {strides = array<i32>} : memref<2x16x768xf32, #tpu.memory_space<vmem>>, vector<16xf32>,
      %mul3A_432 = arith.mulf %get3A_431, %gather3A : vector<16xf32>
      %get3A_433 = arith.constant 0 : i32
      %get3A_434 = arith.index_cast %get3A_433 : i32 to index
      %get3A_435 = arith.index_cast %scan3A_299 : i32 to index
      %get3A_436 = arith.constant 112 : index
      %get3A_437 = tpu.vector_load %arg11[%get3A_434, %get3A_435, %get3A_436] {strides = array<i32>} : memref<2x16x768xf32, #tpu.memory_space<vmem>>, vector<16xf32>,
      %mul3A_438 = arith.mulf %get3A_437, %gather3A_302 : vector<16xf32>
      %add3A_439 = arith.addf %mul3A_432, %mul3A_438 : vector<16xf32>
      %swap3A_440 = arith.constant 0 : i32
      %swap3A_441 = arith.index_cast %swap3A_440 : i32 to index
      %swap3A_442 = arith.index_cast %scan3A_299 : i32 to index
      %swap3A_443 = arith.constant 112 : index
      %swap3A_444 = tpu.vector_load %arg12[%swap3A_441, %swap3A_442, %swap3A_443] {strides = array<i32>} : memref<2x16x768xf32, #tpu.memory_space<vmem>>, vector<16xf32>,
      tpu.vector_store %arg12[%swap3A_441, %swap3A_442, %swap3A_443], %add3A_439 {strides = array<i32>} : memref<2x16x768xf32, #tpu.memory_space<vmem>>, vector<16xf32>,
      %get3A_445 = arith.constant 0 : i32
      %get3A_446 = arith.index_cast %get3A_445 : i32 to index
      %get3A_447 = arith.index_cast %scan3A_299 : i32 to index
      %get3A_448 = arith.constant 128 : index
      %get3A_449 = tpu.vector_load %arg10[%get3A_446, %get3A_447, %get3A_448] {strides = array<i32>} : memref<2x16x768xf32, #tpu.memory_space<vmem>>, vector<16xf32>,
      %mul3A_450 = arith.mulf %get3A_449, %gather3A : vector<16xf32>
      %get3A_451 = arith.constant 0 : i32
      %get3A_452 = arith.index_cast %get3A_451 : i32 to index
      %get3A_453 = arith.index_cast %scan3A_299 : i32 to index
      %get3A_454 = arith.constant 128 : index
      %get3A_455 = tpu.vector_load %arg11[%get3A_452, %get3A_453, %get3A_454] {strides = array<i32>} : memref<2x16x768xf32, #tpu.memory_space<vmem>>, vector<16xf32>,
      %mul3A_456 = arith.mulf %get3A_455, %gather3A_302 : vector<16xf32>
      %add3A_457 = arith.addf %mul3A_450, %mul3A_456 : vector<16xf32>
      %swap3A_458 = arith.constant 0 : i32
      %swap3A_459 = arith.index_cast %swap3A_458 : i32 to index
      %swap3A_460 = arith.index_cast %scan3A_299 : i32 to index
      %swap3A_461 = arith.constant 128 : index
      %swap3A_462 = tpu.vector_load %arg12[%swap3A_459, %swap3A_460, %swap3A_461] {strides = array<i32>} : memref<2x16x768xf32, #tpu.memory_space<vmem>>, vector<16xf32>,
      tpu.vector_store %arg12[%swap3A_459, %swap3A_460, %swap3A_461], %add3A_457 {strides = array<i32>} : memref<2x16x768xf32, #tpu.memory_space<vmem>>, vector<16xf32>,
      %get3A_463 = arith.constant 0 : i32
      %get3A_464 = arith.index_cast %get3A_463 : i32 to index
      %get3A_465 = arith.index_cast %scan3A_299 : i32 to index
      %get3A_466 = arith.constant 144 : index
      %get3A_467 = tpu.vector_load %arg10[%get3A_464, %get3A_465, %get3A_466] {strides = array<i32>} : memref<2x16x768xf32, #tpu.memory_space<vmem>>, vector<16xf32>,
      %mul3A_468 = arith.mulf %get3A_467, %gather3A : vector<16xf32>
      %get3A_469 = arith.constant 0 : i32
      %get3A_470 = arith.index_cast %get3A_469 : i32 to index
      %get3A_471 = arith.index_cast %scan3A_299 : i32 to index
      %get3A_472 = arith.constant 144 : index
      %get3A_473 = tpu.vector_load %arg11[%get3A_470, %get3A_471, %get3A_472] {strides = array<i32>} : memref<2x16x768xf32, #tpu.memory_space<vmem>>, vector<16xf32>,
      %mul3A_474 = arith.mulf %get3A_473, %gather3A_302 : vector<16xf32>
      %add3A_475 = arith.addf %mul3A_468, %mul3A_474 : vector<16xf32>
      %swap3A_476 = arith.constant 0 : i32
      %swap3A_477 = arith.index_cast %swap3A_476 : i32 to index
      %swap3A_478 = arith.index_cast %scan3A_299 : i32 to index
      %swap3A_479 = arith.constant 144 : index
      %swap3A_480 = tpu.vector_load %arg12[%swap3A_477, %swap3A_478, %swap3A_479] {strides = array<i32>} : memref<2x16x768xf32, #tpu.memory_space<vmem>>, vector<16xf32>,
      tpu.vector_store %arg12[%swap3A_477, %swap3A_478, %swap3A_479], %add3A_475 {strides = array<i32>} : memref<2x16x768xf32, #tpu.memory_space<vmem>>, vector<16xf32>,
      %get3A_481 = arith.constant 0 : i32
      %get3A_482 = arith.index_cast %get3A_481 : i32 to index
      %get3A_483 = arith.index_cast %scan3A_299 : i32 to index
      %get3A_484 = arith.constant 160 : index
      %get3A_485 = tpu.vector_load %arg10[%get3A_482, %get3A_483, %get3A_484] {strides = array<i32>} : memref<2x16x768xf32, #tpu.memory_space<vmem>>, vector<16xf32>,
      %mul3A_486 = arith.mulf %get3A_485, %gather3A : vector<16xf32>
      %get3A_487 = arith.constant 0 : i32
      %get3A_488 = arith.index_cast %get3A_487 : i32 to index
      %get3A_489 = arith.index_cast %scan3A_299 : i32 to index
      %get3A_490 = arith.constant 160 : index
      %get3A_491 = tpu.vector_load %arg11[%get3A_488, %get3A_489, %get3A_490] {strides = array<i32>} : memref<2x16x768xf32, #tpu.memory_space<vmem>>, vector<16xf32>,
      %mul3A_492 = arith.mulf %get3A_491, %gather3A_302 : vector<16xf32>
      %add3A_493 = arith.addf %mul3A_486, %mul3A_492 : vector<16xf32>
      %swap3A_494 = arith.constant 0 : i32
      %swap3A_495 = arith.index_cast %swap3A_494 : i32 to index
      %swap3A_496 = arith.index_cast %scan3A_299 : i32 to index
      %swap3A_497 = arith.constant 160 : index
      %swap3A_498 = tpu.vector_load %arg12[%swap3A_495, %swap3A_496, %swap3A_497] {strides = array<i32>} : memref<2x16x768xf32, #tpu.memory_space<vmem>>, vector<16xf32>,
      tpu.vector_store %arg12[%swap3A_495, %swap3A_496, %swap3A_497], %add3A_493 {strides = array<i32>} : memref<2x16x768xf32, #tpu.memory_space<vmem>>, vector<16xf32>,
      %get3A_499 = arith.constant 0 : i32
      %get3A_500 = arith.index_cast %get3A_499 : i32 to index
      %get3A_501 = arith.index_cast %scan3A_299 : i32 to index
      %get3A_502 = arith.constant 176 : index
      %get3A_503 = tpu.vector_load %arg10[%get3A_500, %get3A_501, %get3A_502] {strides = array<i32>} : memref<2x16x768xf32, #tpu.memory_space<vmem>>, vector<16xf32>,
      %mul3A_504 = arith.mulf %get3A_503, %gather3A : vector<16xf32>
      %get3A_505 = arith.constant 0 : i32
      %get3A_506 = arith.index_cast %get3A_505 : i32 to index
      %get3A_507 = arith.index_cast %scan3A_299 : i32 to index
      %get3A_508 = arith.constant 176 : index
      %get3A_509 = tpu.vector_load %arg11[%get3A_506, %get3A_507, %get3A_508] {strides = array<i32>} : memref<2x16x768xf32, #tpu.memory_space<vmem>>, vector<16xf32>,
      %mul3A_510 = arith.mulf %get3A_509, %gather3A_302 : vector<16xf32>
      %add3A_511 = arith.addf %mul3A_504, %mul3A_510 : vector<16xf32>
      %swap3A_512 = arith.constant 0 : i32
      %swap3A_513 = arith.index_cast %swap3A_512 : i32 to index
      %swap3A_514 = arith.index_cast %scan3A_299 : i32 to index
      %swap3A_515 = arith.constant 176 : index
      %swap3A_516 = tpu.vector_load %arg12[%swap3A_513, %swap3A_514, %swap3A_515] {strides = array<i32>} : memref<2x16x768xf32, #tpu.memory_space<vmem>>, vector<16xf32>,
      tpu.vector_store %arg12[%swap3A_513, %swap3A_514, %swap3A_515], %add3A_511 {strides = array<i32>} : memref<2x16x768xf32, #tpu.memory_space<vmem>>, vector<16xf32>,
      %get3A_517 = arith.constant 0 : i32
      %get3A_518 = arith.index_cast %get3A_517 : i32 to index
      %get3A_519 = arith.index_cast %scan3A_299 : i32 to index
      %get3A_520 = arith.constant 192 : index
      %get3A_521 = tpu.vector_load %arg10[%get3A_518, %get3A_519, %get3A_520] {strides = array<i32>} : memref<2x16x768xf32, #tpu.memory_space<vmem>>, vector<16xf32>,
      %mul3A_522 = arith.mulf %get3A_521, %gather3A : vector<16xf32>
      %get3A_523 = arith.constant 0 : i32
      %get3A_524 = arith.index_cast %get3A_523 : i32 to index
      %get3A_525 = arith.index_cast %scan3A_299 : i32 to index
      %get3A_526 = arith.constant 192 : index
      %get3A_527 = tpu.vector_load %arg11[%get3A_524, %get3A_525, %get3A_526] {strides = array<i32>} : memref<2x16x768xf32, #tpu.memory_space<vmem>>, vector<16xf32>,
      %mul3A_528 = arith.mulf %get3A_527, %gather3A_302 : vector<16xf32>
      %add3A_529 = arith.addf %mul3A_522, %mul3A_528 : vector<16xf32>
      %swap3A_530 = arith.constant 0 : i32
      %swap3A_531 = arith.index_cast %swap3A_530 : i32 to index
      %swap3A_532 = arith.index_cast %scan3A_299 : i32 to index
      %swap3A_533 = arith.constant 192 : index
      %swap3A_534 = tpu.vector_load %arg12[%swap3A_531, %swap3A_532, %swap3A_533] {strides = array<i32>} : memref<2x16x768xf32, #tpu.memory_space<vmem>>, vector<16xf32>,
      tpu.vector_store %arg12[%swap3A_531, %swap3A_532, %swap3A_533], %add3A_529 {strides = array<i32>} : memref<2x16x768xf32, #tpu.memory_space<vmem>>, vector<16xf32>,
      %get3A_535 = arith.constant 0 : i32
      %get3A_536 = arith.index_cast %get3A_535 : i32 to index
      %get3A_537 = arith.index_cast %scan3A_299 : i32 to index
      %get3A_538 = arith.constant 208 : index
      %get3A_539 = tpu.vector_load %arg10[%get3A_536, %get3A_537, %get3A_538] {strides = array<i32>} : memref<2x16x768xf32, #tpu.memory_space<vmem>>, vector<16xf32>,
      %mul3A_540 = arith.mulf %get3A_539, %gather3A : vector<16xf32>
      %get3A_541 = arith.constant 0 : i32
      %get3A_542 = arith.index_cast %get3A_541 : i32 to index
      %get3A_543 = arith.index_cast %scan3A_299 : i32 to index
      %get3A_544 = arith.constant 208 : index
      %get3A_545 = tpu.vector_load %arg11[%get3A_542, %get3A_543, %get3A_544] {strides = array<i32>} : memref<2x16x768xf32, #tpu.memory_space<vmem>>, vector<16xf32>,
      %mul3A_546 = arith.mulf %get3A_545, %gather3A_302 : vector<16xf32>
      %add3A_547 = arith.addf %mul3A_540, %mul3A_546 : vector<16xf32>
      %swap3A_548 = arith.constant 0 : i32
      %swap3A_549 = arith.index_cast %swap3A_548 : i32 to index
      %swap3A_550 = arith.index_cast %scan3A_299 : i32 to index
      %swap3A_551 = arith.constant 208 : index
      %swap3A_552 = tpu.vector_load %arg12[%swap3A_549, %swap3A_550, %swap3A_551] {strides = array<i32>} : memref<2x16x768xf32, #tpu.memory_space<vmem>>, vector<16xf32>,
      tpu.vector_store %arg12[%swap3A_549, %swap3A_550, %swap3A_551], %add3A_547 {strides = array<i32>} : memref<2x16x768xf32, #tpu.memory_space<vmem>>, vector<16xf32>,
      %get3A_553 = arith.constant 0 : i32
      %get3A_554 = arith.index_cast %get3A_553 : i32 to index
      %get3A_555 = arith.index_cast %scan3A_299 : i32 to index
      %get3A_556 = arith.constant 224 : index
      %get3A_557 = tpu.vector_load %arg10[%get3A_554, %get3A_555, %get3A_556] {strides = array<i32>} : memref<2x16x768xf32, #tpu.memory_space<vmem>>, vector<16xf32>,
      %mul3A_558 = arith.mulf %get3A_557, %gather3A : vector<16xf32>
      %get3A_559 = arith.constant 0 : i32
      %get3A_560 = arith.index_cast %get3A_559 : i32 to index
      %get3A_561 = arith.index_cast %scan3A_299 : i32 to index
      %get3A_562 = arith.constant 224 : index
      %get3A_563 = tpu.vector_load %arg11[%get3A_560, %get3A_561, %get3A_562] {strides = array<i32>} : memref<2x16x768xf32, #tpu.memory_space<vmem>>, vector<16xf32>,
      %mul3A_564 = arith.mulf %get3A_563, %gather3A_302 : vector<16xf32>
      %add3A_565 = arith.addf %mul3A_558, %mul3A_564 : vector<16xf32>
      %swap3A_566 = arith.constant 0 : i32
      %swap3A_567 = arith.index_cast %swap3A_566 : i32 to index
      %swap3A_568 = arith.index_cast %scan3A_299 : i32 to index
      %swap3A_569 = arith.constant 224 : index
      %swap3A_570 = tpu.vector_load %arg12[%swap3A_567, %swap3A_568, %swap3A_569] {strides = array<i32>} : memref<2x16x768xf32, #tpu.memory_space<vmem>>, vector<16xf32>,
      tpu.vector_store %arg12[%swap3A_567, %swap3A_568, %swap3A_569], %add3A_565 {strides = array<i32>} : memref<2x16x768xf32, #tpu.memory_space<vmem>>, vector<16xf32>,
      %get3A_571 = arith.constant 0 : i32
      %get3A_572 = arith.index_cast %get3A_571 : i32 to index
      %get3A_573 = arith.index_cast %scan3A_299 : i32 to index
      %get3A_574 = arith.constant 240 : index
      %get3A_575 = tpu.vector_load %arg10[%get3A_572, %get3A_573, %get3A_574] {strides = array<i32>} : memref<2x16x768xf32, #tpu.memory_space<vmem>>, vector<16xf32>,
      %mul3A_576 = arith.mulf %get3A_575, %gather3A : vector<16xf32>
      %get3A_577 = arith.constant 0 : i32
      %get3A_578 = arith.index_cast %get3A_577 : i32 to index
      %get3A_579 = arith.index_cast %scan3A_299 : i32 to index
      %get3A_580 = arith.constant 240 : index
      %get3A_581 = tpu.vector_load %arg11[%get3A_578, %get3A_579, %get3A_580] {strides = array<i32>} : memref<2x16x768xf32, #tpu.memory_space<vmem>>, vector<16xf32>,
      %mul3A_582 = arith.mulf %get3A_581, %gather3A_302 : vector<16xf32>
      %add3A_583 = arith.addf %mul3A_576, %mul3A_582 : vector<16xf32>
      %swap3A_584 = arith.constant 0 : i32
      %swap3A_585 = arith.index_cast %swap3A_584 : i32 to index
      %swap3A_586 = arith.index_cast %scan3A_299 : i32 to index
      %swap3A_587 = arith.constant 240 : index
      %swap3A_588 = tpu.vector_load %arg12[%swap3A_585, %swap3A_586, %swap3A_587] {strides = array<i32>} : memref<2x16x768xf32, #tpu.memory_space<vmem>>, vector<16xf32>,
      tpu.vector_store %arg12[%swap3A_585, %swap3A_586, %swap3A_587], %add3A_583 {strides = array<i32>} : memref<2x16x768xf32, #tpu.memory_space<vmem>>, vector<16xf32>,
      %get3A_589 = arith.constant 0 : i32
      %get3A_590 = arith.index_cast %get3A_589 : i32 to index
      %get3A_591 = arith.index_cast %scan3A_299 : i32 to index
      %get3A_592 = arith.constant 256 : index
      %get3A_593 = tpu.vector_load %arg10[%get3A_590, %get3A_591, %get3A_592] {strides = array<i32>} : memref<2x16x768xf32, #tpu.memory_space<vmem>>, vector<16xf32>,
      %mul3A_594 = arith.mulf %get3A_593, %gather3A : vector<16xf32>
      %get3A_595 = arith.constant 0 : i32
      %get3A_596 = arith.index_cast %get3A_595 : i32 to index
      %get3A_597 = arith.index_cast %scan3A_299 : i32 to index
      %get3A_598 = arith.constant 256 : index
      %get3A_599 = tpu.vector_load %arg11[%get3A_596, %get3A_597, %get3A_598] {strides = array<i32>} : memref<2x16x768xf32, #tpu.memory_space<vmem>>, vector<16xf32>,
      %mul3A_600 = arith.mulf %get3A_599, %gather3A_302 : vector<16xf32>
      %add3A_601 = arith.addf %mul3A_594, %mul3A_600 : vector<16xf32>
      %swap3A_602 = arith.constant 0 : i32
      %swap3A_603 = arith.index_cast %swap3A_602 : i32 to index
      %swap3A_604 = arith.index_cast %scan3A_299 : i32 to index
      %swap3A_605 = arith.constant 256 : index
      %swap3A_606 = tpu.vector_load %arg12[%swap3A_603, %swap3A_604, %swap3A_605] {strides = array<i32>} : memref<2x16x768xf32, #tpu.memory_space<vmem>>, vector<16xf32>,
      tpu.vector_store %arg12[%swap3A_603, %swap3A_604, %swap3A_605], %add3A_601 {strides = array<i32>} : memref<2x16x768xf32, #tpu.memory_space<vmem>>, vector<16xf32>,
      %get3A_607 = arith.constant 0 : i32
      %get3A_608 = arith.index_cast %get3A_607 : i32 to index
      %get3A_609 = arith.index_cast %scan3A_299 : i32 to index
      %get3A_610 = arith.constant 272 : index
      %get3A_611 = tpu.vector_load %arg10[%get3A_608, %get3A_609, %get3A_610] {strides = array<i32>} : memref<2x16x768xf32, #tpu.memory_space<vmem>>, vector<16xf32>,
      %mul3A_612 = arith.mulf %get3A_611, %gather3A : vector<16xf32>
      %get3A_613 = arith.constant 0 : i32
      %get3A_614 = arith.index_cast %get3A_613 : i32 to index
      %get3A_615 = arith.index_cast %scan3A_299 : i32 to index
      %get3A_616 = arith.constant 272 : index
      %get3A_617 = tpu.vector_load %arg11[%get3A_614, %get3A_615, %get3A_616] {strides = array<i32>} : memref<2x16x768xf32, #tpu.memory_space<vmem>>, vector<16xf32>,
      %mul3A_618 = arith.mulf %get3A_617, %gather3A_302 : vector<16xf32>
      %add3A_619 = arith.addf %mul3A_612, %mul3A_618 : vector<16xf32>
      %swap3A_620 = arith.constant 0 : i32
      %swap3A_621 = arith.index_cast %swap3A_620 : i32 to index
      %swap3A_622 = arith.index_cast %scan3A_299 : i32 to index
      %swap3A_623 = arith.constant 272 : index
      %swap3A_624 = tpu.vector_load %arg12[%swap3A_621, %swap3A_622, %swap3A_623] {strides = array<i32>} : memref<2x16x768xf32, #tpu.memory_space<vmem>>, vector<16xf32>,
      tpu.vector_store %arg12[%swap3A_621, %swap3A_622, %swap3A_623], %add3A_619 {strides = array<i32>} : memref<2x16x768xf32, #tpu.memory_space<vmem>>, vector<16xf32>,
      %get3A_625 = arith.constant 0 : i32
      %get3A_626 = arith.index_cast %get3A_625 : i32 to index
      %get3A_627 = arith.index_cast %scan3A_299 : i32 to index
      %get3A_628 = arith.constant 288 : index
      %get3A_629 = tpu.vector_load %arg10[%get3A_626, %get3A_627, %get3A_628] {strides = array<i32>} : memref<2x16x768xf32, #tpu.memory_space<vmem>>, vector<16xf32>,
      %mul3A_630 = arith.mulf %get3A_629, %gather3A : vector<16xf32>
      %get3A_631 = arith.constant 0 : i32
      %get3A_632 = arith.index_cast %get3A_631 : i32 to index
      %get3A_633 = arith.index_cast %scan3A_299 : i32 to index
      %get3A_634 = arith.constant 288 : index
      %get3A_635 = tpu.vector_load %arg11[%get3A_632, %get3A_633, %get3A_634] {strides = array<i32>} : memref<2x16x768xf32, #tpu.memory_space<vmem>>, vector<16xf32>,
      %mul3A_636 = arith.mulf %get3A_635, %gather3A_302 : vector<16xf32>
      %add3A_637 = arith.addf %mul3A_630, %mul3A_636 : vector<16xf32>
      %swap3A_638 = arith.constant 0 : i32
      %swap3A_639 = arith.index_cast %swap3A_638 : i32 to index
      %swap3A_640 = arith.index_cast %scan3A_299 : i32 to index
      %swap3A_641 = arith.constant 288 : index
      %swap3A_642 = tpu.vector_load %arg12[%swap3A_639, %swap3A_640, %swap3A_641] {strides = array<i32>} : memref<2x16x768xf32, #tpu.memory_space<vmem>>, vector<16xf32>,
      tpu.vector_store %arg12[%swap3A_639, %swap3A_640, %swap3A_641], %add3A_637 {strides = array<i32>} : memref<2x16x768xf32, #tpu.memory_space<vmem>>, vector<16xf32>,
      %get3A_643 = arith.constant 0 : i32
      %get3A_644 = arith.index_cast %get3A_643 : i32 to index
      %get3A_645 = arith.index_cast %scan3A_299 : i32 to index
      %get3A_646 = arith.constant 304 : index
      %get3A_647 = tpu.vector_load %arg10[%get3A_644, %get3A_645, %get3A_646] {strides = array<i32>} : memref<2x16x768xf32, #tpu.memory_space<vmem>>, vector<16xf32>,
      %mul3A_648 = arith.mulf %get3A_647, %gather3A : vector<16xf32>
      %get3A_649 = arith.constant 0 : i32
      %get3A_650 = arith.index_cast %get3A_649 : i32 to index
      %get3A_651 = arith.index_cast %scan3A_299 : i32 to index
      %get3A_652 = arith.constant 304 : index
      %get3A_653 = tpu.vector_load %arg11[%get3A_650, %get3A_651, %get3A_652] {strides = array<i32>} : memref<2x16x768xf32, #tpu.memory_space<vmem>>, vector<16xf32>,
      %mul3A_654 = arith.mulf %get3A_653, %gather3A_302 : vector<16xf32>
      %add3A_655 = arith.addf %mul3A_648, %mul3A_654 : vector<16xf32>
      %swap3A_656 = arith.constant 0 : i32
      %swap3A_657 = arith.index_cast %swap3A_656 : i32 to index
      %swap3A_658 = arith.index_cast %scan3A_299 : i32 to index
      %swap3A_659 = arith.constant 304 : index
      %swap3A_660 = tpu.vector_load %arg12[%swap3A_657, %swap3A_658, %swap3A_659] {strides = array<i32>} : memref<2x16x768xf32, #tpu.memory_space<vmem>>, vector<16xf32>,
      tpu.vector_store %arg12[%swap3A_657, %swap3A_658, %swap3A_659], %add3A_655 {strides = array<i32>} : memref<2x16x768xf32, #tpu.memory_space<vmem>>, vector<16xf32>,
      %get3A_661 = arith.constant 0 : i32
      %get3A_662 = arith.index_cast %get3A_661 : i32 to index
      %get3A_663 = arith.index_cast %scan3A_299 : i32 to index
      %get3A_664 = arith.constant 320 : index
      %get3A_665 = tpu.vector_load %arg10[%get3A_662, %get3A_663, %get3A_664] {strides = array<i32>} : memref<2x16x768xf32, #tpu.memory_space<vmem>>, vector<16xf32>,
      %mul3A_666 = arith.mulf %get3A_665, %gather3A : vector<16xf32>
      %get3A_667 = arith.constant 0 : i32
      %get3A_668 = arith.index_cast %get3A_667 : i32 to index
      %get3A_669 = arith.index_cast %scan3A_299 : i32 to index
      %get3A_670 = arith.constant 320 : index
      %get3A_671 = tpu.vector_load %arg11[%get3A_668, %get3A_669, %get3A_670] {strides = array<i32>} : memref<2x16x768xf32, #tpu.memory_space<vmem>>, vector<16xf32>,
      %mul3A_672 = arith.mulf %get3A_671, %gather3A_302 : vector<16xf32>
      %add3A_673 = arith.addf %mul3A_666, %mul3A_672 : vector<16xf32>
      %swap3A_674 = arith.constant 0 : i32
      %swap3A_675 = arith.index_cast %swap3A_674 : i32 to index
      %swap3A_676 = arith.index_cast %scan3A_299 : i32 to index
      %swap3A_677 = arith.constant 320 : index
      %swap3A_678 = tpu.vector_load %arg12[%swap3A_675, %swap3A_676, %swap3A_677] {strides = array<i32>} : memref<2x16x768xf32, #tpu.memory_space<vmem>>, vector<16xf32>,
      tpu.vector_store %arg12[%swap3A_675, %swap3A_676, %swap3A_677], %add3A_673 {strides = array<i32>} : memref<2x16x768xf32, #tpu.memory_space<vmem>>, vector<16xf32>,
      %get3A_679 = arith.constant 0 : i32
      %get3A_680 = arith.index_cast %get3A_679 : i32 to index
      %get3A_681 = arith.index_cast %scan3A_299 : i32 to index
      %get3A_682 = arith.constant 336 : index
      %get3A_683 = tpu.vector_load %arg10[%get3A_680, %get3A_681, %get3A_682] {strides = array<i32>} : memref<2x16x768xf32, #tpu.memory_space<vmem>>, vector<16xf32>,
      %mul3A_684 = arith.mulf %get3A_683, %gather3A : vector<16xf32>
      %get3A_685 = arith.constant 0 : i32
      %get3A_686 = arith.index_cast %get3A_685 : i32 to index
      %get3A_687 = arith.index_cast %scan3A_299 : i32 to index
      %get3A_688 = arith.constant 336 : index
      %get3A_689 = tpu.vector_load %arg11[%get3A_686, %get3A_687, %get3A_688] {strides = array<i32>} : memref<2x16x768xf32, #tpu.memory_space<vmem>>, vector<16xf32>,
      %mul3A_690 = arith.mulf %get3A_689, %gather3A_302 : vector<16xf32>
      %add3A_691 = arith.addf %mul3A_684, %mul3A_690 : vector<16xf32>
      %swap3A_692 = arith.constant 0 : i32
      %swap3A_693 = arith.index_cast %swap3A_692 : i32 to index
      %swap3A_694 = arith.index_cast %scan3A_299 : i32 to index
      %swap3A_695 = arith.constant 336 : index
      %swap3A_696 = tpu.vector_load %arg12[%swap3A_693, %swap3A_694, %swap3A_695] {strides = array<i32>} : memref<2x16x768xf32, #tpu.memory_space<vmem>>, vector<16xf32>,
      tpu.vector_store %arg12[%swap3A_693, %swap3A_694, %swap3A_695], %add3A_691 {strides = array<i32>} : memref<2x16x768xf32, #tpu.memory_space<vmem>>, vector<16xf32>,
      %get3A_697 = arith.constant 0 : i32
      %get3A_698 = arith.index_cast %get3A_697 : i32 to index
      %get3A_699 = arith.index_cast %scan3A_299 : i32 to index
      %get3A_700 = arith.constant 352 : index
      %get3A_701 = tpu.vector_load %arg10[%get3A_698, %get3A_699, %get3A_700] {strides = array<i32>} : memref<2x16x768xf32, #tpu.memory_space<vmem>>, vector<16xf32>,
      %mul3A_702 = arith.mulf %get3A_701, %gather3A : vector<16xf32>
      %get3A_703 = arith.constant 0 : i32
      %get3A_704 = arith.index_cast %get3A_703 : i32 to index
      %get3A_705 = arith.index_cast %scan3A_299 : i32 to index
      %get3A_706 = arith.constant 352 : index
      %get3A_707 = tpu.vector_load %arg11[%get3A_704, %get3A_705, %get3A_706] {strides = array<i32>} : memref<2x16x768xf32, #tpu.memory_space<vmem>>, vector<16xf32>,
      %mul3A_708 = arith.mulf %get3A_707, %gather3A_302 : vector<16xf32>
      %add3A_709 = arith.addf %mul3A_702, %mul3A_708 : vector<16xf32>
      %swap3A_710 = arith.constant 0 : i32
      %swap3A_711 = arith.index_cast %swap3A_710 : i32 to index
      %swap3A_712 = arith.index_cast %scan3A_299 : i32 to index
      %swap3A_713 = arith.constant 352 : index
      %swap3A_714 = tpu.vector_load %arg12[%swap3A_711, %swap3A_712, %swap3A_713] {strides = array<i32>} : memref<2x16x768xf32, #tpu.memory_space<vmem>>, vector<16xf32>,
      tpu.vector_store %arg12[%swap3A_711, %swap3A_712, %swap3A_713], %add3A_709 {strides = array<i32>} : memref<2x16x768xf32, #tpu.memory_space<vmem>>, vector<16xf32>,
      %get3A_715 = arith.constant 0 : i32
      %get3A_716 = arith.index_cast %get3A_715 : i32 to index
      %get3A_717 = arith.index_cast %scan3A_299 : i32 to index
      %get3A_718 = arith.constant 368 : index
      %get3A_719 = tpu.vector_load %arg10[%get3A_716, %get3A_717, %get3A_718] {strides = array<i32>} : memref<2x16x768xf32, #tpu.memory_space<vmem>>, vector<16xf32>,
      %mul3A_720 = arith.mulf %get3A_719, %gather3A : vector<16xf32>
      %get3A_721 = arith.constant 0 : i32
      %get3A_722 = arith.index_cast %get3A_721 : i32 to index
      %get3A_723 = arith.index_cast %scan3A_299 : i32 to index
      %get3A_724 = arith.constant 368 : index
      %get3A_725 = tpu.vector_load %arg11[%get3A_722, %get3A_723, %get3A_724] {strides = array<i32>} : memref<2x16x768xf32, #tpu.memory_space<vmem>>, vector<16xf32>,
      %mul3A_726 = arith.mulf %get3A_725, %gather3A_302 : vector<16xf32>
      %add3A_727 = arith.addf %mul3A_720, %mul3A_726 : vector<16xf32>
      %swap3A_728 = arith.constant 0 : i32
      %swap3A_729 = arith.index_cast %swap3A_728 : i32 to index
      %swap3A_730 = arith.index_cast %scan3A_299 : i32 to index
      %swap3A_731 = arith.constant 368 : index
      %swap3A_732 = tpu.vector_load %arg12[%swap3A_729, %swap3A_730, %swap3A_731] {strides = array<i32>} : memref<2x16x768xf32, #tpu.memory_space<vmem>>, vector<16xf32>,
      tpu.vector_store %arg12[%swap3A_729, %swap3A_730, %swap3A_731], %add3A_727 {strides = array<i32>} : memref<2x16x768xf32, #tpu.memory_space<vmem>>, vector<16xf32>,
      %get3A_733 = arith.constant 0 : i32
      %get3A_734 = arith.index_cast %get3A_733 : i32 to index
      %get3A_735 = arith.index_cast %scan3A_299 : i32 to index
      %get3A_736 = arith.constant 384 : index
      %get3A_737 = tpu.vector_load %arg10[%get3A_734, %get3A_735, %get3A_736] {strides = array<i32>} : memref<2x16x768xf32, #tpu.memory_space<vmem>>, vector<16xf32>,
      %mul3A_738 = arith.mulf %get3A_737, %gather3A : vector<16xf32>
      %get3A_739 = arith.constant 0 : i32
      %get3A_740 = arith.index_cast %get3A_739 : i32 to index
      %get3A_741 = arith.index_cast %scan3A_299 : i32 to index
      %get3A_742 = arith.constant 384 : index
      %get3A_743 = tpu.vector_load %arg11[%get3A_740, %get3A_741, %get3A_742] {strides = array<i32>} : memref<2x16x768xf32, #tpu.memory_space<vmem>>, vector<16xf32>,
      %mul3A_744 = arith.mulf %get3A_743, %gather3A_302 : vector<16xf32>
      %add3A_745 = arith.addf %mul3A_738, %mul3A_744 : vector<16xf32>
      %swap3A_746 = arith.constant 0 : i32
      %swap3A_747 = arith.index_cast %swap3A_746 : i32 to index
      %swap3A_748 = arith.index_cast %scan3A_299 : i32 to index
      %swap3A_749 = arith.constant 384 : index
      %swap3A_750 = tpu.vector_load %arg12[%swap3A_747, %swap3A_748, %swap3A_749] {strides = array<i32>} : memref<2x16x768xf32, #tpu.memory_space<vmem>>, vector<16xf32>,
      tpu.vector_store %arg12[%swap3A_747, %swap3A_748, %swap3A_749], %add3A_745 {strides = array<i32>} : memref<2x16x768xf32, #tpu.memory_space<vmem>>, vector<16xf32>,
      %get3A_751 = arith.constant 0 : i32
      %get3A_752 = arith.index_cast %get3A_751 : i32 to index
      %get3A_753 = arith.index_cast %scan3A_299 : i32 to index
      %get3A_754 = arith.constant 400 : index
      %get3A_755 = tpu.vector_load %arg10[%get3A_752, %get3A_753, %get3A_754] {strides = array<i32>} : memref<2x16x768xf32, #tpu.memory_space<vmem>>, vector<16xf32>,
      %mul3A_756 = arith.mulf %get3A_755, %gather3A : vector<16xf32>
      %get3A_757 = arith.constant 0 : i32
      %get3A_758 = arith.index_cast %get3A_757 : i32 to index
      %get3A_759 = arith.index_cast %scan3A_299 : i32 to index
      %get3A_760 = arith.constant 400 : index
      %get3A_761 = tpu.vector_load %arg11[%get3A_758, %get3A_759, %get3A_760] {strides = array<i32>} : memref<2x16x768xf32, #tpu.memory_space<vmem>>, vector<16xf32>,
      %mul3A_762 = arith.mulf %get3A_761, %gather3A_302 : vector<16xf32>
      %add3A_763 = arith.addf %mul3A_756, %mul3A_762 : vector<16xf32>
      %swap3A_764 = arith.constant 0 : i32
      %swap3A_765 = arith.index_cast %swap3A_764 : i32 to index
      %swap3A_766 = arith.index_cast %scan3A_299 : i32 to index
      %swap3A_767 = arith.constant 400 : index
      %swap3A_768 = tpu.vector_load %arg12[%swap3A_765, %swap3A_766, %swap3A_767] {strides = array<i32>} : memref<2x16x768xf32, #tpu.memory_space<vmem>>, vector<16xf32>,
      tpu.vector_store %arg12[%swap3A_765, %swap3A_766, %swap3A_767], %add3A_763 {strides = array<i32>} : memref<2x16x768xf32, #tpu.memory_space<vmem>>, vector<16xf32>,
      %get3A_769 = arith.constant 0 : i32
      %get3A_770 = arith.index_cast %get3A_769 : i32 to index
      %get3A_771 = arith.index_cast %scan3A_299 : i32 to index
      %get3A_772 = arith.constant 416 : index
      %get3A_773 = tpu.vector_load %arg10[%get3A_770, %get3A_771, %get3A_772] {strides = array<i32>} : memref<2x16x768xf32, #tpu.memory_space<vmem>>, vector<16xf32>,
      %mul3A_774 = arith.mulf %get3A_773, %gather3A : vector<16xf32>
      %get3A_775 = arith.constant 0 : i32
      %get3A_776 = arith.index_cast %get3A_775 : i32 to index
      %get3A_777 = arith.index_cast %scan3A_299 : i32 to index
      %get3A_778 = arith.constant 416 : index
      %get3A_779 = tpu.vector_load %arg11[%get3A_776, %get3A_777, %get3A_778] {strides = array<i32>} : memref<2x16x768xf32, #tpu.memory_space<vmem>>, vector<16xf32>,
      %mul3A_780 = arith.mulf %get3A_779, %gather3A_302 : vector<16xf32>
      %add3A_781 = arith.addf %mul3A_774, %mul3A_780 : vector<16xf32>
      %swap3A_782 = arith.constant 0 : i32
      %swap3A_783 = arith.index_cast %swap3A_782 : i32 to index
      %swap3A_784 = arith.index_cast %scan3A_299 : i32 to index
      %swap3A_785 = arith.constant 416 : index
      %swap3A_786 = tpu.vector_load %arg12[%swap3A_783, %swap3A_784, %swap3A_785] {strides = array<i32>} : memref<2x16x768xf32, #tpu.memory_space<vmem>>, vector<16xf32>,
      tpu.vector_store %arg12[%swap3A_783, %swap3A_784, %swap3A_785], %add3A_781 {strides = array<i32>} : memref<2x16x768xf32, #tpu.memory_space<vmem>>, vector<16xf32>,
      %get3A_787 = arith.constant 0 : i32
      %get3A_788 = arith.index_cast %get3A_787 : i32 to index
      %get3A_789 = arith.index_cast %scan3A_299 : i32 to index
      %get3A_790 = arith.constant 432 : index
      %get3A_791 = tpu.vector_load %arg10[%get3A_788, %get3A_789, %get3A_790] {strides = array<i32>} : memref<2x16x768xf32, #tpu.memory_space<vmem>>, vector<16xf32>,
      %mul3A_792 = arith.mulf %get3A_791, %gather3A : vector<16xf32>
      %get3A_793 = arith.constant 0 : i32
      %get3A_794 = arith.index_cast %get3A_793 : i32 to index
      %get3A_795 = arith.index_cast %scan3A_299 : i32 to index
      %get3A_796 = arith.constant 432 : index
      %get3A_797 = tpu.vector_load %arg11[%get3A_794, %get3A_795, %get3A_796] {strides = array<i32>} : memref<2x16x768xf32, #tpu.memory_space<vmem>>, vector<16xf32>,
      %mul3A_798 = arith.mulf %get3A_797, %gather3A_302 : vector<16xf32>
      %add3A_799 = arith.addf %mul3A_792, %mul3A_798 : vector<16xf32>
      %swap3A_800 = arith.constant 0 : i32
      %swap3A_801 = arith.index_cast %swap3A_800 : i32 to index
      %swap3A_802 = arith.index_cast %scan3A_299 : i32 to index
      %swap3A_803 = arith.constant 432 : index
      %swap3A_804 = tpu.vector_load %arg12[%swap3A_801, %swap3A_802, %swap3A_803] {strides = array<i32>} : memref<2x16x768xf32, #tpu.memory_space<vmem>>, vector<16xf32>,
      tpu.vector_store %arg12[%swap3A_801, %swap3A_802, %swap3A_803], %add3A_799 {strides = array<i32>} : memref<2x16x768xf32, #tpu.memory_space<vmem>>, vector<16xf32>,
      %get3A_805 = arith.constant 0 : i32
      %get3A_806 = arith.index_cast %get3A_805 : i32 to index
      %get3A_807 = arith.index_cast %scan3A_299 : i32 to index
      %get3A_808 = arith.constant 448 : index
      %get3A_809 = tpu.vector_load %arg10[%get3A_806, %get3A_807, %get3A_808] {strides = array<i32>} : memref<2x16x768xf32, #tpu.memory_space<vmem>>, vector<16xf32>,
      %mul3A_810 = arith.mulf %get3A_809, %gather3A : vector<16xf32>
      %get3A_811 = arith.constant 0 : i32
      %get3A_812 = arith.index_cast %get3A_811 : i32 to index
      %get3A_813 = arith.index_cast %scan3A_299 : i32 to index
      %get3A_814 = arith.constant 448 : index
      %get3A_815 = tpu.vector_load %arg11[%get3A_812, %get3A_813, %get3A_814] {strides = array<i32>} : memref<2x16x768xf32, #tpu.memory_space<vmem>>, vector<16xf32>,
      %mul3A_816 = arith.mulf %get3A_815, %gather3A_302 : vector<16xf32>
      %add3A_817 = arith.addf %mul3A_810, %mul3A_816 : vector<16xf32>
      %swap3A_818 = arith.constant 0 : i32
      %swap3A_819 = arith.index_cast %swap3A_818 : i32 to index
      %swap3A_820 = arith.index_cast %scan3A_299 : i32 to index
      %swap3A_821 = arith.constant 448 : index
      %swap3A_822 = tpu.vector_load %arg12[%swap3A_819, %swap3A_820, %swap3A_821] {strides = array<i32>} : memref<2x16x768xf32, #tpu.memory_space<vmem>>, vector<16xf32>,
      tpu.vector_store %arg12[%swap3A_819, %swap3A_820, %swap3A_821], %add3A_817 {strides = array<i32>} : memref<2x16x768xf32, #tpu.memory_space<vmem>>, vector<16xf32>,
      %get3A_823 = arith.constant 0 : i32
      %get3A_824 = arith.index_cast %get3A_823 : i32 to index
      %get3A_825 = arith.index_cast %scan3A_299 : i32 to index
      %get3A_826 = arith.constant 464 : index
      %get3A_827 = tpu.vector_load %arg10[%get3A_824, %get3A_825, %get3A_826] {strides = array<i32>} : memref<2x16x768xf32, #tpu.memory_space<vmem>>, vector<16xf32>,
      %mul3A_828 = arith.mulf %get3A_827, %gather3A : vector<16xf32>
      %get3A_829 = arith.constant 0 : i32
      %get3A_830 = arith.index_cast %get3A_829 : i32 to index
      %get3A_831 = arith.index_cast %scan3A_299 : i32 to index
      %get3A_832 = arith.constant 464 : index
      %get3A_833 = tpu.vector_load %arg11[%get3A_830, %get3A_831, %get3A_832] {strides = array<i32>} : memref<2x16x768xf32, #tpu.memory_space<vmem>>, vector<16xf32>,
      %mul3A_834 = arith.mulf %get3A_833, %gather3A_302 : vector<16xf32>
      %add3A_835 = arith.addf %mul3A_828, %mul3A_834 : vector<16xf32>
      %swap3A_836 = arith.constant 0 : i32
      %swap3A_837 = arith.index_cast %swap3A_836 : i32 to index
      %swap3A_838 = arith.index_cast %scan3A_299 : i32 to index
      %swap3A_839 = arith.constant 464 : index
      %swap3A_840 = tpu.vector_load %arg12[%swap3A_837, %swap3A_838, %swap3A_839] {strides = array<i32>} : memref<2x16x768xf32, #tpu.memory_space<vmem>>, vector<16xf32>,
      tpu.vector_store %arg12[%swap3A_837, %swap3A_838, %swap3A_839], %add3A_835 {strides = array<i32>} : memref<2x16x768xf32, #tpu.memory_space<vmem>>, vector<16xf32>,
      %get3A_841 = arith.constant 0 : i32
      %get3A_842 = arith.index_cast %get3A_841 : i32 to index
      %get3A_843 = arith.index_cast %scan3A_299 : i32 to index
      %get3A_844 = arith.constant 480 : index
      %get3A_845 = tpu.vector_load %arg10[%get3A_842, %get3A_843, %get3A_844] {strides = array<i32>} : memref<2x16x768xf32, #tpu.memory_space<vmem>>, vector<16xf32>,
      %mul3A_846 = arith.mulf %get3A_845, %gather3A : vector<16xf32>
      %get3A_847 = arith.constant 0 : i32
      %get3A_848 = arith.index_cast %get3A_847 : i32 to index
      %get3A_849 = arith.index_cast %scan3A_299 : i32 to index
      %get3A_850 = arith.constant 480 : index
      %get3A_851 = tpu.vector_load %arg11[%get3A_848, %get3A_849, %get3A_850] {strides = array<i32>} : memref<2x16x768xf32, #tpu.memory_space<vmem>>, vector<16xf32>,
      %mul3A_852 = arith.mulf %get3A_851, %gather3A_302 : vector<16xf32>
      %add3A_853 = arith.addf %mul3A_846, %mul3A_852 : vector<16xf32>
      %swap3A_854 = arith.constant 0 : i32
      %swap3A_855 = arith.index_cast %swap3A_854 : i32 to index
      %swap3A_856 = arith.index_cast %scan3A_299 : i32 to index
      %swap3A_857 = arith.constant 480 : index
      %swap3A_858 = tpu.vector_load %arg12[%swap3A_855, %swap3A_856, %swap3A_857] {strides = array<i32>} : memref<2x16x768xf32, #tpu.memory_space<vmem>>, vector<16xf32>,
      tpu.vector_store %arg12[%swap3A_855, %swap3A_856, %swap3A_857], %add3A_853 {strides = array<i32>} : memref<2x16x768xf32, #tpu.memory_space<vmem>>, vector<16xf32>,
      %get3A_859 = arith.constant 0 : i32
      %get3A_860 = arith.index_cast %get3A_859 : i32 to index
      %get3A_861 = arith.index_cast %scan3A_299 : i32 to index
      %get3A_862 = arith.constant 496 : index
      %get3A_863 = tpu.vector_load %arg10[%get3A_860, %get3A_861, %get3A_862] {strides = array<i32>} : memref<2x16x768xf32, #tpu.memory_space<vmem>>, vector<16xf32>,
      %mul3A_864 = arith.mulf %get3A_863, %gather3A : vector<16xf32>
      %get3A_865 = arith.constant 0 : i32
      %get3A_866 = arith.index_cast %get3A_865 : i32 to index
      %get3A_867 = arith.index_cast %scan3A_299 : i32 to index
      %get3A_868 = arith.constant 496 : index
      %get3A_869 = tpu.vector_load %arg11[%get3A_866, %get3A_867, %get3A_868] {strides = array<i32>} : memref<2x16x768xf32, #tpu.memory_space<vmem>>, vector<16xf32>,
      %mul3A_870 = arith.mulf %get3A_869, %gather3A_302 : vector<16xf32>
      %add3A_871 = arith.addf %mul3A_864, %mul3A_870 : vector<16xf32>
      %swap3A_872 = arith.constant 0 : i32
      %swap3A_873 = arith.index_cast %swap3A_872 : i32 to index
      %swap3A_874 = arith.index_cast %scan3A_299 : i32 to index
      %swap3A_875 = arith.constant 496 : index
      %swap3A_876 = tpu.vector_load %arg12[%swap3A_873, %swap3A_874, %swap3A_875] {strides = array<i32>} : memref<2x16x768xf32, #tpu.memory_space<vmem>>, vector<16xf32>,
      tpu.vector_store %arg12[%swap3A_873, %swap3A_874, %swap3A_875], %add3A_871 {strides = array<i32>} : memref<2x16x768xf32, #tpu.memory_space<vmem>>, vector<16xf32>,
      %get3A_877 = arith.constant 0 : i32
      %get3A_878 = arith.index_cast %get3A_877 : i32 to index
      %get3A_879 = arith.index_cast %scan3A_299 : i32 to index
      %get3A_880 = arith.constant 512 : index
      %get3A_881 = tpu.vector_load %arg10[%get3A_878, %get3A_879, %get3A_880] {strides = array<i32>} : memref<2x16x768xf32, #tpu.memory_space<vmem>>, vector<16xf32>,
      %mul3A_882 = arith.mulf %get3A_881, %gather3A : vector<16xf32>
      %get3A_883 = arith.constant 0 : i32
      %get3A_884 = arith.index_cast %get3A_883 : i32 to index
      %get3A_885 = arith.index_cast %scan3A_299 : i32 to index
      %get3A_886 = arith.constant 512 : index
      %get3A_887 = tpu.vector_load %arg11[%get3A_884, %get3A_885, %get3A_886] {strides = array<i32>} : memref<2x16x768xf32, #tpu.memory_space<vmem>>, vector<16xf32>,
      %mul3A_888 = arith.mulf %get3A_887, %gather3A_302 : vector<16xf32>
      %add3A_889 = arith.addf %mul3A_882, %mul3A_888 : vector<16xf32>
      %swap3A_890 = arith.constant 0 : i32
      %swap3A_891 = arith.index_cast %swap3A_890 : i32 to index
      %swap3A_892 = arith.index_cast %scan3A_299 : i32 to index
      %swap3A_893 = arith.constant 512 : index
      %swap3A_894 = tpu.vector_load %arg12[%swap3A_891, %swap3A_892, %swap3A_893] {strides = array<i32>} : memref<2x16x768xf32, #tpu.memory_space<vmem>>, vector<16xf32>,
      tpu.vector_store %arg12[%swap3A_891, %swap3A_892, %swap3A_893], %add3A_889 {strides = array<i32>} : memref<2x16x768xf32, #tpu.memory_space<vmem>>, vector<16xf32>,
      %get3A_895 = arith.constant 0 : i32
      %get3A_896 = arith.index_cast %get3A_895 : i32 to index
      %get3A_897 = arith.index_cast %scan3A_299 : i32 to index
      %get3A_898 = arith.constant 528 : index
      %get3A_899 = tpu.vector_load %arg10[%get3A_896, %get3A_897, %get3A_898] {strides = array<i32>} : memref<2x16x768xf32, #tpu.memory_space<vmem>>, vector<16xf32>,
      %mul3A_900 = arith.mulf %get3A_899, %gather3A : vector<16xf32>
      %get3A_901 = arith.constant 0 : i32
      %get3A_902 = arith.index_cast %get3A_901 : i32 to index
      %get3A_903 = arith.index_cast %scan3A_299 : i32 to index
      %get3A_904 = arith.constant 528 : index
      %get3A_905 = tpu.vector_load %arg11[%get3A_902, %get3A_903, %get3A_904] {strides = array<i32>} : memref<2x16x768xf32, #tpu.memory_space<vmem>>, vector<16xf32>,
      %mul3A_906 = arith.mulf %get3A_905, %gather3A_302 : vector<16xf32>
      %add3A_907 = arith.addf %mul3A_900, %mul3A_906 : vector<16xf32>
      %swap3A_908 = arith.constant 0 : i32
      %swap3A_909 = arith.index_cast %swap3A_908 : i32 to index
      %swap3A_910 = arith.index_cast %scan3A_299 : i32 to index
      %swap3A_911 = arith.constant 528 : index
      %swap3A_912 = tpu.vector_load %arg12[%swap3A_909, %swap3A_910, %swap3A_911] {strides = array<i32>} : memref<2x16x768xf32, #tpu.memory_space<vmem>>, vector<16xf32>,
      tpu.vector_store %arg12[%swap3A_909, %swap3A_910, %swap3A_911], %add3A_907 {strides = array<i32>} : memref<2x16x768xf32, #tpu.memory_space<vmem>>, vector<16xf32>,
      %get3A_913 = arith.constant 0 : i32
      %get3A_914 = arith.index_cast %get3A_913 : i32 to index
      %get3A_915 = arith.index_cast %scan3A_299 : i32 to index
      %get3A_916 = arith.constant 544 : index
      %get3A_917 = tpu.vector_load %arg10[%get3A_914, %get3A_915, %get3A_916] {strides = array<i32>} : memref<2x16x768xf32, #tpu.memory_space<vmem>>, vector<16xf32>,
      %mul3A_918 = arith.mulf %get3A_917, %gather3A : vector<16xf32>
      %get3A_919 = arith.constant 0 : i32
      %get3A_920 = arith.index_cast %get3A_919 : i32 to index
      %get3A_921 = arith.index_cast %scan3A_299 : i32 to index
      %get3A_922 = arith.constant 544 : index
      %get3A_923 = tpu.vector_load %arg11[%get3A_920, %get3A_921, %get3A_922] {strides = array<i32>} : memref<2x16x768xf32, #tpu.memory_space<vmem>>, vector<16xf32>,
      %mul3A_924 = arith.mulf %get3A_923, %gather3A_302 : vector<16xf32>
      %add3A_925 = arith.addf %mul3A_918, %mul3A_924 : vector<16xf32>
      %swap3A_926 = arith.constant 0 : i32
      %swap3A_927 = arith.index_cast %swap3A_926 : i32 to index
      %swap3A_928 = arith.index_cast %scan3A_299 : i32 to index
      %swap3A_929 = arith.constant 544 : index
      %swap3A_930 = tpu.vector_load %arg12[%swap3A_927, %swap3A_928, %swap3A_929] {strides = array<i32>} : memref<2x16x768xf32, #tpu.memory_space<vmem>>, vector<16xf32>,
      tpu.vector_store %arg12[%swap3A_927, %swap3A_928, %swap3A_929], %add3A_925 {strides = array<i32>} : memref<2x16x768xf32, #tpu.memory_space<vmem>>, vector<16xf32>,
      %get3A_931 = arith.constant 0 : i32
      %get3A_932 = arith.index_cast %get3A_931 : i32 to index
      %get3A_933 = arith.index_cast %scan3A_299 : i32 to index
      %get3A_934 = arith.constant 560 : index
      %get3A_935 = tpu.vector_load %arg10[%get3A_932, %get3A_933, %get3A_934] {strides = array<i32>} : memref<2x16x768xf32, #tpu.memory_space<vmem>>, vector<16xf32>,
      %mul3A_936 = arith.mulf %get3A_935, %gather3A : vector<16xf32>
      %get3A_937 = arith.constant 0 : i32
      %get3A_938 = arith.index_cast %get3A_937 : i32 to index
      %get3A_939 = arith.index_cast %scan3A_299 : i32 to index
      %get3A_940 = arith.constant 560 : index
      %get3A_941 = tpu.vector_load %arg11[%get3A_938, %get3A_939, %get3A_940] {strides = array<i32>} : memref<2x16x768xf32, #tpu.memory_space<vmem>>, vector<16xf32>,
      %mul3A_942 = arith.mulf %get3A_941, %gather3A_302 : vector<16xf32>
      %add3A_943 = arith.addf %mul3A_936, %mul3A_942 : vector<16xf32>
      %swap3A_944 = arith.constant 0 : i32
      %swap3A_945 = arith.index_cast %swap3A_944 : i32 to index
      %swap3A_946 = arith.index_cast %scan3A_299 : i32 to index
      %swap3A_947 = arith.constant 560 : index
      %swap3A_948 = tpu.vector_load %arg12[%swap3A_945, %swap3A_946, %swap3A_947] {strides = array<i32>} : memref<2x16x768xf32, #tpu.memory_space<vmem>>, vector<16xf32>,
      tpu.vector_store %arg12[%swap3A_945, %swap3A_946, %swap3A_947], %add3A_943 {strides = array<i32>} : memref<2x16x768xf32, #tpu.memory_space<vmem>>, vector<16xf32>,
      %get3A_949 = arith.constant 0 : i32
      %get3A_950 = arith.index_cast %get3A_949 : i32 to index
      %get3A_951 = arith.index_cast %scan3A_299 : i32 to index
      %get3A_952 = arith.constant 576 : index
      %get3A_953 = tpu.vector_load %arg10[%get3A_950, %get3A_951, %get3A_952] {strides = array<i32>} : memref<2x16x768xf32, #tpu.memory_space<vmem>>, vector<16xf32>,
      %mul3A_954 = arith.mulf %get3A_953, %gather3A : vector<16xf32>
      %get3A_955 = arith.constant 0 : i32
      %get3A_956 = arith.index_cast %get3A_955 : i32 to index
      %get3A_957 = arith.index_cast %scan3A_299 : i32 to index
      %get3A_958 = arith.constant 576 : index
      %get3A_959 = tpu.vector_load %arg11[%get3A_956, %get3A_957, %get3A_958] {strides = array<i32>} : memref<2x16x768xf32, #tpu.memory_space<vmem>>, vector<16xf32>,
      %mul3A_960 = arith.mulf %get3A_959, %gather3A_302 : vector<16xf32>
      %add3A_961 = arith.addf %mul3A_954, %mul3A_960 : vector<16xf32>
      %swap3A_962 = arith.constant 0 : i32
      %swap3A_963 = arith.index_cast %swap3A_962 : i32 to index
      %swap3A_964 = arith.index_cast %scan3A_299 : i32 to index
      %swap3A_965 = arith.constant 576 : index
      %swap3A_966 = tpu.vector_load %arg12[%swap3A_963, %swap3A_964, %swap3A_965] {strides = array<i32>} : memref<2x16x768xf32, #tpu.memory_space<vmem>>, vector<16xf32>,
      tpu.vector_store %arg12[%swap3A_963, %swap3A_964, %swap3A_965], %add3A_961 {strides = array<i32>} : memref<2x16x768xf32, #tpu.memory_space<vmem>>, vector<16xf32>,
      %get3A_967 = arith.constant 0 : i32
      %get3A_968 = arith.index_cast %get3A_967 : i32 to index
      %get3A_969 = arith.index_cast %scan3A_299 : i32 to index
      %get3A_970 = arith.constant 592 : index
      %get3A_971 = tpu.vector_load %arg10[%get3A_968, %get3A_969, %get3A_970] {strides = array<i32>} : memref<2x16x768xf32, #tpu.memory_space<vmem>>, vector<16xf32>,
      %mul3A_972 = arith.mulf %get3A_971, %gather3A : vector<16xf32>
      %get3A_973 = arith.constant 0 : i32
      %get3A_974 = arith.index_cast %get3A_973 : i32 to index
      %get3A_975 = arith.index_cast %scan3A_299 : i32 to index
      %get3A_976 = arith.constant 592 : index
      %get3A_977 = tpu.vector_load %arg11[%get3A_974, %get3A_975, %get3A_976] {strides = array<i32>} : memref<2x16x768xf32, #tpu.memory_space<vmem>>, vector<16xf32>,
      %mul3A_978 = arith.mulf %get3A_977, %gather3A_302 : vector<16xf32>
      %add3A_979 = arith.addf %mul3A_972, %mul3A_978 : vector<16xf32>
      %swap3A_980 = arith.constant 0 : i32
      %swap3A_981 = arith.index_cast %swap3A_980 : i32 to index
      %swap3A_982 = arith.index_cast %scan3A_299 : i32 to index
      %swap3A_983 = arith.constant 592 : index
      %swap3A_984 = tpu.vector_load %arg12[%swap3A_981, %swap3A_982, %swap3A_983] {strides = array<i32>} : memref<2x16x768xf32, #tpu.memory_space<vmem>>, vector<16xf32>,
      tpu.vector_store %arg12[%swap3A_981, %swap3A_982, %swap3A_983], %add3A_979 {strides = array<i32>} : memref<2x16x768xf32, #tpu.memory_space<vmem>>, vector<16xf32>,
      %get3A_985 = arith.constant 0 : i32
      %get3A_986 = arith.index_cast %get3A_985 : i32 to index
      %get3A_987 = arith.index_cast %scan3A_299 : i32 to index
      %get3A_988 = arith.constant 608 : index
      %get3A_989 = tpu.vector_load %arg10[%get3A_986, %get3A_987, %get3A_988] {strides = array<i32>} : memref<2x16x768xf32, #tpu.memory_space<vmem>>, vector<16xf32>,
      %mul3A_990 = arith.mulf %get3A_989, %gather3A : vector<16xf32>
      %get3A_991 = arith.constant 0 : i32
      %get3A_992 = arith.index_cast %get3A_991 : i32 to index
      %get3A_993 = arith.index_cast %scan3A_299 : i32 to index
      %get3A_994 = arith.constant 608 : index
      %get3A_995 = tpu.vector_load %arg11[%get3A_992, %get3A_993, %get3A_994] {strides = array<i32>} : memref<2x16x768xf32, #tpu.memory_space<vmem>>, vector<16xf32>,
      %mul3A_996 = arith.mulf %get3A_995, %gather3A_302 : vector<16xf32>
      %add3A_997 = arith.addf %mul3A_990, %mul3A_996 : vector<16xf32>
      %swap3A_998 = arith.constant 0 : i32
      %swap3A_999 = arith.index_cast %swap3A_998 : i32 to index
      %swap3A_1000 = arith.index_cast %scan3A_299 : i32 to index
      %swap3A_1001 = arith.constant 608 : index
      %swap3A_1002 = tpu.vector_load %arg12[%swap3A_999, %swap3A_1000, %swap3A_1001] {strides = array<i32>} : memref<2x16x768xf32, #tpu.memory_space<vmem>>, vector<16xf32>,
      tpu.vector_store %arg12[%swap3A_999, %swap3A_1000, %swap3A_1001], %add3A_997 {strides = array<i32>} : memref<2x16x768xf32, #tpu.memory_space<vmem>>, vector<16xf32>,
      %get3A_1003 = arith.constant 0 : i32
      %get3A_1004 = arith.index_cast %get3A_1003 : i32 to index
      %get3A_1005 = arith.index_cast %scan3A_299 : i32 to index
      %get3A_1006 = arith.constant 624 : index
      %get3A_1007 = tpu.vector_load %arg10[%get3A_1004, %get3A_1005, %get3A_1006] {strides = array<i32>} : memref<2x16x768xf32, #tpu.memory_space<vmem>>, vector<16xf32>,
      %mul3A_1008 = arith.mulf %get3A_1007, %gather3A : vector<16xf32>
      %get3A_1009 = arith.constant 0 : i32
      %get3A_1010 = arith.index_cast %get3A_1009 : i32 to index
      %get3A_1011 = arith.index_cast %scan3A_299 : i32 to index
      %get3A_1012 = arith.constant 624 : index
      %get3A_1013 = tpu.vector_load %arg11[%get3A_1010, %get3A_1011, %get3A_1012] {strides = array<i32>} : memref<2x16x768xf32, #tpu.memory_space<vmem>>, vector<16xf32>,
      %mul3A_1014 = arith.mulf %get3A_1013, %gather3A_302 : vector<16xf32>
      %add3A_1015 = arith.addf %mul3A_1008, %mul3A_1014 : vector<16xf32>
      %swap3A_1016 = arith.constant 0 : i32
      %swap3A_1017 = arith.index_cast %swap3A_1016 : i32 to index
      %swap3A_1018 = arith.index_cast %scan3A_299 : i32 to index
      %swap3A_1019 = arith.constant 624 : index
      %swap3A_1020 = tpu.vector_load %arg12[%swap3A_1017, %swap3A_1018, %swap3A_1019] {strides = array<i32>} : memref<2x16x768xf32, #tpu.memory_space<vmem>>, vector<16xf32>,
      tpu.vector_store %arg12[%swap3A_1017, %swap3A_1018, %swap3A_1019], %add3A_1015 {strides = array<i32>} : memref<2x16x768xf32, #tpu.memory_space<vmem>>, vector<16xf32>,
      %get3A_1021 = arith.constant 0 : i32
      %get3A_1022 = arith.index_cast %get3A_1021 : i32 to index
      %get3A_1023 = arith.index_cast %scan3A_299 : i32 to index
      %get3A_1024 = arith.constant 640 : index
      %get3A_1025 = tpu.vector_load %arg10[%get3A_1022, %get3A_1023, %get3A_1024] {strides = array<i32>} : memref<2x16x768xf32, #tpu.memory_space<vmem>>, vector<16xf32>,
      %mul3A_1026 = arith.mulf %get3A_1025, %gather3A : vector<16xf32>
      %get3A_1027 = arith.constant 0 : i32
      %get3A_1028 = arith.index_cast %get3A_1027 : i32 to index
      %get3A_1029 = arith.index_cast %scan3A_299 : i32 to index
      %get3A_1030 = arith.constant 640 : index
      %get3A_1031 = tpu.vector_load %arg11[%get3A_1028, %get3A_1029, %get3A_1030] {strides = array<i32>} : memref<2x16x768xf32, #tpu.memory_space<vmem>>, vector<16xf32>,
      %mul3A_1032 = arith.mulf %get3A_1031, %gather3A_302 : vector<16xf32>
      %add3A_1033 = arith.addf %mul3A_1026, %mul3A_1032 : vector<16xf32>
      %swap3A_1034 = arith.constant 0 : i32
      %swap3A_1035 = arith.index_cast %swap3A_1034 : i32 to index
      %swap3A_1036 = arith.index_cast %scan3A_299 : i32 to index
      %swap3A_1037 = arith.constant 640 : index
      %swap3A_1038 = tpu.vector_load %arg12[%swap3A_1035, %swap3A_1036, %swap3A_1037] {strides = array<i32>} : memref<2x16x768xf32, #tpu.memory_space<vmem>>, vector<16xf32>,
      tpu.vector_store %arg12[%swap3A_1035, %swap3A_1036, %swap3A_1037], %add3A_1033 {strides = array<i32>} : memref<2x16x768xf32, #tpu.memory_space<vmem>>, vector<16xf32>,
      %get3A_1039 = arith.constant 0 : i32
      %get3A_1040 = arith.index_cast %get3A_1039 : i32 to index
      %get3A_1041 = arith.index_cast %scan3A_299 : i32 to index
      %get3A_1042 = arith.constant 656 : index
      %get3A_1043 = tpu.vector_load %arg10[%get3A_1040, %get3A_1041, %get3A_1042] {strides = array<i32>} : memref<2x16x768xf32, #tpu.memory_space<vmem>>, vector<16xf32>,
      %mul3A_1044 = arith.mulf %get3A_1043, %gather3A : vector<16xf32>
      %get3A_1045 = arith.constant 0 : i32
      %get3A_1046 = arith.index_cast %get3A_1045 : i32 to index
      %get3A_1047 = arith.index_cast %scan3A_299 : i32 to index
      %get3A_1048 = arith.constant 656 : index
      %get3A_1049 = tpu.vector_load %arg11[%get3A_1046, %get3A_1047, %get3A_1048] {strides = array<i32>} : memref<2x16x768xf32, #tpu.memory_space<vmem>>, vector<16xf32>,
      %mul3A_1050 = arith.mulf %get3A_1049, %gather3A_302 : vector<16xf32>
      %add3A_1051 = arith.addf %mul3A_1044, %mul3A_1050 : vector<16xf32>
      %swap3A_1052 = arith.constant 0 : i32
      %swap3A_1053 = arith.index_cast %swap3A_1052 : i32 to index
      %swap3A_1054 = arith.index_cast %scan3A_299 : i32 to index
      %swap3A_1055 = arith.constant 656 : index
      %swap3A_1056 = tpu.vector_load %arg12[%swap3A_1053, %swap3A_1054, %swap3A_1055] {strides = array<i32>} : memref<2x16x768xf32, #tpu.memory_space<vmem>>, vector<16xf32>,
      tpu.vector_store %arg12[%swap3A_1053, %swap3A_1054, %swap3A_1055], %add3A_1051 {strides = array<i32>} : memref<2x16x768xf32, #tpu.memory_space<vmem>>, vector<16xf32>,
      %get3A_1057 = arith.constant 0 : i32
      %get3A_1058 = arith.index_cast %get3A_1057 : i32 to index
      %get3A_1059 = arith.index_cast %scan3A_299 : i32 to index
      %get3A_1060 = arith.constant 672 : index
      %get3A_1061 = tpu.vector_load %arg10[%get3A_1058, %get3A_1059, %get3A_1060] {strides = array<i32>} : memref<2x16x768xf32, #tpu.memory_space<vmem>>, vector<16xf32>,
      %mul3A_1062 = arith.mulf %get3A_1061, %gather3A : vector<16xf32>
      %get3A_1063 = arith.constant 0 : i32
      %get3A_1064 = arith.index_cast %get3A_1063 : i32 to index
      %get3A_1065 = arith.index_cast %scan3A_299 : i32 to index
      %get3A_1066 = arith.constant 672 : index
      %get3A_1067 = tpu.vector_load %arg11[%get3A_1064, %get3A_1065, %get3A_1066] {strides = array<i32>} : memref<2x16x768xf32, #tpu.memory_space<vmem>>, vector<16xf32>,
      %mul3A_1068 = arith.mulf %get3A_1067, %gather3A_302 : vector<16xf32>
      %add3A_1069 = arith.addf %mul3A_1062, %mul3A_1068 : vector<16xf32>
      %swap3A_1070 = arith.constant 0 : i32
      %swap3A_1071 = arith.index_cast %swap3A_1070 : i32 to index
      %swap3A_1072 = arith.index_cast %scan3A_299 : i32 to index
      %swap3A_1073 = arith.constant 672 : index
      %swap3A_1074 = tpu.vector_load %arg12[%swap3A_1071, %swap3A_1072, %swap3A_1073] {strides = array<i32>} : memref<2x16x768xf32, #tpu.memory_space<vmem>>, vector<16xf32>,
      tpu.vector_store %arg12[%swap3A_1071, %swap3A_1072, %swap3A_1073], %add3A_1069 {strides = array<i32>} : memref<2x16x768xf32, #tpu.memory_space<vmem>>, vector<16xf32>,
      %get3A_1075 = arith.constant 0 : i32
      %get3A_1076 = arith.index_cast %get3A_1075 : i32 to index
      %get3A_1077 = arith.index_cast %scan3A_299 : i32 to index
      %get3A_1078 = arith.constant 688 : index
      %get3A_1079 = tpu.vector_load %arg10[%get3A_1076, %get3A_1077, %get3A_1078] {strides = array<i32>} : memref<2x16x768xf32, #tpu.memory_space<vmem>>, vector<16xf32>,
      %mul3A_1080 = arith.mulf %get3A_1079, %gather3A : vector<16xf32>
      %get3A_1081 = arith.constant 0 : i32
      %get3A_1082 = arith.index_cast %get3A_1081 : i32 to index
      %get3A_1083 = arith.index_cast %scan3A_299 : i32 to index
      %get3A_1084 = arith.constant 688 : index
      %get3A_1085 = tpu.vector_load %arg11[%get3A_1082, %get3A_1083, %get3A_1084] {strides = array<i32>} : memref<2x16x768xf32, #tpu.memory_space<vmem>>, vector<16xf32>,
      %mul3A_1086 = arith.mulf %get3A_1085, %gather3A_302 : vector<16xf32>
      %add3A_1087 = arith.addf %mul3A_1080, %mul3A_1086 : vector<16xf32>
      %swap3A_1088 = arith.constant 0 : i32
      %swap3A_1089 = arith.index_cast %swap3A_1088 : i32 to index
      %swap3A_1090 = arith.index_cast %scan3A_299 : i32 to index
      %swap3A_1091 = arith.constant 688 : index
      %swap3A_1092 = tpu.vector_load %arg12[%swap3A_1089, %swap3A_1090, %swap3A_1091] {strides = array<i32>} : memref<2x16x768xf32, #tpu.memory_space<vmem>>, vector<16xf32>,
      tpu.vector_store %arg12[%swap3A_1089, %swap3A_1090, %swap3A_1091], %add3A_1087 {strides = array<i32>} : memref<2x16x768xf32, #tpu.memory_space<vmem>>, vector<16xf32>,
      %get3A_1093 = arith.constant 0 : i32
      %get3A_1094 = arith.index_cast %get3A_1093 : i32 to index
      %get3A_1095 = arith.index_cast %scan3A_299 : i32 to index
      %get3A_1096 = arith.constant 704 : index
      %get3A_1097 = tpu.vector_load %arg10[%get3A_1094, %get3A_1095, %get3A_1096] {strides = array<i32>} : memref<2x16x768xf32, #tpu.memory_space<vmem>>, vector<16xf32>,
      %mul3A_1098 = arith.mulf %get3A_1097, %gather3A : vector<16xf32>
      %get3A_1099 = arith.constant 0 : i32
      %get3A_1100 = arith.index_cast %get3A_1099 : i32 to index
      %get3A_1101 = arith.index_cast %scan3A_299 : i32 to index
      %get3A_1102 = arith.constant 704 : index
      %get3A_1103 = tpu.vector_load %arg11[%get3A_1100, %get3A_1101, %get3A_1102] {strides = array<i32>} : memref<2x16x768xf32, #tpu.memory_space<vmem>>, vector<16xf32>,
      %mul3A_1104 = arith.mulf %get3A_1103, %gather3A_302 : vector<16xf32>
      %add3A_1105 = arith.addf %mul3A_1098, %mul3A_1104 : vector<16xf32>
      %swap3A_1106 = arith.constant 0 : i32
      %swap3A_1107 = arith.index_cast %swap3A_1106 : i32 to index
      %swap3A_1108 = arith.index_cast %scan3A_299 : i32 to index
      %swap3A_1109 = arith.constant 704 : index
      %swap3A_1110 = tpu.vector_load %arg12[%swap3A_1107, %swap3A_1108, %swap3A_1109] {strides = array<i32>} : memref<2x16x768xf32, #tpu.memory_space<vmem>>, vector<16xf32>,
      tpu.vector_store %arg12[%swap3A_1107, %swap3A_1108, %swap3A_1109], %add3A_1105 {strides = array<i32>} : memref<2x16x768xf32, #tpu.memory_space<vmem>>, vector<16xf32>,
      %get3A_1111 = arith.constant 0 : i32
      %get3A_1112 = arith.index_cast %get3A_1111 : i32 to index
      %get3A_1113 = arith.index_cast %scan3A_299 : i32 to index
      %get3A_1114 = arith.constant 720 : index
      %get3A_1115 = tpu.vector_load %arg10[%get3A_1112, %get3A_1113, %get3A_1114] {strides = array<i32>} : memref<2x16x768xf32, #tpu.memory_space<vmem>>, vector<16xf32>,
      %mul3A_1116 = arith.mulf %get3A_1115, %gather3A : vector<16xf32>
      %get3A_1117 = arith.constant 0 : i32
      %get3A_1118 = arith.index_cast %get3A_1117 : i32 to index
      %get3A_1119 = arith.index_cast %scan3A_299 : i32 to index
      %get3A_1120 = arith.constant 720 : index
      %get3A_1121 = tpu.vector_load %arg11[%get3A_1118, %get3A_1119, %get3A_1120] {strides = array<i32>} : memref<2x16x768xf32, #tpu.memory_space<vmem>>, vector<16xf32>,
      %mul3A_1122 = arith.mulf %get3A_1121, %gather3A_302 : vector<16xf32>
      %add3A_1123 = arith.addf %mul3A_1116, %mul3A_1122 : vector<16xf32>
      %swap3A_1124 = arith.constant 0 : i32
      %swap3A_1125 = arith.index_cast %swap3A_1124 : i32 to index
      %swap3A_1126 = arith.index_cast %scan3A_299 : i32 to index
      %swap3A_1127 = arith.constant 720 : index
      %swap3A_1128 = tpu.vector_load %arg12[%swap3A_1125, %swap3A_1126, %swap3A_1127] {strides = array<i32>} : memref<2x16x768xf32, #tpu.memory_space<vmem>>, vector<16xf32>,
      tpu.vector_store %arg12[%swap3A_1125, %swap3A_1126, %swap3A_1127], %add3A_1123 {strides = array<i32>} : memref<2x16x768xf32, #tpu.memory_space<vmem>>, vector<16xf32>,
      %get3A_1129 = arith.constant 0 : i32
      %get3A_1130 = arith.index_cast %get3A_1129 : i32 to index
      %get3A_1131 = arith.index_cast %scan3A_299 : i32 to index
      %get3A_1132 = arith.constant 736 : index
      %get3A_1133 = tpu.vector_load %arg10[%get3A_1130, %get3A_1131, %get3A_1132] {strides = array<i32>} : memref<2x16x768xf32, #tpu.memory_space<vmem>>, vector<16xf32>,
      %mul3A_1134 = arith.mulf %get3A_1133, %gather3A : vector<16xf32>
      %get3A_1135 = arith.constant 0 : i32
      %get3A_1136 = arith.index_cast %get3A_1135 : i32 to index
      %get3A_1137 = arith.index_cast %scan3A_299 : i32 to index
      %get3A_1138 = arith.constant 736 : index
      %get3A_1139 = tpu.vector_load %arg11[%get3A_1136, %get3A_1137, %get3A_1138] {strides = array<i32>} : memref<2x16x768xf32, #tpu.memory_space<vmem>>, vector<16xf32>,
      %mul3A_1140 = arith.mulf %get3A_1139, %gather3A_302 : vector<16xf32>
      %add3A_1141 = arith.addf %mul3A_1134, %mul3A_1140 : vector<16xf32>
      %swap3A_1142 = arith.constant 0 : i32
      %swap3A_1143 = arith.index_cast %swap3A_1142 : i32 to index
      %swap3A_1144 = arith.index_cast %scan3A_299 : i32 to index
      %swap3A_1145 = arith.constant 736 : index
      %swap3A_1146 = tpu.vector_load %arg12[%swap3A_1143, %swap3A_1144, %swap3A_1145] {strides = array<i32>} : memref<2x16x768xf32, #tpu.memory_space<vmem>>, vector<16xf32>,
      tpu.vector_store %arg12[%swap3A_1143, %swap3A_1144, %swap3A_1145], %add3A_1141 {strides = array<i32>} : memref<2x16x768xf32, #tpu.memory_space<vmem>>, vector<16xf32>,
      %get3A_1147 = arith.constant 0 : i32
      %get3A_1148 = arith.index_cast %get3A_1147 : i32 to index
      %get3A_1149 = arith.index_cast %scan3A_299 : i32 to index
      %get3A_1150 = arith.constant 752 : index
      %get3A_1151 = tpu.vector_load %arg10[%get3A_1148, %get3A_1149, %get3A_1150] {strides = array<i32>} : memref<2x16x768xf32, #tpu.memory_space<vmem>>, vector<16xf32>,
      %mul3A_1152 = arith.mulf %get3A_1151, %gather3A : vector<16xf32>
      %get3A_1153 = arith.constant 0 : i32
      %get3A_1154 = arith.index_cast %get3A_1153 : i32 to index
      %get3A_1155 = arith.index_cast %scan3A_299 : i32 to index
      %get3A_1156 = arith.constant 752 : index
      %get3A_1157 = tpu.vector_load %arg11[%get3A_1154, %get3A_1155, %get3A_1156] {strides = array<i32>} : memref<2x16x768xf32, #tpu.memory_space<vmem>>, vector<16xf32>,
      %mul3A_1158 = arith.mulf %get3A_1157, %gather3A_302 : vector<16xf32>
      %add3A_1159 = arith.addf %mul3A_1152, %mul3A_1158 : vector<16xf32>
      %swap3A_1160 = arith.constant 0 : i32
      %swap3A_1161 = arith.index_cast %swap3A_1160 : i32 to index
      %swap3A_1162 = arith.index_cast %scan3A_299 : i32 to index
      %swap3A_1163 = arith.constant 752 : index
      %swap3A_1164 = tpu.vector_load %arg12[%swap3A_1161, %swap3A_1162, %swap3A_1163] {strides = array<i32>} : memref<2x16x768xf32, #tpu.memory_space<vmem>>, vector<16xf32>,
      tpu.vector_store %arg12[%swap3A_1161, %swap3A_1162, %swap3A_1163], %add3A_1159 {strides = array<i32>} : memref<2x16x768xf32, #tpu.memory_space<vmem>>, vector<16xf32>,
    }
    %scan3A_203 = arith.constant 16 : i32
    %add3A_204 = arith.constant 32 : i32
    %add3A_205 = arith.addi %mul3A_2, %add3A_204 : i32
    %dma_start3A_206 = arith.constant 0 : i32
    %dma_start3A_207 = arith.constant 0 : i32
    %dma_start3A_208 = arith.constant 0 : i32
    %dma_start3A_209 = tpu.memref_slice %arg12[%dma_start3A_206, %dma_start3A_207, %dma_start3A_208] : memref<2x16x768xf32, #tpu.memory_space<vmem>> -> memref<1x16x768xf32, #tpu.memory_space<vmem>>
    %dma_start3A_210 = tpu.memref_squeeze %dma_start3A_209 : memref<1x16x768xf32, #tpu.memory_space<vmem>> -> memref<16x768xf32, #tpu.memory_space<vmem>>
    %dma_start3A_211 = arith.constant 0 : i32
    %dma_start3A_212 = tpu.memref_slice %arg5[%add3A_205, %dma_start3A_211] : memref<2048x768xf32, #tpu.memory_space<hbm>> -> memref<16x768xf32, #tpu.memory_space<hbm>>
    %dma_start3A_213 = arith.constant 0 : i32
    %dma_start3A_214 = tpu.memref_slice %arg5[%add3A_205, %dma_start3A_213] : memref<2048x768xf32, #tpu.memory_space<hbm>> -> memref<16x768xf32, #tpu.memory_space<hbm>>
    %dma_start3A_215 = arith.constant 0 : i32
    %dma_start3A_216 = arith.constant 0 : i32
    %dma_start3A_217 = tpu.memref_slice %arg12[%dma_start3A_206, %dma_start3A_215, %dma_start3A_216] : memref<2x16x768xf32, #tpu.memory_space<vmem>> -> memref<1x16x768xf32, #tpu.memory_space<vmem>>
    %dma_start3A_218 = tpu.memref_squeeze %dma_start3A_217 : memref<1x16x768xf32, #tpu.memory_space<vmem>> -> memref<16x768xf32, #tpu.memory_space<vmem>>
    tpu.enqueue_dma source(%dma_start3A_218 : memref<16x768xf32, #tpu.memory_space<vmem>>) target(%dma_start3A_214 : memref<16x768xf32, #tpu.memory_space<hbm>>) target_semaphore(%arg14 : memref<!tpu.dma_semaphore, #tpu.memory_space<semaphore_mem>>)
    %dma_wait3A_219 = arith.constant 1 : i32
    %dma_wait3A_220 = arith.constant 0 : i32
    %dma_wait3A_221 = arith.constant 0 : i32
    %dma_wait3A_222 = tpu.memref_slice %arg10[%dma_wait3A_219, %dma_wait3A_220, %dma_wait3A_221] : memref<2x16x768xf32, #tpu.memory_space<vmem>> -> memref<1x16x768xf32, #tpu.memory_space<vmem>>
    %dma_wait3A_223 = tpu.memref_squeeze %dma_wait3A_222 : memref<1x16x768xf32, #tpu.memory_space<vmem>> -> memref<16x768xf32, #tpu.memory_space<vmem>>
    %dma_wait3A_224 = arith.constant 48 : i32
    %dma_wait3A_225 = tpu.memref_slice %arg8[%dma_wait3A_224] : memref<64xi32, #tpu.memory_space<vmem>> -> memref<16xi32, #tpu.memory_space<vmem>>
    %dma_wait3A_226 = arith.constant 0 : i32
    %dma_wait3A_227 = arith.constant 0 : i32
    %dma_wait3A_228 = tpu.memref_slice %arg2[%dma_wait3A_226, %dma_wait3A_227] : memref<12288x768xf32, #tpu.memory_space<hbm>> -> memref<12288x768xf32, #tpu.memory_space<hbm>>
    tpu.wait_indirect_dma semaphore(%arg13 : memref<!tpu.dma_semaphore, #tpu.memory_space<semaphore_mem>>) src(%dma_wait3A_228 : memref<12288x768xf32, #tpu.memory_space<hbm>>) dst(%dma_wait3A_223 : memref<16x768xf32, #tpu.memory_space<vmem>>)
    %dma_wait3A_229 = arith.constant 1 : i32
    %dma_wait3A_230 = arith.constant 0 : i32
    %dma_wait3A_231 = arith.constant 0 : i32
    %dma_wait3A_232 = tpu.memref_slice %arg11[%dma_wait3A_229, %dma_wait3A_230, %dma_wait3A_231] : memref<2x16x768xf32, #tpu.memory_space<vmem>> -> memref<1x16x768xf32, #tpu.memory_space<vmem>>
    %dma_wait3A_233 = tpu.memref_squeeze %dma_wait3A_232 : memref<1x16x768xf32, #tpu.memory_space<vmem>> -> memref<16x768xf32, #tpu.memory_space<vmem>>
    %dma_wait3A_234 = arith.constant 48 : i32
    %dma_wait3A_235 = tpu.memref_slice %arg9[%dma_wait3A_234] : memref<64xi32, #tpu.memory_space<vmem>> -> memref<16xi32, #tpu.memory_space<vmem>>
    %dma_wait3A_236 = arith.constant 0 : i32
    %dma_wait3A_237 = arith.constant 0 : i32
    %dma_wait3A_238 = tpu.memref_slice %arg2[%dma_wait3A_236, %dma_wait3A_237] : memref<12288x768xf32, #tpu.memory_space<hbm>> -> memref<12288x768xf32, #tpu.memory_space<hbm>>
    tpu.wait_indirect_dma semaphore(%arg13 : memref<!tpu.dma_semaphore, #tpu.memory_space<semaphore_mem>>) src(%dma_wait3A_238 : memref<12288x768xf32, #tpu.memory_space<hbm>>) dst(%dma_wait3A_233 : memref<16x768xf32, #tpu.memory_space<vmem>>)
    %dma_wait3A_239 = arith.constant 1 : i32
    %dma_wait3A_240 = arith.constant 0 : i32
    %dma_wait3A_241 = arith.constant 0 : i32
    %dma_wait3A_242 = tpu.memref_slice %arg12[%dma_wait3A_239, %dma_wait3A_240, %dma_wait3A_241] : memref<2x16x768xf32, #tpu.memory_space<vmem>> -> memref<1x16x768xf32, #tpu.memory_space<vmem>>
    %dma_wait3A_243 = tpu.memref_squeeze %dma_wait3A_242 : memref<1x16x768xf32, #tpu.memory_space<vmem>> -> memref<16x768xf32, #tpu.memory_space<vmem>>
    %dma_wait3A_244 = arith.constant 0 : i32
    %dma_wait3A_245 = tpu.memref_slice %arg5[%add3A_131, %dma_wait3A_244] : memref<2048x768xf32, #tpu.memory_space<hbm>> -> memref<16x768xf32, #tpu.memory_space<hbm>>
    %dma_wait3A_246 = arith.constant 0 : i32
    %dma_wait3A_247 = tpu.memref_slice %arg5[%add3A_131, %dma_wait3A_246] : memref<2048x768xf32, #tpu.memory_space<hbm>> -> memref<16x768xf32, #tpu.memory_space<hbm>>
    %dma_wait3A_248 = arith.constant 0 : i32
    %dma_wait3A_249 = arith.constant 0 : i32
    %dma_wait3A_250 = tpu.memref_slice %arg12[%dma_wait3A_239, %dma_wait3A_248, %dma_wait3A_249] : memref<2x16x768xf32, #tpu.memory_space<vmem>> -> memref<1x16x768xf32, #tpu.memory_space<vmem>>
    %dma_wait3A_251 = tpu.memref_squeeze %dma_wait3A_250 : memref<1x16x768xf32, #tpu.memory_space<vmem>> -> memref<16x768xf32, #tpu.memory_space<vmem>>
    tpu.wait_dma2 semaphore(%arg14 : memref<!tpu.dma_semaphore, #tpu.memory_space<semaphore_mem>>) src(%dma_wait3A_251 : memref<16x768xf32, #tpu.memory_space<vmem>>) dst(%dma_wait3A_247 : memref<16x768xf32, #tpu.memory_space<hbm>>)
    %scan3A_252 = arith.constant 0 : i32
    %scan3A_253 = arith.constant 0 : i32
    %scan3A_254 = arith.constant 16 : i32
    %scan3A_255 = arith.addi %scan3A_253, %scan3A_254 : i32
    %scan3A_256 = arith.constant 1 : i32
    scf.for %scan3A_299 = %scan3A_253 to %scan3A_255 step %scan3A_256  : i32 {
      %add3A_300 = arith.constant 48 : i32
      %add3A_301 = arith.addi %add3A_300, %scan3A_299 : i32
      %broadcast_in_dim3A = vector.broadcast %add3A_301 : i32 to vector<16xi32>
      %gather3A = tpu.vector_load_idx %arg6[%broadcast_in_dim3A] : memref<64xf32, #tpu.memory_space<vmem>>[vector<16xi32>], vector<16xf32>,
      %gather3A_302 = tpu.vector_load_idx %arg7[%broadcast_in_dim3A] : memref<64xf32, #tpu.memory_space<vmem>>[vector<16xi32>], vector<16xf32>,
      %get3A = arith.constant 1 : i32
      %get3A_303 = arith.index_cast %get3A : i32 to index
      %get3A_304 = arith.index_cast %scan3A_299 : i32 to index
      %get3A_305 = arith.constant 0 : index
      %get3A_306 = tpu.vector_load %arg10[%get3A_303, %get3A_304, %get3A_305] {strides = array<i32>} : memref<2x16x768xf32, #tpu.memory_space<vmem>>, vector<16xf32>,
      %mul3A_307 = arith.mulf %get3A_306, %gather3A : vector<16xf32>
      %get3A_308 = arith.constant 1 : i32
      %get3A_309 = arith.index_cast %get3A_308 : i32 to index
      %get3A_310 = arith.index_cast %scan3A_299 : i32 to index
      %get3A_311 = arith.constant 0 : index
      %get3A_312 = tpu.vector_load %arg11[%get3A_309, %get3A_310, %get3A_311] {strides = array<i32>} : memref<2x16x768xf32, #tpu.memory_space<vmem>>, vector<16xf32>,
      %mul3A_313 = arith.mulf %get3A_312, %gather3A_302 : vector<16xf32>
      %add3A_314 = arith.addf %mul3A_307, %mul3A_313 : vector<16xf32>
      %swap3A = arith.constant 1 : i32
      %swap3A_315 = arith.index_cast %swap3A : i32 to index
      %swap3A_316 = arith.index_cast %scan3A_299 : i32 to index
      %swap3A_317 = arith.constant 0 : index
      %swap3A_318 = tpu.vector_load %arg12[%swap3A_315, %swap3A_316, %swap3A_317] {strides = array<i32>} : memref<2x16x768xf32, #tpu.memory_space<vmem>>, vector<16xf32>,
      tpu.vector_store %arg12[%swap3A_315, %swap3A_316, %swap3A_317], %add3A_314 {strides = array<i32>} : memref<2x16x768xf32, #tpu.memory_space<vmem>>, vector<16xf32>,
      %get3A_319 = arith.constant 1 : i32
      %get3A_320 = arith.index_cast %get3A_319 : i32 to index
      %get3A_321 = arith.index_cast %scan3A_299 : i32 to index
      %get3A_322 = arith.constant 16 : index
      %get3A_323 = tpu.vector_load %arg10[%get3A_320, %get3A_321, %get3A_322] {strides = array<i32>} : memref<2x16x768xf32, #tpu.memory_space<vmem>>, vector<16xf32>,
      %mul3A_324 = arith.mulf %get3A_323, %gather3A : vector<16xf32>
      %get3A_325 = arith.constant 1 : i32
      %get3A_326 = arith.index_cast %get3A_325 : i32 to index
      %get3A_327 = arith.index_cast %scan3A_299 : i32 to index
      %get3A_328 = arith.constant 16 : index
      %get3A_329 = tpu.vector_load %arg11[%get3A_326, %get3A_327, %get3A_328] {strides = array<i32>} : memref<2x16x768xf32, #tpu.memory_space<vmem>>, vector<16xf32>,
      %mul3A_330 = arith.mulf %get3A_329, %gather3A_302 : vector<16xf32>
      %add3A_331 = arith.addf %mul3A_324, %mul3A_330 : vector<16xf32>
      %swap3A_332 = arith.constant 1 : i32
      %swap3A_333 = arith.index_cast %swap3A_332 : i32 to index
      %swap3A_334 = arith.index_cast %scan3A_299 : i32 to index
      %swap3A_335 = arith.constant 16 : index
      %swap3A_336 = tpu.vector_load %arg12[%swap3A_333, %swap3A_334, %swap3A_335] {strides = array<i32>} : memref<2x16x768xf32, #tpu.memory_space<vmem>>, vector<16xf32>,
      tpu.vector_store %arg12[%swap3A_333, %swap3A_334, %swap3A_335], %add3A_331 {strides = array<i32>} : memref<2x16x768xf32, #tpu.memory_space<vmem>>, vector<16xf32>,
      %get3A_337 = arith.constant 1 : i32
      %get3A_338 = arith.index_cast %get3A_337 : i32 to index
      %get3A_339 = arith.index_cast %scan3A_299 : i32 to index
      %get3A_340 = arith.constant 32 : index
      %get3A_341 = tpu.vector_load %arg10[%get3A_338, %get3A_339, %get3A_340] {strides = array<i32>} : memref<2x16x768xf32, #tpu.memory_space<vmem>>, vector<16xf32>,
      %mul3A_342 = arith.mulf %get3A_341, %gather3A : vector<16xf32>
      %get3A_343 = arith.constant 1 : i32
      %get3A_344 = arith.index_cast %get3A_343 : i32 to index
      %get3A_345 = arith.index_cast %scan3A_299 : i32 to index
      %get3A_346 = arith.constant 32 : index
      %get3A_347 = tpu.vector_load %arg11[%get3A_344, %get3A_345, %get3A_346] {strides = array<i32>} : memref<2x16x768xf32, #tpu.memory_space<vmem>>, vector<16xf32>,
      %mul3A_348 = arith.mulf %get3A_347, %gather3A_302 : vector<16xf32>
      %add3A_349 = arith.addf %mul3A_342, %mul3A_348 : vector<16xf32>
      %swap3A_350 = arith.constant 1 : i32
      %swap3A_351 = arith.index_cast %swap3A_350 : i32 to index
      %swap3A_352 = arith.index_cast %scan3A_299 : i32 to index
      %swap3A_353 = arith.constant 32 : index
      %swap3A_354 = tpu.vector_load %arg12[%swap3A_351, %swap3A_352, %swap3A_353] {strides = array<i32>} : memref<2x16x768xf32, #tpu.memory_space<vmem>>, vector<16xf32>,
      tpu.vector_store %arg12[%swap3A_351, %swap3A_352, %swap3A_353], %add3A_349 {strides = array<i32>} : memref<2x16x768xf32, #tpu.memory_space<vmem>>, vector<16xf32>,
      %get3A_355 = arith.constant 1 : i32
      %get3A_356 = arith.index_cast %get3A_355 : i32 to index
      %get3A_357 = arith.index_cast %scan3A_299 : i32 to index
      %get3A_358 = arith.constant 48 : index
      %get3A_359 = tpu.vector_load %arg10[%get3A_356, %get3A_357, %get3A_358] {strides = array<i32>} : memref<2x16x768xf32, #tpu.memory_space<vmem>>, vector<16xf32>,
      %mul3A_360 = arith.mulf %get3A_359, %gather3A : vector<16xf32>
      %get3A_361 = arith.constant 1 : i32
      %get3A_362 = arith.index_cast %get3A_361 : i32 to index
      %get3A_363 = arith.index_cast %scan3A_299 : i32 to index
      %get3A_364 = arith.constant 48 : index
      %get3A_365 = tpu.vector_load %arg11[%get3A_362, %get3A_363, %get3A_364] {strides = array<i32>} : memref<2x16x768xf32, #tpu.memory_space<vmem>>, vector<16xf32>,
      %mul3A_366 = arith.mulf %get3A_365, %gather3A_302 : vector<16xf32>
      %add3A_367 = arith.addf %mul3A_360, %mul3A_366 : vector<16xf32>
      %swap3A_368 = arith.constant 1 : i32
      %swap3A_369 = arith.index_cast %swap3A_368 : i32 to index
      %swap3A_370 = arith.index_cast %scan3A_299 : i32 to index
      %swap3A_371 = arith.constant 48 : index
      %swap3A_372 = tpu.vector_load %arg12[%swap3A_369, %swap3A_370, %swap3A_371] {strides = array<i32>} : memref<2x16x768xf32, #tpu.memory_space<vmem>>, vector<16xf32>,
      tpu.vector_store %arg12[%swap3A_369, %swap3A_370, %swap3A_371], %add3A_367 {strides = array<i32>} : memref<2x16x768xf32, #tpu.memory_space<vmem>>, vector<16xf32>,
      %get3A_373 = arith.constant 1 : i32
      %get3A_374 = arith.index_cast %get3A_373 : i32 to index
      %get3A_375 = arith.index_cast %scan3A_299 : i32 to index
      %get3A_376 = arith.constant 64 : index
      %get3A_377 = tpu.vector_load %arg10[%get3A_374, %get3A_375, %get3A_376] {strides = array<i32>} : memref<2x16x768xf32, #tpu.memory_space<vmem>>, vector<16xf32>,
      %mul3A_378 = arith.mulf %get3A_377, %gather3A : vector<16xf32>
      %get3A_379 = arith.constant 1 : i32
      %get3A_380 = arith.index_cast %get3A_379 : i32 to index
      %get3A_381 = arith.index_cast %scan3A_299 : i32 to index
      %get3A_382 = arith.constant 64 : index
      %get3A_383 = tpu.vector_load %arg11[%get3A_380, %get3A_381, %get3A_382] {strides = array<i32>} : memref<2x16x768xf32, #tpu.memory_space<vmem>>, vector<16xf32>,
      %mul3A_384 = arith.mulf %get3A_383, %gather3A_302 : vector<16xf32>
      %add3A_385 = arith.addf %mul3A_378, %mul3A_384 : vector<16xf32>
      %swap3A_386 = arith.constant 1 : i32
      %swap3A_387 = arith.index_cast %swap3A_386 : i32 to index
      %swap3A_388 = arith.index_cast %scan3A_299 : i32 to index
      %swap3A_389 = arith.constant 64 : index
      %swap3A_390 = tpu.vector_load %arg12[%swap3A_387, %swap3A_388, %swap3A_389] {strides = array<i32>} : memref<2x16x768xf32, #tpu.memory_space<vmem>>, vector<16xf32>,
      tpu.vector_store %arg12[%swap3A_387, %swap3A_388, %swap3A_389], %add3A_385 {strides = array<i32>} : memref<2x16x768xf32, #tpu.memory_space<vmem>>, vector<16xf32>,
      %get3A_391 = arith.constant 1 : i32
      %get3A_392 = arith.index_cast %get3A_391 : i32 to index
      %get3A_393 = arith.index_cast %scan3A_299 : i32 to index
      %get3A_394 = arith.constant 80 : index
      %get3A_395 = tpu.vector_load %arg10[%get3A_392, %get3A_393, %get3A_394] {strides = array<i32>} : memref<2x16x768xf32, #tpu.memory_space<vmem>>, vector<16xf32>,
      %mul3A_396 = arith.mulf %get3A_395, %gather3A : vector<16xf32>
      %get3A_397 = arith.constant 1 : i32
      %get3A_398 = arith.index_cast %get3A_397 : i32 to index
      %get3A_399 = arith.index_cast %scan3A_299 : i32 to index
      %get3A_400 = arith.constant 80 : index
      %get3A_401 = tpu.vector_load %arg11[%get3A_398, %get3A_399, %get3A_400] {strides = array<i32>} : memref<2x16x768xf32, #tpu.memory_space<vmem>>, vector<16xf32>,
      %mul3A_402 = arith.mulf %get3A_401, %gather3A_302 : vector<16xf32>
      %add3A_403 = arith.addf %mul3A_396, %mul3A_402 : vector<16xf32>
      %swap3A_404 = arith.constant 1 : i32
      %swap3A_405 = arith.index_cast %swap3A_404 : i32 to index
      %swap3A_406 = arith.index_cast %scan3A_299 : i32 to index
      %swap3A_407 = arith.constant 80 : index
      %swap3A_408 = tpu.vector_load %arg12[%swap3A_405, %swap3A_406, %swap3A_407] {strides = array<i32>} : memref<2x16x768xf32, #tpu.memory_space<vmem>>, vector<16xf32>,
      tpu.vector_store %arg12[%swap3A_405, %swap3A_406, %swap3A_407], %add3A_403 {strides = array<i32>} : memref<2x16x768xf32, #tpu.memory_space<vmem>>, vector<16xf32>,
      %get3A_409 = arith.constant 1 : i32
      %get3A_410 = arith.index_cast %get3A_409 : i32 to index
      %get3A_411 = arith.index_cast %scan3A_299 : i32 to index
      %get3A_412 = arith.constant 96 : index
      %get3A_413 = tpu.vector_load %arg10[%get3A_410, %get3A_411, %get3A_412] {strides = array<i32>} : memref<2x16x768xf32, #tpu.memory_space<vmem>>, vector<16xf32>,
      %mul3A_414 = arith.mulf %get3A_413, %gather3A : vector<16xf32>
      %get3A_415 = arith.constant 1 : i32
      %get3A_416 = arith.index_cast %get3A_415 : i32 to index
      %get3A_417 = arith.index_cast %scan3A_299 : i32 to index
      %get3A_418 = arith.constant 96 : index
      %get3A_419 = tpu.vector_load %arg11[%get3A_416, %get3A_417, %get3A_418] {strides = array<i32>} : memref<2x16x768xf32, #tpu.memory_space<vmem>>, vector<16xf32>,
      %mul3A_420 = arith.mulf %get3A_419, %gather3A_302 : vector<16xf32>
      %add3A_421 = arith.addf %mul3A_414, %mul3A_420 : vector<16xf32>
      %swap3A_422 = arith.constant 1 : i32
      %swap3A_423 = arith.index_cast %swap3A_422 : i32 to index
      %swap3A_424 = arith.index_cast %scan3A_299 : i32 to index
      %swap3A_425 = arith.constant 96 : index
      %swap3A_426 = tpu.vector_load %arg12[%swap3A_423, %swap3A_424, %swap3A_425] {strides = array<i32>} : memref<2x16x768xf32, #tpu.memory_space<vmem>>, vector<16xf32>,
      tpu.vector_store %arg12[%swap3A_423, %swap3A_424, %swap3A_425], %add3A_421 {strides = array<i32>} : memref<2x16x768xf32, #tpu.memory_space<vmem>>, vector<16xf32>,
      %get3A_427 = arith.constant 1 : i32
      %get3A_428 = arith.index_cast %get3A_427 : i32 to index
      %get3A_429 = arith.index_cast %scan3A_299 : i32 to index
      %get3A_430 = arith.constant 112 : index
      %get3A_431 = tpu.vector_load %arg10[%get3A_428, %get3A_429, %get3A_430] {strides = array<i32>} : memref<2x16x768xf32, #tpu.memory_space<vmem>>, vector<16xf32>,
      %mul3A_432 = arith.mulf %get3A_431, %gather3A : vector<16xf32>
      %get3A_433 = arith.constant 1 : i32
      %get3A_434 = arith.index_cast %get3A_433 : i32 to index
      %get3A_435 = arith.index_cast %scan3A_299 : i32 to index
      %get3A_436 = arith.constant 112 : index
      %get3A_437 = tpu.vector_load %arg11[%get3A_434, %get3A_435, %get3A_436] {strides = array<i32>} : memref<2x16x768xf32, #tpu.memory_space<vmem>>, vector<16xf32>,
      %mul3A_438 = arith.mulf %get3A_437, %gather3A_302 : vector<16xf32>
      %add3A_439 = arith.addf %mul3A_432, %mul3A_438 : vector<16xf32>
      %swap3A_440 = arith.constant 1 : i32
      %swap3A_441 = arith.index_cast %swap3A_440 : i32 to index
      %swap3A_442 = arith.index_cast %scan3A_299 : i32 to index
      %swap3A_443 = arith.constant 112 : index
      %swap3A_444 = tpu.vector_load %arg12[%swap3A_441, %swap3A_442, %swap3A_443] {strides = array<i32>} : memref<2x16x768xf32, #tpu.memory_space<vmem>>, vector<16xf32>,
      tpu.vector_store %arg12[%swap3A_441, %swap3A_442, %swap3A_443], %add3A_439 {strides = array<i32>} : memref<2x16x768xf32, #tpu.memory_space<vmem>>, vector<16xf32>,
      %get3A_445 = arith.constant 1 : i32
      %get3A_446 = arith.index_cast %get3A_445 : i32 to index
      %get3A_447 = arith.index_cast %scan3A_299 : i32 to index
      %get3A_448 = arith.constant 128 : index
      %get3A_449 = tpu.vector_load %arg10[%get3A_446, %get3A_447, %get3A_448] {strides = array<i32>} : memref<2x16x768xf32, #tpu.memory_space<vmem>>, vector<16xf32>,
      %mul3A_450 = arith.mulf %get3A_449, %gather3A : vector<16xf32>
      %get3A_451 = arith.constant 1 : i32
      %get3A_452 = arith.index_cast %get3A_451 : i32 to index
      %get3A_453 = arith.index_cast %scan3A_299 : i32 to index
      %get3A_454 = arith.constant 128 : index
      %get3A_455 = tpu.vector_load %arg11[%get3A_452, %get3A_453, %get3A_454] {strides = array<i32>} : memref<2x16x768xf32, #tpu.memory_space<vmem>>, vector<16xf32>,
      %mul3A_456 = arith.mulf %get3A_455, %gather3A_302 : vector<16xf32>
      %add3A_457 = arith.addf %mul3A_450, %mul3A_456 : vector<16xf32>
      %swap3A_458 = arith.constant 1 : i32
      %swap3A_459 = arith.index_cast %swap3A_458 : i32 to index
      %swap3A_460 = arith.index_cast %scan3A_299 : i32 to index
      %swap3A_461 = arith.constant 128 : index
      %swap3A_462 = tpu.vector_load %arg12[%swap3A_459, %swap3A_460, %swap3A_461] {strides = array<i32>} : memref<2x16x768xf32, #tpu.memory_space<vmem>>, vector<16xf32>,
      tpu.vector_store %arg12[%swap3A_459, %swap3A_460, %swap3A_461], %add3A_457 {strides = array<i32>} : memref<2x16x768xf32, #tpu.memory_space<vmem>>, vector<16xf32>,
      %get3A_463 = arith.constant 1 : i32
      %get3A_464 = arith.index_cast %get3A_463 : i32 to index
      %get3A_465 = arith.index_cast %scan3A_299 : i32 to index
      %get3A_466 = arith.constant 144 : index
      %get3A_467 = tpu.vector_load %arg10[%get3A_464, %get3A_465, %get3A_466] {strides = array<i32>} : memref<2x16x768xf32, #tpu.memory_space<vmem>>, vector<16xf32>,
      %mul3A_468 = arith.mulf %get3A_467, %gather3A : vector<16xf32>
      %get3A_469 = arith.constant 1 : i32
      %get3A_470 = arith.index_cast %get3A_469 : i32 to index
      %get3A_471 = arith.index_cast %scan3A_299 : i32 to index
      %get3A_472 = arith.constant 144 : index
      %get3A_473 = tpu.vector_load %arg11[%get3A_470, %get3A_471, %get3A_472] {strides = array<i32>} : memref<2x16x768xf32, #tpu.memory_space<vmem>>, vector<16xf32>,
      %mul3A_474 = arith.mulf %get3A_473, %gather3A_302 : vector<16xf32>
      %add3A_475 = arith.addf %mul3A_468, %mul3A_474 : vector<16xf32>
      %swap3A_476 = arith.constant 1 : i32
      %swap3A_477 = arith.index_cast %swap3A_476 : i32 to index
      %swap3A_478 = arith.index_cast %scan3A_299 : i32 to index
      %swap3A_479 = arith.constant 144 : index
      %swap3A_480 = tpu.vector_load %arg12[%swap3A_477, %swap3A_478, %swap3A_479] {strides = array<i32>} : memref<2x16x768xf32, #tpu.memory_space<vmem>>, vector<16xf32>,
      tpu.vector_store %arg12[%swap3A_477, %swap3A_478, %swap3A_479], %add3A_475 {strides = array<i32>} : memref<2x16x768xf32, #tpu.memory_space<vmem>>, vector<16xf32>,
      %get3A_481 = arith.constant 1 : i32
      %get3A_482 = arith.index_cast %get3A_481 : i32 to index
      %get3A_483 = arith.index_cast %scan3A_299 : i32 to index
      %get3A_484 = arith.constant 160 : index
      %get3A_485 = tpu.vector_load %arg10[%get3A_482, %get3A_483, %get3A_484] {strides = array<i32>} : memref<2x16x768xf32, #tpu.memory_space<vmem>>, vector<16xf32>,
      %mul3A_486 = arith.mulf %get3A_485, %gather3A : vector<16xf32>
      %get3A_487 = arith.constant 1 : i32
      %get3A_488 = arith.index_cast %get3A_487 : i32 to index
      %get3A_489 = arith.index_cast %scan3A_299 : i32 to index
      %get3A_490 = arith.constant 160 : index
      %get3A_491 = tpu.vector_load %arg11[%get3A_488, %get3A_489, %get3A_490] {strides = array<i32>} : memref<2x16x768xf32, #tpu.memory_space<vmem>>, vector<16xf32>,
      %mul3A_492 = arith.mulf %get3A_491, %gather3A_302 : vector<16xf32>
      %add3A_493 = arith.addf %mul3A_486, %mul3A_492 : vector<16xf32>
      %swap3A_494 = arith.constant 1 : i32
      %swap3A_495 = arith.index_cast %swap3A_494 : i32 to index
      %swap3A_496 = arith.index_cast %scan3A_299 : i32 to index
      %swap3A_497 = arith.constant 160 : index
      %swap3A_498 = tpu.vector_load %arg12[%swap3A_495, %swap3A_496, %swap3A_497] {strides = array<i32>} : memref<2x16x768xf32, #tpu.memory_space<vmem>>, vector<16xf32>,
      tpu.vector_store %arg12[%swap3A_495, %swap3A_496, %swap3A_497], %add3A_493 {strides = array<i32>} : memref<2x16x768xf32, #tpu.memory_space<vmem>>, vector<16xf32>,
      %get3A_499 = arith.constant 1 : i32
      %get3A_500 = arith.index_cast %get3A_499 : i32 to index
      %get3A_501 = arith.index_cast %scan3A_299 : i32 to index
      %get3A_502 = arith.constant 176 : index
      %get3A_503 = tpu.vector_load %arg10[%get3A_500, %get3A_501, %get3A_502] {strides = array<i32>} : memref<2x16x768xf32, #tpu.memory_space<vmem>>, vector<16xf32>,
      %mul3A_504 = arith.mulf %get3A_503, %gather3A : vector<16xf32>
      %get3A_505 = arith.constant 1 : i32
      %get3A_506 = arith.index_cast %get3A_505 : i32 to index
      %get3A_507 = arith.index_cast %scan3A_299 : i32 to index
      %get3A_508 = arith.constant 176 : index
      %get3A_509 = tpu.vector_load %arg11[%get3A_506, %get3A_507, %get3A_508] {strides = array<i32>} : memref<2x16x768xf32, #tpu.memory_space<vmem>>, vector<16xf32>,
      %mul3A_510 = arith.mulf %get3A_509, %gather3A_302 : vector<16xf32>
      %add3A_511 = arith.addf %mul3A_504, %mul3A_510 : vector<16xf32>
      %swap3A_512 = arith.constant 1 : i32
      %swap3A_513 = arith.index_cast %swap3A_512 : i32 to index
      %swap3A_514 = arith.index_cast %scan3A_299 : i32 to index
      %swap3A_515 = arith.constant 176 : index
      %swap3A_516 = tpu.vector_load %arg12[%swap3A_513, %swap3A_514, %swap3A_515] {strides = array<i32>} : memref<2x16x768xf32, #tpu.memory_space<vmem>>, vector<16xf32>,
      tpu.vector_store %arg12[%swap3A_513, %swap3A_514, %swap3A_515], %add3A_511 {strides = array<i32>} : memref<2x16x768xf32, #tpu.memory_space<vmem>>, vector<16xf32>,
      %get3A_517 = arith.constant 1 : i32
      %get3A_518 = arith.index_cast %get3A_517 : i32 to index
      %get3A_519 = arith.index_cast %scan3A_299 : i32 to index
      %get3A_520 = arith.constant 192 : index
      %get3A_521 = tpu.vector_load %arg10[%get3A_518, %get3A_519, %get3A_520] {strides = array<i32>} : memref<2x16x768xf32, #tpu.memory_space<vmem>>, vector<16xf32>,
      %mul3A_522 = arith.mulf %get3A_521, %gather3A : vector<16xf32>
      %get3A_523 = arith.constant 1 : i32
      %get3A_524 = arith.index_cast %get3A_523 : i32 to index
      %get3A_525 = arith.index_cast %scan3A_299 : i32 to index
      %get3A_526 = arith.constant 192 : index
      %get3A_527 = tpu.vector_load %arg11[%get3A_524, %get3A_525, %get3A_526] {strides = array<i32>} : memref<2x16x768xf32, #tpu.memory_space<vmem>>, vector<16xf32>,
      %mul3A_528 = arith.mulf %get3A_527, %gather3A_302 : vector<16xf32>
      %add3A_529 = arith.addf %mul3A_522, %mul3A_528 : vector<16xf32>
      %swap3A_530 = arith.constant 1 : i32
      %swap3A_531 = arith.index_cast %swap3A_530 : i32 to index
      %swap3A_532 = arith.index_cast %scan3A_299 : i32 to index
      %swap3A_533 = arith.constant 192 : index
      %swap3A_534 = tpu.vector_load %arg12[%swap3A_531, %swap3A_532, %swap3A_533] {strides = array<i32>} : memref<2x16x768xf32, #tpu.memory_space<vmem>>, vector<16xf32>,
      tpu.vector_store %arg12[%swap3A_531, %swap3A_532, %swap3A_533], %add3A_529 {strides = array<i32>} : memref<2x16x768xf32, #tpu.memory_space<vmem>>, vector<16xf32>,
      %get3A_535 = arith.constant 1 : i32
      %get3A_536 = arith.index_cast %get3A_535 : i32 to index
      %get3A_537 = arith.index_cast %scan3A_299 : i32 to index
      %get3A_538 = arith.constant 208 : index
      %get3A_539 = tpu.vector_load %arg10[%get3A_536, %get3A_537, %get3A_538] {strides = array<i32>} : memref<2x16x768xf32, #tpu.memory_space<vmem>>, vector<16xf32>,
      %mul3A_540 = arith.mulf %get3A_539, %gather3A : vector<16xf32>
      %get3A_541 = arith.constant 1 : i32
      %get3A_542 = arith.index_cast %get3A_541 : i32 to index
      %get3A_543 = arith.index_cast %scan3A_299 : i32 to index
      %get3A_544 = arith.constant 208 : index
      %get3A_545 = tpu.vector_load %arg11[%get3A_542, %get3A_543, %get3A_544] {strides = array<i32>} : memref<2x16x768xf32, #tpu.memory_space<vmem>>, vector<16xf32>,
      %mul3A_546 = arith.mulf %get3A_545, %gather3A_302 : vector<16xf32>
      %add3A_547 = arith.addf %mul3A_540, %mul3A_546 : vector<16xf32>
      %swap3A_548 = arith.constant 1 : i32
      %swap3A_549 = arith.index_cast %swap3A_548 : i32 to index
      %swap3A_550 = arith.index_cast %scan3A_299 : i32 to index
      %swap3A_551 = arith.constant 208 : index
      %swap3A_552 = tpu.vector_load %arg12[%swap3A_549, %swap3A_550, %swap3A_551] {strides = array<i32>} : memref<2x16x768xf32, #tpu.memory_space<vmem>>, vector<16xf32>,
      tpu.vector_store %arg12[%swap3A_549, %swap3A_550, %swap3A_551], %add3A_547 {strides = array<i32>} : memref<2x16x768xf32, #tpu.memory_space<vmem>>, vector<16xf32>,
      %get3A_553 = arith.constant 1 : i32
      %get3A_554 = arith.index_cast %get3A_553 : i32 to index
      %get3A_555 = arith.index_cast %scan3A_299 : i32 to index
      %get3A_556 = arith.constant 224 : index
      %get3A_557 = tpu.vector_load %arg10[%get3A_554, %get3A_555, %get3A_556] {strides = array<i32>} : memref<2x16x768xf32, #tpu.memory_space<vmem>>, vector<16xf32>,
      %mul3A_558 = arith.mulf %get3A_557, %gather3A : vector<16xf32>
      %get3A_559 = arith.constant 1 : i32
      %get3A_560 = arith.index_cast %get3A_559 : i32 to index
      %get3A_561 = arith.index_cast %scan3A_299 : i32 to index
      %get3A_562 = arith.constant 224 : index
      %get3A_563 = tpu.vector_load %arg11[%get3A_560, %get3A_561, %get3A_562] {strides = array<i32>} : memref<2x16x768xf32, #tpu.memory_space<vmem>>, vector<16xf32>,
      %mul3A_564 = arith.mulf %get3A_563, %gather3A_302 : vector<16xf32>
      %add3A_565 = arith.addf %mul3A_558, %mul3A_564 : vector<16xf32>
      %swap3A_566 = arith.constant 1 : i32
      %swap3A_567 = arith.index_cast %swap3A_566 : i32 to index
      %swap3A_568 = arith.index_cast %scan3A_299 : i32 to index
      %swap3A_569 = arith.constant 224 : index
      %swap3A_570 = tpu.vector_load %arg12[%swap3A_567, %swap3A_568, %swap3A_569] {strides = array<i32>} : memref<2x16x768xf32, #tpu.memory_space<vmem>>, vector<16xf32>,
      tpu.vector_store %arg12[%swap3A_567, %swap3A_568, %swap3A_569], %add3A_565 {strides = array<i32>} : memref<2x16x768xf32, #tpu.memory_space<vmem>>, vector<16xf32>,
      %get3A_571 = arith.constant 1 : i32
      %get3A_572 = arith.index_cast %get3A_571 : i32 to index
      %get3A_573 = arith.index_cast %scan3A_299 : i32 to index
      %get3A_574 = arith.constant 240 : index
      %get3A_575 = tpu.vector_load %arg10[%get3A_572, %get3A_573, %get3A_574] {strides = array<i32>} : memref<2x16x768xf32, #tpu.memory_space<vmem>>, vector<16xf32>,
      %mul3A_576 = arith.mulf %get3A_575, %gather3A : vector<16xf32>
      %get3A_577 = arith.constant 1 : i32
      %get3A_578 = arith.index_cast %get3A_577 : i32 to index
      %get3A_579 = arith.index_cast %scan3A_299 : i32 to index
      %get3A_580 = arith.constant 240 : index
      %get3A_581 = tpu.vector_load %arg11[%get3A_578, %get3A_579, %get3A_580] {strides = array<i32>} : memref<2x16x768xf32, #tpu.memory_space<vmem>>, vector<16xf32>,
      %mul3A_582 = arith.mulf %get3A_581, %gather3A_302 : vector<16xf32>
      %add3A_583 = arith.addf %mul3A_576, %mul3A_582 : vector<16xf32>
      %swap3A_584 = arith.constant 1 : i32
      %swap3A_585 = arith.index_cast %swap3A_584 : i32 to index
      %swap3A_586 = arith.index_cast %scan3A_299 : i32 to index
      %swap3A_587 = arith.constant 240 : index
      %swap3A_588 = tpu.vector_load %arg12[%swap3A_585, %swap3A_586, %swap3A_587] {strides = array<i32>} : memref<2x16x768xf32, #tpu.memory_space<vmem>>, vector<16xf32>,
      tpu.vector_store %arg12[%swap3A_585, %swap3A_586, %swap3A_587], %add3A_583 {strides = array<i32>} : memref<2x16x768xf32, #tpu.memory_space<vmem>>, vector<16xf32>,
      %get3A_589 = arith.constant 1 : i32
      %get3A_590 = arith.index_cast %get3A_589 : i32 to index
      %get3A_591 = arith.index_cast %scan3A_299 : i32 to index
      %get3A_592 = arith.constant 256 : index
      %get3A_593 = tpu.vector_load %arg10[%get3A_590, %get3A_591, %get3A_592] {strides = array<i32>} : memref<2x16x768xf32, #tpu.memory_space<vmem>>, vector<16xf32>,
      %mul3A_594 = arith.mulf %get3A_593, %gather3A : vector<16xf32>
      %get3A_595 = arith.constant 1 : i32
      %get3A_596 = arith.index_cast %get3A_595 : i32 to index
      %get3A_597 = arith.index_cast %scan3A_299 : i32 to index
      %get3A_598 = arith.constant 256 : index
      %get3A_599 = tpu.vector_load %arg11[%get3A_596, %get3A_597, %get3A_598] {strides = array<i32>} : memref<2x16x768xf32, #tpu.memory_space<vmem>>, vector<16xf32>,
      %mul3A_600 = arith.mulf %get3A_599, %gather3A_302 : vector<16xf32>
      %add3A_601 = arith.addf %mul3A_594, %mul3A_600 : vector<16xf32>
      %swap3A_602 = arith.constant 1 : i32
      %swap3A_603 = arith.index_cast %swap3A_602 : i32 to index
      %swap3A_604 = arith.index_cast %scan3A_299 : i32 to index
      %swap3A_605 = arith.constant 256 : index
      %swap3A_606 = tpu.vector_load %arg12[%swap3A_603, %swap3A_604, %swap3A_605] {strides = array<i32>} : memref<2x16x768xf32, #tpu.memory_space<vmem>>, vector<16xf32>,
      tpu.vector_store %arg12[%swap3A_603, %swap3A_604, %swap3A_605], %add3A_601 {strides = array<i32>} : memref<2x16x768xf32, #tpu.memory_space<vmem>>, vector<16xf32>,
      %get3A_607 = arith.constant 1 : i32
      %get3A_608 = arith.index_cast %get3A_607 : i32 to index
      %get3A_609 = arith.index_cast %scan3A_299 : i32 to index
      %get3A_610 = arith.constant 272 : index
      %get3A_611 = tpu.vector_load %arg10[%get3A_608, %get3A_609, %get3A_610] {strides = array<i32>} : memref<2x16x768xf32, #tpu.memory_space<vmem>>, vector<16xf32>,
      %mul3A_612 = arith.mulf %get3A_611, %gather3A : vector<16xf32>
      %get3A_613 = arith.constant 1 : i32
      %get3A_614 = arith.index_cast %get3A_613 : i32 to index
      %get3A_615 = arith.index_cast %scan3A_299 : i32 to index
      %get3A_616 = arith.constant 272 : index
      %get3A_617 = tpu.vector_load %arg11[%get3A_614, %get3A_615, %get3A_616] {strides = array<i32>} : memref<2x16x768xf32, #tpu.memory_space<vmem>>, vector<16xf32>,
      %mul3A_618 = arith.mulf %get3A_617, %gather3A_302 : vector<16xf32>
      %add3A_619 = arith.addf %mul3A_612, %mul3A_618 : vector<16xf32>
      %swap3A_620 = arith.constant 1 : i32
      %swap3A_621 = arith.index_cast %swap3A_620 : i32 to index
      %swap3A_622 = arith.index_cast %scan3A_299 : i32 to index
      %swap3A_623 = arith.constant 272 : index
      %swap3A_624 = tpu.vector_load %arg12[%swap3A_621, %swap3A_622, %swap3A_623] {strides = array<i32>} : memref<2x16x768xf32, #tpu.memory_space<vmem>>, vector<16xf32>,
      tpu.vector_store %arg12[%swap3A_621, %swap3A_622, %swap3A_623], %add3A_619 {strides = array<i32>} : memref<2x16x768xf32, #tpu.memory_space<vmem>>, vector<16xf32>,
      %get3A_625 = arith.constant 1 : i32
      %get3A_626 = arith.index_cast %get3A_625 : i32 to index
      %get3A_627 = arith.index_cast %scan3A_299 : i32 to index
      %get3A_628 = arith.constant 288 : index
      %get3A_629 = tpu.vector_load %arg10[%get3A_626, %get3A_627, %get3A_628] {strides = array<i32>} : memref<2x16x768xf32, #tpu.memory_space<vmem>>, vector<16xf32>,
      %mul3A_630 = arith.mulf %get3A_629, %gather3A : vector<16xf32>
      %get3A_631 = arith.constant 1 : i32
      %get3A_632 = arith.index_cast %get3A_631 : i32 to index
      %get3A_633 = arith.index_cast %scan3A_299 : i32 to index
      %get3A_634 = arith.constant 288 : index
      %get3A_635 = tpu.vector_load %arg11[%get3A_632, %get3A_633, %get3A_634] {strides = array<i32>} : memref<2x16x768xf32, #tpu.memory_space<vmem>>, vector<16xf32>,
      %mul3A_636 = arith.mulf %get3A_635, %gather3A_302 : vector<16xf32>
      %add3A_637 = arith.addf %mul3A_630, %mul3A_636 : vector<16xf32>
      %swap3A_638 = arith.constant 1 : i32
      %swap3A_639 = arith.index_cast %swap3A_638 : i32 to index
      %swap3A_640 = arith.index_cast %scan3A_299 : i32 to index
      %swap3A_641 = arith.constant 288 : index
      %swap3A_642 = tpu.vector_load %arg12[%swap3A_639, %swap3A_640, %swap3A_641] {strides = array<i32>} : memref<2x16x768xf32, #tpu.memory_space<vmem>>, vector<16xf32>,
      tpu.vector_store %arg12[%swap3A_639, %swap3A_640, %swap3A_641], %add3A_637 {strides = array<i32>} : memref<2x16x768xf32, #tpu.memory_space<vmem>>, vector<16xf32>,
      %get3A_643 = arith.constant 1 : i32
      %get3A_644 = arith.index_cast %get3A_643 : i32 to index
      %get3A_645 = arith.index_cast %scan3A_299 : i32 to index
      %get3A_646 = arith.constant 304 : index
      %get3A_647 = tpu.vector_load %arg10[%get3A_644, %get3A_645, %get3A_646] {strides = array<i32>} : memref<2x16x768xf32, #tpu.memory_space<vmem>>, vector<16xf32>,
      %mul3A_648 = arith.mulf %get3A_647, %gather3A : vector<16xf32>
      %get3A_649 = arith.constant 1 : i32
      %get3A_650 = arith.index_cast %get3A_649 : i32 to index
      %get3A_651 = arith.index_cast %scan3A_299 : i32 to index
      %get3A_652 = arith.constant 304 : index
      %get3A_653 = tpu.vector_load %arg11[%get3A_650, %get3A_651, %get3A_652] {strides = array<i32>} : memref<2x16x768xf32, #tpu.memory_space<vmem>>, vector<16xf32>,
      %mul3A_654 = arith.mulf %get3A_653, %gather3A_302 : vector<16xf32>
      %add3A_655 = arith.addf %mul3A_648, %mul3A_654 : vector<16xf32>
      %swap3A_656 = arith.constant 1 : i32
      %swap3A_657 = arith.index_cast %swap3A_656 : i32 to index
      %swap3A_658 = arith.index_cast %scan3A_299 : i32 to index
      %swap3A_659 = arith.constant 304 : index
      %swap3A_660 = tpu.vector_load %arg12[%swap3A_657, %swap3A_658, %swap3A_659] {strides = array<i32>} : memref<2x16x768xf32, #tpu.memory_space<vmem>>, vector<16xf32>,
      tpu.vector_store %arg12[%swap3A_657, %swap3A_658, %swap3A_659], %add3A_655 {strides = array<i32>} : memref<2x16x768xf32, #tpu.memory_space<vmem>>, vector<16xf32>,
      %get3A_661 = arith.constant 1 : i32
      %get3A_662 = arith.index_cast %get3A_661 : i32 to index
      %get3A_663 = arith.index_cast %scan3A_299 : i32 to index
      %get3A_664 = arith.constant 320 : index
      %get3A_665 = tpu.vector_load %arg10[%get3A_662, %get3A_663, %get3A_664] {strides = array<i32>} : memref<2x16x768xf32, #tpu.memory_space<vmem>>, vector<16xf32>,
      %mul3A_666 = arith.mulf %get3A_665, %gather3A : vector<16xf32>
      %get3A_667 = arith.constant 1 : i32
      %get3A_668 = arith.index_cast %get3A_667 : i32 to index
      %get3A_669 = arith.index_cast %scan3A_299 : i32 to index
      %get3A_670 = arith.constant 320 : index
      %get3A_671 = tpu.vector_load %arg11[%get3A_668, %get3A_669, %get3A_670] {strides = array<i32>} : memref<2x16x768xf32, #tpu.memory_space<vmem>>, vector<16xf32>,
      %mul3A_672 = arith.mulf %get3A_671, %gather3A_302 : vector<16xf32>
      %add3A_673 = arith.addf %mul3A_666, %mul3A_672 : vector<16xf32>
      %swap3A_674 = arith.constant 1 : i32
      %swap3A_675 = arith.index_cast %swap3A_674 : i32 to index
      %swap3A_676 = arith.index_cast %scan3A_299 : i32 to index
      %swap3A_677 = arith.constant 320 : index
      %swap3A_678 = tpu.vector_load %arg12[%swap3A_675, %swap3A_676, %swap3A_677] {strides = array<i32>} : memref<2x16x768xf32, #tpu.memory_space<vmem>>, vector<16xf32>,
      tpu.vector_store %arg12[%swap3A_675, %swap3A_676, %swap3A_677], %add3A_673 {strides = array<i32>} : memref<2x16x768xf32, #tpu.memory_space<vmem>>, vector<16xf32>,
      %get3A_679 = arith.constant 1 : i32
      %get3A_680 = arith.index_cast %get3A_679 : i32 to index
      %get3A_681 = arith.index_cast %scan3A_299 : i32 to index
      %get3A_682 = arith.constant 336 : index
      %get3A_683 = tpu.vector_load %arg10[%get3A_680, %get3A_681, %get3A_682] {strides = array<i32>} : memref<2x16x768xf32, #tpu.memory_space<vmem>>, vector<16xf32>,
      %mul3A_684 = arith.mulf %get3A_683, %gather3A : vector<16xf32>
      %get3A_685 = arith.constant 1 : i32
      %get3A_686 = arith.index_cast %get3A_685 : i32 to index
      %get3A_687 = arith.index_cast %scan3A_299 : i32 to index
      %get3A_688 = arith.constant 336 : index
      %get3A_689 = tpu.vector_load %arg11[%get3A_686, %get3A_687, %get3A_688] {strides = array<i32>} : memref<2x16x768xf32, #tpu.memory_space<vmem>>, vector<16xf32>,
      %mul3A_690 = arith.mulf %get3A_689, %gather3A_302 : vector<16xf32>
      %add3A_691 = arith.addf %mul3A_684, %mul3A_690 : vector<16xf32>
      %swap3A_692 = arith.constant 1 : i32
      %swap3A_693 = arith.index_cast %swap3A_692 : i32 to index
      %swap3A_694 = arith.index_cast %scan3A_299 : i32 to index
      %swap3A_695 = arith.constant 336 : index
      %swap3A_696 = tpu.vector_load %arg12[%swap3A_693, %swap3A_694, %swap3A_695] {strides = array<i32>} : memref<2x16x768xf32, #tpu.memory_space<vmem>>, vector<16xf32>,
      tpu.vector_store %arg12[%swap3A_693, %swap3A_694, %swap3A_695], %add3A_691 {strides = array<i32>} : memref<2x16x768xf32, #tpu.memory_space<vmem>>, vector<16xf32>,
      %get3A_697 = arith.constant 1 : i32
      %get3A_698 = arith.index_cast %get3A_697 : i32 to index
      %get3A_699 = arith.index_cast %scan3A_299 : i32 to index
      %get3A_700 = arith.constant 352 : index
      %get3A_701 = tpu.vector_load %arg10[%get3A_698, %get3A_699, %get3A_700] {strides = array<i32>} : memref<2x16x768xf32, #tpu.memory_space<vmem>>, vector<16xf32>,
      %mul3A_702 = arith.mulf %get3A_701, %gather3A : vector<16xf32>
      %get3A_703 = arith.constant 1 : i32
      %get3A_704 = arith.index_cast %get3A_703 : i32 to index
      %get3A_705 = arith.index_cast %scan3A_299 : i32 to index
      %get3A_706 = arith.constant 352 : index
      %get3A_707 = tpu.vector_load %arg11[%get3A_704, %get3A_705, %get3A_706] {strides = array<i32>} : memref<2x16x768xf32, #tpu.memory_space<vmem>>, vector<16xf32>,
      %mul3A_708 = arith.mulf %get3A_707, %gather3A_302 : vector<16xf32>
      %add3A_709 = arith.addf %mul3A_702, %mul3A_708 : vector<16xf32>
      %swap3A_710 = arith.constant 1 : i32
      %swap3A_711 = arith.index_cast %swap3A_710 : i32 to index
      %swap3A_712 = arith.index_cast %scan3A_299 : i32 to index
      %swap3A_713 = arith.constant 352 : index
      %swap3A_714 = tpu.vector_load %arg12[%swap3A_711, %swap3A_712, %swap3A_713] {strides = array<i32>} : memref<2x16x768xf32, #tpu.memory_space<vmem>>, vector<16xf32>,
      tpu.vector_store %arg12[%swap3A_711, %swap3A_712, %swap3A_713], %add3A_709 {strides = array<i32>} : memref<2x16x768xf32, #tpu.memory_space<vmem>>, vector<16xf32>,
      %get3A_715 = arith.constant 1 : i32
      %get3A_716 = arith.index_cast %get3A_715 : i32 to index
      %get3A_717 = arith.index_cast %scan3A_299 : i32 to index
      %get3A_718 = arith.constant 368 : index
      %get3A_719 = tpu.vector_load %arg10[%get3A_716, %get3A_717, %get3A_718] {strides = array<i32>} : memref<2x16x768xf32, #tpu.memory_space<vmem>>, vector<16xf32>,
      %mul3A_720 = arith.mulf %get3A_719, %gather3A : vector<16xf32>
      %get3A_721 = arith.constant 1 : i32
      %get3A_722 = arith.index_cast %get3A_721 : i32 to index
      %get3A_723 = arith.index_cast %scan3A_299 : i32 to index
      %get3A_724 = arith.constant 368 : index
      %get3A_725 = tpu.vector_load %arg11[%get3A_722, %get3A_723, %get3A_724] {strides = array<i32>} : memref<2x16x768xf32, #tpu.memory_space<vmem>>, vector<16xf32>,
      %mul3A_726 = arith.mulf %get3A_725, %gather3A_302 : vector<16xf32>
      %add3A_727 = arith.addf %mul3A_720, %mul3A_726 : vector<16xf32>
      %swap3A_728 = arith.constant 1 : i32
      %swap3A_729 = arith.index_cast %swap3A_728 : i32 to index
      %swap3A_730 = arith.index_cast %scan3A_299 : i32 to index
      %swap3A_731 = arith.constant 368 : index
      %swap3A_732 = tpu.vector_load %arg12[%swap3A_729, %swap3A_730, %swap3A_731] {strides = array<i32>} : memref<2x16x768xf32, #tpu.memory_space<vmem>>, vector<16xf32>,
      tpu.vector_store %arg12[%swap3A_729, %swap3A_730, %swap3A_731], %add3A_727 {strides = array<i32>} : memref<2x16x768xf32, #tpu.memory_space<vmem>>, vector<16xf32>,
      %get3A_733 = arith.constant 1 : i32
      %get3A_734 = arith.index_cast %get3A_733 : i32 to index
      %get3A_735 = arith.index_cast %scan3A_299 : i32 to index
      %get3A_736 = arith.constant 384 : index
      %get3A_737 = tpu.vector_load %arg10[%get3A_734, %get3A_735, %get3A_736] {strides = array<i32>} : memref<2x16x768xf32, #tpu.memory_space<vmem>>, vector<16xf32>,
      %mul3A_738 = arith.mulf %get3A_737, %gather3A : vector<16xf32>
      %get3A_739 = arith.constant 1 : i32
      %get3A_740 = arith.index_cast %get3A_739 : i32 to index
      %get3A_741 = arith.index_cast %scan3A_299 : i32 to index
      %get3A_742 = arith.constant 384 : index
      %get3A_743 = tpu.vector_load %arg11[%get3A_740, %get3A_741, %get3A_742] {strides = array<i32>} : memref<2x16x768xf32, #tpu.memory_space<vmem>>, vector<16xf32>,
      %mul3A_744 = arith.mulf %get3A_743, %gather3A_302 : vector<16xf32>
      %add3A_745 = arith.addf %mul3A_738, %mul3A_744 : vector<16xf32>
      %swap3A_746 = arith.constant 1 : i32
      %swap3A_747 = arith.index_cast %swap3A_746 : i32 to index
      %swap3A_748 = arith.index_cast %scan3A_299 : i32 to index
      %swap3A_749 = arith.constant 384 : index
      %swap3A_750 = tpu.vector_load %arg12[%swap3A_747, %swap3A_748, %swap3A_749] {strides = array<i32>} : memref<2x16x768xf32, #tpu.memory_space<vmem>>, vector<16xf32>,
      tpu.vector_store %arg12[%swap3A_747, %swap3A_748, %swap3A_749], %add3A_745 {strides = array<i32>} : memref<2x16x768xf32, #tpu.memory_space<vmem>>, vector<16xf32>,
      %get3A_751 = arith.constant 1 : i32
      %get3A_752 = arith.index_cast %get3A_751 : i32 to index
      %get3A_753 = arith.index_cast %scan3A_299 : i32 to index
      %get3A_754 = arith.constant 400 : index
      %get3A_755 = tpu.vector_load %arg10[%get3A_752, %get3A_753, %get3A_754] {strides = array<i32>} : memref<2x16x768xf32, #tpu.memory_space<vmem>>, vector<16xf32>,
      %mul3A_756 = arith.mulf %get3A_755, %gather3A : vector<16xf32>
      %get3A_757 = arith.constant 1 : i32
      %get3A_758 = arith.index_cast %get3A_757 : i32 to index
      %get3A_759 = arith.index_cast %scan3A_299 : i32 to index
      %get3A_760 = arith.constant 400 : index
      %get3A_761 = tpu.vector_load %arg11[%get3A_758, %get3A_759, %get3A_760] {strides = array<i32>} : memref<2x16x768xf32, #tpu.memory_space<vmem>>, vector<16xf32>,
      %mul3A_762 = arith.mulf %get3A_761, %gather3A_302 : vector<16xf32>
      %add3A_763 = arith.addf %mul3A_756, %mul3A_762 : vector<16xf32>
      %swap3A_764 = arith.constant 1 : i32
      %swap3A_765 = arith.index_cast %swap3A_764 : i32 to index
      %swap3A_766 = arith.index_cast %scan3A_299 : i32 to index
      %swap3A_767 = arith.constant 400 : index
      %swap3A_768 = tpu.vector_load %arg12[%swap3A_765, %swap3A_766, %swap3A_767] {strides = array<i32>} : memref<2x16x768xf32, #tpu.memory_space<vmem>>, vector<16xf32>,
      tpu.vector_store %arg12[%swap3A_765, %swap3A_766, %swap3A_767], %add3A_763 {strides = array<i32>} : memref<2x16x768xf32, #tpu.memory_space<vmem>>, vector<16xf32>,
      %get3A_769 = arith.constant 1 : i32
      %get3A_770 = arith.index_cast %get3A_769 : i32 to index
      %get3A_771 = arith.index_cast %scan3A_299 : i32 to index
      %get3A_772 = arith.constant 416 : index
      %get3A_773 = tpu.vector_load %arg10[%get3A_770, %get3A_771, %get3A_772] {strides = array<i32>} : memref<2x16x768xf32, #tpu.memory_space<vmem>>, vector<16xf32>,
      %mul3A_774 = arith.mulf %get3A_773, %gather3A : vector<16xf32>
      %get3A_775 = arith.constant 1 : i32
      %get3A_776 = arith.index_cast %get3A_775 : i32 to index
      %get3A_777 = arith.index_cast %scan3A_299 : i32 to index
      %get3A_778 = arith.constant 416 : index
      %get3A_779 = tpu.vector_load %arg11[%get3A_776, %get3A_777, %get3A_778] {strides = array<i32>} : memref<2x16x768xf32, #tpu.memory_space<vmem>>, vector<16xf32>,
      %mul3A_780 = arith.mulf %get3A_779, %gather3A_302 : vector<16xf32>
      %add3A_781 = arith.addf %mul3A_774, %mul3A_780 : vector<16xf32>
      %swap3A_782 = arith.constant 1 : i32
      %swap3A_783 = arith.index_cast %swap3A_782 : i32 to index
      %swap3A_784 = arith.index_cast %scan3A_299 : i32 to index
      %swap3A_785 = arith.constant 416 : index
      %swap3A_786 = tpu.vector_load %arg12[%swap3A_783, %swap3A_784, %swap3A_785] {strides = array<i32>} : memref<2x16x768xf32, #tpu.memory_space<vmem>>, vector<16xf32>,
      tpu.vector_store %arg12[%swap3A_783, %swap3A_784, %swap3A_785], %add3A_781 {strides = array<i32>} : memref<2x16x768xf32, #tpu.memory_space<vmem>>, vector<16xf32>,
      %get3A_787 = arith.constant 1 : i32
      %get3A_788 = arith.index_cast %get3A_787 : i32 to index
      %get3A_789 = arith.index_cast %scan3A_299 : i32 to index
      %get3A_790 = arith.constant 432 : index
      %get3A_791 = tpu.vector_load %arg10[%get3A_788, %get3A_789, %get3A_790] {strides = array<i32>} : memref<2x16x768xf32, #tpu.memory_space<vmem>>, vector<16xf32>,
      %mul3A_792 = arith.mulf %get3A_791, %gather3A : vector<16xf32>
      %get3A_793 = arith.constant 1 : i32
      %get3A_794 = arith.index_cast %get3A_793 : i32 to index
      %get3A_795 = arith.index_cast %scan3A_299 : i32 to index
      %get3A_796 = arith.constant 432 : index
      %get3A_797 = tpu.vector_load %arg11[%get3A_794, %get3A_795, %get3A_796] {strides = array<i32>} : memref<2x16x768xf32, #tpu.memory_space<vmem>>, vector<16xf32>,
      %mul3A_798 = arith.mulf %get3A_797, %gather3A_302 : vector<16xf32>
      %add3A_799 = arith.addf %mul3A_792, %mul3A_798 : vector<16xf32>
      %swap3A_800 = arith.constant 1 : i32
      %swap3A_801 = arith.index_cast %swap3A_800 : i32 to index
      %swap3A_802 = arith.index_cast %scan3A_299 : i32 to index
      %swap3A_803 = arith.constant 432 : index
      %swap3A_804 = tpu.vector_load %arg12[%swap3A_801, %swap3A_802, %swap3A_803] {strides = array<i32>} : memref<2x16x768xf32, #tpu.memory_space<vmem>>, vector<16xf32>,
      tpu.vector_store %arg12[%swap3A_801, %swap3A_802, %swap3A_803], %add3A_799 {strides = array<i32>} : memref<2x16x768xf32, #tpu.memory_space<vmem>>, vector<16xf32>,
      %get3A_805 = arith.constant 1 : i32
      %get3A_806 = arith.index_cast %get3A_805 : i32 to index
      %get3A_807 = arith.index_cast %scan3A_299 : i32 to index
      %get3A_808 = arith.constant 448 : index
      %get3A_809 = tpu.vector_load %arg10[%get3A_806, %get3A_807, %get3A_808] {strides = array<i32>} : memref<2x16x768xf32, #tpu.memory_space<vmem>>, vector<16xf32>,
      %mul3A_810 = arith.mulf %get3A_809, %gather3A : vector<16xf32>
      %get3A_811 = arith.constant 1 : i32
      %get3A_812 = arith.index_cast %get3A_811 : i32 to index
      %get3A_813 = arith.index_cast %scan3A_299 : i32 to index
      %get3A_814 = arith.constant 448 : index
      %get3A_815 = tpu.vector_load %arg11[%get3A_812, %get3A_813, %get3A_814] {strides = array<i32>} : memref<2x16x768xf32, #tpu.memory_space<vmem>>, vector<16xf32>,
      %mul3A_816 = arith.mulf %get3A_815, %gather3A_302 : vector<16xf32>
      %add3A_817 = arith.addf %mul3A_810, %mul3A_816 : vector<16xf32>
      %swap3A_818 = arith.constant 1 : i32
      %swap3A_819 = arith.index_cast %swap3A_818 : i32 to index
      %swap3A_820 = arith.index_cast %scan3A_299 : i32 to index
      %swap3A_821 = arith.constant 448 : index
      %swap3A_822 = tpu.vector_load %arg12[%swap3A_819, %swap3A_820, %swap3A_821] {strides = array<i32>} : memref<2x16x768xf32, #tpu.memory_space<vmem>>, vector<16xf32>,
      tpu.vector_store %arg12[%swap3A_819, %swap3A_820, %swap3A_821], %add3A_817 {strides = array<i32>} : memref<2x16x768xf32, #tpu.memory_space<vmem>>, vector<16xf32>,
      %get3A_823 = arith.constant 1 : i32
      %get3A_824 = arith.index_cast %get3A_823 : i32 to index
      %get3A_825 = arith.index_cast %scan3A_299 : i32 to index
      %get3A_826 = arith.constant 464 : index
      %get3A_827 = tpu.vector_load %arg10[%get3A_824, %get3A_825, %get3A_826] {strides = array<i32>} : memref<2x16x768xf32, #tpu.memory_space<vmem>>, vector<16xf32>,
      %mul3A_828 = arith.mulf %get3A_827, %gather3A : vector<16xf32>
      %get3A_829 = arith.constant 1 : i32
      %get3A_830 = arith.index_cast %get3A_829 : i32 to index
      %get3A_831 = arith.index_cast %scan3A_299 : i32 to index
      %get3A_832 = arith.constant 464 : index
      %get3A_833 = tpu.vector_load %arg11[%get3A_830, %get3A_831, %get3A_832] {strides = array<i32>} : memref<2x16x768xf32, #tpu.memory_space<vmem>>, vector<16xf32>,
      %mul3A_834 = arith.mulf %get3A_833, %gather3A_302 : vector<16xf32>
      %add3A_835 = arith.addf %mul3A_828, %mul3A_834 : vector<16xf32>
      %swap3A_836 = arith.constant 1 : i32
      %swap3A_837 = arith.index_cast %swap3A_836 : i32 to index
      %swap3A_838 = arith.index_cast %scan3A_299 : i32 to index
      %swap3A_839 = arith.constant 464 : index
      %swap3A_840 = tpu.vector_load %arg12[%swap3A_837, %swap3A_838, %swap3A_839] {strides = array<i32>} : memref<2x16x768xf32, #tpu.memory_space<vmem>>, vector<16xf32>,
      tpu.vector_store %arg12[%swap3A_837, %swap3A_838, %swap3A_839], %add3A_835 {strides = array<i32>} : memref<2x16x768xf32, #tpu.memory_space<vmem>>, vector<16xf32>,
      %get3A_841 = arith.constant 1 : i32
      %get3A_842 = arith.index_cast %get3A_841 : i32 to index
      %get3A_843 = arith.index_cast %scan3A_299 : i32 to index
      %get3A_844 = arith.constant 480 : index
      %get3A_845 = tpu.vector_load %arg10[%get3A_842, %get3A_843, %get3A_844] {strides = array<i32>} : memref<2x16x768xf32, #tpu.memory_space<vmem>>, vector<16xf32>,
      %mul3A_846 = arith.mulf %get3A_845, %gather3A : vector<16xf32>
      %get3A_847 = arith.constant 1 : i32
      %get3A_848 = arith.index_cast %get3A_847 : i32 to index
      %get3A_849 = arith.index_cast %scan3A_299 : i32 to index
      %get3A_850 = arith.constant 480 : index
      %get3A_851 = tpu.vector_load %arg11[%get3A_848, %get3A_849, %get3A_850] {strides = array<i32>} : memref<2x16x768xf32, #tpu.memory_space<vmem>>, vector<16xf32>,
      %mul3A_852 = arith.mulf %get3A_851, %gather3A_302 : vector<16xf32>
      %add3A_853 = arith.addf %mul3A_846, %mul3A_852 : vector<16xf32>
      %swap3A_854 = arith.constant 1 : i32
      %swap3A_855 = arith.index_cast %swap3A_854 : i32 to index
      %swap3A_856 = arith.index_cast %scan3A_299 : i32 to index
      %swap3A_857 = arith.constant 480 : index
      %swap3A_858 = tpu.vector_load %arg12[%swap3A_855, %swap3A_856, %swap3A_857] {strides = array<i32>} : memref<2x16x768xf32, #tpu.memory_space<vmem>>, vector<16xf32>,
      tpu.vector_store %arg12[%swap3A_855, %swap3A_856, %swap3A_857], %add3A_853 {strides = array<i32>} : memref<2x16x768xf32, #tpu.memory_space<vmem>>, vector<16xf32>,
      %get3A_859 = arith.constant 1 : i32
      %get3A_860 = arith.index_cast %get3A_859 : i32 to index
      %get3A_861 = arith.index_cast %scan3A_299 : i32 to index
      %get3A_862 = arith.constant 496 : index
      %get3A_863 = tpu.vector_load %arg10[%get3A_860, %get3A_861, %get3A_862] {strides = array<i32>} : memref<2x16x768xf32, #tpu.memory_space<vmem>>, vector<16xf32>,
      %mul3A_864 = arith.mulf %get3A_863, %gather3A : vector<16xf32>
      %get3A_865 = arith.constant 1 : i32
      %get3A_866 = arith.index_cast %get3A_865 : i32 to index
      %get3A_867 = arith.index_cast %scan3A_299 : i32 to index
      %get3A_868 = arith.constant 496 : index
      %get3A_869 = tpu.vector_load %arg11[%get3A_866, %get3A_867, %get3A_868] {strides = array<i32>} : memref<2x16x768xf32, #tpu.memory_space<vmem>>, vector<16xf32>,
      %mul3A_870 = arith.mulf %get3A_869, %gather3A_302 : vector<16xf32>
      %add3A_871 = arith.addf %mul3A_864, %mul3A_870 : vector<16xf32>
      %swap3A_872 = arith.constant 1 : i32
      %swap3A_873 = arith.index_cast %swap3A_872 : i32 to index
      %swap3A_874 = arith.index_cast %scan3A_299 : i32 to index
      %swap3A_875 = arith.constant 496 : index
      %swap3A_876 = tpu.vector_load %arg12[%swap3A_873, %swap3A_874, %swap3A_875] {strides = array<i32>} : memref<2x16x768xf32, #tpu.memory_space<vmem>>, vector<16xf32>,
      tpu.vector_store %arg12[%swap3A_873, %swap3A_874, %swap3A_875], %add3A_871 {strides = array<i32>} : memref<2x16x768xf32, #tpu.memory_space<vmem>>, vector<16xf32>,
      %get3A_877 = arith.constant 1 : i32
      %get3A_878 = arith.index_cast %get3A_877 : i32 to index
      %get3A_879 = arith.index_cast %scan3A_299 : i32 to index
      %get3A_880 = arith.constant 512 : index
      %get3A_881 = tpu.vector_load %arg10[%get3A_878, %get3A_879, %get3A_880] {strides = array<i32>} : memref<2x16x768xf32, #tpu.memory_space<vmem>>, vector<16xf32>,
      %mul3A_882 = arith.mulf %get3A_881, %gather3A : vector<16xf32>
      %get3A_883 = arith.constant 1 : i32
      %get3A_884 = arith.index_cast %get3A_883 : i32 to index
      %get3A_885 = arith.index_cast %scan3A_299 : i32 to index
      %get3A_886 = arith.constant 512 : index
      %get3A_887 = tpu.vector_load %arg11[%get3A_884, %get3A_885, %get3A_886] {strides = array<i32>} : memref<2x16x768xf32, #tpu.memory_space<vmem>>, vector<16xf32>,
      %mul3A_888 = arith.mulf %get3A_887, %gather3A_302 : vector<16xf32>
      %add3A_889 = arith.addf %mul3A_882, %mul3A_888 : vector<16xf32>
      %swap3A_890 = arith.constant 1 : i32
      %swap3A_891 = arith.index_cast %swap3A_890 : i32 to index
      %swap3A_892 = arith.index_cast %scan3A_299 : i32 to index
      %swap3A_893 = arith.constant 512 : index
      %swap3A_894 = tpu.vector_load %arg12[%swap3A_891, %swap3A_892, %swap3A_893] {strides = array<i32>} : memref<2x16x768xf32, #tpu.memory_space<vmem>>, vector<16xf32>,
      tpu.vector_store %arg12[%swap3A_891, %swap3A_892, %swap3A_893], %add3A_889 {strides = array<i32>} : memref<2x16x768xf32, #tpu.memory_space<vmem>>, vector<16xf32>,
      %get3A_895 = arith.constant 1 : i32
      %get3A_896 = arith.index_cast %get3A_895 : i32 to index
      %get3A_897 = arith.index_cast %scan3A_299 : i32 to index
      %get3A_898 = arith.constant 528 : index
      %get3A_899 = tpu.vector_load %arg10[%get3A_896, %get3A_897, %get3A_898] {strides = array<i32>} : memref<2x16x768xf32, #tpu.memory_space<vmem>>, vector<16xf32>,
      %mul3A_900 = arith.mulf %get3A_899, %gather3A : vector<16xf32>
      %get3A_901 = arith.constant 1 : i32
      %get3A_902 = arith.index_cast %get3A_901 : i32 to index
      %get3A_903 = arith.index_cast %scan3A_299 : i32 to index
      %get3A_904 = arith.constant 528 : index
      %get3A_905 = tpu.vector_load %arg11[%get3A_902, %get3A_903, %get3A_904] {strides = array<i32>} : memref<2x16x768xf32, #tpu.memory_space<vmem>>, vector<16xf32>,
      %mul3A_906 = arith.mulf %get3A_905, %gather3A_302 : vector<16xf32>
      %add3A_907 = arith.addf %mul3A_900, %mul3A_906 : vector<16xf32>
      %swap3A_908 = arith.constant 1 : i32
      %swap3A_909 = arith.index_cast %swap3A_908 : i32 to index
      %swap3A_910 = arith.index_cast %scan3A_299 : i32 to index
      %swap3A_911 = arith.constant 528 : index
      %swap3A_912 = tpu.vector_load %arg12[%swap3A_909, %swap3A_910, %swap3A_911] {strides = array<i32>} : memref<2x16x768xf32, #tpu.memory_space<vmem>>, vector<16xf32>,
      tpu.vector_store %arg12[%swap3A_909, %swap3A_910, %swap3A_911], %add3A_907 {strides = array<i32>} : memref<2x16x768xf32, #tpu.memory_space<vmem>>, vector<16xf32>,
      %get3A_913 = arith.constant 1 : i32
      %get3A_914 = arith.index_cast %get3A_913 : i32 to index
      %get3A_915 = arith.index_cast %scan3A_299 : i32 to index
      %get3A_916 = arith.constant 544 : index
      %get3A_917 = tpu.vector_load %arg10[%get3A_914, %get3A_915, %get3A_916] {strides = array<i32>} : memref<2x16x768xf32, #tpu.memory_space<vmem>>, vector<16xf32>,
      %mul3A_918 = arith.mulf %get3A_917, %gather3A : vector<16xf32>
      %get3A_919 = arith.constant 1 : i32
      %get3A_920 = arith.index_cast %get3A_919 : i32 to index
      %get3A_921 = arith.index_cast %scan3A_299 : i32 to index
      %get3A_922 = arith.constant 544 : index
      %get3A_923 = tpu.vector_load %arg11[%get3A_920, %get3A_921, %get3A_922] {strides = array<i32>} : memref<2x16x768xf32, #tpu.memory_space<vmem>>, vector<16xf32>,
      %mul3A_924 = arith.mulf %get3A_923, %gather3A_302 : vector<16xf32>
      %add3A_925 = arith.addf %mul3A_918, %mul3A_924 : vector<16xf32>
      %swap3A_926 = arith.constant 1 : i32
      %swap3A_927 = arith.index_cast %swap3A_926 : i32 to index
      %swap3A_928 = arith.index_cast %scan3A_299 : i32 to index
      %swap3A_929 = arith.constant 544 : index
      %swap3A_930 = tpu.vector_load %arg12[%swap3A_927, %swap3A_928, %swap3A_929] {strides = array<i32>} : memref<2x16x768xf32, #tpu.memory_space<vmem>>, vector<16xf32>,
      tpu.vector_store %arg12[%swap3A_927, %swap3A_928, %swap3A_929], %add3A_925 {strides = array<i32>} : memref<2x16x768xf32, #tpu.memory_space<vmem>>, vector<16xf32>,
      %get3A_931 = arith.constant 1 : i32
      %get3A_932 = arith.index_cast %get3A_931 : i32 to index
      %get3A_933 = arith.index_cast %scan3A_299 : i32 to index
      %get3A_934 = arith.constant 560 : index
      %get3A_935 = tpu.vector_load %arg10[%get3A_932, %get3A_933, %get3A_934] {strides = array<i32>} : memref<2x16x768xf32, #tpu.memory_space<vmem>>, vector<16xf32>,
      %mul3A_936 = arith.mulf %get3A_935, %gather3A : vector<16xf32>
      %get3A_937 = arith.constant 1 : i32
      %get3A_938 = arith.index_cast %get3A_937 : i32 to index
      %get3A_939 = arith.index_cast %scan3A_299 : i32 to index
      %get3A_940 = arith.constant 560 : index
      %get3A_941 = tpu.vector_load %arg11[%get3A_938, %get3A_939, %get3A_940] {strides = array<i32>} : memref<2x16x768xf32, #tpu.memory_space<vmem>>, vector<16xf32>,
      %mul3A_942 = arith.mulf %get3A_941, %gather3A_302 : vector<16xf32>
      %add3A_943 = arith.addf %mul3A_936, %mul3A_942 : vector<16xf32>
      %swap3A_944 = arith.constant 1 : i32
      %swap3A_945 = arith.index_cast %swap3A_944 : i32 to index
      %swap3A_946 = arith.index_cast %scan3A_299 : i32 to index
      %swap3A_947 = arith.constant 560 : index
      %swap3A_948 = tpu.vector_load %arg12[%swap3A_945, %swap3A_946, %swap3A_947] {strides = array<i32>} : memref<2x16x768xf32, #tpu.memory_space<vmem>>, vector<16xf32>,
      tpu.vector_store %arg12[%swap3A_945, %swap3A_946, %swap3A_947], %add3A_943 {strides = array<i32>} : memref<2x16x768xf32, #tpu.memory_space<vmem>>, vector<16xf32>,
      %get3A_949 = arith.constant 1 : i32
      %get3A_950 = arith.index_cast %get3A_949 : i32 to index
      %get3A_951 = arith.index_cast %scan3A_299 : i32 to index
      %get3A_952 = arith.constant 576 : index
      %get3A_953 = tpu.vector_load %arg10[%get3A_950, %get3A_951, %get3A_952] {strides = array<i32>} : memref<2x16x768xf32, #tpu.memory_space<vmem>>, vector<16xf32>,
      %mul3A_954 = arith.mulf %get3A_953, %gather3A : vector<16xf32>
      %get3A_955 = arith.constant 1 : i32
      %get3A_956 = arith.index_cast %get3A_955 : i32 to index
      %get3A_957 = arith.index_cast %scan3A_299 : i32 to index
      %get3A_958 = arith.constant 576 : index
      %get3A_959 = tpu.vector_load %arg11[%get3A_956, %get3A_957, %get3A_958] {strides = array<i32>} : memref<2x16x768xf32, #tpu.memory_space<vmem>>, vector<16xf32>,
      %mul3A_960 = arith.mulf %get3A_959, %gather3A_302 : vector<16xf32>
      %add3A_961 = arith.addf %mul3A_954, %mul3A_960 : vector<16xf32>
      %swap3A_962 = arith.constant 1 : i32
      %swap3A_963 = arith.index_cast %swap3A_962 : i32 to index
      %swap3A_964 = arith.index_cast %scan3A_299 : i32 to index
      %swap3A_965 = arith.constant 576 : index
      %swap3A_966 = tpu.vector_load %arg12[%swap3A_963, %swap3A_964, %swap3A_965] {strides = array<i32>} : memref<2x16x768xf32, #tpu.memory_space<vmem>>, vector<16xf32>,
      tpu.vector_store %arg12[%swap3A_963, %swap3A_964, %swap3A_965], %add3A_961 {strides = array<i32>} : memref<2x16x768xf32, #tpu.memory_space<vmem>>, vector<16xf32>,
      %get3A_967 = arith.constant 1 : i32
      %get3A_968 = arith.index_cast %get3A_967 : i32 to index
      %get3A_969 = arith.index_cast %scan3A_299 : i32 to index
      %get3A_970 = arith.constant 592 : index
      %get3A_971 = tpu.vector_load %arg10[%get3A_968, %get3A_969, %get3A_970] {strides = array<i32>} : memref<2x16x768xf32, #tpu.memory_space<vmem>>, vector<16xf32>,
      %mul3A_972 = arith.mulf %get3A_971, %gather3A : vector<16xf32>
      %get3A_973 = arith.constant 1 : i32
      %get3A_974 = arith.index_cast %get3A_973 : i32 to index
      %get3A_975 = arith.index_cast %scan3A_299 : i32 to index
      %get3A_976 = arith.constant 592 : index
      %get3A_977 = tpu.vector_load %arg11[%get3A_974, %get3A_975, %get3A_976] {strides = array<i32>} : memref<2x16x768xf32, #tpu.memory_space<vmem>>, vector<16xf32>,
      %mul3A_978 = arith.mulf %get3A_977, %gather3A_302 : vector<16xf32>
      %add3A_979 = arith.addf %mul3A_972, %mul3A_978 : vector<16xf32>
      %swap3A_980 = arith.constant 1 : i32
      %swap3A_981 = arith.index_cast %swap3A_980 : i32 to index
      %swap3A_982 = arith.index_cast %scan3A_299 : i32 to index
      %swap3A_983 = arith.constant 592 : index
      %swap3A_984 = tpu.vector_load %arg12[%swap3A_981, %swap3A_982, %swap3A_983] {strides = array<i32>} : memref<2x16x768xf32, #tpu.memory_space<vmem>>, vector<16xf32>,
      tpu.vector_store %arg12[%swap3A_981, %swap3A_982, %swap3A_983], %add3A_979 {strides = array<i32>} : memref<2x16x768xf32, #tpu.memory_space<vmem>>, vector<16xf32>,
      %get3A_985 = arith.constant 1 : i32
      %get3A_986 = arith.index_cast %get3A_985 : i32 to index
      %get3A_987 = arith.index_cast %scan3A_299 : i32 to index
      %get3A_988 = arith.constant 608 : index
      %get3A_989 = tpu.vector_load %arg10[%get3A_986, %get3A_987, %get3A_988] {strides = array<i32>} : memref<2x16x768xf32, #tpu.memory_space<vmem>>, vector<16xf32>,
      %mul3A_990 = arith.mulf %get3A_989, %gather3A : vector<16xf32>
      %get3A_991 = arith.constant 1 : i32
      %get3A_992 = arith.index_cast %get3A_991 : i32 to index
      %get3A_993 = arith.index_cast %scan3A_299 : i32 to index
      %get3A_994 = arith.constant 608 : index
      %get3A_995 = tpu.vector_load %arg11[%get3A_992, %get3A_993, %get3A_994] {strides = array<i32>} : memref<2x16x768xf32, #tpu.memory_space<vmem>>, vector<16xf32>,
      %mul3A_996 = arith.mulf %get3A_995, %gather3A_302 : vector<16xf32>
      %add3A_997 = arith.addf %mul3A_990, %mul3A_996 : vector<16xf32>
      %swap3A_998 = arith.constant 1 : i32
      %swap3A_999 = arith.index_cast %swap3A_998 : i32 to index
      %swap3A_1000 = arith.index_cast %scan3A_299 : i32 to index
      %swap3A_1001 = arith.constant 608 : index
      %swap3A_1002 = tpu.vector_load %arg12[%swap3A_999, %swap3A_1000, %swap3A_1001] {strides = array<i32>} : memref<2x16x768xf32, #tpu.memory_space<vmem>>, vector<16xf32>,
      tpu.vector_store %arg12[%swap3A_999, %swap3A_1000, %swap3A_1001], %add3A_997 {strides = array<i32>} : memref<2x16x768xf32, #tpu.memory_space<vmem>>, vector<16xf32>,
      %get3A_1003 = arith.constant 1 : i32
      %get3A_1004 = arith.index_cast %get3A_1003 : i32 to index
      %get3A_1005 = arith.index_cast %scan3A_299 : i32 to index
      %get3A_1006 = arith.constant 624 : index
      %get3A_1007 = tpu.vector_load %arg10[%get3A_1004, %get3A_1005, %get3A_1006] {strides = array<i32>} : memref<2x16x768xf32, #tpu.memory_space<vmem>>, vector<16xf32>,
      %mul3A_1008 = arith.mulf %get3A_1007, %gather3A : vector<16xf32>
      %get3A_1009 = arith.constant 1 : i32
      %get3A_1010 = arith.index_cast %get3A_1009 : i32 to index
      %get3A_1011 = arith.index_cast %scan3A_299 : i32 to index
      %get3A_1012 = arith.constant 624 : index
      %get3A_1013 = tpu.vector_load %arg11[%get3A_1010, %get3A_1011, %get3A_1012] {strides = array<i32>} : memref<2x16x768xf32, #tpu.memory_space<vmem>>, vector<16xf32>,
      %mul3A_1014 = arith.mulf %get3A_1013, %gather3A_302 : vector<16xf32>
      %add3A_1015 = arith.addf %mul3A_1008, %mul3A_1014 : vector<16xf32>
      %swap3A_1016 = arith.constant 1 : i32
      %swap3A_1017 = arith.index_cast %swap3A_1016 : i32 to index
      %swap3A_1018 = arith.index_cast %scan3A_299 : i32 to index
      %swap3A_1019 = arith.constant 624 : index
      %swap3A_1020 = tpu.vector_load %arg12[%swap3A_1017, %swap3A_1018, %swap3A_1019] {strides = array<i32>} : memref<2x16x768xf32, #tpu.memory_space<vmem>>, vector<16xf32>,
      tpu.vector_store %arg12[%swap3A_1017, %swap3A_1018, %swap3A_1019], %add3A_1015 {strides = array<i32>} : memref<2x16x768xf32, #tpu.memory_space<vmem>>, vector<16xf32>,
      %get3A_1021 = arith.constant 1 : i32
      %get3A_1022 = arith.index_cast %get3A_1021 : i32 to index
      %get3A_1023 = arith.index_cast %scan3A_299 : i32 to index
      %get3A_1024 = arith.constant 640 : index
      %get3A_1025 = tpu.vector_load %arg10[%get3A_1022, %get3A_1023, %get3A_1024] {strides = array<i32>} : memref<2x16x768xf32, #tpu.memory_space<vmem>>, vector<16xf32>,
      %mul3A_1026 = arith.mulf %get3A_1025, %gather3A : vector<16xf32>
      %get3A_1027 = arith.constant 1 : i32
      %get3A_1028 = arith.index_cast %get3A_1027 : i32 to index
      %get3A_1029 = arith.index_cast %scan3A_299 : i32 to index
      %get3A_1030 = arith.constant 640 : index
      %get3A_1031 = tpu.vector_load %arg11[%get3A_1028, %get3A_1029, %get3A_1030] {strides = array<i32>} : memref<2x16x768xf32, #tpu.memory_space<vmem>>, vector<16xf32>,
      %mul3A_1032 = arith.mulf %get3A_1031, %gather3A_302 : vector<16xf32>
      %add3A_1033 = arith.addf %mul3A_1026, %mul3A_1032 : vector<16xf32>
      %swap3A_1034 = arith.constant 1 : i32
      %swap3A_1035 = arith.index_cast %swap3A_1034 : i32 to index
      %swap3A_1036 = arith.index_cast %scan3A_299 : i32 to index
      %swap3A_1037 = arith.constant 640 : index
      %swap3A_1038 = tpu.vector_load %arg12[%swap3A_1035, %swap3A_1036, %swap3A_1037] {strides = array<i32>} : memref<2x16x768xf32, #tpu.memory_space<vmem>>, vector<16xf32>,
      tpu.vector_store %arg12[%swap3A_1035, %swap3A_1036, %swap3A_1037], %add3A_1033 {strides = array<i32>} : memref<2x16x768xf32, #tpu.memory_space<vmem>>, vector<16xf32>,
      %get3A_1039 = arith.constant 1 : i32
      %get3A_1040 = arith.index_cast %get3A_1039 : i32 to index
      %get3A_1041 = arith.index_cast %scan3A_299 : i32 to index
      %get3A_1042 = arith.constant 656 : index
      %get3A_1043 = tpu.vector_load %arg10[%get3A_1040, %get3A_1041, %get3A_1042] {strides = array<i32>} : memref<2x16x768xf32, #tpu.memory_space<vmem>>, vector<16xf32>,
      %mul3A_1044 = arith.mulf %get3A_1043, %gather3A : vector<16xf32>
      %get3A_1045 = arith.constant 1 : i32
      %get3A_1046 = arith.index_cast %get3A_1045 : i32 to index
      %get3A_1047 = arith.index_cast %scan3A_299 : i32 to index
      %get3A_1048 = arith.constant 656 : index
      %get3A_1049 = tpu.vector_load %arg11[%get3A_1046, %get3A_1047, %get3A_1048] {strides = array<i32>} : memref<2x16x768xf32, #tpu.memory_space<vmem>>, vector<16xf32>,
      %mul3A_1050 = arith.mulf %get3A_1049, %gather3A_302 : vector<16xf32>
      %add3A_1051 = arith.addf %mul3A_1044, %mul3A_1050 : vector<16xf32>
      %swap3A_1052 = arith.constant 1 : i32
      %swap3A_1053 = arith.index_cast %swap3A_1052 : i32 to index
      %swap3A_1054 = arith.index_cast %scan3A_299 : i32 to index
      %swap3A_1055 = arith.constant 656 : index
      %swap3A_1056 = tpu.vector_load %arg12[%swap3A_1053, %swap3A_1054, %swap3A_1055] {strides = array<i32>} : memref<2x16x768xf32, #tpu.memory_space<vmem>>, vector<16xf32>,
      tpu.vector_store %arg12[%swap3A_1053, %swap3A_1054, %swap3A_1055], %add3A_1051 {strides = array<i32>} : memref<2x16x768xf32, #tpu.memory_space<vmem>>, vector<16xf32>,
      %get3A_1057 = arith.constant 1 : i32
      %get3A_1058 = arith.index_cast %get3A_1057 : i32 to index
      %get3A_1059 = arith.index_cast %scan3A_299 : i32 to index
      %get3A_1060 = arith.constant 672 : index
      %get3A_1061 = tpu.vector_load %arg10[%get3A_1058, %get3A_1059, %get3A_1060] {strides = array<i32>} : memref<2x16x768xf32, #tpu.memory_space<vmem>>, vector<16xf32>,
      %mul3A_1062 = arith.mulf %get3A_1061, %gather3A : vector<16xf32>
      %get3A_1063 = arith.constant 1 : i32
      %get3A_1064 = arith.index_cast %get3A_1063 : i32 to index
      %get3A_1065 = arith.index_cast %scan3A_299 : i32 to index
      %get3A_1066 = arith.constant 672 : index
      %get3A_1067 = tpu.vector_load %arg11[%get3A_1064, %get3A_1065, %get3A_1066] {strides = array<i32>} : memref<2x16x768xf32, #tpu.memory_space<vmem>>, vector<16xf32>,
      %mul3A_1068 = arith.mulf %get3A_1067, %gather3A_302 : vector<16xf32>
      %add3A_1069 = arith.addf %mul3A_1062, %mul3A_1068 : vector<16xf32>
      %swap3A_1070 = arith.constant 1 : i32
      %swap3A_1071 = arith.index_cast %swap3A_1070 : i32 to index
      %swap3A_1072 = arith.index_cast %scan3A_299 : i32 to index
      %swap3A_1073 = arith.constant 672 : index
      %swap3A_1074 = tpu.vector_load %arg12[%swap3A_1071, %swap3A_1072, %swap3A_1073] {strides = array<i32>} : memref<2x16x768xf32, #tpu.memory_space<vmem>>, vector<16xf32>,
      tpu.vector_store %arg12[%swap3A_1071, %swap3A_1072, %swap3A_1073], %add3A_1069 {strides = array<i32>} : memref<2x16x768xf32, #tpu.memory_space<vmem>>, vector<16xf32>,
      %get3A_1075 = arith.constant 1 : i32
      %get3A_1076 = arith.index_cast %get3A_1075 : i32 to index
      %get3A_1077 = arith.index_cast %scan3A_299 : i32 to index
      %get3A_1078 = arith.constant 688 : index
      %get3A_1079 = tpu.vector_load %arg10[%get3A_1076, %get3A_1077, %get3A_1078] {strides = array<i32>} : memref<2x16x768xf32, #tpu.memory_space<vmem>>, vector<16xf32>,
      %mul3A_1080 = arith.mulf %get3A_1079, %gather3A : vector<16xf32>
      %get3A_1081 = arith.constant 1 : i32
      %get3A_1082 = arith.index_cast %get3A_1081 : i32 to index
      %get3A_1083 = arith.index_cast %scan3A_299 : i32 to index
      %get3A_1084 = arith.constant 688 : index
      %get3A_1085 = tpu.vector_load %arg11[%get3A_1082, %get3A_1083, %get3A_1084] {strides = array<i32>} : memref<2x16x768xf32, #tpu.memory_space<vmem>>, vector<16xf32>,
      %mul3A_1086 = arith.mulf %get3A_1085, %gather3A_302 : vector<16xf32>
      %add3A_1087 = arith.addf %mul3A_1080, %mul3A_1086 : vector<16xf32>
      %swap3A_1088 = arith.constant 1 : i32
      %swap3A_1089 = arith.index_cast %swap3A_1088 : i32 to index
      %swap3A_1090 = arith.index_cast %scan3A_299 : i32 to index
      %swap3A_1091 = arith.constant 688 : index
      %swap3A_1092 = tpu.vector_load %arg12[%swap3A_1089, %swap3A_1090, %swap3A_1091] {strides = array<i32>} : memref<2x16x768xf32, #tpu.memory_space<vmem>>, vector<16xf32>,
      tpu.vector_store %arg12[%swap3A_1089, %swap3A_1090, %swap3A_1091], %add3A_1087 {strides = array<i32>} : memref<2x16x768xf32, #tpu.memory_space<vmem>>, vector<16xf32>,
      %get3A_1093 = arith.constant 1 : i32
      %get3A_1094 = arith.index_cast %get3A_1093 : i32 to index
      %get3A_1095 = arith.index_cast %scan3A_299 : i32 to index
      %get3A_1096 = arith.constant 704 : index
      %get3A_1097 = tpu.vector_load %arg10[%get3A_1094, %get3A_1095, %get3A_1096] {strides = array<i32>} : memref<2x16x768xf32, #tpu.memory_space<vmem>>, vector<16xf32>,
      %mul3A_1098 = arith.mulf %get3A_1097, %gather3A : vector<16xf32>
      %get3A_1099 = arith.constant 1 : i32
      %get3A_1100 = arith.index_cast %get3A_1099 : i32 to index
      %get3A_1101 = arith.index_cast %scan3A_299 : i32 to index
      %get3A_1102 = arith.constant 704 : index
      %get3A_1103 = tpu.vector_load %arg11[%get3A_1100, %get3A_1101, %get3A_1102] {strides = array<i32>} : memref<2x16x768xf32, #tpu.memory_space<vmem>>, vector<16xf32>,
      %mul3A_1104 = arith.mulf %get3A_1103, %gather3A_302 : vector<16xf32>
      %add3A_1105 = arith.addf %mul3A_1098, %mul3A_1104 : vector<16xf32>
      %swap3A_1106 = arith.constant 1 : i32
      %swap3A_1107 = arith.index_cast %swap3A_1106 : i32 to index
      %swap3A_1108 = arith.index_cast %scan3A_299 : i32 to index
      %swap3A_1109 = arith.constant 704 : index
      %swap3A_1110 = tpu.vector_load %arg12[%swap3A_1107, %swap3A_1108, %swap3A_1109] {strides = array<i32>} : memref<2x16x768xf32, #tpu.memory_space<vmem>>, vector<16xf32>,
      tpu.vector_store %arg12[%swap3A_1107, %swap3A_1108, %swap3A_1109], %add3A_1105 {strides = array<i32>} : memref<2x16x768xf32, #tpu.memory_space<vmem>>, vector<16xf32>,
      %get3A_1111 = arith.constant 1 : i32
      %get3A_1112 = arith.index_cast %get3A_1111 : i32 to index
      %get3A_1113 = arith.index_cast %scan3A_299 : i32 to index
      %get3A_1114 = arith.constant 720 : index
      %get3A_1115 = tpu.vector_load %arg10[%get3A_1112, %get3A_1113, %get3A_1114] {strides = array<i32>} : memref<2x16x768xf32, #tpu.memory_space<vmem>>, vector<16xf32>,
      %mul3A_1116 = arith.mulf %get3A_1115, %gather3A : vector<16xf32>
      %get3A_1117 = arith.constant 1 : i32
      %get3A_1118 = arith.index_cast %get3A_1117 : i32 to index
      %get3A_1119 = arith.index_cast %scan3A_299 : i32 to index
      %get3A_1120 = arith.constant 720 : index
      %get3A_1121 = tpu.vector_load %arg11[%get3A_1118, %get3A_1119, %get3A_1120] {strides = array<i32>} : memref<2x16x768xf32, #tpu.memory_space<vmem>>, vector<16xf32>,
      %mul3A_1122 = arith.mulf %get3A_1121, %gather3A_302 : vector<16xf32>
      %add3A_1123 = arith.addf %mul3A_1116, %mul3A_1122 : vector<16xf32>
      %swap3A_1124 = arith.constant 1 : i32
      %swap3A_1125 = arith.index_cast %swap3A_1124 : i32 to index
      %swap3A_1126 = arith.index_cast %scan3A_299 : i32 to index
      %swap3A_1127 = arith.constant 720 : index
      %swap3A_1128 = tpu.vector_load %arg12[%swap3A_1125, %swap3A_1126, %swap3A_1127] {strides = array<i32>} : memref<2x16x768xf32, #tpu.memory_space<vmem>>, vector<16xf32>,
      tpu.vector_store %arg12[%swap3A_1125, %swap3A_1126, %swap3A_1127], %add3A_1123 {strides = array<i32>} : memref<2x16x768xf32, #tpu.memory_space<vmem>>, vector<16xf32>,
      %get3A_1129 = arith.constant 1 : i32
      %get3A_1130 = arith.index_cast %get3A_1129 : i32 to index
      %get3A_1131 = arith.index_cast %scan3A_299 : i32 to index
      %get3A_1132 = arith.constant 736 : index
      %get3A_1133 = tpu.vector_load %arg10[%get3A_1130, %get3A_1131, %get3A_1132] {strides = array<i32>} : memref<2x16x768xf32, #tpu.memory_space<vmem>>, vector<16xf32>,
      %mul3A_1134 = arith.mulf %get3A_1133, %gather3A : vector<16xf32>
      %get3A_1135 = arith.constant 1 : i32
      %get3A_1136 = arith.index_cast %get3A_1135 : i32 to index
      %get3A_1137 = arith.index_cast %scan3A_299 : i32 to index
      %get3A_1138 = arith.constant 736 : index
      %get3A_1139 = tpu.vector_load %arg11[%get3A_1136, %get3A_1137, %get3A_1138] {strides = array<i32>} : memref<2x16x768xf32, #tpu.memory_space<vmem>>, vector<16xf32>,
      %mul3A_1140 = arith.mulf %get3A_1139, %gather3A_302 : vector<16xf32>
      %add3A_1141 = arith.addf %mul3A_1134, %mul3A_1140 : vector<16xf32>
      %swap3A_1142 = arith.constant 1 : i32
      %swap3A_1143 = arith.index_cast %swap3A_1142 : i32 to index
      %swap3A_1144 = arith.index_cast %scan3A_299 : i32 to index
      %swap3A_1145 = arith.constant 736 : index
      %swap3A_1146 = tpu.vector_load %arg12[%swap3A_1143, %swap3A_1144, %swap3A_1145] {strides = array<i32>} : memref<2x16x768xf32, #tpu.memory_space<vmem>>, vector<16xf32>,
      tpu.vector_store %arg12[%swap3A_1143, %swap3A_1144, %swap3A_1145], %add3A_1141 {strides = array<i32>} : memref<2x16x768xf32, #tpu.memory_space<vmem>>, vector<16xf32>,
      %get3A_1147 = arith.constant 1 : i32
      %get3A_1148 = arith.index_cast %get3A_1147 : i32 to index
      %get3A_1149 = arith.index_cast %scan3A_299 : i32 to index
      %get3A_1150 = arith.constant 752 : index
      %get3A_1151 = tpu.vector_load %arg10[%get3A_1148, %get3A_1149, %get3A_1150] {strides = array<i32>} : memref<2x16x768xf32, #tpu.memory_space<vmem>>, vector<16xf32>,
      %mul3A_1152 = arith.mulf %get3A_1151, %gather3A : vector<16xf32>
      %get3A_1153 = arith.constant 1 : i32
      %get3A_1154 = arith.index_cast %get3A_1153 : i32 to index
      %get3A_1155 = arith.index_cast %scan3A_299 : i32 to index
      %get3A_1156 = arith.constant 752 : index
      %get3A_1157 = tpu.vector_load %arg11[%get3A_1154, %get3A_1155, %get3A_1156] {strides = array<i32>} : memref<2x16x768xf32, #tpu.memory_space<vmem>>, vector<16xf32>,
      %mul3A_1158 = arith.mulf %get3A_1157, %gather3A_302 : vector<16xf32>
      %add3A_1159 = arith.addf %mul3A_1152, %mul3A_1158 : vector<16xf32>
      %swap3A_1160 = arith.constant 1 : i32
      %swap3A_1161 = arith.index_cast %swap3A_1160 : i32 to index
      %swap3A_1162 = arith.index_cast %scan3A_299 : i32 to index
      %swap3A_1163 = arith.constant 752 : index
      %swap3A_1164 = tpu.vector_load %arg12[%swap3A_1161, %swap3A_1162, %swap3A_1163] {strides = array<i32>} : memref<2x16x768xf32, #tpu.memory_space<vmem>>, vector<16xf32>,
      tpu.vector_store %arg12[%swap3A_1161, %swap3A_1162, %swap3A_1163], %add3A_1159 {strides = array<i32>} : memref<2x16x768xf32, #tpu.memory_space<vmem>>, vector<16xf32>,
    }
    %scan3A_257 = arith.constant 16 : i32
    %add3A_258 = arith.constant 48 : i32
    %add3A_259 = arith.addi %mul3A_2, %add3A_258 : i32
    %dma_start3A_260 = arith.constant 1 : i32
    %dma_start3A_261 = arith.constant 0 : i32
    %dma_start3A_262 = arith.constant 0 : i32
    %dma_start3A_263 = tpu.memref_slice %arg12[%dma_start3A_260, %dma_start3A_261, %dma_start3A_262] : memref<2x16x768xf32, #tpu.memory_space<vmem>> -> memref<1x16x768xf32, #tpu.memory_space<vmem>>
    %dma_start3A_264 = tpu.memref_squeeze %dma_start3A_263 : memref<1x16x768xf32, #tpu.memory_space<vmem>> -> memref<16x768xf32, #tpu.memory_space<vmem>>
    %dma_start3A_265 = arith.constant 0 : i32
    %dma_start3A_266 = tpu.memref_slice %arg5[%add3A_259, %dma_start3A_265] : memref<2048x768xf32, #tpu.memory_space<hbm>> -> memref<16x768xf32, #tpu.memory_space<hbm>>
    %dma_start3A_267 = arith.constant 0 : i32
    %dma_start3A_268 = tpu.memref_slice %arg5[%add3A_259, %dma_start3A_267] : memref<2048x768xf32, #tpu.memory_space<hbm>> -> memref<16x768xf32, #tpu.memory_space<hbm>>
    %dma_start3A_269 = arith.constant 0 : i32
    %dma_start3A_270 = arith.constant 0 : i32
    %dma_start3A_271 = tpu.memref_slice %arg12[%dma_start3A_260, %dma_start3A_269, %dma_start3A_270] : memref<2x16x768xf32, #tpu.memory_space<vmem>> -> memref<1x16x768xf32, #tpu.memory_space<vmem>>
    %dma_start3A_272 = tpu.memref_squeeze %dma_start3A_271 : memref<1x16x768xf32, #tpu.memory_space<vmem>> -> memref<16x768xf32, #tpu.memory_space<vmem>>
    tpu.enqueue_dma source(%dma_start3A_272 : memref<16x768xf32, #tpu.memory_space<vmem>>) target(%dma_start3A_268 : memref<16x768xf32, #tpu.memory_space<hbm>>) target_semaphore(%arg14 : memref<!tpu.dma_semaphore, #tpu.memory_space<semaphore_mem>>)
    %dma_wait3A_273 = arith.constant 0 : i32
    %dma_wait3A_274 = arith.constant 0 : i32
    %dma_wait3A_275 = arith.constant 0 : i32
    %dma_wait3A_276 = tpu.memref_slice %arg12[%dma_wait3A_273, %dma_wait3A_274, %dma_wait3A_275] : memref<2x16x768xf32, #tpu.memory_space<vmem>> -> memref<1x16x768xf32, #tpu.memory_space<vmem>>
    %dma_wait3A_277 = tpu.memref_squeeze %dma_wait3A_276 : memref<1x16x768xf32, #tpu.memory_space<vmem>> -> memref<16x768xf32, #tpu.memory_space<vmem>>
    %dma_wait3A_278 = arith.constant 0 : i32
    %dma_wait3A_279 = tpu.memref_slice %arg5[%add3A_205, %dma_wait3A_278] : memref<2048x768xf32, #tpu.memory_space<hbm>> -> memref<16x768xf32, #tpu.memory_space<hbm>>
    %dma_wait3A_280 = arith.constant 0 : i32
    %dma_wait3A_281 = tpu.memref_slice %arg5[%add3A_205, %dma_wait3A_280] : memref<2048x768xf32, #tpu.memory_space<hbm>> -> memref<16x768xf32, #tpu.memory_space<hbm>>
    %dma_wait3A_282 = arith.constant 0 : i32
    %dma_wait3A_283 = arith.constant 0 : i32
    %dma_wait3A_284 = tpu.memref_slice %arg12[%dma_wait3A_273, %dma_wait3A_282, %dma_wait3A_283] : memref<2x16x768xf32, #tpu.memory_space<vmem>> -> memref<1x16x768xf32, #tpu.memory_space<vmem>>
    %dma_wait3A_285 = tpu.memref_squeeze %dma_wait3A_284 : memref<1x16x768xf32, #tpu.memory_space<vmem>> -> memref<16x768xf32, #tpu.memory_space<vmem>>
    tpu.wait_dma2 semaphore(%arg14 : memref<!tpu.dma_semaphore, #tpu.memory_space<semaphore_mem>>) src(%dma_wait3A_285 : memref<16x768xf32, #tpu.memory_space<vmem>>) dst(%dma_wait3A_281 : memref<16x768xf32, #tpu.memory_space<hbm>>)
    %dma_wait3A_286 = arith.constant 1 : i32
    %dma_wait3A_287 = arith.constant 0 : i32
    %dma_wait3A_288 = arith.constant 0 : i32
    %dma_wait3A_289 = tpu.memref_slice %arg12[%dma_wait3A_286, %dma_wait3A_287, %dma_wait3A_288] : memref<2x16x768xf32, #tpu.memory_space<vmem>> -> memref<1x16x768xf32, #tpu.memory_space<vmem>>
    %dma_wait3A_290 = tpu.memref_squeeze %dma_wait3A_289 : memref<1x16x768xf32, #tpu.memory_space<vmem>> -> memref<16x768xf32, #tpu.memory_space<vmem>>
    %dma_wait3A_291 = arith.constant 0 : i32
    %dma_wait3A_292 = tpu.memref_slice %arg5[%add3A_259, %dma_wait3A_291] : memref<2048x768xf32, #tpu.memory_space<hbm>> -> memref<16x768xf32, #tpu.memory_space<hbm>>
    %dma_wait3A_293 = arith.constant 0 : i32
    %dma_wait3A_294 = tpu.memref_slice %arg5[%add3A_259, %dma_wait3A_293] : memref<2048x768xf32, #tpu.memory_space<hbm>> -> memref<16x768xf32, #tpu.memory_space<hbm>>
    %dma_wait3A_295 = arith.constant 0 : i32
    %dma_wait3A_296 = arith.constant 0 : i32
    %dma_wait3A_297 = tpu.memref_slice %arg12[%dma_wait3A_286, %dma_wait3A_295, %dma_wait3A_296] : memref<2x16x768xf32, #tpu.memory_space<vmem>> -> memref<1x16x768xf32, #tpu.memory_space<vmem>>
    %dma_wait3A_298 = tpu.memref_squeeze %dma_wait3A_297 : memref<1x16x768xf32, #tpu.memory_space<vmem>> -> memref<16x768xf32, #tpu.memory_space<vmem>>
    tpu.wait_dma2 semaphore(%arg14 : memref<!tpu.dma_semaphore, #tpu.memory_space<semaphore_mem>>) src(%dma_wait3A_298 : memref<16x768xf32, #tpu.memory_space<vmem>>) dst(%dma_wait3A_294 : memref<16x768xf32, #tpu.memory_space<hbm>>)
    return
  }
}

module attributes {stable_mosaic.version = 14 : i64} {
  func.func @_expert_body(%arg0: i32, %arg1: memref<192x384xi32, #tpu.memory_space<vmem>>, %arg2: memref<1x768x1536xf32, #tpu.memory_space<vmem>>, %arg3: memref<1x768x768xf32, #tpu.memory_space<vmem>>, %arg4: memref<192x768xf32, #tpu.memory_space<vmem>>) attributes {dimension_semantics = [#tpu.dimension_semantics<arbitrary>], iteration_bounds = array<i64: 64>, scalar_prefetch = 0 : i64, scratch_operands = 0 : i64, tpu.core_type = #tpu.core_type<tc>, window_params = [{transform_indices = @transform_0, window_bounds = array<i64: 192, 384>}, {transform_indices = @transform_1, window_bounds = array<i64: 1, 768, 1536>}, {transform_indices = @transform_2, window_bounds = array<i64: 1, 768, 768>}, {transform_indices = @transform_3, window_bounds = array<i64: 192, 768>}]} {
    %get3A = arith.constant 0 : index
    %get3A_0 = arith.constant 0 : index
    %get3A_1 = vector.load %arg1[%get3A, %get3A_0] : memref<192x384xi32, #tpu.memory_space<vmem>>, vector<192x384xi32>
    %shift_left3A = arith.constant 16 : i32
    %shift_left3A_2 = vector.broadcast %shift_left3A : i32 to vector<192x384xi32>
    %shift_left3A_3 = arith.shli %get3A_1, %shift_left3A_2 : vector<192x384xi32>
    %bitcast_convert_type3A = tpu.bitcast %shift_left3A_3 : vector<192x384xi32> -> vector<192x384xf32>
    %and3A = arith.constant -65536 : i32
    %and3A_4 = vector.broadcast %and3A : i32 to vector<192x384xi32>
    %and3A_5 = arith.andi %get3A_1, %and3A_4 : vector<192x384xi32>
    %bitcast_convert_type3A_6 = tpu.bitcast %and3A_5 : vector<192x384xi32> -> vector<192x384xf32>
    %concatenate3A = tpu.concatenate %bitcast_convert_type3A, %bitcast_convert_type3A_6 in 1 : vector<192x384xf32>, vector<192x384xf32> -> vector<192x768xf32>
    %convert_element_type3A = arith.truncf %concatenate3A : vector<192x768xf32> to vector<192x768xbf16>
    %get3A_7 = arith.constant 0 : index
    %get3A_8 = arith.constant 0 : index
    %get3A_9 = arith.constant 0 : index
    %get3A_10 = vector.load %arg2[%get3A_7, %get3A_8, %get3A_9] : memref<1x768x1536xf32, #tpu.memory_space<vmem>>, vector<1x768x1536xf32>
    %get3A_11 = vector.shape_cast %get3A_10 : vector<1x768x1536xf32> to vector<768x1536xf32>
    %convert_element_type3A_12 = arith.truncf %get3A_11 : vector<768x1536xf32> to vector<768x1536xbf16>
    %dot_general3A = arith.constant dense<0.000000e+00> : vector<192x1536xf32>
    %dot_general3A_13 = tpu.matmul %convert_element_type3A, %convert_element_type3A_12, %dot_general3A {dimension_numbers = #tpu.dot_dimension_numbers<[1], [0], [0], [1], [0, 0, 1, 1], [], []>, transpose_lhs_hint = false} : vector<192x768xbf16>, vector<768x1536xbf16>, vector<192x1536xf32> -> vector<192x1536xf32>
    %slice3A = vector.extract_strided_slice %dot_general3A_13 {offsets = [0, 0], sizes = [192, 768], strides = [1, 1]} : vector<192x1536xf32> to vector<192x768xf32>
    %slice3A_14 = vector.extract_strided_slice %dot_general3A_13 {offsets = [0, 768], sizes = [192, 768], strides = [1, 1]} : vector<192x1536xf32> to vector<192x768xf32>
    %logistic3A = arith.negf %slice3A : vector<192x768xf32>
    %logistic3A_15 = math.exp %logistic3A : vector<192x768xf32>
    %logistic3A_16 = arith.constant 1.000000e+00 : f32
    %logistic3A_17 = vector.broadcast %logistic3A_16 : f32 to vector<192x768xf32>
    %logistic3A_18 = arith.addf %logistic3A_17, %logistic3A_15 : vector<192x768xf32>
    %logistic3A_19 = arith.divf %logistic3A_17, %logistic3A_18 : vector<192x768xf32>
    %mul3A = arith.mulf %slice3A, %logistic3A_19 : vector<192x768xf32>
    %mul3A_20 = arith.mulf %slice3A_14, %mul3A : vector<192x768xf32>
    %convert_element_type3A_21 = arith.truncf %mul3A_20 : vector<192x768xf32> to vector<192x768xbf16>
    %get3A_22 = arith.constant 0 : index
    %get3A_23 = arith.constant 0 : index
    %get3A_24 = arith.constant 0 : index
    %get3A_25 = vector.load %arg3[%get3A_22, %get3A_23, %get3A_24] : memref<1x768x768xf32, #tpu.memory_space<vmem>>, vector<1x768x768xf32>
    %get3A_26 = vector.shape_cast %get3A_25 : vector<1x768x768xf32> to vector<768x768xf32>
    %convert_element_type3A_27 = arith.truncf %get3A_26 : vector<768x768xf32> to vector<768x768xbf16>
    %dot_general3A_28 = arith.constant dense<0.000000e+00> : vector<192x768xf32>
    %dot_general3A_29 = tpu.matmul %convert_element_type3A_21, %convert_element_type3A_27, %dot_general3A_28 {dimension_numbers = #tpu.dot_dimension_numbers<[1], [0], [0], [1], [0, 0, 1, 1], [], []>, transpose_lhs_hint = false} : vector<192x768xbf16>, vector<768x768xbf16>, vector<192x768xf32> -> vector<192x768xf32>
    %swap3A = arith.constant 0 : index
    %swap3A_30 = arith.constant 0 : index
    %swap3A_31 = vector.load %arg4[%swap3A, %swap3A_30] : memref<192x768xf32, #tpu.memory_space<vmem>>, vector<192x768xf32>
    tpu.vector_store %arg4[%swap3A, %swap3A_30], %dot_general3A_29 {strides = array<i32>} : memref<192x768xf32, #tpu.memory_space<vmem>>, vector<192x768xf32>,
    return
  }
  func.func @transform_0(%arg0: i32) -> (i32, i32) {
    %c0_i32 = arith.constant 0 : i32
    %c0_i32_0 = arith.constant 0 : i32
    return %arg0, %c0_i32 : i32, i32
  }
  func.func @transform_1(%arg0: i32) -> (i32, i32, i32) {
    %c0_i32 = arith.constant 0 : i32
    %c0_i32_0 = arith.constant 0 : i32
    %c0_i32_1 = arith.constant 0 : i32
    return %arg0, %c0_i32, %c0_i32_0 : i32, i32, i32
  }
  func.func @transform_2(%arg0: i32) -> (i32, i32, i32) {
    %c0_i32 = arith.constant 0 : i32
    %c0_i32_0 = arith.constant 0 : i32
    %c0_i32_1 = arith.constant 0 : i32
    return %arg0, %c0_i32, %c0_i32_0 : i32, i32, i32
  }
  func.func @transform_3(%arg0: i32) -> (i32, i32) {
    %c0_i32 = arith.constant 0 : i32
    %c0_i32_0 = arith.constant 0 : i32
    return %arg0, %c0_i32 : i32, i32
  }
}

module attributes {stable_mosaic.version = 14 : i64} {
  func.func @_router_body(%arg0: i32, %arg1: memref<1024x768xf32, #tpu.memory_space<vmem>>, %arg2: memref<64x768xf32, #tpu.memory_space<vmem>>, %arg3: memref<1024x2xf32, #tpu.memory_space<vmem>>, %arg4: memref<1024x2xi32, #tpu.memory_space<vmem>>, %arg5: memref<1024x2xi32, #tpu.memory_space<vmem>>, %arg6: memref<1024x384xi32, #tpu.memory_space<vmem>>, %arg7: memref<1x64xf32, #tpu.memory_space<vmem>>) attributes {dimension_semantics = [#tpu.dimension_semantics<arbitrary>], iteration_bounds = array<i64: 2>, scalar_prefetch = 0 : i64, scratch_operands = 1 : i64, tpu.core_type = #tpu.core_type<tc>, window_params = [{transform_indices = @transform_0, window_bounds = array<i64: 1024, 768>}, {pipeline_mode = #tpu.pipeline_mode<synchronous>, transform_indices = @transform_1, window_bounds = array<i64: 64, 768>}, {transform_indices = @transform_2, window_bounds = array<i64: 1024, 2>}, {transform_indices = @transform_3, window_bounds = array<i64: 1024, 2>}, {transform_indices = @transform_4, window_bounds = array<i64: 1024, 2>}, {transform_indices = @transform_5, window_bounds = array<i64: 1024, 384>}]} {
    %eq3A = arith.constant 0 : i32
    %eq3A_0 = arith.cmpi eq, %arg0, %eq3A : i32
    %convert_element_type3A = arith.extui %eq3A_0 : i1 to i32
    %cond3A = arith.constant 0 : i32
    %cond3A_1 = arith.cmpi ne, %convert_element_type3A, %cond3A : i32
    scf.if %cond3A_1 {
      %broadcast_in_dim3A_155 = arith.constant 0.000000e+00 : f32
      %broadcast_in_dim3A_156 = vector.broadcast %broadcast_in_dim3A_155 : f32 to vector<1x64xf32>
      %swap3A_157 = arith.constant 0 : index
      %swap3A_158 = arith.constant 0 : index
      %swap3A_159 = vector.load %arg7[%swap3A_157, %swap3A_158] : memref<1x64xf32, #tpu.memory_space<vmem>>, vector<1x64xf32>
      tpu.vector_store %arg7[%swap3A_157, %swap3A_158], %broadcast_in_dim3A_156 {strides = array<i32>} : memref<1x64xf32, #tpu.memory_space<vmem>>, vector<1x64xf32>,
    } else {
    }
    %get3A = arith.constant 0 : index
    %get3A_2 = arith.constant 0 : index
    %get3A_3 = vector.load %arg1[%get3A, %get3A_2] : memref<1024x768xf32, #tpu.memory_space<vmem>>, vector<1024x768xf32>
    %slice3A = vector.extract_strided_slice %get3A_3 {offsets = [0, 0], sizes = [1024, 384], strides = [1, 1]} : vector<1024x768xf32> to vector<1024x384xf32>
    %bitcast_convert_type3A = tpu.bitcast %slice3A : vector<1024x384xf32> -> vector<1024x384xi32>
    %shift_right_arithmetic3A = arith.constant 16 : i32
    %shift_right_arithmetic3A_4 = vector.broadcast %shift_right_arithmetic3A : i32 to vector<1024x384xi32>
    %shift_right_arithmetic3A_5 = arith.shrsi %bitcast_convert_type3A, %shift_right_arithmetic3A_4 : vector<1024x384xi32>
    %and3A = arith.constant 1 : i32
    %and3A_6 = vector.broadcast %and3A : i32 to vector<1024x384xi32>
    %and3A_7 = arith.andi %shift_right_arithmetic3A_5, %and3A_6 : vector<1024x384xi32>
    %add3A = arith.constant 32767 : i32
    %add3A_8 = vector.broadcast %add3A : i32 to vector<1024x384xi32>
    %add3A_9 = arith.addi %and3A_7, %add3A_8 : vector<1024x384xi32>
    %add3A_10 = arith.addi %bitcast_convert_type3A, %add3A_9 : vector<1024x384xi32>
    %slice3A_11 = vector.extract_strided_slice %get3A_3 {offsets = [0, 384], sizes = [1024, 384], strides = [1, 1]} : vector<1024x768xf32> to vector<1024x384xf32>
    %bitcast_convert_type3A_12 = tpu.bitcast %slice3A_11 : vector<1024x384xf32> -> vector<1024x384xi32>
    %shift_right_arithmetic3A_13 = arith.constant 16 : i32
    %shift_right_arithmetic3A_14 = vector.broadcast %shift_right_arithmetic3A_13 : i32 to vector<1024x384xi32>
    %shift_right_arithmetic3A_15 = arith.shrsi %bitcast_convert_type3A_12, %shift_right_arithmetic3A_14 : vector<1024x384xi32>
    %and3A_16 = arith.constant 1 : i32
    %and3A_17 = vector.broadcast %and3A_16 : i32 to vector<1024x384xi32>
    %and3A_18 = arith.andi %shift_right_arithmetic3A_15, %and3A_17 : vector<1024x384xi32>
    %add3A_19 = arith.constant 32767 : i32
    %add3A_20 = vector.broadcast %add3A_19 : i32 to vector<1024x384xi32>
    %add3A_21 = arith.addi %and3A_18, %add3A_20 : vector<1024x384xi32>
    %add3A_22 = arith.addi %bitcast_convert_type3A_12, %add3A_21 : vector<1024x384xi32>
    %shift_right_logical3A = arith.constant 16 : i32
    %shift_right_logical3A_23 = vector.broadcast %shift_right_logical3A : i32 to vector<1024x384xi32>
    %shift_right_logical3A_24 = arith.shrui %add3A_10, %shift_right_logical3A_23 : vector<1024x384xi32>
    %and3A_25 = arith.constant -65536 : i32
    %and3A_26 = vector.broadcast %and3A_25 : i32 to vector<1024x384xi32>
    %and3A_27 = arith.andi %add3A_22, %and3A_26 : vector<1024x384xi32>
    %or3A = arith.ori %shift_right_logical3A_24, %and3A_27 : vector<1024x384xi32>
    %swap3A = arith.constant 0 : index
    %swap3A_28 = arith.constant 0 : index
    %swap3A_29 = vector.load %arg6[%swap3A, %swap3A_28] : memref<1024x384xi32, #tpu.memory_space<vmem>>, vector<1024x384xi32>
    tpu.vector_store %arg6[%swap3A, %swap3A_28], %or3A {strides = array<i32>} : memref<1024x384xi32, #tpu.memory_space<vmem>>, vector<1024x384xi32>,
    %get3A_30 = arith.constant 0 : index
    %get3A_31 = arith.constant 0 : index
    %get3A_32 = vector.load %arg2[%get3A_30, %get3A_31] : memref<64x768xf32, #tpu.memory_space<vmem>>, vector<64x768xf32>
    %dot_general3A = arith.constant dense<0.000000e+00> : vector<1024x64xf32>
    %dot_general3A_33 = tpu.matmul %get3A_3, %get3A_32, %dot_general3A {dimension_numbers = #tpu.dot_dimension_numbers<[1], [1], [0], [0], [0, 0, 1, 0], [], []>, transpose_lhs_hint = false} : vector<1024x768xf32>, vector<64x768xf32>, vector<1024x64xf32> -> vector<1024x64xf32>
    %iota3A = tpu.iota {dimensions = array<i32: 1>} : vector<1024x64xi32>
    %reduce_max3A = arith.constant dense<0xFF800000> : vector<1024xf32>
    %reduce_max3A_34 = vector.multi_reduction <maximumf>, %dot_general3A_33, %reduce_max3A [1] : vector<1024x64xf32> to vector<1024xf32>
    %broadcast_in_dim3A = vector.shape_cast %reduce_max3A_34 : vector<1024xf32> to vector<1024x1xf32>
    %eq3A_35 = vector.broadcast %broadcast_in_dim3A : vector<1024x1xf32> to vector<1024x64xf32>
    %eq3A_36 = arith.cmpf oeq, %dot_general3A_33, %eq3A_35 : vector<1024x64xf32>
    %jit3A = arith.constant 64 : i32
    %broadcast_in_dim3A_37 = vector.broadcast %jit3A : i32 to vector<1024x64xi32>
    %select_n3A = arith.select %eq3A_36, %iota3A, %broadcast_in_dim3A_37 : vector<1024x64xi1>, vector<1024x64xi32>
    %reduce_min3A = arith.constant dense<2147483647> : vector<1024xi32>
    %reduce_min3A_38 = vector.multi_reduction <minsi>, %select_n3A, %reduce_min3A [1] : vector<1024x64xi32> to vector<1024xi32>
    %broadcast_in_dim3A_39 = vector.shape_cast %reduce_min3A_38 : vector<1024xi32> to vector<1024x1xi32>
    %eq3A_40 = vector.broadcast %broadcast_in_dim3A_39 : vector<1024x1xi32> to vector<1024x64xi32>
    %eq3A_41 = arith.cmpi eq, %iota3A, %eq3A_40 : vector<1024x64xi32>
    %jit3A_42 = arith.constant -1.000000e+30 : f32
    %broadcast_in_dim3A_43 = vector.broadcast %jit3A_42 : f32 to vector<1024x64xf32>
    %select_n3A_44 = arith.select %eq3A_41, %broadcast_in_dim3A_43, %dot_general3A_33 : vector<1024x64xi1>, vector<1024x64xf32>
    %reduce_max3A_45 = arith.constant dense<0xFF800000> : vector<1024xf32>
    %reduce_max3A_46 = vector.multi_reduction <maximumf>, %select_n3A_44, %reduce_max3A_45 [1] : vector<1024x64xf32> to vector<1024xf32>
    %broadcast_in_dim3A_47 = vector.shape_cast %reduce_max3A_46 : vector<1024xf32> to vector<1024x1xf32>
    %eq3A_48 = vector.broadcast %broadcast_in_dim3A_47 : vector<1024x1xf32> to vector<1024x64xf32>
    %eq3A_49 = arith.cmpf oeq, %select_n3A_44, %eq3A_48 : vector<1024x64xf32>
    %jit3A_50 = arith.constant 64 : i32
    %broadcast_in_dim3A_51 = vector.broadcast %jit3A_50 : i32 to vector<1024x64xi32>
    %select_n3A_52 = arith.select %eq3A_49, %iota3A, %broadcast_in_dim3A_51 : vector<1024x64xi1>, vector<1024x64xi32>
    %reduce_min3A_53 = arith.constant dense<2147483647> : vector<1024xi32>
    %reduce_min3A_54 = vector.multi_reduction <minsi>, %select_n3A_52, %reduce_min3A_53 [1] : vector<1024x64xi32> to vector<1024xi32>
    %broadcast_in_dim3A_55 = vector.shape_cast %reduce_min3A_54 : vector<1024xi32> to vector<1024x1xi32>
    %sub3A = arith.subf %broadcast_in_dim3A, %broadcast_in_dim3A_47 : vector<1024x1xf32>
    %logistic3A = arith.negf %sub3A : vector<1024x1xf32>
    %logistic3A_56 = math.exp %logistic3A : vector<1024x1xf32>
    %logistic3A_57 = arith.constant 1.000000e+00 : f32
    %logistic3A_58 = vector.broadcast %logistic3A_57 : f32 to vector<1024x1xf32>
    %logistic3A_59 = arith.addf %logistic3A_58, %logistic3A_56 : vector<1024x1xf32>
    %logistic3A_60 = arith.divf %logistic3A_58, %logistic3A_59 : vector<1024x1xf32>
    %sub3A_61 = arith.subf %broadcast_in_dim3A_47, %broadcast_in_dim3A : vector<1024x1xf32>
    %logistic3A_62 = arith.negf %sub3A_61 : vector<1024x1xf32>
    %logistic3A_63 = math.exp %logistic3A_62 : vector<1024x1xf32>
    %logistic3A_64 = arith.constant 1.000000e+00 : f32
    %logistic3A_65 = vector.broadcast %logistic3A_64 : f32 to vector<1024x1xf32>
    %logistic3A_66 = arith.addf %logistic3A_65, %logistic3A_63 : vector<1024x1xf32>
    %logistic3A_67 = arith.divf %logistic3A_65, %logistic3A_66 : vector<1024x1xf32>
    %eq3A_68 = vector.broadcast %broadcast_in_dim3A_39 : vector<1024x1xi32> to vector<1024x64xi32>
    %eq3A_69 = arith.cmpi eq, %iota3A, %eq3A_68 : vector<1024x64xi32>
    %eq3A_70 = vector.broadcast %broadcast_in_dim3A_55 : vector<1024x1xi32> to vector<1024x64xi32>
    %eq3A_71 = arith.cmpi eq, %iota3A, %eq3A_70 : vector<1024x64xi32>
    %or3A_72 = arith.ori %eq3A_69, %eq3A_71 : vector<1024x64xi1>
    %convert_element_type3A_73 = arith.extui %or3A_72 : vector<1024x64xi1> to vector<1024x64xi32>
    %convert_element_type3A_74 = arith.sitofp %convert_element_type3A_73 : vector<1024x64xi32> to vector<1024x64xf32>
    %iota3A_75 = tpu.iota {dimensions = array<i32: 0>} : vector<1024x1024xi32>
    %iota3A_76 = tpu.iota {dimensions = array<i32: 1>} : vector<1024x1024xi32>
    %lt3A = arith.cmpi slt, %iota3A_76, %iota3A_75 : vector<1024x1024xi32>
    %convert_element_type3A_77 = arith.extui %lt3A : vector<1024x1024xi1> to vector<1024x1024xi32>
    %convert_element_type3A_78 = arith.sitofp %convert_element_type3A_77 : vector<1024x1024xi32> to vector<1024x1024xf32>
    %dot_general3A_79 = arith.constant dense<0.000000e+00> : vector<1024x64xf32>
    %dot_general3A_80 = tpu.matmul %convert_element_type3A_78, %convert_element_type3A_74, %dot_general3A_79 {dimension_numbers = #tpu.dot_dimension_numbers<[1], [0], [0], [1], [0, 0, 1, 1], [], []>, transpose_lhs_hint = false} : vector<1024x1024xf32>, vector<1024x64xf32>, vector<1024x64xf32> -> vector<1024x64xf32>
    %get3A_81 = arith.constant 0 : index
    %get3A_82 = arith.constant 0 : index
    %get3A_83 = vector.load %arg7[%get3A_81, %get3A_82] : memref<1x64xf32, #tpu.memory_space<vmem>>, vector<1x64xf32>
    %add3A_84 = vector.broadcast %get3A_83 : vector<1x64xf32> to vector<1024x64xf32>
    %add3A_85 = arith.addf %dot_general3A_80, %add3A_84 : vector<1024x64xf32>
    %get3A_86 = arith.constant 0 : index
    %get3A_87 = arith.constant 0 : index
    %get3A_88 = vector.load %arg7[%get3A_86, %get3A_87] : memref<1x64xf32, #tpu.memory_space<vmem>>, vector<1x64xf32>
    %reduce_sum3A = arith.constant dense<0.000000e+00> : vector<64xf32>
    %reduce_sum3A_89 = vector.multi_reduction <add>, %convert_element_type3A_74, %reduce_sum3A [0] : vector<1024x64xf32> to vector<64xf32>
    %broadcast_in_dim3A_90 = vector.shape_cast %reduce_sum3A_89 : vector<64xf32> to vector<1x64xf32>
    %add3A_91 = arith.addf %get3A_88, %broadcast_in_dim3A_90 : vector<1x64xf32>
    %swap3A_92 = arith.constant 0 : index
    %swap3A_93 = arith.constant 0 : index
    %swap3A_94 = vector.load %arg7[%swap3A_92, %swap3A_93] : memref<1x64xf32, #tpu.memory_space<vmem>>, vector<1x64xf32>
    tpu.vector_store %arg7[%swap3A_92, %swap3A_93], %add3A_91 {strides = array<i32>} : memref<1x64xf32, #tpu.memory_space<vmem>>, vector<1x64xf32>,
    %eq3A_95 = vector.broadcast %broadcast_in_dim3A_39 : vector<1024x1xi32> to vector<1024x64xi32>
    %eq3A_96 = arith.cmpi eq, %iota3A, %eq3A_95 : vector<1024x64xi32>
    %jit3A_97 = arith.constant 0.000000e+00 : f32
    %broadcast_in_dim3A_98 = vector.broadcast %jit3A_97 : f32 to vector<1024x64xf32>
    %select_n3A_99 = arith.select %eq3A_96, %add3A_85, %broadcast_in_dim3A_98 : vector<1024x64xi1>, vector<1024x64xf32>
    %reduce_sum3A_100 = arith.constant dense<0.000000e+00> : vector<1024xf32>
    %reduce_sum3A_101 = vector.multi_reduction <add>, %select_n3A_99, %reduce_sum3A_100 [1] : vector<1024x64xf32> to vector<1024xf32>
    %broadcast_in_dim3A_102 = vector.shape_cast %reduce_sum3A_101 : vector<1024xf32> to vector<1024x1xf32>
    %convert_element_type3A_103 = arith.fptosi %broadcast_in_dim3A_102 : vector<1024x1xf32> to vector<1024x1xi32>
    %eq3A_104 = vector.broadcast %broadcast_in_dim3A_55 : vector<1024x1xi32> to vector<1024x64xi32>
    %eq3A_105 = arith.cmpi eq, %iota3A, %eq3A_104 : vector<1024x64xi32>
    %jit3A_106 = arith.constant 0.000000e+00 : f32
    %broadcast_in_dim3A_107 = vector.broadcast %jit3A_106 : f32 to vector<1024x64xf32>
    %select_n3A_108 = arith.select %eq3A_105, %add3A_85, %broadcast_in_dim3A_107 : vector<1024x64xi1>, vector<1024x64xf32>
    %reduce_sum3A_109 = arith.constant dense<0.000000e+00> : vector<1024xf32>
    %reduce_sum3A_110 = vector.multi_reduction <add>, %select_n3A_108, %reduce_sum3A_109 [1] : vector<1024x64xf32> to vector<1024xf32>
    %broadcast_in_dim3A_111 = vector.shape_cast %reduce_sum3A_110 : vector<1024xf32> to vector<1024x1xf32>
    %convert_element_type3A_112 = arith.fptosi %broadcast_in_dim3A_111 : vector<1024x1xf32> to vector<1024x1xi32>
    %lt3A_113 = arith.constant 192 : i32
    %lt3A_114 = vector.broadcast %lt3A_113 : i32 to vector<1024x1xi32>
    %lt3A_115 = arith.cmpi slt, %convert_element_type3A_103, %lt3A_114 : vector<1024x1xi32>
    %lt3A_116 = arith.constant 192 : i32
    %lt3A_117 = vector.broadcast %lt3A_116 : i32 to vector<1024x1xi32>
    %lt3A_118 = arith.cmpi slt, %convert_element_type3A_112, %lt3A_117 : vector<1024x1xi32>
    %mul3A = arith.constant 192 : i32
    %mul3A_119 = vector.broadcast %mul3A : i32 to vector<1024x1xi32>
    %mul3A_120 = arith.muli %broadcast_in_dim3A_39, %mul3A_119 : vector<1024x1xi32>
    %add3A_121 = arith.addi %mul3A_120, %convert_element_type3A_103 : vector<1024x1xi32>
    %mul3A_122 = arith.constant 192 : i32
    %mul3A_123 = vector.broadcast %mul3A_122 : i32 to vector<1024x1xi32>
    %mul3A_124 = arith.muli %broadcast_in_dim3A_55, %mul3A_123 : vector<1024x1xi32>
    %add3A_125 = arith.addi %mul3A_124, %convert_element_type3A_112 : vector<1024x1xi32>
    %jit3A_126 = arith.constant 0.000000e+00 : f32
    %broadcast_in_dim3A_127 = vector.broadcast %jit3A_126 : f32 to vector<1024x1xf32>
    %select_n3A_128 = arith.select %lt3A_115, %logistic3A_60, %broadcast_in_dim3A_127 : vector<1024x1xi1>, vector<1024x1xf32>
    %jit3A_129 = arith.constant 0.000000e+00 : f32
    %broadcast_in_dim3A_130 = vector.broadcast %jit3A_129 : f32 to vector<1024x1xf32>
    %select_n3A_131 = arith.select %lt3A_118, %logistic3A_67, %broadcast_in_dim3A_130 : vector<1024x1xi1>, vector<1024x1xf32>
    %concatenate3A = tpu.concatenate %select_n3A_128, %select_n3A_131 in 1 : vector<1024x1xf32>, vector<1024x1xf32> -> vector<1024x2xf32>
    %swap3A_132 = arith.constant 0 : index
    %swap3A_133 = arith.constant 0 : index
    %swap3A_134 = vector.load %arg3[%swap3A_132, %swap3A_133] : memref<1024x2xf32, #tpu.memory_space<vmem>>, vector<1024x2xf32>
    tpu.vector_store %arg3[%swap3A_132, %swap3A_133], %concatenate3A {strides = array<i32>} : memref<1024x2xf32, #tpu.memory_space<vmem>>, vector<1024x2xf32>,
    %jit3A_135 = arith.constant 1073741824 : i32
    %broadcast_in_dim3A_136 = vector.broadcast %jit3A_135 : i32 to vector<1024x1xi32>
    %select_n3A_137 = arith.select %lt3A_115, %add3A_121, %broadcast_in_dim3A_136 : vector<1024x1xi1>, vector<1024x1xi32>
    %jit3A_138 = arith.constant 1073741824 : i32
    %broadcast_in_dim3A_139 = vector.broadcast %jit3A_138 : i32 to vector<1024x1xi32>
    %select_n3A_140 = arith.select %lt3A_118, %add3A_125, %broadcast_in_dim3A_139 : vector<1024x1xi1>, vector<1024x1xi32>
    %concatenate3A_141 = tpu.concatenate %select_n3A_137, %select_n3A_140 in 1 : vector<1024x1xi32>, vector<1024x1xi32> -> vector<1024x2xi32>
    %swap3A_142 = arith.constant 0 : index
    %swap3A_143 = arith.constant 0 : index
    %swap3A_144 = vector.load %arg4[%swap3A_142, %swap3A_143] : memref<1024x2xi32, #tpu.memory_space<vmem>>, vector<1024x2xi32>
    tpu.vector_store %arg4[%swap3A_142, %swap3A_143], %concatenate3A_141 {strides = array<i32>} : memref<1024x2xi32, #tpu.memory_space<vmem>>, vector<1024x2xi32>,
    %jit3A_145 = arith.constant 0 : i32
    %broadcast_in_dim3A_146 = vector.broadcast %jit3A_145 : i32 to vector<1024x1xi32>
    %select_n3A_147 = arith.select %lt3A_115, %add3A_121, %broadcast_in_dim3A_146 : vector<1024x1xi1>, vector<1024x1xi32>
    %jit3A_148 = arith.constant 0 : i32
    %broadcast_in_dim3A_149 = vector.broadcast %jit3A_148 : i32 to vector<1024x1xi32>
    %select_n3A_150 = arith.select %lt3A_118, %add3A_125, %broadcast_in_dim3A_149 : vector<1024x1xi1>, vector<1024x1xi32>
    %concatenate3A_151 = tpu.concatenate %select_n3A_147, %select_n3A_150 in 1 : vector<1024x1xi32>, vector<1024x1xi32> -> vector<1024x2xi32>
    %swap3A_152 = arith.constant 0 : index
    %swap3A_153 = arith.constant 0 : index
    %swap3A_154 = vector.load %arg5[%swap3A_152, %swap3A_153] : memref<1024x2xi32, #tpu.memory_space<vmem>>, vector<1024x2xi32>
    tpu.vector_store %arg5[%swap3A_152, %swap3A_153], %concatenate3A_151 {strides = array<i32>} : memref<1024x2xi32, #tpu.memory_space<vmem>>, vector<1024x2xi32>,
    return
  }
  func.func @transform_0(%arg0: i32) -> (i32, i32) {
    %c0_i32 = arith.constant 0 : i32
    %c0_i32_0 = arith.constant 0 : i32
    return %arg0, %c0_i32 : i32, i32
  }
  func.func @transform_1(%arg0: i32) -> (i32, i32) {
    %c0_i32 = arith.constant 0 : i32
    %c0_i32_0 = arith.constant 0 : i32
    %c0_i32_1 = arith.constant 0 : i32
    return %c0_i32, %c0_i32_0 : i32, i32
  }
  func.func @transform_2(%arg0: i32) -> (i32, i32) {
    %c0_i32 = arith.constant 0 : i32
    %c0_i32_0 = arith.constant 0 : i32
    return %arg0, %c0_i32 : i32, i32
  }
  func.func @transform_3(%arg0: i32) -> (i32, i32) {
    %c0_i32 = arith.constant 0 : i32
    %c0_i32_0 = arith.constant 0 : i32
    return %arg0, %c0_i32 : i32, i32
  }
  func.func @transform_4(%arg0: i32) -> (i32, i32) {
    %c0_i32 = arith.constant 0 : i32
    %c0_i32_0 = arith.constant 0 : i32
    return %arg0, %c0_i32 : i32, i32
  }
  func.func @transform_5(%arg0: i32) -> (i32, i32) {
    %c0_i32 = arith.constant 0 : i32
    %c0_i32_0 = arith.constant 0 : i32
    return %arg0, %c0_i32 : i32, i32
  }
}

</mosaic_0001>

<sc_bundles>
// kernel: kernel.6.cloned.1.call-start
scs
__scs_entry_jumppad:
0x0: {  	(pc) =	sbr.rel $0x88, $3  }
0x1: {  	(tag) =	ssettag $0x0;
	lr =	simm.s32 $0x1  }
0x2: {  	[smem:$0x3F9D] =	sst lr;
	_ =	strace $0xD0000000  }
0x3: {  	_ = 	snop  }
0x4: {  	_ = 	snop  }
0x5: {  	_ = 	snop  }
0x6: {  	_ = 	snop  }
0x7: {  	_ = 	snop  }
__scs_overlays_trampoline_lowered:
0x8: {  	[smem:$0x3FAC] =	sst s0  }
0x9: {  	[smem:$0x3FAD] =	sst s1  }
0xa: {  	[smem:$0x3FAE] =	sst s2  }
0xb: {  	[smem:$0x3FAF] =	sst s3  }
0xc: {  	[smem:$0x3FB0] =	sst s4  }
0xd: {  	[smem:$0x3FB1] =	sst s5  }
0xe: {  	[smem:$0x3FB2] =	sst s6  }
0xf: {  	[smem:$0x3FB3] =	sst s7  }
0x10: {  	[smem:$0x3FB4] =	sst s8  }
0x11: {  	[smem:$0x3FB5] =	sst s9;
	s0 =	simm.s32 @!p0 $0x0  }
0x12: {  	s1 =	sld [smem:$0x3F9B];
	s0 =	simm.s32 @p0 $0x1  }
0x13: {  	[smem:$0x3FB6] =	sst s0;
	s0 =	simm.s32 @!p1 $0x0  }
0x14: {  	s2 =	sld [smem:$0x3F9A];
	s0 =	simm.s32 @p1 $0x1  }
0x15: {  	[smem:$0x3FB7] =	sst s0;
	s0 =	simm.s32 @!p2 $0x0  }
0x16: {  	s3 =	sld [smem:$0x3FDB];
	s0 =	simm.s32 @p2 $0x1  }
0x17: {  	s4 =	simm.s32 $0x1BF5;
	[smem:$0x3FB9] =	sst s0  }
0x18: {  	s0 =	sld [smem:$0x3F9C];
	_ =	swait.ge [sflag:s4], $0x0  }
0x19: {  	s7 =	sld [smem:$0x3F9D]  }
0x1a: {  	s8 =	sadd.s32 $0xFFFFE003, lr  }
0x1b: {  	s9 =	sadd.s32 $0xFFFFFEF7, lr;
	s5 =	simm.s32 $0xFFFFFFFF;
	p2 =	slt.u32 s8, $0xFFFFF086  }
0x1c: {  	p1 =	slt.u32 s9, $0xF7A;
	s5 =	simm.s32 @!p2 $0x0  }
0x1d: {  	s5 =	simm.s32 @p1 $0x1;
	p0 =	seq.s32 s7, s2  }
0x1e: {  	s7 =	smul.u32 @!p0 $0xF7A, s2;
	p2 =	seq.s32 @!p0 s5, $0x0  }
0x1f: {  	s9 =	smul.u32 $0xF7A, s1;
	s8 =	simm.s32 @!p0 $0x1BF5;
	p2 =	por !p2, p0  }
0x20: {  	[sflag:s8] =	ssyncset.s32 @!p0 $0xFFFFF086;
	s6 =	sadd.s32 @!p0 s3, s7;
	s7 =	simm.s32 @!p0 $0x108  }
0x21: {  	s3 =	sadd.s32 s3, s9;
	s6 =	sadd.s32 @!p0 $0x88, s6;
	s7 =	simm.s32 @p2 $0x1082  }
0x22: {  	[simem:s7], [sflag:s8] =	dma.local @!p0 [hbm:s6], $0xF7A  }
0x23: {  	s9 =	sor.u32 $0xD0000000, s2;
	s6 =	simm.s32 $0x108;
	_ =	swait.ge @!p0 [sflag:s8], $0x0  }
0x24: {  	s3 =	sadd.s32 $0x88, s3;
	s6 =	simm.s32 @!p1 $0x1082;
	[sflag:s4] =	ssyncset.s32 $0xFFFFF086  }
0x25: {  	[simem:s6], [sflag:s4] =	dma.local [hbm:s3], $0xF7A  }
0x26: {  	[smem:$0x3F9D] =	sst s1;
	(tag) =	ssettag s2;
	_ =	strace s9  }
0x27: {  	s1 =	sld [smem:$0x3FAD]  }
0x28: {  	s2 =	sld [smem:$0x3FAE]  }
0x29: {  	s4 =	sld [smem:$0x3FB0]  }
0x2a: {  	p0 =	seq.s32 s5, $0x0;
	s5 =	sld [smem:$0x3FB1]  }
0x2b: {  	s6 =	sld [smem:$0x3FB2]  }
0x2c: {  	s7 =	sld [smem:$0x3FB3]  }
0x2d: {  	s3 =	simm.s32 $0x108;
	s8 =	sld [smem:$0x3FB4]  }
0x2e: {  	s3 =	simm.s32 @!p0 $0x1082;
	s9 =	sld [smem:$0x3FB5]  }
0x2f: {  	lr =	sadd.s32 s0, s3;
	s0 =	sld [smem:$0x3FAC]  }
0x30: {  	s3 =	sld [smem:$0x3FAF]  }
0x31: {  	[smem:$0x3FB8] =	sst s10  }
0x32: {  	s10 =	sld [smem:$0x3FB6];
	_ =	sdelay $0x3  }
0x33: {  	p0 =	seq.s32 s10, $0x1;
	s10 =	sld [smem:$0x3FB8];
	_ =	sdelay $0x3  }
0x34: {  	[smem:$0x3FB8] =	sst s10  }
0x35: {  	s10 =	sld [smem:$0x3FB7];
	_ =	sdelay $0x3  }
0x36: {  	p1 =	seq.s32 s10, $0x1;
	s10 =	sld [smem:$0x3FB8];
	_ =	sdelay $0x3  }
0x37: {  	[smem:$0x3FB8] =	sst s10  }
0x38: {  	s10 =	sld [smem:$0x3FB9]  }
0x39: {  	_ = 	snop;
	(pc) =	sbr.ind lr, $3  }
0x3a: {  	_ = 	snop  }
0x3b: {  	_ = 	snop  }
0x3c: {  	p2 =	seq.s32 s10, $0x1;
	s10 =	sld [smem:$0x3FB8]  }
0x3d: {  	_ =	shalt  }
0x3e: {  	_ =	shalt  }
0x3f: {  	_ =	shalt  }
0x40: {  	_ =	shalt  }
0x41: {  	_ =	shalt  }
0x42: {  	_ =	shalt  }
0x43: {  	_ =	shalt  }
0x44: {  	_ =	shalt  }
0x45: {  	_ =	shalt  }
0x46: {  	_ =	shalt  }
0x47: {  	_ =	shalt  }
0x48: {  	_ =	shalt  }
0x49: {  	_ =	shalt  }
0x4a: {  	_ =	shalt  }
0x4b: {  	_ =	shalt  }
0x4c: {  	_ =	shalt  }
0x4d: {  	_ =	shalt  }
0x4e: {  	_ =	shalt  }
0x4f: {  	_ =	shalt  }
0x50: {  	_ =	shalt  }
0x51: {  	_ =	shalt  }
0x52: {  	_ =	shalt  }
0x53: {  	_ =	shalt  }
0x54: {  	_ =	shalt  }
0x55: {  	_ =	shalt  }
0x56: {  	_ =	shalt  }
0x57: {  	_ =	shalt  }
0x58: {  	_ =	shalt  }
0x59: {  	_ =	shalt  }
0x5a: {  	_ =	shalt  }
0x5b: {  	_ =	shalt  }
0x5c: {  	_ =	shalt  }
0x5d: {  	_ =	shalt  }
0x5e: {  	_ =	shalt  }
0x5f: {  	_ =	shalt  }
0x60: {  	_ =	shalt  }
0x61: {  	_ =	shalt  }
0x62: {  	_ =	shalt  }
0x63: {  	_ =	shalt  }
0x64: {  	_ =	shalt  }
0x65: {  	_ =	shalt  }
0x66: {  	_ =	shalt  }
0x67: {  	_ =	shalt  }
0x68: {  	_ =	shalt  }
0x69: {  	_ =	shalt  }
0x6a: {  	_ =	shalt  }
0x6b: {  	_ =	shalt  }
0x6c: {  	_ =	shalt  }
0x6d: {  	_ =	shalt  }
0x6e: {  	_ =	shalt  }
0x6f: {  	_ =	shalt  }
0x70: {  	_ =	shalt  }
0x71: {  	_ =	shalt  }
0x72: {  	_ =	shalt  }
0x73: {  	_ =	shalt  }
0x74: {  	_ =	shalt  }
0x75: {  	_ =	shalt  }
0x76: {  	_ =	shalt  }
0x77: {  	_ =	shalt  }
0x78: {  	_ =	shalt  }
0x79: {  	_ =	shalt  }
0x7a: {  	_ =	shalt  }
0x7b: {  	_ =	shalt  }
0x7c: {  	_ =	shalt  }
0x7d: {  	_ =	shalt  }
0x7e: {  	_ =	shalt  }
0x7f: {  	_ =	shalt  }
0x80: {  	_ =	shalt  }
0x81: {  	_ =	shalt  }
0x82: {  	_ =	shalt  }
0x83: {  	_ =	shalt  }
0x84: {  	_ =	shalt  }
0x85: {  	_ =	shalt  }
0x86: {  	_ =	shalt  }
0x87: {  	_ =	shalt  }
.Lfunc_end0:
.L_simem_size_0:
called_computation_lowered:
.L_overlay_start_0:
0x88: {  	s2 =	sld [smem:$0x3FD9]  }
0x89: {  	s3 =	sld [smem:$0x3FFE];
	_ =	sdelay $0x1  }
0x8a: {  	s1 =	srdreg.scid  }
0x8b: {  	s0 =	sand.u32 $0x1, s1  }
0x8c: {  	s17 =	sshll.u32 s0, $0xA;
	s2 =	sadd.s32 s3, s2  }
0x8d: {  	s2 =	sadd.s32 s2, s17  }
0x8e: {  	[smem:$0x3FC4] =	sst s2  }
0x8f: {  	_ = 	snop  }
0x90: {  	s2 =	sld [smem:$0x3FD0];
	(tm) =	ssettm $0x1  }
0x91: {  	s18 =	sld [smem:$0x3FFB];
	_ =	sdelay $0x3  }
0x92: {  	_ =	strace s18  }
0x93: {  	s3 =	sld [smem:$0x3FFC];
	_ =	sdelay $0x3  }
0x94: {  	_ =	strace s3  }
0x95: {  	s3 =	sld [smem:$0x3FFD];
	_ =	sdelay $0x3  }
0x96: {  	_ =	strace s3  }
0x97: {  	_ =	strace $0x8FFFFFFF  }
0x98: {  	s19 =	sld [smem:$0x3FDB];
	_ =	sdelay $0x1  }
0x99: {  	s4 =	simm.s32 $_scs_section_size  }
0x9a: {  	s5 =	simm.s32 $_size__tile_overlayer_lowered;
	s6 =	simm.s32 $_tile_overlayer_lowered  }
0x9b: {  	s22 =	simm.s32 $0x1BFF;
	s21 =	sshll.u32 s6, $0x1;
	s3 =	sadd.s32 s4, s19  }
0x9c: {  	s7 =	simm.s32 $0x0;
	s20 =	sshll.u32 s5, $0x1;
	s5 =	sadd.s32 s21, s3  }
0x9d: {  	[timem:s7], [sflag:s22] =	dma.local [hbm:s5], s20  }
0x9e: {  	_ =	swait.ge [sflag:s22], s20  }
0x9f: {  	s4 =	ssub.s32 $0x0, s20;
	[sflag:s22] =	ssyncset.done $0x0  }
0xa0: {  	[sflag:s22] =	ssyncadd.s32 s4;
	_ =	sdelay $0x1  }
0xa1: {  	s23 =	simm.s32 $0x1B8B  }
0xa2: {  	_ =	swait.ge [sflag:s23], $0x1  }
0xa3: {  	[sflag:s23] =	ssyncset.done $0x0  }
0xa4: {  	s25 =	simm.s32 $0x1B8E;
	s24 =	sld [smem:$0x3FFE];
	[sflag:s23] =	ssyncadd.s32 $0xFFFFFFFF  }
0xa5: {  	s26 =	simm.s32 $execute0_lowered;
	[smem:$0x3FD2] =	sst s25  }
0xa6: {  	s5 =	sshll.u32 s26, $0x1;
	_ =	strace $0x80000046;
	[dreg:$0x1] =	wrdreg $0xFFFFFFFF  }
0xa7: {  	s28 =	simm.s32 $_size_execute0_lowered;
	s3 =	sadd.s32 s3, s5;
	[dreg:$0x0] =	wrdreg $0x0  }
0xa8: {  	s5 =	sshll.u32 s28, $0x1;
	[dreg:$0x2] =	wrdreg s3  }
0xa9: {  	[dreg:$0x3] =	wrdreg s5  }
0xaa: {  	[dreg:$0x4] =	wrdreg $0xC0  }
0xab: {  	_ =	task [dreg:s7], $0x5FFFF  }
0xac: {  	[dreg:$0x1] =	wrdreg $0xFFFFFFFF  }
0xad: {  	[dreg:$0x0] =	wrdreg $0x60  }
0xae: {  	[dreg:$0x2] =	wrdreg s24  }
0xaf: {  	[dreg:$0x3] =	wrdreg s2  }
0xb0: {  	[dreg:$0x4] =	wrdreg $0x9  }
0xb1: {  	_ =	task.clear_ibuf [dreg:s7], $0x5FFFF;
	_ =	strace $0x90000046  }
0xb2: {  	s29 =	simm.s32 $0x9;
	_ =	strace $0x80000048  }
0xb3: {  	_ =	swait.ge [sflag:s29], $0x1  }
0xb4: {  	[sflag:s29] =	ssyncadd.s32 $0xFFFFFFFF  }
0xb5: {  	_ =	strace $0x90000048  }
0xb6: {  	_ =	sfence  }
0xb7: {  	s30 =	sld [smem:$0x0];
	_ =	sdelay $0x2  }
0xb8: {  	s31 =	sshll.u32 s1, $0xD;
	s1 =	sshrl.u32 s1, $0x2  }
0xb9: {  	s3 =	sand.u32 $0x4000, s31;
	s1 =	sadd.s32 s1, s30  }
0xba: {  	s0 =	sor.u32 s3, s0;
	s1 =	sshll.u32 s1, $0x11  }
0xbb: {  	s0 =	sor.u32 s1, s0  }
0xbc: {  	s0 =	sadd.s32 $0x8F2B, s0  }
0xbd: {  	[sflag:s0] =	ssyncadd.remote.s32 $0x1  }
0xbe: {  	_ =	sfence.sel $0xFFFF  }
0xbf: {  	[dreg:$0x0] =	wrdreg $0xFFFFFFFF;
	(pc) =	sbr.abs _section_cstart, $3  }
0xc0: {  	[dreg:$0x1] =	wrdreg $0xFFFFFFFF  }
0xc1: {  	_ =	task.clear_ibuf [dreg:s7], $0x2FFFF;
	_ =	strace $0x9FFFFFFF  }
0xc2: {  	(tm) =	ssettm $0x7FFFFFFF  }
0xc3: {  	_ =	shalt  }
tec
execute0_lowered:
.L_overlay_start_1:
0x0: {  	(tag) =	ssettag $0x1  }
0x1: {  	s7 =	rddreg [dreg:$0x0]  }
0x2: {  	s4 =	rddreg [dreg:$0x1]  }
0x3: {  	s0 =	rddreg [dreg:$0x2];
	s2 =	simm.s32 $0x0;
	s3 =	srdreg.scid  }
0x4: {  	s1 =	stileid.u32;
	s14 =	simm.s32 $0xC00;
	s15 =	simm.s32 $0x1400  }
0x5: {  	s16 =	simm.s32 $0x1800;
	s17 =	simm.s32 $0x2000;
	s18 =	simm.s32 $0x2400  }
0x6: {  	s19 =	simm.s32 $0x2C00;
	s20 =	simm.s32 $0x3000;
	s21 =	simm.s32 $0x3800  }
0x7: {  	s23 =	simm.s32 $0x4400;
	s24 =	simm.s32 $0x4800;
	s25 =	simm.s32 $0x5000  }
0x8: {  	s26 =	simm.s32 $0x5400;
	s28 =	simm.s32 $0x5C00;
	[smem:$0x7FF] =	sst s2  }
0x9: {  	s6 =	sadd.s32 $0x1200, s7;
	s5 =	sand.u32 $0x1, s3;
	s8 =	sshll.u32 s1, $0x1  }
0xa: {  	s3 =	sadd.s32 $0x1400, s7;
	s7 =	sadd.s32 $0x1500, s7;
	_ =	strace $0x80000047  }
0xb: {  	s9 =	ssub.s32 $0x2, s5;
	s8 =	sor.u32 s5, s8;
	s5 =	sshll.u32 s5, $0x6  }
0xc: {  	s10 =	sshrl.u32 s9, $0x1;
	s11 =	sshll.u32 s8, $0x7;
	s12 =	smul.u32 $0xC00, s8  }
0xd: {  	s22 =	sor.u32 $0x3000, s8;
	s13 =	sand.u32 $0xF00, s11;
	s11 =	sor.u32 s5, s11  }
0xe: {  	s9 =	ssub.s32 s9, s10;
	v0 =	vmov s22;
	s22 =	simm.s32 $0x3C00;
	s5 =	sor.u32 s5, s13  }
0xf: {  	s31 =	sshrl.u32 s11, $0x3;
	s4 =	sadd.s32 s4, s12;
	s8 =	smax.u32 s9, $0x1  }
0x10: {  	v3 =	vlaneseq.u32;
	s9 =	simm.s32 $0x6000;
	s11 =	simm.s32 $0x6080;
	s12 =	simm.s32 $0x1  }
0x11: {  	vm0 =	vmmov $0xffff;
	vm1 =	vmmov $0xff;
	v2 =	vshrl.u32 v3, $0x3;
	s13 =	simm.s32 $0x800;
	s5 =	sshrl.u32 s5, $0x3;
	s10 =	sor.u32 $0x10, s31  }
0x12: {  	v1 =	vand.u32 $0x7, v3;
	v3 =	vor.u32 $0x8, v3;
	v2 =	vmul.u32 $0x8, v2;
	s5 =	sadd.s32 s6, s5;
	s6 =	sadd.s32 s6, s10;
	s10 =	simm.s32 $0x2  }
.LBB2_1:
0x13: {  	[tilespmem:s2], [sflag:$0x1] =	stream.linear.gather [hbm4b:s4+s2], $0x6000, $0x38;
	[tilespmem:$0x6100] =	vst v63  }
0x14: {  	_ = 	snop  }
0x15: {  	[tilespmem:s9], [sflag:$0x2] =	stream.linear.gather [hbm4b:s5+s2], $0x40, $0x38;
	[tilespmem:$0x6100] =	vst v63  }
0x16: {  	_ =	swait.ge [sflag:s10], $0x40  }
0x17: {  	[sflag:s10] =	ssyncset.done $0x0  }
0x18: {  	[sflag:s10] =	ssyncadd.s32 $0xFFFFFFC0  }
0x19: {  	[tilespmem:s11], [sflag:$0x2] =	stream.linear.gather [hbm4b:s6+s2], $0x40, $0x38;
	[tilespmem:$0x6100] =	vst v63  }
0x1a: {  	_ =	swait.ge [sflag:s10], $0x40  }
0x1b: {  	[sflag:s10] =	ssyncset.done $0x0  }
0x1c: {  	[sflag:s10] =	ssyncadd.s32 $0xFFFFFFC0  }
0x1d: {  	v4 =	vld [tilespmem:$0x6000]  }
0x1e: {  	v5 =	vld [tilespmem:$0x6080]  }
0x1f: {  	v6 =	vld [tilespmem:$0x6010]  }
0x20: {  	v7 =	vld [tilespmem:$0x6090]  }
0x21: {  	v8 =	vld [tilespmem:$0x6020]  }
0x22: {  	v9 =	vld [tilespmem:$0x60A0];
	vm2 =	vlt.s32 v4, $0x3000  }
0x23: {  	v10 =	vld [tilespmem:$0x6030];
	v4 =	vsel vm2, v4, v0;
	vm2 =	vlt.s32 v5, $0x3000  }
0x24: {  	[tilespmem:$0x6000] =	vst v4;
	v4 =	vsel vm2, v5, v0;
	vm2 =	vlt.s32 v6, $0x3000;
	v5 =	vld [tilespmem:$0x60B0]  }
0x25: {  	[tilespmem:$0x6080] =	vst v4;
	v4 =	vsel vm2, v6, v0;
	vm2 =	vlt.s32 v7, $0x3000  }
0x26: {  	[tilespmem:$0x6010] =	vst v4;
	v4 =	vsel vm2, v7, v0;
	vm2 =	vlt.s32 v8, $0x3000  }
0x27: {  	[tilespmem:$0x6090] =	vst v4;
	v4 =	vsel vm2, v8, v0;
	vm2 =	vlt.s32 v9, $0x3000  }
0x28: {  	[tilespmem:$0x6020] =	vst v4;
	v4 =	vsel vm2, v9, v0;
	vm2 =	vlt.s32 v10, $0x3000  }
0x29: {  	[tilespmem:$0x60A0] =	vst v4;
	v4 =	vsel vm2, v10, v0;
	vm2 =	vlt.s32 v5, $0x3000  }
0x2a: {  	[tilespmem:$0x6030] =	vst v4;
	v4 =	vsel vm2, v5, v0  }
0x2b: {  	[tilespmem:$0x60B0] =	vst v4  }
0x2c: {  	_ =	swait.ge [sflag:s12], $0x6000  }
0x2d: {  	[sflag:s12] =	ssyncset.done $0x0  }
0x2e: {  	[sflag:s12] =	ssyncadd.s32 $0xFFFFA000  }
0x2f: {  	v4 =	vld [tilespmem:$0x6000];
	_ =	sdelay $0x4  }
0x30: {  	v5 =	vshrl.u32 v4, $0x3  }
0x31: {  	v5 =	vmul.u32 $0x18, v5  }
0x32: {  	v4 =	vand.u32 $0x7, v4  }
0x33: {  	v4 =	vor.u32 v4, v5  }
0x34: {  	v5 =	vperm.xlane v4, v1;
	_ =	sdelay $0x1  }
0x35: {  	v5 =	vadd.s32 v2, v5;
	_ =	sdelay $0x1  }
0x36: {  	v4 =	vperm.xlane v4, v3;
	_ =	sdelay $0x1  }
0x37: {  	v4 =	vadd.s32 v2, v4  }
0x38: {  	[hbm4b:s3+s2] =	stream.indirect_vreg.scatter [tilespmem:s2], [sflag:$0x1], $0x80, v5, vm0, $0xb8;
	[tilespmem:$0x6100] =	vst v63  }
0x39: {  	_ = 	snop  }
0x3a: {  	[hbm4b:s7+s2] =	stream.indirect_vreg.scatter [tilespmem:s13], [sflag:$0x1], $0x80, v5, vm1, $0xb8;
	[tilespmem:$0x6100] =	vst v63  }
0x3b: {  	_ = 	snop  }
0x3c: {  	[hbm4b:s3+s2] =	stream.indirect_vreg.scatter [tilespmem:s14], [sflag:$0x1], $0x80, v4, vm0, $0xb8;
	[tilespmem:$0x6100] =	vst v63  }
0x3d: {  	_ = 	snop  }
0x3e: {  	[hbm4b:s7+s2] =	stream.indirect_vreg.scatter [tilespmem:s15], [sflag:$0x1], $0x80, v4, vm1, $0xb8;
	[tilespmem:$0x6100] =	vst v63  }
0x3f: {  	v4 =	vld [tilespmem:$0x6010];
	_ =	sdelay $0x4  }
0x40: {  	v5 =	vshrl.u32 v4, $0x3  }
0x41: {  	v5 =	vmul.u32 $0x18, v5  }
0x42: {  	v4 =	vand.u32 $0x7, v4  }
0x43: {  	v4 =	vor.u32 v4, v5  }
0x44: {  	v5 =	vperm.xlane v4, v1;
	_ =	sdelay $0x1  }
0x45: {  	v5 =	vadd.s32 v2, v5;
	_ =	sdelay $0x1  }
0x46: {  	v4 =	vperm.xlane v4, v3;
	_ =	sdelay $0x1  }
0x47: {  	v4 =	vadd.s32 v2, v4  }
0x48: {  	[hbm4b:s3+s2] =	stream.indirect_vreg.scatter [tilespmem:s16], [sflag:$0x1], $0x80, v5, vm0, $0xb8;
	[tilespmem:$0x6100] =	vst v63  }
0x49: {  	_ = 	snop  }
0x4a: {  	[hbm4b:s7+s2] =	stream.indirect_vreg.scatter [tilespmem:s17], [sflag:$0x1], $0x80, v5, vm1, $0xb8;
	[tilespmem:$0x6100] =	vst v63  }
0x4b: {  	_ = 	snop  }
0x4c: {  	[hbm4b:s3+s2] =	stream.indirect_vreg.scatter [tilespmem:s18], [sflag:$0x1], $0x80, v4, vm0, $0xb8;
	[tilespmem:$0x6100] =	vst v63  }
0x4d: {  	_ = 	snop  }
0x4e: {  	[hbm4b:s7+s2] =	stream.indirect_vreg.scatter [tilespmem:s19], [sflag:$0x1], $0x80, v4, vm1, $0xb8;
	[tilespmem:$0x6100] =	vst v63  }
0x4f: {  	v4 =	vld [tilespmem:$0x6020];
	_ =	sdelay $0x4  }
0x50: {  	v5 =	vshrl.u32 v4, $0x3  }
0x51: {  	v5 =	vmul.u32 $0x18, v5  }
0x52: {  	v4 =	vand.u32 $0x7, v4  }
0x53: {  	v4 =	vor.u32 v4, v5  }
0x54: {  	v5 =	vperm.xlane v4, v1;
	_ =	sdelay $0x1  }
0x55: {  	v5 =	vadd.s32 v2, v5;
	_ =	sdelay $0x1  }
0x56: {  	v4 =	vperm.xlane v4, v3;
	_ =	sdelay $0x1  }
0x57: {  	v4 =	vadd.s32 v2, v4  }
0x58: {  	[hbm4b:s3+s2] =	stream.indirect_vreg.scatter [tilespmem:s20], [sflag:$0x1], $0x80, v5, vm0, $0xb8;
	[tilespmem:$0x6100] =	vst v63  }
0x59: {  	_ = 	snop  }
0x5a: {  	[hbm4b:s7+s2] =	stream.indirect_vreg.scatter [tilespmem:s21], [sflag:$0x1], $0x80, v5, vm1, $0xb8;
	[tilespmem:$0x6100] =	vst v63  }
0x5b: {  	_ = 	snop  }
0x5c: {  	[hbm4b:s3+s2] =	stream.indirect_vreg.scatter [tilespmem:s22], [sflag:$0x1], $0x80, v4, vm0, $0xb8;
	[tilespmem:$0x6100] =	vst v63  }
0x5d: {  	_ = 	snop  }
0x5e: {  	[hbm4b:s7+s2] =	stream.indirect_vreg.scatter [tilespmem:s23], [sflag:$0x1], $0x80, v4, vm1, $0xb8;
	[tilespmem:$0x6100] =	vst v63  }
0x5f: {  	v4 =	vld [tilespmem:$0x6030];
	_ =	sdelay $0x4  }
0x60: {  	v5 =	vshrl.u32 v4, $0x3  }
0x61: {  	v5 =	vmul.u32 $0x18, v5  }
0x62: {  	v4 =	vand.u32 $0x7, v4  }
0x63: {  	v4 =	vor.u32 v4, v5  }
0x64: {  	v5 =	vperm.xlane v4, v1;
	_ =	sdelay $0x1  }
0x65: {  	v5 =	vadd.s32 v2, v5;
	_ =	sdelay $0x1  }
0x66: {  	v4 =	vperm.xlane v4, v3;
	_ =	sdelay $0x1  }
0x67: {  	v4 =	vadd.s32 v2, v4  }
0x68: {  	[hbm4b:s3+s2] =	stream.indirect_vreg.scatter [tilespmem:s24], [sflag:$0x1], $0x80, v5, vm0, $0xb8;
	[tilespmem:$0x6100] =	vst v63  }
0x69: {  	_ = 	snop  }
0x6a: {  	[hbm4b:s7+s2] =	stream.indirect_vreg.scatter [tilespmem:s25], [sflag:$0x1], $0x80, v5, vm1, $0xb8;
	[tilespmem:$0x6100] =	vst v63  }
0x6b: {  	_ = 	snop  }
0x6c: {  	[hbm4b:s3+s2] =	stream.indirect_vreg.scatter [tilespmem:s26], [sflag:$0x1], $0x80, v4, vm0, $0xb8;
	[tilespmem:$0x6100] =	vst v63  }
0x6d: {  	_ = 	snop  }
0x6e: {  	[hbm4b:s7+s2] =	stream.indirect_vreg.scatter [tilespmem:s28], [sflag:$0x1], $0x80, v4, vm1, $0xb8;
	[tilespmem:$0x6100] =	vst v63  }
0x6f: {  	v4 =	vld [tilespmem:$0x6080];
	_ =	sdelay $0x4  }
0x70: {  	v5 =	vshrl.u32 v4, $0x3  }
0x71: {  	v5 =	vmul.u32 $0x18, v5  }
0x72: {  	v4 =	vand.u32 $0x7, v4  }
0x73: {  	v4 =	vor.u32 v4, v5  }
0x74: {  	v5 =	vperm.xlane v4, v1;
	_ =	sdelay $0x1  }
0x75: {  	v5 =	vadd.s32 v2, v5;
	_ =	sdelay $0x1  }
0x76: {  	v4 =	vperm.xlane v4, v3;
	_ =	sdelay $0x1  }
0x77: {  	v4 =	vadd.s32 v2, v4  }
0x78: {  	[hbm4b:s3+s2] =	stream.indirect_vreg.scatter [tilespmem:s2], [sflag:$0x1], $0x80, v5, vm0, $0xb8;
	[tilespmem:$0x6100] =	vst v63  }
0x79: {  	_ = 	snop  }
0x7a: {  	[hbm4b:s7+s2] =	stream.indirect_vreg.scatter [tilespmem:s13], [sflag:$0x1], $0x80, v5, vm1, $0xb8;
	[tilespmem:$0x6100] =	vst v63  }
0x7b: {  	_ = 	snop  }
0x7c: {  	[hbm4b:s3+s2] =	stream.indirect_vreg.scatter [tilespmem:s14], [sflag:$0x1], $0x80, v4, vm0, $0xb8;
	[tilespmem:$0x6100] =	vst v63  }
0x7d: {  	_ = 	snop  }
0x7e: {  	[hbm4b:s7+s2] =	stream.indirect_vreg.scatter [tilespmem:s15], [sflag:$0x1], $0x80, v4, vm1, $0xb8;
	[tilespmem:$0x6100] =	vst v63  }
0x7f: {  	v4 =	vld [tilespmem:$0x6090];
	_ =	sdelay $0x4  }
0x80: {  	v5 =	vshrl.u32 v4, $0x3  }
0x81: {  	v5 =	vmul.u32 $0x18, v5  }
0x82: {  	v4 =	vand.u32 $0x7, v4  }
0x83: {  	v4 =	vor.u32 v4, v5  }
0x84: {  	v5 =	vperm.xlane v4, v1;
	_ =	sdelay $0x1  }
0x85: {  	v5 =	vadd.s32 v2, v5;
	_ =	sdelay $0x1  }
0x86: {  	v4 =	vperm.xlane v4, v3;
	_ =	sdelay $0x1  }
0x87: {  	v4 =	vadd.s32 v2, v4  }
0x88: {  	[hbm4b:s3+s2] =	stream.indirect_vreg.scatter [tilespmem:s16], [sflag:$0x1], $0x80, v5, vm0, $0xb8;
	[tilespmem:$0x6100] =	vst v63  }
0x89: {  	_ = 	snop  }
0x8a: {  	[hbm4b:s7+s2] =	stream.indirect_vreg.scatter [tilespmem:s17], [sflag:$0x1], $0x80, v5, vm1, $0xb8;
	[tilespmem:$0x6100] =	vst v63  }
0x8b: {  	_ = 	snop  }
0x8c: {  	[hbm4b:s3+s2] =	stream.indirect_vreg.scatter [tilespmem:s18], [sflag:$0x1], $0x80, v4, vm0, $0xb8;
	[tilespmem:$0x6100] =	vst v63  }
0x8d: {  	_ = 	snop  }
0x8e: {  	[hbm4b:s7+s2] =	stream.indirect_vreg.scatter [tilespmem:s19], [sflag:$0x1], $0x80, v4, vm1, $0xb8;
	[tilespmem:$0x6100] =	vst v63  }
0x8f: {  	v4 =	vld [tilespmem:$0x60A0];
	_ =	sdelay $0x4  }
0x90: {  	v5 =	vshrl.u32 v4, $0x3  }
0x91: {  	v5 =	vmul.u32 $0x18, v5  }
0x92: {  	v4 =	vand.u32 $0x7, v4  }
0x93: {  	v4 =	vor.u32 v4, v5  }
0x94: {  	v5 =	vperm.xlane v4, v1;
	_ =	sdelay $0x1  }
0x95: {  	v5 =	vadd.s32 v2, v5;
	_ =	sdelay $0x1  }
0x96: {  	v4 =	vperm.xlane v4, v3;
	_ =	sdelay $0x1  }
0x97: {  	v4 =	vadd.s32 v2, v4  }
0x98: {  	[hbm4b:s3+s2] =	stream.indirect_vreg.scatter [tilespmem:s20], [sflag:$0x1], $0x80, v5, vm0, $0xb8;
	[tilespmem:$0x6100] =	vst v63  }
0x99: {  	_ = 	snop  }
0x9a: {  	[hbm4b:s7+s2] =	stream.indirect_vreg.scatter [tilespmem:s21], [sflag:$0x1], $0x80, v5, vm1, $0xb8;
	[tilespmem:$0x6100] =	vst v63  }
0x9b: {  	_ = 	snop  }
0x9c: {  	[hbm4b:s3+s2] =	stream.indirect_vreg.scatter [tilespmem:s22], [sflag:$0x1], $0x80, v4, vm0, $0xb8;
	[tilespmem:$0x6100] =	vst v63  }
0x9d: {  	_ = 	snop  }
0x9e: {  	[hbm4b:s7+s2] =	stream.indirect_vreg.scatter [tilespmem:s23], [sflag:$0x1], $0x80, v4, vm1, $0xb8;
	[tilespmem:$0x6100] =	vst v63  }
0x9f: {  	v4 =	vld [tilespmem:$0x60B0];
	_ =	sdelay $0x4  }
0xa0: {  	v5 =	vshrl.u32 v4, $0x3  }
0xa1: {  	v5 =	vmul.u32 $0x18, v5  }
0xa2: {  	v4 =	vand.u32 $0x7, v4  }
0xa3: {  	v4 =	vor.u32 v4, v5  }
0xa4: {  	v5 =	vperm.xlane v4, v1;
	_ =	sdelay $0x1  }
0xa5: {  	v5 =	vadd.s32 v2, v5;
	_ =	sdelay $0x1  }
0xa6: {  	v4 =	vperm.xlane v4, v3;
	_ =	sdelay $0x1  }
0xa7: {  	v4 =	vadd.s32 v2, v4  }
0xa8: {  	[hbm4b:s3+s2] =	stream.indirect_vreg.scatter [tilespmem:s24], [sflag:$0x1], $0x80, v5, vm0, $0xb8;
	[tilespmem:$0x6100] =	vst v63  }
0xa9: {  	_ = 	snop  }
0xaa: {  	[hbm4b:s7+s2] =	stream.indirect_vreg.scatter [tilespmem:s25], [sflag:$0x1], $0x80, v5, vm1, $0xb8;
	[tilespmem:$0x6100] =	vst v63  }
0xab: {  	_ = 	snop  }
0xac: {  	[hbm4b:s3+s2] =	stream.indirect_vreg.scatter [tilespmem:s26], [sflag:$0x1], $0x80, v4, vm0, $0xb8;
	[tilespmem:$0x6100] =	vst v63  }
0xad: {  	_ = 	snop  }
0xae: {  	[hbm4b:s7+s2] =	stream.indirect_vreg.scatter [tilespmem:s28], [sflag:$0x1], $0x80, v4, vm1, $0xb8;
	[tilespmem:$0x6100] =	vst v63  }
0xaf: {  	p0 =	sne.s32 s8, $0x1;
	_ =	swait.ge [sflag:s12], $0x6000  }
.Ltmp0:
0xb0: {  	[sflag:s12] =	ssyncset.done $0x0;
	(pc) =	sbr.rel @p0 .LBB2_1-.Ltmp0, $4  }
0xb1: {  	[sflag:s12] =	ssyncadd.s32 $0xFFFFA000  }
0xb2: {  	_ =	swait.ge [sflag:s12], $0x6000  }
0xb3: {  	[sflag:s12] =	ssyncset.done $0x0  }
0xb4: {  	s8 =	sadd.s32 $0xFFFFFFFF, s8;
	[sflag:s12] =	ssyncadd.s32 $0xFFFFA000  }
0xb5: {  	_ =	sfence.sel $0x180000  }
0xb6: {  	[bflag:$0x0] =	sbarrier.arrive $0xFFFF  }
0xb7: {  	p0 =	sne.s32 s1, $0x0;
	_ =	strace $0x90000047  }
0xb8: {  	s0 =	sadd.s32 @!p0 $0x100000, s0;
	[bflag:$0x2] =	sbarrier.arrive $0xFFFF  }
0xb9: {  	[sflag:s0] =	ssyncadd.tile.s32 @!p0 $0x1;
	_ =	shalt  }
.Lfunc_end2:
_tile_overlayer_lowered:
.L_overlay_start_2:
0xba: {  	(tag) =	ssettag $0x2  }
0xbb: {  	s0 =	rddreg [dreg:$0x0];
	s2 =	stileid.u32  }
0xbc: {  	s1 =	rddreg [dreg:$0x1];
	p0 =	sne.s32 s2, $0x0  }
0xbd: {  	s3 =	rddreg [dreg:$0x2];
	[bflag:$0x3] =	sbarrier.arrive $0xFFFF;
	s2 =	simm.s32 @!p0 $0x1C02  }
0xbe: {  	[timem:s3], [sflag:s2] =	dma.local @!p0 [hbm:s0], s1  }
0xbf: {  	s0 =	simm.s32 @!p0 $0x2  }
0xc0: {  	_ =	swait.ge @!p0 [sflag:s0], s1  }
0xc1: {  	s1 =	ssub.s32 @!p0 $0x0, s1;
	[sflag:s0] =	ssyncset.done @!p0 $0x0  }
0xc2: {  	[sflag:s0] =	ssyncadd.s32 @!p0 s1  }
0xc3: {  	[bflag:$0x3] =	sbarrier.arrive $0xFFFF  }
0xc4: {  	_ =	shalt  }

// kernel: kernel.9.cloned.1.call-start
scs
__scs_entry_jumppad:
0x0: {  	(pc) =	sbr.rel $0x88, $3  }
0x1: {  	(tag) =	ssettag $0x0;
	lr =	simm.s32 $0x1  }
0x2: {  	[smem:$0x3F9D] =	sst lr;
	_ =	strace $0xD0000000  }
0x3: {  	_ = 	snop  }
0x4: {  	_ = 	snop  }
0x5: {  	_ = 	snop  }
0x6: {  	_ = 	snop  }
0x7: {  	_ = 	snop  }
__scs_overlays_trampoline_lowered:
0x8: {  	[smem:$0x3FAC] =	sst s0  }
0x9: {  	[smem:$0x3FAD] =	sst s1  }
0xa: {  	[smem:$0x3FAE] =	sst s2  }
0xb: {  	[smem:$0x3FAF] =	sst s3  }
0xc: {  	[smem:$0x3FB0] =	sst s4  }
0xd: {  	[smem:$0x3FB1] =	sst s5  }
0xe: {  	[smem:$0x3FB2] =	sst s6  }
0xf: {  	[smem:$0x3FB3] =	sst s7  }
0x10: {  	[smem:$0x3FB4] =	sst s8  }
0x11: {  	[smem:$0x3FB5] =	sst s9;
	s0 =	simm.s32 @!p0 $0x0  }
0x12: {  	s1 =	sld [smem:$0x3F9B];
	s0 =	simm.s32 @p0 $0x1  }
0x13: {  	[smem:$0x3FB6] =	sst s0;
	s0 =	simm.s32 @!p1 $0x0  }
0x14: {  	s2 =	sld [smem:$0x3F9A];
	s0 =	simm.s32 @p1 $0x1  }
0x15: {  	[smem:$0x3FB7] =	sst s0;
	s0 =	simm.s32 @!p2 $0x0  }
0x16: {  	s3 =	sld [smem:$0x3FDB];
	s0 =	simm.s32 @p2 $0x1  }
0x17: {  	s4 =	simm.s32 $0x1BF5;
	[smem:$0x3FB9] =	sst s0  }
0x18: {  	s0 =	sld [smem:$0x3F9C];
	_ =	swait.ge [sflag:s4], $0x0  }
0x19: {  	s7 =	sld [smem:$0x3F9D]  }
0x1a: {  	s8 =	sadd.s32 $0xFFFFE003, lr  }
0x1b: {  	s9 =	sadd.s32 $0xFFFFFEF7, lr;
	s5 =	simm.s32 $0xFFFFFFFF;
	p2 =	slt.u32 s8, $0xFFFFF086  }
0x1c: {  	p1 =	slt.u32 s9, $0xF7A;
	s5 =	simm.s32 @!p2 $0x0  }
0x1d: {  	s5 =	simm.s32 @p1 $0x1;
	p0 =	seq.s32 s7, s2  }
0x1e: {  	s7 =	smul.u32 @!p0 $0xF7A, s2;
	p2 =	seq.s32 @!p0 s5, $0x0  }
0x1f: {  	s9 =	smul.u32 $0xF7A, s1;
	s8 =	simm.s32 @!p0 $0x1BF5;
	p2 =	por !p2, p0  }
0x20: {  	[sflag:s8] =	ssyncset.s32 @!p0 $0xFFFFF086;
	s6 =	sadd.s32 @!p0 s3, s7;
	s7 =	simm.s32 @!p0 $0x108  }
0x21: {  	s3 =	sadd.s32 s3, s9;
	s6 =	sadd.s32 @!p0 $0x88, s6;
	s7 =	simm.s32 @p2 $0x1082  }
0x22: {  	[simem:s7], [sflag:s8] =	dma.local @!p0 [hbm:s6], $0xF7A  }
0x23: {  	s9 =	sor.u32 $0xD0000000, s2;
	s6 =	simm.s32 $0x108;
	_ =	swait.ge @!p0 [sflag:s8], $0x0  }
0x24: {  	s3 =	sadd.s32 $0x88, s3;
	s6 =	simm.s32 @!p1 $0x1082;
	[sflag:s4] =	ssyncset.s32 $0xFFFFF086  }
0x25: {  	[simem:s6], [sflag:s4] =	dma.local [hbm:s3], $0xF7A  }
0x26: {  	[smem:$0x3F9D] =	sst s1;
	(tag) =	ssettag s2;
	_ =	strace s9  }
0x27: {  	s1 =	sld [smem:$0x3FAD]  }
0x28: {  	s2 =	sld [smem:$0x3FAE]  }
0x29: {  	s4 =	sld [smem:$0x3FB0]  }
0x2a: {  	p0 =	seq.s32 s5, $0x0;
	s5 =	sld [smem:$0x3FB1]  }
0x2b: {  	s6 =	sld [smem:$0x3FB2]  }
0x2c: {  	s7 =	sld [smem:$0x3FB3]  }
0x2d: {  	s3 =	simm.s32 $0x108;
	s8 =	sld [smem:$0x3FB4]  }
0x2e: {  	s3 =	simm.s32 @!p0 $0x1082;
	s9 =	sld [smem:$0x3FB5]  }
0x2f: {  	lr =	sadd.s32 s0, s3;
	s0 =	sld [smem:$0x3FAC]  }
0x30: {  	s3 =	sld [smem:$0x3FAF]  }
0x31: {  	[smem:$0x3FB8] =	sst s10  }
0x32: {  	s10 =	sld [smem:$0x3FB6];
	_ =	sdelay $0x3  }
0x33: {  	p0 =	seq.s32 s10, $0x1;
	s10 =	sld [smem:$0x3FB8];
	_ =	sdelay $0x3  }
0x34: {  	[smem:$0x3FB8] =	sst s10  }
0x35: {  	s10 =	sld [smem:$0x3FB7];
	_ =	sdelay $0x3  }
0x36: {  	p1 =	seq.s32 s10, $0x1;
	s10 =	sld [smem:$0x3FB8];
	_ =	sdelay $0x3  }
0x37: {  	[smem:$0x3FB8] =	sst s10  }
0x38: {  	s10 =	sld [smem:$0x3FB9]  }
0x39: {  	_ = 	snop;
	(pc) =	sbr.ind lr, $3  }
0x3a: {  	_ = 	snop  }
0x3b: {  	_ = 	snop  }
0x3c: {  	p2 =	seq.s32 s10, $0x1;
	s10 =	sld [smem:$0x3FB8]  }
0x3d: {  	_ =	shalt  }
0x3e: {  	_ =	shalt  }
0x3f: {  	_ =	shalt  }
0x40: {  	_ =	shalt  }
0x41: {  	_ =	shalt  }
0x42: {  	_ =	shalt  }
0x43: {  	_ =	shalt  }
0x44: {  	_ =	shalt  }
0x45: {  	_ =	shalt  }
0x46: {  	_ =	shalt  }
0x47: {  	_ =	shalt  }
0x48: {  	_ =	shalt  }
0x49: {  	_ =	shalt  }
0x4a: {  	_ =	shalt  }
0x4b: {  	_ =	shalt  }
0x4c: {  	_ =	shalt  }
0x4d: {  	_ =	shalt  }
0x4e: {  	_ =	shalt  }
0x4f: {  	_ =	shalt  }
0x50: {  	_ =	shalt  }
0x51: {  	_ =	shalt  }
0x52: {  	_ =	shalt  }
0x53: {  	_ =	shalt  }
0x54: {  	_ =	shalt  }
0x55: {  	_ =	shalt  }
0x56: {  	_ =	shalt  }
0x57: {  	_ =	shalt  }
0x58: {  	_ =	shalt  }
0x59: {  	_ =	shalt  }
0x5a: {  	_ =	shalt  }
0x5b: {  	_ =	shalt  }
0x5c: {  	_ =	shalt  }
0x5d: {  	_ =	shalt  }
0x5e: {  	_ =	shalt  }
0x5f: {  	_ =	shalt  }
0x60: {  	_ =	shalt  }
0x61: {  	_ =	shalt  }
0x62: {  	_ =	shalt  }
0x63: {  	_ =	shalt  }
0x64: {  	_ =	shalt  }
0x65: {  	_ =	shalt  }
0x66: {  	_ =	shalt  }
0x67: {  	_ =	shalt  }
0x68: {  	_ =	shalt  }
0x69: {  	_ =	shalt  }
0x6a: {  	_ =	shalt  }
0x6b: {  	_ =	shalt  }
0x6c: {  	_ =	shalt  }
0x6d: {  	_ =	shalt  }
0x6e: {  	_ =	shalt  }
0x6f: {  	_ =	shalt  }
0x70: {  	_ =	shalt  }
0x71: {  	_ =	shalt  }
0x72: {  	_ =	shalt  }
0x73: {  	_ =	shalt  }
0x74: {  	_ =	shalt  }
0x75: {  	_ =	shalt  }
0x76: {  	_ =	shalt  }
0x77: {  	_ =	shalt  }
0x78: {  	_ =	shalt  }
0x79: {  	_ =	shalt  }
0x7a: {  	_ =	shalt  }
0x7b: {  	_ =	shalt  }
0x7c: {  	_ =	shalt  }
0x7d: {  	_ =	shalt  }
0x7e: {  	_ =	shalt  }
0x7f: {  	_ =	shalt  }
0x80: {  	_ =	shalt  }
0x81: {  	_ =	shalt  }
0x82: {  	_ =	shalt  }
0x83: {  	_ =	shalt  }
0x84: {  	_ =	shalt  }
0x85: {  	_ =	shalt  }
0x86: {  	_ =	shalt  }
0x87: {  	_ =	shalt  }
.Lfunc_end0:
.L_simem_size_0:
called_computation.1_lowered:
.L_overlay_start_0:
0x88: {  	s2 =	sld [smem:$0x3FD9]  }
0x89: {  	s3 =	sld [smem:$0x3FFE];
	_ =	sdelay $0x1  }
0x8a: {  	s1 =	srdreg.scid  }
0x8b: {  	s0 =	sand.u32 $0x1, s1  }
0x8c: {  	s17 =	sshll.u32 s0, $0xA;
	s2 =	sadd.s32 s3, s2  }
0x8d: {  	s2 =	sadd.s32 s2, s17  }
0x8e: {  	[smem:$0x3FC4] =	sst s2  }
0x8f: {  	_ = 	snop  }
0x90: {  	s2 =	sld [smem:$0x3FD0];
	(tm) =	ssettm $0x1  }
0x91: {  	s18 =	sld [smem:$0x3FFB];
	_ =	sdelay $0x3  }
0x92: {  	_ =	strace s18  }
0x93: {  	s3 =	sld [smem:$0x3FFC];
	_ =	sdelay $0x3  }
0x94: {  	_ =	strace s3  }
0x95: {  	s3 =	sld [smem:$0x3FFD];
	_ =	sdelay $0x3  }
0x96: {  	_ =	strace s3  }
0x97: {  	_ =	strace $0x8FFFFFFF  }
0x98: {  	s19 =	sld [smem:$0x3FDB];
	_ =	sdelay $0x1  }
0x99: {  	s4 =	simm.s32 $_scs_section_size  }
0x9a: {  	s5 =	simm.s32 $_size__tile_overlayer_lowered;
	s6 =	simm.s32 $_tile_overlayer_lowered  }
0x9b: {  	s22 =	simm.s32 $0x1BFF;
	s21 =	sshll.u32 s6, $0x1;
	s3 =	sadd.s32 s4, s19  }
0x9c: {  	s7 =	simm.s32 $0x0;
	s20 =	sshll.u32 s5, $0x1;
	s5 =	sadd.s32 s21, s3  }
0x9d: {  	[timem:s7], [sflag:s22] =	dma.local [hbm:s5], s20  }
0x9e: {  	_ =	swait.ge [sflag:s22], s20  }
0x9f: {  	s4 =	ssub.s32 $0x0, s20;
	[sflag:s22] =	ssyncset.done $0x0  }
0xa0: {  	[sflag:s22] =	ssyncadd.s32 s4;
	_ =	sdelay $0x1  }
0xa1: {  	s23 =	simm.s32 $0x1B8B  }
0xa2: {  	_ =	swait.ge [sflag:s23], $0x1  }
0xa3: {  	[sflag:s23] =	ssyncset.done $0x0  }
0xa4: {  	s25 =	simm.s32 $0x1B8E;
	s24 =	sld [smem:$0x3FFE];
	[sflag:s23] =	ssyncadd.s32 $0xFFFFFFFF  }
0xa5: {  	s26 =	simm.s32 $execute0_lowered;
	[smem:$0x3FD2] =	sst s25  }
0xa6: {  	s5 =	sshll.u32 s26, $0x1;
	_ =	strace $0x80000049;
	[dreg:$0x1] =	wrdreg $0xFFFFFFFF  }
0xa7: {  	s28 =	simm.s32 $_size_execute0_lowered;
	s3 =	sadd.s32 s3, s5;
	[dreg:$0x0] =	wrdreg $0x0  }
0xa8: {  	s5 =	sshll.u32 s28, $0x1;
	[dreg:$0x2] =	wrdreg s3  }
0xa9: {  	[dreg:$0x3] =	wrdreg s5  }
0xaa: {  	[dreg:$0x4] =	wrdreg $0xC0  }
0xab: {  	_ =	task [dreg:s7], $0x5FFFF  }
0xac: {  	[dreg:$0x1] =	wrdreg $0xFFFFFFFF  }
0xad: {  	[dreg:$0x0] =	wrdreg $0x60  }
0xae: {  	[dreg:$0x2] =	wrdreg s24  }
0xaf: {  	[dreg:$0x3] =	wrdreg s2  }
0xb0: {  	[dreg:$0x4] =	wrdreg $0x9  }
0xb1: {  	_ =	task.clear_ibuf [dreg:s7], $0x5FFFF;
	_ =	strace $0x90000049  }
0xb2: {  	s29 =	simm.s32 $0x9;
	_ =	strace $0x8000004B  }
0xb3: {  	_ =	swait.ge [sflag:s29], $0x1  }
0xb4: {  	[sflag:s29] =	ssyncadd.s32 $0xFFFFFFFF  }
0xb5: {  	_ =	strace $0x9000004B  }
0xb6: {  	_ =	sfence  }
0xb7: {  	s30 =	sld [smem:$0x0];
	_ =	sdelay $0x2  }
0xb8: {  	s31 =	sshll.u32 s1, $0xD;
	s1 =	sshrl.u32 s1, $0x2  }
0xb9: {  	s3 =	sand.u32 $0x4000, s31;
	s1 =	sadd.s32 s1, s30  }
0xba: {  	s0 =	sor.u32 s3, s0;
	s1 =	sshll.u32 s1, $0x11  }
0xbb: {  	s0 =	sor.u32 s1, s0  }
0xbc: {  	s0 =	sadd.s32 $0x8F2B, s0  }
0xbd: {  	[sflag:s0] =	ssyncadd.remote.s32 $0x1  }
0xbe: {  	_ =	sfence.sel $0xFFFF  }
0xbf: {  	[dreg:$0x0] =	wrdreg $0xFFFFFFFF;
	(pc) =	sbr.abs _section_cstart, $3  }
0xc0: {  	[dreg:$0x1] =	wrdreg $0xFFFFFFFF  }
0xc1: {  	_ =	task.clear_ibuf [dreg:s7], $0x2FFFF;
	_ =	strace $0x9FFFFFFF  }
0xc2: {  	(tm) =	ssettm $0x7FFFFFFF  }
0xc3: {  	_ =	shalt  }
tec
execute0_lowered:
.L_overlay_start_1:
0x0: {  	(tag) =	ssettag $0x1  }
0x1: {  	s0 =	rddreg [dreg:$0x0]  }
0x2: {  	s1 =	rddreg [dreg:$0x1];
	s2 =	simm.s32 $0x0;
	s3 =	srdreg.scid  }
0x3: {  	s5 =	stileid.u32;
	s15 =	simm.s32 $0x3;
	s16 =	simm.s32 $0x80  }
0x4: {  	s21 =	simm.s32 $0x5A00;
	s22 =	simm.s32 $0x9200;
	s28 =	simm.s32 $0xBA00  }
0x5: {  	s29 =	simm.s32 $0xC200;
	s30 =	simm.s32 $0xF200;
	s31 =	simm.s32 $0x2  }
0x6: {  	[smem:$0x7FF] =	sst s2;
	s4 =	sand.u32 $0x1, s3;
	s5 =	sshll.u32 s5, $0x7  }
0x7: {  	s3 =	sadd.s32 $0x93C00, s0;
	s7 =	sadd.s32 $0x93800, s0;
	s6 =	sshll.u32 s4, $0x6  }
0x8: {  	s10 =	sadd.s32 $0x93A00, s0;
	s4 =	ssub.s32 $0x2, s4;
	s5 =	sor.u32 s6, s5  }
0x9: {  	s8 =	sshrl.u32 s4, $0x1;
	s9 =	sshll.u32 s5, $0x1;
	s5 =	sshrl.u32 s5, $0x3  }
0xa: {  	_ =	strace $0x8000004A;
	s4 =	ssub.s32 s4, s8;
	s24 =	smul.u32 $0x300, s5  }
0xb: {  	s23 =	sand.u32 $0xF00, s9;
	s12 =	smul.u32 $0x1800, s5;
	s14 =	smax.u32 s4, $0x1  }
0xc: {  	s8 =	sor.u32 s6, s23;
	s6 =	sor.u32 s6, s9;
	s23 =	simm.s32 $0x9A00  }
0xd: {  	s8 =	sshrl.u32 s8, $0x3;
	s6 =	sshrl.u32 s6, $0x3;
	s9 =	sadd.s32 s1, s24  }
0xe: {  	s12 =	sshrl.u32 s12, $0x3;
	s24 =	simm.s32 $0xA200;
	s11 =	sadd.s32 s10, s8  }
0xf: {  	s25 =	sor.u32 $0x10, s6;
	s6 =	sadd.s32 s7, s8;
	s8 =	sadd.s32 $0x93D00, s0  }
0x10: {  	s26 =	sadd.s32 s1, s12;
	s1 =	simm.s32 $0x0;
	[dreg:$0x3] =	wrdreg s11  }
0x11: {  	v2 =	vlaneseq.u32;
	s5 =	sadd.s32 s10, s25;
	s7 =	sadd.s32 s7, s25;
	s10 =	sadd.s32 $0x93E00, s0  }
0x12: {  	vm0 =	vmmov $0xffff;
	v1 =	vshrl.u32 v2, $0x3;
	s11 =	sadd.s32 $0x600, s9;
	s12 =	sadd.s32 $0xC00, s26;
	s13 =	sadd.s32 $0x1200, s26  }
0x13: {  	v0 =	vand.u32 $0x7, v2;
	v2 =	vor.u32 $0x8, v2;
	v1 =	vmul.u32 $0x8, v1;
	s0 =	simm.s32 $0x1;
	s25 =	simm.s32 $0xAA00;
	s26 =	simm.s32 $0xB200  }
.LBB2_1:
0x14: {  	s4 =	rddreg [dreg:$0x3]  }
0x15: {  	[tilespmem:s2], [sflag:$0x3] =	stream.linear.gather [hbm4b:s4+s2], $0x40, $0x38;
	[tilespmem:$0x12200] =	vst v63  }
0x16: {  	_ =	swait.ge [sflag:s15], $0x40  }
0x17: {  	[sflag:s15] =	ssyncset.done $0x0  }
0x18: {  	[sflag:s15] =	ssyncadd.s32 $0xFFFFFFC0  }
0x19: {  	[tilespmem:s16], [sflag:$0x3] =	stream.linear.gather [hbm4b:s5+s2], $0x40, $0x38;
	[tilespmem:$0x12200] =	vst v63  }
0x1a: {  	_ =	swait.ge [sflag:s15], $0x40  }
0x1b: {  	[sflag:s15] =	ssyncset.done $0x0  }
0x1c: {  	s17 =	simm.s32 $0x100;
	[sflag:s15] =	ssyncadd.s32 $0xFFFFFFC0  }
0x1d: {  	[tilespmem:s17], [sflag:$0x3] =	stream.linear.gather [hbm4b:s6+s2], $0x40, $0x38;
	[tilespmem:$0x12200] =	vst v63  }
0x1e: {  	_ =	swait.ge [sflag:s15], $0x40  }
0x1f: {  	[sflag:s15] =	ssyncset.done $0x0  }
0x20: {  	s18 =	simm.s32 $0x180;
	[sflag:s15] =	ssyncadd.s32 $0xFFFFFFC0  }
0x21: {  	[tilespmem:s18], [sflag:$0x3] =	stream.linear.gather [hbm4b:s7+s2], $0x40, $0x38;
	[tilespmem:$0x12200] =	vst v63  }
0x22: {  	_ =	swait.ge [sflag:s15], $0x40  }
0x23: {  	[sflag:s15] =	ssyncset.done $0x0  }
0x24: {  	[sflag:s15] =	ssyncadd.s32 $0xFFFFFFC0  }
0x25: {  	v3 =	vld [tilespmem:$0x100];
	_ =	sdelay $0x4  }
0x26: {  	v4 =	vshrl.u32 v3, $0x3  }
0x27: {  	v4 =	vmul.u32 $0x30, v4  }
0x28: {  	v3 =	vand.u32 $0x7, v3  }
0x29: {  	v3 =	vor.u32 v3, v4  }
0x2a: {  	v4 =	vperm.xlane v3, v0;
	_ =	sdelay $0x1  }
0x2b: {  	v4 =	vadd.s32 v1, v4;
	_ =	sdelay $0x3  }
0x2c: {  	s19 =	simm.s32 $0x200;
	v3 =	vperm.xlane v3, v2  }
0x2d: {  	[tilespmem:s19], [sflag:$0x1] =	stream.indirect_vreg.gather [hbm4b:s3+s2], $0x80, v4, vm0, $0xb8;
	[tilespmem:$0x12200] =	vst v63  }
0x2e: {  	s20 =	simm.s32 $0xA00;
	v3 =	vadd.s32 v1, v3  }
0x2f: {  	[tilespmem:s20], [sflag:$0x1] =	stream.indirect_vreg.gather [hbm4b:s8+s2], $0x80, v4, vm0, $0xb8;
	[tilespmem:$0x12200] =	vst v63  }
0x30: {  	s17 =	simm.s32 $0x1200  }
0x31: {  	[tilespmem:s17], [sflag:$0x1] =	stream.indirect_vreg.gather [hbm4b:s10+s2], $0x80, v4, vm0, $0xb8;
	[tilespmem:$0x12200] =	vst v63  }
0x32: {  	s18 =	simm.s32 $0x1A00  }
0x33: {  	[tilespmem:s18], [sflag:$0x1] =	stream.indirect_vreg.gather [hbm4b:s3+s2], $0x80, v3, vm0, $0xb8;
	[tilespmem:$0x12200] =	vst v63  }
0x34: {  	s19 =	simm.s32 $0x2200  }
0x35: {  	[tilespmem:s19], [sflag:$0x1] =	stream.indirect_vreg.gather [hbm4b:s8+s2], $0x80, v3, vm0, $0xb8;
	[tilespmem:$0x12200] =	vst v63  }
0x36: {  	s20 =	simm.s32 $0x2A00  }
0x37: {  	[tilespmem:s20], [sflag:$0x1] =	stream.indirect_vreg.gather [hbm4b:s10+s2], $0x80, v3, vm0, $0xb8;
	[tilespmem:$0x12200] =	vst v63  }
0x38: {  	v3 =	vld [tilespmem:$0x180];
	_ =	sdelay $0x4  }
0x39: {  	v4 =	vshrl.u32 v3, $0x3  }
0x3a: {  	v4 =	vmul.u32 $0x30, v4  }
0x3b: {  	v3 =	vand.u32 $0x7, v3  }
0x3c: {  	v3 =	vor.u32 v3, v4  }
0x3d: {  	v4 =	vperm.xlane v3, v0;
	_ =	sdelay $0x1  }
0x3e: {  	v4 =	vadd.s32 v1, v4;
	_ =	sdelay $0x3  }
0x3f: {  	s17 =	simm.s32 $0x6200;
	v3 =	vperm.xlane v3, v2  }
0x40: {  	[tilespmem:s17], [sflag:$0x1] =	stream.indirect_vreg.gather [hbm4b:s3+s2], $0x80, v4, vm0, $0xb8;
	[tilespmem:$0x12200] =	vst v63  }
0x41: {  	s18 =	simm.s32 $0x6A00;
	v3 =	vadd.s32 v1, v3  }
0x42: {  	[tilespmem:s18], [sflag:$0x1] =	stream.indirect_vreg.gather [hbm4b:s8+s2], $0x80, v4, vm0, $0xb8;
	[tilespmem:$0x12200] =	vst v63  }
0x43: {  	s19 =	simm.s32 $0x7200  }
0x44: {  	[tilespmem:s19], [sflag:$0x1] =	stream.indirect_vreg.gather [hbm4b:s10+s2], $0x80, v4, vm0, $0xb8;
	[tilespmem:$0x12200] =	vst v63  }
0x45: {  	s20 =	simm.s32 $0x7A00  }
0x46: {  	[tilespmem:s20], [sflag:$0x1] =	stream.indirect_vreg.gather [hbm4b:s3+s2], $0x80, v3, vm0, $0xb8;
	[tilespmem:$0x12200] =	vst v63  }
0x47: {  	s17 =	simm.s32 $0x8200  }
0x48: {  	[tilespmem:s17], [sflag:$0x1] =	stream.indirect_vreg.gather [hbm4b:s8+s2], $0x80, v3, vm0, $0xb8;
	[tilespmem:$0x12200] =	vst v63  }
0x49: {  	s18 =	simm.s32 $0x8A00  }
0x4a: {  	[tilespmem:s18], [sflag:$0x1] =	stream.indirect_vreg.gather [hbm4b:s10+s2], $0x80, v3, vm0, $0xb8;
	[tilespmem:$0x12200] =	vst v63  }
0x4b: {  	_ =	swait.ge [sflag:s0], $0x3000  }
0x4c: {  	[sflag:s0] =	ssyncset.done $0x0  }
0x4d: {  	[sflag:s0] =	ssyncadd.s32 $0xFFFFD000  }
0x4e: {  	_ =	swait.ge [sflag:s0], $0x3000  }
0x4f: {  	[sflag:s0] =	ssyncset.done $0x0  }
0x50: {  	[sflag:s0] =	ssyncadd.s32 $0xFFFFD000  }
0x51: {  	v3 =	vld [tilespmem:$0x110];
	_ =	sdelay $0x4  }
0x52: {  	v4 =	vshrl.u32 v3, $0x3  }
0x53: {  	v4 =	vmul.u32 $0x30, v4  }
0x54: {  	v3 =	vand.u32 $0x7, v3  }
0x55: {  	v3 =	vor.u32 v3, v4  }
0x56: {  	v4 =	vperm.xlane v3, v0;
	_ =	sdelay $0x1  }
0x57: {  	v4 =	vadd.s32 v1, v4;
	_ =	sdelay $0x3  }
0x58: {  	s19 =	simm.s32 $0x3200;
	v3 =	vperm.xlane v3, v2  }
0x59: {  	[tilespmem:s19], [sflag:$0x1] =	stream.indirect_vreg.gather [hbm4b:s3+s2], $0x80, v4, vm0, $0xb8;
	[tilespmem:$0x12200] =	vst v63  }
0x5a: {  	s20 =	simm.s32 $0x3A00;
	v3 =	vadd.s32 v1, v3  }
0x5b: {  	[tilespmem:s20], [sflag:$0x1] =	stream.indirect_vreg.gather [hbm4b:s8+s2], $0x80, v4, vm0, $0xb8;
	[tilespmem:$0x12200] =	vst v63  }
0x5c: {  	s17 =	simm.s32 $0x4200  }
0x5d: {  	[tilespmem:s17], [sflag:$0x1] =	stream.indirect_vreg.gather [hbm4b:s10+s2], $0x80, v4, vm0, $0xb8;
	[tilespmem:$0x12200] =	vst v63  }
0x5e: {  	s18 =	simm.s32 $0x4A00  }
0x5f: {  	[tilespmem:s18], [sflag:$0x1] =	stream.indirect_vreg.gather [hbm4b:s3+s2], $0x80, v3, vm0, $0xb8;
	[tilespmem:$0x12200] =	vst v63  }
0x60: {  	s19 =	simm.s32 $0x5200  }
0x61: {  	[tilespmem:s19], [sflag:$0x1] =	stream.indirect_vreg.gather [hbm4b:s8+s2], $0x80, v3, vm0, $0xb8;
	[tilespmem:$0x12200] =	vst v63  }
0x62: {  	_ = 	snop  }
0x63: {  	[tilespmem:s21], [sflag:$0x1] =	stream.indirect_vreg.gather [hbm4b:s10+s2], $0x80, v3, vm0, $0xb8;
	[tilespmem:$0x12200] =	vst v63  }
0x64: {  	v3 =	vld [tilespmem:$0x190];
	_ =	sdelay $0x4  }
0x65: {  	v4 =	vshrl.u32 v3, $0x3  }
0x66: {  	v4 =	vmul.u32 $0x30, v4  }
0x67: {  	v3 =	vand.u32 $0x7, v3  }
0x68: {  	v3 =	vor.u32 v3, v4  }
0x69: {  	v4 =	vperm.xlane v3, v0;
	_ =	sdelay $0x1  }
0x6a: {  	v4 =	vadd.s32 v1, v4;
	_ =	sdelay $0x3  }
0x6b: {  	v3 =	vperm.xlane v3, v2  }
0x6c: {  	[tilespmem:s22], [sflag:$0x1] =	stream.indirect_vreg.gather [hbm4b:s3+s2], $0x80, v4, vm0, $0xb8;
	[tilespmem:$0x12200] =	vst v63  }
0x6d: {  	v3 =	vadd.s32 v1, v3  }
0x6e: {  	[tilespmem:s23], [sflag:$0x1] =	stream.indirect_vreg.gather [hbm4b:s8+s2], $0x80, v4, vm0, $0xb8;
	[tilespmem:$0x12200] =	vst v63  }
0x6f: {  	_ = 	snop  }
0x70: {  	[tilespmem:s24], [sflag:$0x1] =	stream.indirect_vreg.gather [hbm4b:s10+s2], $0x80, v4, vm0, $0xb8;
	[tilespmem:$0x12200] =	vst v63  }
0x71: {  	s20 =	simm.s32 $0x0  }
0x72: {  	[tilespmem:s25], [sflag:$0x1] =	stream.indirect_vreg.gather [hbm4b:s3+s2], $0x80, v3, vm0, $0xb8;
	[tilespmem:$0x12200] =	vst v63  }
0x73: {  	s4 =	smul.u32 $0x1800, s20;
	s17 =	sand.u32 $0x380, s2  }
0x74: {  	[tilespmem:s26], [sflag:$0x1] =	stream.indirect_vreg.gather [hbm4b:s8+s2], $0x80, v3, vm0, $0xb8;
	[tilespmem:$0x12200] =	vst v63  }
0x75: {  	s17 =	sor.u32 s17, s4  }
0x76: {  	[tilespmem:s28], [sflag:$0x1] =	stream.indirect_vreg.gather [hbm4b:s10+s2], $0x80, v3, vm0, $0xb8;
	[tilespmem:$0x12200] =	vst v63  }
0x77: {  	v3 =	vld [tilespmem:s17+$0x200]  }
0x78: {  	v5 =	vld [tilespmem:s17+$0x210]  }
0x79: {  	v4 =	vld [tilespmem:s17+$0x6210]  }
0x7a: {  	v7 =	vld [tilespmem:s17+$0x220]  }
0x7b: {  	v6 =	vld [tilespmem:s17+$0x6220]  }
0x7c: {  	v9 =	vld [tilespmem:s17+$0x230]  }
0x7d: {  	v8 =	vld [tilespmem:s17+$0x6230]  }
0x7e: {  	v11 =	vld [tilespmem:s17+$0x240]  }
0x7f: {  	v10 =	vld [tilespmem:s17+$0x6240]  }
0x80: {  	v12 =	vld [tilespmem:s17+$0x250]  }
0x81: {  	v13 =	vld [tilespmem:s17+$0x260]  }
0x82: {  	v14 =	vld [tilespmem:s17+$0x270]  }
0x83: {  	v15 =	vld [tilespmem:s17+$0x600]  }
0x84: {  	v16 =	vld [tilespmem:s17+$0x610]  }
0x85: {  	v17 =	vld [tilespmem:s17+$0x620]  }
0x86: {  	v18 =	vld [tilespmem:s17+$0x630]  }
0x87: {  	v19 =	vld [tilespmem:s17+$0x640]  }
0x88: {  	v20 =	vld [tilespmem:s17+$0x650]  }
0x89: {  	v21 =	vld [tilespmem:s17+$0x660]  }
0x8a: {  	v22 =	vld [tilespmem:s17+$0x670]  }
0x8b: {  	v23 =	vld [tilespmem:s17+$0xA00]  }
0x8c: {  	v24 =	vld [tilespmem:s17+$0xA10]  }
0x8d: {  	v25 =	vld [tilespmem:s17+$0xA20]  }
0x8e: {  	v26 =	vld [tilespmem:s17+$0xA30]  }
0x8f: {  	v27 =	vld [tilespmem:s17+$0xA40]  }
0x90: {  	v28 =	vld [tilespmem:s17+$0xA50]  }
0x91: {  	v29 =	vld [tilespmem:s17+$0xA60]  }
0x92: {  	v30 =	vld [tilespmem:s17+$0xA70]  }
0x93: {  	v33 =	vld [tilespmem:s17+$0xE00]  }
0x94: {  	v34 =	vld [tilespmem:s17+$0xE10]  }
0x95: {  	v35 =	vld [tilespmem:s17+$0xE20]  }
0x96: {  	v36 =	vld [tilespmem:s17+$0xE30]  }
0x97: {  	v37 =	vld [tilespmem:s17+$0xE40]  }
0x98: {  	v38 =	vld [tilespmem:s17+$0xE50]  }
0x99: {  	v39 =	vld [tilespmem:s17+$0xE60]  }
0x9a: {  	v40 =	vld [tilespmem:s17+$0xE70]  }
0x9b: {  	v41 =	vld [tilespmem:s17+$0x1200]  }
0x9c: {  	v42 =	vld [tilespmem:s17+$0x1210]  }
0x9d: {  	v43 =	vld [tilespmem:s17+$0x1220]  }
0x9e: {  	v44 =	vld [tilespmem:s17+$0x1230]  }
0x9f: {  	v45 =	vld [tilespmem:s17+$0x1240]  }
0xa0: {  	v46 =	vld [tilespmem:s17+$0x1250]  }
0xa1: {  	v47 =	vld [tilespmem:s17+$0x1260]  }
0xa2: {  	v50 =	vmov s2;
	v48 =	vld [tilespmem:s17+$0x1600]  }
0xa3: {  	s4 =	simm.s32 $0x0;
	s18 =	simm.s32 $0x1;
	v49 =	vld [tilespmem:s17+$0x1610]  }
.LBB2_2:
0xa4: {  	p0 =	sne.s32 s18, $0xF;
	v51 =	vld [tilespmem:s17+$0x7610]  }
0xa5: {  	v52 =	vld [tilespmem:s17+$0x1620]  }
0xa6: {  	v53 =	vld [tilespmem:s17+$0x1630]  }
0xa7: {  	v32 =	vld.idx.msk [tilespmem:v50+s2+$0x0], $0xffff  }
0xa8: {  	v31 =	vld.idx.msk [tilespmem:v50+s16+$0x0], $0xffff  }
0xa9: {  	v50 =	vld [tilespmem:s17+$0x7630]  }
0xaa: {  	v54 =	vld [tilespmem:s17+$0x7620]  }
0xab: {  	v55 =	vld [tilespmem:s17+$0x7600]  }
0xac: {  	v56 =	vld [tilespmem:s17+$0x1270]  }
0xad: {  	v49 =	vmul.f32 v49, v32;
	v52 =	vmul.f32 v52, v32;
	v57 =	vld [tilespmem:s17+$0x7270]  }
0xae: {  	v53 =	vmul.f32 v53, v32;
	v58 =	vld [tilespmem:s17+$0x7260];
	v50 =	vmul.f32 v50, v31  }
0xaf: {  	v51 =	vmul.f32 v51, v31;
	v59 =	vld [tilespmem:s17+$0x7250];
	v54 =	vmul.f32 v54, v31  }
0xb0: {  	v48 =	vmul.f32 v48, v32;
	v60 =	vld [tilespmem:s17+$0x7240];
	v55 =	vmul.f32 v55, v31;
	v50 =	vadd.f32 v50, v53  }
0xb1: {  	v49 =	vadd.f32 v51, v49;
	v53 =	vld [tilespmem:s17+$0x7230];
	v56 =	vmul.f32 v56, v32;
	v51 =	vadd.f32 v54, v52  }
0xb2: {  	v47 =	vmul.f32 v47, v32;
	v52 =	vld [tilespmem:s17+$0x7220];
	v54 =	vmul.f32 v57, v31;
	v48 =	vadd.f32 v55, v48;
	[tilespmem:s17+$0xD630] =	vst v50  }
0xb3: {  	v46 =	vmul.f32 v46, v32;
	v50 =	vld [tilespmem:s17+$0x7210];
	v55 =	vmul.f32 v58, v31;
	[tilespmem:s17+$0xD620] =	vst v51  }
0xb4: {  	v45 =	vmul.f32 v45, v32;
	v51 =	vld [tilespmem:s17+$0x7200];
	v57 =	vmul.f32 v59, v31;
	v54 =	vadd.f32 v54, v56;
	[tilespmem:s17+$0xD610] =	vst v49  }
0xb5: {  	v44 =	vmul.f32 v44, v32;
	v49 =	vld [tilespmem:s17+$0x6E70];
	v56 =	vmul.f32 v60, v31;
	v47 =	vadd.f32 v55, v47;
	[tilespmem:s17+$0xD600] =	vst v48  }
0xb6: {  	v43 =	vmul.f32 v43, v32;
	v48 =	vld [tilespmem:s17+$0x6E60];
	v53 =	vmul.f32 v53, v31;
	v46 =	vadd.f32 v57, v46;
	[tilespmem:s17+$0xD270] =	vst v54  }
0xb7: {  	v42 =	vmul.f32 v42, v32;
	v54 =	vld [tilespmem:s17+$0x6E50];
	v52 =	vmul.f32 v52, v31;
	v45 =	vadd.f32 v56, v45;
	[tilespmem:s17+$0xD260] =	vst v47  }
0xb8: {  	v41 =	vmul.f32 v41, v32;
	v47 =	vld [tilespmem:s17+$0x6E40];
	v50 =	vmul.f32 v50, v31;
	v44 =	vadd.f32 v53, v44;
	[tilespmem:s17+$0xD250] =	vst v46  }
0xb9: {  	v40 =	vmul.f32 v40, v32;
	v46 =	vld [tilespmem:s17+$0x6E30];
	v51 =	vmul.f32 v51, v31;
	v43 =	vadd.f32 v52, v43;
	[tilespmem:s17+$0xD240] =	vst v45  }
0xba: {  	v39 =	vmul.f32 v39, v32;
	v45 =	vld [tilespmem:s17+$0x6E20];
	v49 =	vmul.f32 v49, v31;
	v42 =	vadd.f32 v50, v42;
	[tilespmem:s17+$0xD230] =	vst v44  }
0xbb: {  	v38 =	vmul.f32 v38, v32;
	v44 =	vld [tilespmem:s17+$0x6E10];
	v48 =	vmul.f32 v48, v31;
	v41 =	vadd.f32 v51, v41;
	[tilespmem:s17+$0xD220] =	vst v43  }
0xbc: {  	v37 =	vmul.f32 v37, v32;
	v43 =	vld [tilespmem:s17+$0x6E00];
	v50 =	vmul.f32 v54, v31;
	v40 =	vadd.f32 v49, v40;
	[tilespmem:s17+$0xD210] =	vst v42  }
0xbd: {  	v36 =	vmul.f32 v36, v32;
	v42 =	vld [tilespmem:s17+$0x6A70];
	v47 =	vmul.f32 v47, v31;
	v39 =	vadd.f32 v48, v39;
	[tilespmem:s17+$0xD200] =	vst v41  }
0xbe: {  	v35 =	vmul.f32 v35, v32;
	v41 =	vld [tilespmem:s17+$0x6A60];
	v46 =	vmul.f32 v46, v31;
	v38 =	vadd.f32 v50, v38;
	[tilespmem:s17+$0xCE70] =	vst v40  }
0xbf: {  	v34 =	vmul.f32 v34, v32;
	v40 =	vld [tilespmem:s17+$0x6A50];
	v45 =	vmul.f32 v45, v31;
	v37 =	vadd.f32 v47, v37;
	[tilespmem:s17+$0xCE60] =	vst v39  }
0xc0: {  	v33 =	vmul.f32 v33, v32;
	v39 =	vld [tilespmem:s17+$0x6A40];
	v44 =	vmul.f32 v44, v31;
	v36 =	vadd.f32 v46, v36;
	[tilespmem:s17+$0xCE50] =	vst v38  }
0xc1: {  	v30 =	vmul.f32 v30, v32;
	v38 =	vld [tilespmem:s17+$0x6A30];
	v43 =	vmul.f32 v43, v31;
	v35 =	vadd.f32 v45, v35;
	[tilespmem:s17+$0xCE40] =	vst v37  }
0xc2: {  	v29 =	vmul.f32 v29, v32;
	v37 =	vld [tilespmem:s17+$0x6A20];
	v42 =	vmul.f32 v42, v31;
	v34 =	vadd.f32 v44, v34;
	[tilespmem:s17+$0xCE30] =	vst v36  }
0xc3: {  	v28 =	vmul.f32 v28, v32;
	v36 =	vld [tilespmem:s17+$0x6A10];
	v41 =	vmul.f32 v41, v31;
	v33 =	vadd.f32 v43, v33;
	[tilespmem:s17+$0xCE20] =	vst v35  }
0xc4: {  	v27 =	vmul.f32 v27, v32;
	v35 =	vld [tilespmem:s17+$0x6A00];
	v40 =	vmul.f32 v40, v31;
	v30 =	vadd.f32 v42, v30;
	[tilespmem:s17+$0xCE10] =	vst v34  }
0xc5: {  	v26 =	vmul.f32 v26, v32;
	v34 =	vld [tilespmem:s17+$0x6670];
	v39 =	vmul.f32 v39, v31;
	v29 =	vadd.f32 v41, v29;
	[tilespmem:s17+$0xCE00] =	vst v33  }
0xc6: {  	v25 =	vmul.f32 v25, v32;
	v33 =	vld [tilespmem:s17+$0x6660];
	v38 =	vmul.f32 v38, v31;
	v28 =	vadd.f32 v40, v28;
	[tilespmem:s17+$0xCA70] =	vst v30  }
0xc7: {  	v24 =	vmul.f32 v24, v32;
	v30 =	vld [tilespmem:s17+$0x6650];
	v37 =	vmul.f32 v37, v31;
	v27 =	vadd.f32 v39, v27;
	[tilespmem:s17+$0xCA60] =	vst v29  }
0xc8: {  	v23 =	vmul.f32 v23, v32;
	v29 =	vld [tilespmem:s17+$0x6640];
	v36 =	vmul.f32 v36, v31;
	v26 =	vadd.f32 v38, v26;
	[tilespmem:s17+$0xCA50] =	vst v28  }
0xc9: {  	v22 =	vmul.f32 v22, v32;
	v28 =	vld [tilespmem:s17+$0x6630];
	v35 =	vmul.f32 v35, v31;
	v25 =	vadd.f32 v37, v25;
	[tilespmem:s17+$0xCA40] =	vst v27  }
0xca: {  	v21 =	vmul.f32 v21, v32;
	v27 =	vld [tilespmem:s17+$0x6620];
	v34 =	vmul.f32 v34, v31;
	v24 =	vadd.f32 v36, v24;
	[tilespmem:s17+$0xCA30] =	vst v26  }
0xcb: {  	v20 =	vmul.f32 v20, v32;
	v26 =	vld [tilespmem:s17+$0x6610];
	v33 =	vmul.f32 v33, v31;
	v23 =	vadd.f32 v35, v23;
	[tilespmem:s17+$0xCA20] =	vst v25  }
0xcc: {  	v19 =	vmul.f32 v19, v32;
	v25 =	vld [tilespmem:s17+$0x6600];
	v30 =	vmul.f32 v30, v31;
	v22 =	vadd.f32 v34, v22;
	[tilespmem:s17+$0xCA10] =	vst v24  }
0xcd: {  	v18 =	vmul.f32 v18, v32;
	v24 =	vld [tilespmem:s17+$0x6270];
	v29 =	vmul.f32 v29, v31;
	v21 =	vadd.f32 v33, v21;
	[tilespmem:s17+$0xCA00] =	vst v23  }
0xce: {  	v17 =	vmul.f32 v17, v32;
	v23 =	vld [tilespmem:s17+$0x6260];
	v28 =	vmul.f32 v28, v31;
	v20 =	vadd.f32 v30, v20;
	[tilespmem:s17+$0xC670] =	vst v22  }
0xcf: {  	v16 =	vmul.f32 v16, v32;
	v22 =	vld [tilespmem:s17+$0x6250];
	v27 =	vmul.f32 v27, v31;
	v19 =	vadd.f32 v29, v19;
	[tilespmem:s17+$0xC660] =	vst v21  }
0xd0: {  	v15 =	vmul.f32 v15, v32;
	v21 =	vmul.f32 v26, v31;
	v18 =	vadd.f32 v28, v18;
	[tilespmem:s17+$0xC650] =	vst v20;
	v20 =	vld [tilespmem:s17+$0x1640]  }
0xd1: {  	v14 =	vmul.f32 v14, v32;
	v25 =	vmul.f32 v25, v31;
	v17 =	vadd.f32 v27, v17;
	[tilespmem:s17+$0xC640] =	vst v19;
	v19 =	vld [tilespmem:s17+$0x7640]  }
0xd2: {  	v13 =	vmul.f32 v13, v32;
	v24 =	vmul.f32 v24, v31;
	v16 =	vadd.f32 v21, v16;
	[tilespmem:s17+$0xC630] =	vst v18;
	v18 =	vld [tilespmem:s17+$0x1650]  }
0xd3: {  	v12 =	vmul.f32 v12, v32;
	v21 =	vmul.f32 v23, v31;
	v15 =	vadd.f32 v25, v15;
	[tilespmem:s17+$0xC620] =	vst v17;
	v17 =	vld [tilespmem:s17+$0x7650]  }
0xd4: {  	v11 =	vmul.f32 v11, v32;
	v22 =	vmul.f32 v22, v31;
	v14 =	vadd.f32 v24, v14;
	[tilespmem:s17+$0xC610] =	vst v16;
	v16 =	vld [tilespmem:s17+$0x1660]  }
0xd5: {  	s19 =	sshrl.u32 s18, $0x3;
	v9 =	vmul.f32 v9, v32;
	v10 =	vmul.f32 v10, v31;
	v13 =	vadd.f32 v21, v13;
	[tilespmem:s17+$0xC600] =	vst v15;
	v15 =	vld [tilespmem:s17+$0x7660]  }
0xd6: {  	s4 =	sadd.s32 $0x80, s4;
	s19 =	smul.u32 $0x1800, s19;
	v7 =	vmul.f32 v7, v32;
	v8 =	vmul.f32 v8, v31;
	v12 =	vadd.f32 v22, v12;
	[tilespmem:s17+$0xC270] =	vst v14;
	v14 =	vld [tilespmem:s17+$0x1670]  }
0xd7: {  	s20 =	sand.u32 $0x380, s4;
	v21 =	vmul.f32 v5, v32;
	v5 =	vmul.f32 v6, v31;
	v6 =	vadd.f32 v10, v11;
	[tilespmem:s17+$0xC260] =	vst v13;
	v10 =	vld [tilespmem:s17+$0x7670]  }
0xd8: {  	s19 =	sor.u32 s20, s19;
	v4 =	vmul.f32 v4, v31;
	v8 =	vadd.f32 v8, v9;
	v9 =	vmul.f32 v20, v32;
	v11 =	vld [tilespmem:s17+$0x6200];
	[tilespmem:s17+$0xC250] =	vst v12  }
0xd9: {  	v7 =	vadd.f32 v5, v7;
	v13 =	vmul.f32 v18, v32;
	v12 =	vld [tilespmem:s19+$0x200];
	[tilespmem:s17+$0xC240] =	vst v6;
	v6 =	vmul.f32 v19, v31  }
0xda: {  	v18 =	vadd.f32 v4, v21;
	v16 =	vmul.f32 v16, v32;
	v5 =	vld [tilespmem:s19+$0x210];
	[tilespmem:s17+$0xC230] =	vst v8;
	v8 =	vmul.f32 v17, v31  }
0xdb: {  	v15 =	vmul.f32 v15, v31;
	v4 =	vld [tilespmem:s19+$0x6210];
	[tilespmem:s17+$0xC220] =	vst v7;
	v9 =	vadd.f32 v6, v9;
	v14 =	vmul.f32 v14, v32  }
0xdc: {  	v17 =	vmul.f32 v3, v32;
	v7 =	vld [tilespmem:s19+$0x220];
	[tilespmem:s17+$0xC210] =	vst v18;
	v18 =	vadd.f32 v8, v13;
	v8 =	vmul.f32 v10, v31  }
0xdd: {  	v6 =	vld [tilespmem:s19+$0x6220];
	v10 =	vmul.f32 v11, v31;
	[tilespmem:s17+$0xD640] =	vst v9;
	v11 =	vadd.f32 v15, v16  }
0xde: {  	v9 =	vld [tilespmem:s19+$0x230];
	[tilespmem:s17+$0xD650] =	vst v18;
	v13 =	vadd.f32 v8, v14;
	v3 =	vmov v12  }
0xdf: {  	v8 =	vld [tilespmem:s19+$0x6230];
	v12 =	vadd.f32 v10, v17;
	[tilespmem:s17+$0xD660] =	vst v11  }
0xe0: {  	v11 =	vld [tilespmem:s19+$0x240];
	[tilespmem:s17+$0xD670] =	vst v13  }
0xe1: {  	v10 =	vld [tilespmem:s19+$0x6240];
	[tilespmem:s17+$0xC200] =	vst v12;
	s17 =	smov.u32 s19  }
0xe2: {  	v12 =	vld [tilespmem:s17+$0x250]  }
0xe3: {  	v13 =	vld [tilespmem:s17+$0x260]  }
0xe4: {  	v14 =	vld [tilespmem:s17+$0x270]  }
0xe5: {  	v15 =	vld [tilespmem:s17+$0x600]  }
0xe6: {  	v16 =	vld [tilespmem:s17+$0x610]  }
0xe7: {  	v17 =	vld [tilespmem:s17+$0x620]  }
0xe8: {  	v18 =	vld [tilespmem:s17+$0x630]  }
0xe9: {  	v19 =	vld [tilespmem:s17+$0x640]  }
0xea: {  	v20 =	vld [tilespmem:s17+$0x650]  }
0xeb: {  	v21 =	vld [tilespmem:s17+$0x660]  }
0xec: {  	v22 =	vld [tilespmem:s17+$0x670]  }
0xed: {  	v23 =	vld [tilespmem:s17+$0xA00]  }
0xee: {  	v24 =	vld [tilespmem:s17+$0xA10]  }
0xef: {  	v25 =	vld [tilespmem:s17+$0xA20]  }
0xf0: {  	v26 =	vld [tilespmem:s17+$0xA30]  }
0xf1: {  	v27 =	vld [tilespmem:s17+$0xA40]  }
0xf2: {  	v28 =	vld [tilespmem:s17+$0xA50]  }
0xf3: {  	v29 =	vld [tilespmem:s17+$0xA60]  }
0xf4: {  	v30 =	vld [tilespmem:s17+$0xA70]  }
0xf5: {  	v33 =	vld [tilespmem:s17+$0xE00]  }
0xf6: {  	v34 =	vld [tilespmem:s17+$0xE10]  }
0xf7: {  	v35 =	vld [tilespmem:s17+$0xE20]  }
0xf8: {  	v36 =	vld [tilespmem:s17+$0xE30]  }
0xf9: {  	v37 =	vld [tilespmem:s17+$0xE40]  }
0xfa: {  	v38 =	vld [tilespmem:s17+$0xE50]  }
0xfb: {  	v39 =	vld [tilespmem:s17+$0xE60]  }
0xfc: {  	v40 =	vld [tilespmem:s17+$0xE70]  }
0xfd: {  	v41 =	vld [tilespmem:s17+$0x1200]  }
0xfe: {  	v42 =	vld [tilespmem:s17+$0x1210]  }
0xff: {  	v43 =	vld [tilespmem:s17+$0x1220]  }
0x100: {  	v44 =	vld [tilespmem:s17+$0x1230]  }
.Ltmp0:
0x101: {  	v45 =	vld [tilespmem:s17+$0x1240];
	(pc) =	sbr.rel @p0 .LBB2_2-.Ltmp0, $4  }
0x102: {  	v46 =	vld [tilespmem:s17+$0x1250]  }
0x103: {  	v47 =	vld [tilespmem:s17+$0x1260]  }
0x104: {  	v50 =	vmov s18;
	v48 =	vld [tilespmem:s17+$0x1600]  }
0x105: {  	s18 =	sadd.s32 $0x1, s18;
	v49 =	vld [tilespmem:s17+$0x1610]  }
0x106: {  	_ = 	snop  }
0x107: {  	v51 =	vld [tilespmem:s17+$0x7610]  }
0x108: {  	v52 =	vld [tilespmem:s17+$0x1620]  }
0x109: {  	v53 =	vld [tilespmem:s17+$0x1630]  }
0x10a: {  	v31 =	vld.idx.msk [tilespmem:v50+s2+$0x0], $0xffff  }
0x10b: {  	v32 =	vld.idx.msk [tilespmem:v50+s16+$0x0], $0xffff  }
0x10c: {  	v61 =	vld [tilespmem:s17+$0x7630]  }
0x10d: {  	v54 =	vld [tilespmem:s17+$0x7620]  }
0x10e: {  	v55 =	vld [tilespmem:s17+$0x7600]  }
0x10f: {  	v56 =	vld [tilespmem:s17+$0x1270]  }
0x110: {  	v57 =	vld [tilespmem:s17+$0x7270]  }
0x111: {  	v58 =	vld [tilespmem:s17+$0x7260];
	v53 =	vmul.f32 v53, v31;
	v50 =	vmul.f32 v61, v32  }
0x112: {  	v59 =	vld [tilespmem:s17+$0x7250];
	v52 =	vmul.f32 v52, v31;
	v54 =	vmul.f32 v54, v32  }
0x113: {  	v49 =	vmul.f32 v49, v31;
	v51 =	vmul.f32 v51, v32  }
0x114: {  	v60 =	vld [tilespmem:s17+$0x7240];
	v48 =	vmul.f32 v48, v31;
	v62 =	vmul.f32 v55, v32;
	v50 =	vadd.f32 v50, v53  }
0x115: {  	v61 =	vld [tilespmem:s17+$0x7220];
	v63 =	vmul.f32 v56, v31;
	v57 =	vmul.f32 v57, v32;
	v52 =	vadd.f32 v54, v52  }
0x116: {  	v47 =	vmul.f32 v47, v31;
	v58 =	vmul.f32 v58, v32;
	v56 =	vld [tilespmem:s17+$0x6E20];
	v49 =	vadd.f32 v51, v49;
	[tilespmem:s17+$0xD630] =	vst v50  }
0x117: {  	v46 =	vmul.f32 v46, v31;
	v59 =	vmul.f32 v59, v32;
	v55 =	vld [tilespmem:s17+$0x6640];
	v48 =	vadd.f32 v62, v48;
	[tilespmem:s17+$0xD620] =	vst v52  }
0x118: {  	v11 =	vmul.f32 v11, v31;
	v10 =	vmul.f32 v10, v32;
	v53 =	vld [tilespmem:s17+$0x7230];
	v47 =	vadd.f32 v58, v47;
	[tilespmem:s17+$0xD610] =	vst v49  }
0x119: {  	v9 =	vmul.f32 v9, v31;
	v8 =	vmul.f32 v8, v32;
	v51 =	vld [tilespmem:s17+$0x7200];
	v46 =	vadd.f32 v59, v46;
	[tilespmem:s17+$0xD600] =	vst v48  }
0x11a: {  	v7 =	vmul.f32 v7, v31;
	v6 =	vmul.f32 v6, v32;
	v58 =	vld [tilespmem:s17+$0x6E00];
	v10 =	vadd.f32 v10, v11;
	[tilespmem:s17+$0xD260] =	vst v47  }
0x11b: {  	v45 =	vmul.f32 v45, v31;
	v62 =	vmul.f32 v60, v32;
	v59 =	vld [tilespmem:s17+$0x6A70];
	v8 =	vadd.f32 v8, v9;
	[tilespmem:s17+$0xD250] =	vst v46  }
0x11c: {  	v5 =	vmul.f32 v5, v31;
	v4 =	vmul.f32 v4, v32;
	v60 =	vld [tilespmem:s17+$0x6A60];
	v6 =	vadd.f32 v6, v7;
	[tilespmem:s17+$0xC240] =	vst v10  }
0x11d: {  	v43 =	vmul.f32 v43, v31;
	v50 =	vld [tilespmem:s17+$0x7210];
	v45 =	vadd.f32 v62, v45;
	[tilespmem:s17+$0xC230] =	vst v8  }
0x11e: {  	v4 =	vadd.f32 v4, v5;
	v49 =	vld [tilespmem:s17+$0x6E70];
	v52 =	vadd.f32 v57, v63;
	[tilespmem:s17+$0xC220] =	vst v6;
	v63 =	vmul.f32 v61, v32  }
0x11f: {  	v35 =	vmul.f32 v35, v31;
	v48 =	vld [tilespmem:s17+$0x6E60];
	[tilespmem:s17+$0xD240] =	vst v45;
	v45 =	vmul.f32 v56, v32  }
0x120: {  	v44 =	vmul.f32 v44, v31;
	v47 =	vld [tilespmem:s17+$0x6E40];
	[tilespmem:s17+$0xC210] =	vst v4;
	v53 =	vmul.f32 v53, v32;
	v43 =	vadd.f32 v63, v43  }
0x121: {  	v41 =	vmul.f32 v41, v31;
	v46 =	vld [tilespmem:s17+$0x6E30];
	[tilespmem:s17+$0xD270] =	vst v52;
	v51 =	vmul.f32 v51, v32;
	v35 =	vadd.f32 v45, v35  }
0x122: {  	v42 =	vmul.f32 v42, v31;
	v54 =	vld [tilespmem:s17+$0x6650];
	v44 =	vadd.f32 v53, v44;
	v50 =	vmul.f32 v50, v32;
	[tilespmem:s17+$0xD220] =	vst v43  }
0x123: {  	v40 =	vmul.f32 v40, v31;
	v52 =	vld [tilespmem:s17+$0x6E50];
	v49 =	vmul.f32 v49, v32;
	v41 =	vadd.f32 v51, v41;
	[tilespmem:s17+$0xCE20] =	vst v35  }
0x124: {  	v39 =	vmul.f32 v39, v31;
	v57 =	vld [tilespmem:s17+$0x6E10];
	v48 =	vmul.f32 v48, v32;
	[tilespmem:s17+$0xD230] =	vst v44;
	v42 =	vadd.f32 v50, v42  }
0x125: {  	v37 =	vmul.f32 v37, v31;
	v62 =	vld [tilespmem:s17+$0x6A50];
	v47 =	vmul.f32 v47, v32;
	v40 =	vadd.f32 v49, v40;
	[tilespmem:s17+$0xD200] =	vst v41  }
0x126: {  	v36 =	vmul.f32 v36, v31;
	v56 =	vld [tilespmem:s17+$0x6630];
	v46 =	vmul.f32 v46, v32;
	v39 =	vadd.f32 v48, v39;
	[tilespmem:s17+$0xD210] =	vst v42  }
0x127: {  	v33 =	vmul.f32 v33, v31;
	v63 =	vld [tilespmem:s17+$0x6A40];
	v43 =	vmul.f32 v58, v32;
	v37 =	vadd.f32 v47, v37;
	[tilespmem:s17+$0xCE70] =	vst v40  }
0x128: {  	v38 =	vmul.f32 v38, v31;
	v51 =	vld [tilespmem:s17+$0x6A00];
	v61 =	vmul.f32 v52, v32;
	v36 =	vadd.f32 v46, v36;
	[tilespmem:s17+$0xCE60] =	vst v39  }
0x129: {  	v34 =	vmul.f32 v34, v31;
	v53 =	vld [tilespmem:s17+$0x6660];
	v44 =	vmul.f32 v57, v32;
	v33 =	vadd.f32 v43, v33;
	[tilespmem:s17+$0xCE40] =	vst v37  }
0x12a: {  	v29 =	vmul.f32 v29, v31;
	v58 =	vld [tilespmem:s17+$0x6610];
	v41 =	vmul.f32 v60, v32;
	v38 =	vadd.f32 v61, v38;
	[tilespmem:s17+$0xCE30] =	vst v36  }
0x12b: {  	v30 =	vmul.f32 v30, v31;
	v48 =	vld [tilespmem:s17+$0x6A30];
	v34 =	vadd.f32 v44, v34;
	v42 =	vmul.f32 v59, v32;
	[tilespmem:s17+$0xCE00] =	vst v33  }
0x12c: {  	v28 =	vmul.f32 v28, v31;
	v49 =	vld [tilespmem:s17+$0x6A20];
	v40 =	vmul.f32 v62, v32;
	v29 =	vadd.f32 v41, v29;
	[tilespmem:s17+$0xCE50] =	vst v38  }
0x12d: {  	v27 =	vmul.f32 v27, v31;
	v50 =	vld [tilespmem:s17+$0x6A10];
	v39 =	vmul.f32 v63, v32;
	[tilespmem:s17+$0xCE10] =	vst v34;
	v30 =	vadd.f32 v42, v30  }
0x12e: {  	v20 =	vmul.f32 v20, v31;
	v52 =	vld [tilespmem:s17+$0x6670];
	v61 =	vmul.f32 v54, v32;
	v28 =	vadd.f32 v40, v28;
	[tilespmem:s17+$0xCA60] =	vst v29  }
0x12f: {  	v19 =	vmul.f32 v19, v31;
	v57 =	vld [tilespmem:s17+$0x6620];
	v63 =	vmul.f32 v55, v32;
	v27 =	vadd.f32 v39, v27;
	[tilespmem:s17+$0xCA70] =	vst v30  }
0x130: {  	v23 =	vmul.f32 v23, v31;
	v60 =	vld [tilespmem:s17+$0x6270];
	v35 =	vmul.f32 v51, v32;
	v20 =	vadd.f32 v61, v20;
	[tilespmem:s17+$0xCA50] =	vst v28  }
0x131: {  	v21 =	vmul.f32 v21, v31;
	v46 =	vld [tilespmem:s17+$0x1670];
	v33 =	vmul.f32 v53, v32;
	v19 =	vadd.f32 v63, v19;
	[tilespmem:s17+$0xCA40] =	vst v27  }
0x132: {  	v26 =	vmul.f32 v26, v31;
	v47 =	vld [tilespmem:s17+$0x7670];
	v38 =	vmul.f32 v48, v32;
	v23 =	vadd.f32 v35, v23;
	[tilespmem:s17+$0xC650] =	vst v20  }
0x133: {  	v25 =	vmul.f32 v25, v31;
	v59 =	vld [tilespmem:s17+$0x6600];
	v37 =	vmul.f32 v49, v32;
	v21 =	vadd.f32 v33, v21;
	[tilespmem:s17+$0xC640] =	vst v19  }
0x134: {  	v24 =	vmul.f32 v24, v31;
	v62 =	vld [tilespmem:s17+$0x6260];
	v36 =	vmul.f32 v50, v32;
	v26 =	vadd.f32 v38, v26;
	[tilespmem:s17+$0xCA00] =	vst v23  }
0x135: {  	v22 =	vmul.f32 v22, v31;
	v44 =	vld [tilespmem:s17+$0x7660];
	v34 =	vmul.f32 v52, v32;
	v25 =	vadd.f32 v37, v25;
	[tilespmem:s17+$0xC660] =	vst v21  }
0x136: {  	v18 =	vmul.f32 v18, v31;
	v29 =	vld [tilespmem:s17+$0x6250];
	v33 =	vmul.f32 v56, v32;
	v24 =	vadd.f32 v36, v24;
	[tilespmem:s17+$0xCA30] =	vst v26  }
0x137: {  	v17 =	vmul.f32 v17, v31;
	v40 =	vld [tilespmem:s17+$0x7650];
	v35 =	vmul.f32 v57, v32;
	v22 =	vadd.f32 v34, v22;
	[tilespmem:s17+$0xCA20] =	vst v25  }
0x138: {  	v14 =	vmul.f32 v14, v31;
	v42 =	vld [tilespmem:s17+$0x1660];
	v41 =	vmul.f32 v60, v32;
	v18 =	vadd.f32 v33, v18;
	[tilespmem:s17+$0xCA10] =	vst v24  }
0x139: {  	v16 =	vmul.f32 v16, v31;
	v48 =	vld [tilespmem:s17+$0x6200];
	v37 =	vmul.f32 v58, v32;
	v17 =	vadd.f32 v35, v17;
	[tilespmem:s17+$0xC670] =	vst v22  }
0x13a: {  	v15 =	vmul.f32 v15, v31;
	v34 =	vld [tilespmem:s17+$0x1640];
	v39 =	vmul.f32 v59, v32;
	v14 =	vadd.f32 v41, v14;
	[tilespmem:s17+$0xC630] =	vst v18  }
0x13b: {  	v13 =	vmul.f32 v13, v31;
	v36 =	vld [tilespmem:s17+$0x7640];
	v43 =	vmul.f32 v62, v32;
	v16 =	vadd.f32 v37, v16;
	[tilespmem:s17+$0xC620] =	vst v17  }
0x13c: {  	v56 =	vmul.f32 v46, v31;
	v38 =	vld [tilespmem:s17+$0x1650];
	v58 =	vmul.f32 v47, v32;
	v15 =	vadd.f32 v39, v15;
	[tilespmem:s17+$0xC270] =	vst v14  }
0x13d: {  	v12 =	vmul.f32 v12, v31;
	v13 =	vadd.f32 v43, v13;
	v45 =	vmul.f32 v29, v32;
	[tilespmem:s17+$0xC610] =	vst v16  }
0x13e: {  	v55 =	vmul.f32 v44, v32;
	v53 =	vmul.f32 v42, v31;
	v61 =	vadd.f32 v58, v56;
	[tilespmem:s17+$0xC600] =	vst v15  }
0x13f: {  	v3 =	vmul.f32 v3, v31;
	v59 =	vmul.f32 v48, v32;
	[tilespmem:s17+$0xC260] =	vst v13;
	v12 =	vadd.f32 v45, v12  }
0x140: {  	v60 =	vadd.f32 v55, v53;
	[tilespmem:s17+$0xD670] =	vst v61;
	v49 =	vmul.f32 v34, v31;
	v50 =	vmul.f32 v36, v32  }
0x141: {  	v52 =	vmul.f32 v40, v32;
	v51 =	vmul.f32 v38, v31;
	v3 =	vadd.f32 v59, v3;
	[tilespmem:s17+$0xC250] =	vst v12  }
0x142: {  	[tilespmem:s17+$0xD660] =	vst v60;
	v54 =	vadd.f32 v50, v49  }
0x143: {  	v57 =	vadd.f32 v52, v51;
	[tilespmem:s17+$0xC200] =	vst v3  }
0x144: {  	[tilespmem:s17+$0xD640] =	vst v54  }
0x145: {  	s4 =	simm.s32 $0x0;
	[tilespmem:s17+$0xD650] =	vst v57  }
0x146: {  	[hbm4b:s9+s4] =	stream.linear.scatter [tilespmem:s29], [sflag:$0x2], $0x3000, $0x38;
	[tilespmem:$0x12200] =	vst v63  }
0x147: {  	_ =	swait.ge [sflag:s0], $0x3000  }
0x148: {  	[sflag:s0] =	ssyncset.done $0x0  }
0x149: {  	[sflag:s0] =	ssyncadd.s32 $0xFFFFD000  }
0x14a: {  	_ =	swait.ge [sflag:s0], $0x3000  }
0x14b: {  	[sflag:s0] =	ssyncset.done $0x0  }
0x14c: {  	[sflag:s0] =	ssyncadd.s32 $0xFFFFD000  }
0x14d: {  	v3 =	vld [tilespmem:$0x120];
	_ =	sdelay $0x4  }
0x14e: {  	v62 =	vshrl.u32 v3, $0x3  }
0x14f: {  	v4 =	vmul.u32 $0x30, v62  }
0x150: {  	v3 =	vand.u32 $0x7, v3  }
0x151: {  	v3 =	vor.u32 v3, v4  }
0x152: {  	v4 =	vperm.xlane v3, v0;
	_ =	sdelay $0x1  }
0x153: {  	v4 =	vadd.s32 v1, v4;
	_ =	sdelay $0x3  }
0x154: {  	s18 =	simm.s32 $0x200;
	v3 =	vperm.xlane v3, v2  }
0x155: {  	[tilespmem:s18], [sflag:$0x1] =	stream.indirect_vreg.gather [hbm4b:s3+s4], $0x80, v4, vm0, $0xb8;
	[tilespmem:$0x12200] =	vst v63  }
0x156: {  	s19 =	simm.s32 $0xA00;
	v3 =	vadd.s32 v1, v3  }
0x157: {  	[tilespmem:s19], [sflag:$0x1] =	stream.indirect_vreg.gather [hbm4b:s8+s4], $0x80, v4, vm0, $0xb8;
	[tilespmem:$0x12200] =	vst v63  }
0x158: {  	s20 =	simm.s32 $0x1200  }
0x159: {  	[tilespmem:s20], [sflag:$0x1] =	stream.indirect_vreg.gather [hbm4b:s10+s4], $0x80, v4, vm0, $0xb8;
	[tilespmem:$0x12200] =	vst v63  }
0x15a: {  	s18 =	simm.s32 $0x1A00  }
0x15b: {  	[tilespmem:s18], [sflag:$0x1] =	stream.indirect_vreg.gather [hbm4b:s3+s4], $0x80, v3, vm0, $0xb8;
	[tilespmem:$0x12200] =	vst v63  }
0x15c: {  	s19 =	simm.s32 $0x2200  }
0x15d: {  	[tilespmem:s19], [sflag:$0x1] =	stream.indirect_vreg.gather [hbm4b:s8+s4], $0x80, v3, vm0, $0xb8;
	[tilespmem:$0x12200] =	vst v63  }
0x15e: {  	s20 =	simm.s32 $0x2A00  }
0x15f: {  	[tilespmem:s20], [sflag:$0x1] =	stream.indirect_vreg.gather [hbm4b:s10+s4], $0x80, v3, vm0, $0xb8;
	[tilespmem:$0x12200] =	vst v63  }
0x160: {  	v3 =	vld [tilespmem:$0x1A0];
	_ =	sdelay $0x4  }
0x161: {  	v63 =	vshrl.u32 v3, $0x3  }
0x162: {  	v4 =	vmul.u32 $0x30, v63  }
0x163: {  	v3 =	vand.u32 $0x7, v3  }
0x164: {  	v3 =	vor.u32 v3, v4  }
0x165: {  	v4 =	vperm.xlane v3, v0;
	_ =	sdelay $0x1  }
0x166: {  	v4 =	vadd.s32 v1, v4;
	_ =	sdelay $0x3  }
0x167: {  	s18 =	simm.s32 $0x6200;
	v3 =	vperm.xlane v3, v2  }
0x168: {  	[tilespmem:s18], [sflag:$0x1] =	stream.indirect_vreg.gather [hbm4b:s3+s4], $0x80, v4, vm0, $0xb8;
	[tilespmem:$0x12200] =	vst v63  }
0x169: {  	s19 =	simm.s32 $0x6A00;
	v3 =	vadd.s32 v1, v3  }
0x16a: {  	[tilespmem:s19], [sflag:$0x1] =	stream.indirect_vreg.gather [hbm4b:s8+s4], $0x80, v4, vm0, $0xb8;
	[tilespmem:$0x12200] =	vst v63  }
0x16b: {  	s20 =	simm.s32 $0x7200  }
0x16c: {  	[tilespmem:s20], [sflag:$0x1] =	stream.indirect_vreg.gather [hbm4b:s10+s4], $0x80, v4, vm0, $0xb8;
	[tilespmem:$0x12200] =	vst v63  }
0x16d: {  	s18 =	simm.s32 $0x7A00  }
0x16e: {  	[tilespmem:s18], [sflag:$0x1] =	stream.indirect_vreg.gather [hbm4b:s3+s4], $0x80, v3, vm0, $0xb8;
	[tilespmem:$0x12200] =	vst v63  }
0x16f: {  	s19 =	simm.s32 $0x8200  }
0x170: {  	[tilespmem:s19], [sflag:$0x1] =	stream.indirect_vreg.gather [hbm4b:s8+s4], $0x80, v3, vm0, $0xb8;
	[tilespmem:$0x12200] =	vst v63  }
0x171: {  	s17 =	simm.s32 $0x0;
	s20 =	simm.s32 $0x8A00  }
0x172: {  	[tilespmem:s20], [sflag:$0x1] =	stream.indirect_vreg.gather [hbm4b:s10+s4], $0x80, v3, vm0, $0xb8;
	[tilespmem:$0x12200] =	vst v63  }
.LBB2_4:
0x173: {  	s18 =	sadd.s32 $0x10, s17;
	s19 =	sshrl.u32 s17, $0x3  }
0x174: {  	v4 =	vmov s18;
	s18 =	smul.u32 $0x1800, s19  }
0x175: {  	s19 =	sand.u32 $0x380, s4  }
0x176: {  	s19 =	sor.u32 s19, s18  }
0x177: {  	v5 =	vld [tilespmem:s19+$0x3200]  }
0x178: {  	v6 =	vld [tilespmem:s19+$0x9200]  }
0x179: {  	v7 =	vld [tilespmem:s19+$0x3210]  }
0x17a: {  	v8 =	vld [tilespmem:s19+$0x9210]  }
0x17b: {  	v9 =	vld [tilespmem:s19+$0x3220]  }
0x17c: {  	v10 =	vld [tilespmem:s19+$0x9220]  }
0x17d: {  	v11 =	vld [tilespmem:s19+$0x3230]  }
0x17e: {  	v12 =	vld [tilespmem:s19+$0x9230]  }
0x17f: {  	v13 =	vld [tilespmem:s19+$0x3240]  }
0x180: {  	v14 =	vld [tilespmem:s19+$0x9240]  }
0x181: {  	v15 =	vld [tilespmem:s19+$0x3250]  }
0x182: {  	v16 =	vld [tilespmem:s19+$0x9250]  }
0x183: {  	v17 =	vld [tilespmem:s19+$0x3260]  }
0x184: {  	v18 =	vld [tilespmem:s19+$0x9260]  }
0x185: {  	v19 =	vld [tilespmem:s19+$0x3270]  }
0x186: {  	v20 =	vld [tilespmem:s19+$0x9270]  }
0x187: {  	v21 =	vld [tilespmem:s19+$0x3600]  }
0x188: {  	v22 =	vld [tilespmem:s19+$0x9600]  }
0x189: {  	v23 =	vld [tilespmem:s19+$0x3610]  }
0x18a: {  	v24 =	vld [tilespmem:s19+$0x9610]  }
0x18b: {  	v25 =	vld [tilespmem:s19+$0x3620]  }
0x18c: {  	v26 =	vld [tilespmem:s19+$0x9620]  }
0x18d: {  	v27 =	vld [tilespmem:s19+$0x3630]  }
0x18e: {  	v28 =	vld [tilespmem:s19+$0x9630]  }
0x18f: {  	v29 =	vld [tilespmem:s19+$0x3640]  }
0x190: {  	v30 =	vld [tilespmem:s19+$0x9640]  }
0x191: {  	v31 =	vld [tilespmem:s19+$0x3650]  }
0x192: {  	v32 =	vld [tilespmem:s19+$0x9650]  }
0x193: {  	v33 =	vld [tilespmem:s19+$0x3660]  }
0x194: {  	v34 =	vld [tilespmem:s19+$0x9660]  }
0x195: {  	v35 =	vld [tilespmem:s19+$0x3670]  }
0x196: {  	v36 =	vld [tilespmem:s19+$0x9670]  }
0x197: {  	v37 =	vld [tilespmem:s19+$0x3A00]  }
0x198: {  	v38 =	vld [tilespmem:s19+$0x9A00]  }
0x199: {  	v39 =	vld [tilespmem:s19+$0x3A10]  }
0x19a: {  	v40 =	vld [tilespmem:s19+$0x9A10]  }
0x19b: {  	v41 =	vld [tilespmem:s19+$0x3A20]  }
0x19c: {  	v42 =	vld [tilespmem:s19+$0x9A20]  }
0x19d: {  	v43 =	vld [tilespmem:s19+$0x3A30]  }
0x19e: {  	v44 =	vld [tilespmem:s19+$0x9A30]  }
0x19f: {  	v3 =	vld.idx.msk [tilespmem:v4+s2+$0x0], $0xffff  }
0x1a0: {  	v4 =	vld.idx.msk [tilespmem:v4+s16+$0x0], $0xffff  }
0x1a1: {  	v45 =	vld [tilespmem:s19+$0x3A40]  }
0x1a2: {  	v46 =	vld [tilespmem:s19+$0x9A40]  }
0x1a3: {  	v47 =	vld [tilespmem:s19+$0x3A50]  }
0x1a4: {  	v48 =	vld [tilespmem:s19+$0x9A50]  }
0x1a5: {  	v49 =	vld [tilespmem:s19+$0x3A60];
	v5 =	vmul.f32 v5, v3;
	v6 =	vmul.f32 v6, v4  }
0x1a6: {  	v50 =	vld [tilespmem:s19+$0x9A60];
	v7 =	vmul.f32 v7, v3;
	v8 =	vmul.f32 v8, v4  }
0x1a7: {  	v51 =	vld [tilespmem:s19+$0x3A70];
	v59 =	vmul.f32 v9, v3;
	v60 =	vmul.f32 v10, v4  }
0x1a8: {  	v10 =	vld [tilespmem:s19+$0x9A70];
	v61 =	vmul.f32 v11, v3;
	v62 =	vmul.f32 v12, v4;
	v5 =	vadd.f32 v6, v5  }
0x1a9: {  	v12 =	vld [tilespmem:s19+$0x3E00];
	v52 =	vmul.f32 v13, v3;
	v53 =	vmul.f32 v14, v4;
	v7 =	vadd.f32 v8, v7  }
0x1aa: {  	v13 =	vld [tilespmem:s19+$0x9E00];
	v55 =	vmul.f32 v15, v3;
	v56 =	vmul.f32 v16, v4;
	v63 =	vadd.f32 v60, v59;
	[tilespmem:s19+$0xF200] =	vst v5  }
0x1ab: {  	v14 =	vld [tilespmem:s19+$0x3E10];
	v58 =	vmul.f32 v17, v3;
	v21 =	vmul.f32 v21, v3;
	v54 =	vadd.f32 v62, v61;
	[tilespmem:s19+$0xF210] =	vst v7  }
0x1ac: {  	v15 =	vld [tilespmem:s19+$0x9E10];
	v41 =	vmul.f32 v41, v3;
	v57 =	vadd.f32 v53, v52;
	v59 =	vmul.f32 v18, v4;
	[tilespmem:s19+$0xF220] =	vst v63  }
0x1ad: {  	v16 =	vld [tilespmem:s19+$0x3E20];
	v60 =	vadd.f32 v56, v55;
	v61 =	vmul.f32 v19, v3;
	v62 =	vmul.f32 v20, v4;
	[tilespmem:s19+$0xF230] =	vst v54  }
0x1ae: {  	v17 =	vld [tilespmem:s19+$0x9E20];
	v42 =	vmul.f32 v42, v4;
	v52 =	vmul.f32 v22, v4;
	[tilespmem:s19+$0xF240] =	vst v57;
	v63 =	vadd.f32 v59, v58  }
0x1af: {  	v11 =	vld [tilespmem:s19+$0x4220];
	v55 =	vmul.f32 v24, v4;
	[tilespmem:s19+$0xF250] =	vst v60;
	v53 =	vadd.f32 v62, v61;
	v54 =	vmul.f32 v23, v3  }
0x1b0: {  	v18 =	vld [tilespmem:s19+$0x3E30];
	v56 =	vadd.f32 v52, v21;
	v57 =	vmul.f32 v25, v3;
	v58 =	vmul.f32 v26, v4;
	[tilespmem:s19+$0xF260] =	vst v63  }
0x1b1: {  	v19 =	vld [tilespmem:s19+$0x9E30];
	v60 =	vmul.f32 v27, v3;
	v61 =	vmul.f32 v28, v4;
	[tilespmem:s19+$0xF270] =	vst v53;
	v59 =	vadd.f32 v55, v54  }
0x1b2: {  	v20 =	vld [tilespmem:s19+$0x3E40];
	v26 =	vmul.f32 v31, v3;
	v27 =	vmul.f32 v32, v4;
	[tilespmem:s19+$0xF600] =	vst v56;
	v62 =	vadd.f32 v58, v57  }
0x1b3: {  	v24 =	vmul.f32 v30, v4;
	v22 =	vld [tilespmem:s19+$0x3E50];
	v30 =	vmul.f32 v34, v4;
	v25 =	vadd.f32 v61, v60;
	[tilespmem:s19+$0xF610] =	vst v59  }
0x1b4: {  	v21 =	vld [tilespmem:s19+$0x9E40];
	v32 =	vmul.f32 v35, v3;
	v63 =	vmul.f32 v29, v3;
	v31 =	vadd.f32 v27, v26;
	[tilespmem:s19+$0xF620] =	vst v62  }
0x1b5: {  	v23 =	vld [tilespmem:s19+$0x9E50];
	v35 =	vmul.f32 v37, v3;
	v29 =	vmul.f32 v33, v3;
	v55 =	vadd.f32 v42, v41;
	[tilespmem:s19+$0xF630] =	vst v25  }
0x1b6: {  	v10 =	vmul.f32 v10, v4;
	v33 =	vmul.f32 v36, v4;
	v26 =	vld [tilespmem:s19+$0x3E70];
	v28 =	vadd.f32 v24, v63;
	[tilespmem:s19+$0xF650] =	vst v31  }
0x1b7: {  	v36 =	vmul.f32 v38, v4;
	v38 =	vmul.f32 v39, v3;
	v27 =	vld [tilespmem:s19+$0x9E70];
	v34 =	vadd.f32 v30, v29;
	[tilespmem:s19+$0xFA20] =	vst v55  }
0x1b8: {  	v39 =	vmul.f32 v40, v4;
	v53 =	vmul.f32 v43, v3;
	v41 =	vld [tilespmem:s19+$0x4230];
	v37 =	vadd.f32 v33, v32;
	[tilespmem:s19+$0xF640] =	vst v28  }
0x1b9: {  	v54 =	vmul.f32 v44, v4;
	v56 =	vmul.f32 v45, v3;
	v45 =	vld [tilespmem:s19+$0xA230];
	v40 =	vadd.f32 v36, v35;
	[tilespmem:s19+$0xF660] =	vst v34  }
0x1ba: {  	v57 =	vmul.f32 v46, v4;
	v60 =	vmul.f32 v48, v4;
	v24 =	vld [tilespmem:s19+$0x3E60];
	v52 =	vadd.f32 v39, v38;
	[tilespmem:s19+$0xF670] =	vst v37  }
0x1bb: {  	v43 =	vmul.f32 v16, v3;
	v44 =	vmul.f32 v17, v4;
	v25 =	vld [tilespmem:s19+$0x9E60];
	v58 =	vadd.f32 v54, v53;
	[tilespmem:s19+$0xFA00] =	vst v40  }
0x1bc: {  	v48 =	vmul.f32 v19, v4;
	v29 =	vld [tilespmem:s19+$0xA200];
	v59 =	vmul.f32 v47, v3;
	v61 =	vadd.f32 v57, v56;
	[tilespmem:s19+$0xFA10] =	vst v52  }
0x1bd: {  	v30 =	vld [tilespmem:s19+$0x4210];
	v62 =	vmul.f32 v49, v3;
	v63 =	vmul.f32 v50, v4;
	v50 =	vadd.f32 v44, v43;
	[tilespmem:s19+$0xFA30] =	vst v58  }
0x1be: {  	v31 =	vld [tilespmem:s19+$0xA210];
	v36 =	vmul.f32 v12, v3;
	v47 =	vmul.f32 v18, v3;
	v33 =	vadd.f32 v60, v59;
	[tilespmem:s19+$0xFA40] =	vst v61  }
0x1bf: {  	v12 =	vld [tilespmem:s19+$0xA220];
	v55 =	vmul.f32 v22, v3;
	v56 =	vmul.f32 v23, v4;
	v35 =	vadd.f32 v63, v62;
	[tilespmem:s19+$0xFE20] =	vst v50  }
0x1c0: {  	v39 =	vmul.f32 v14, v3;
	v49 =	vld [tilespmem:s19+$0x4240];
	v34 =	vmul.f32 v51, v3;
	v54 =	vadd.f32 v48, v47;
	[tilespmem:s19+$0xFA50] =	vst v33  }
0x1c1: {  	v53 =	vld [tilespmem:s19+$0xA240];
	v37 =	vmul.f32 v13, v4;
	v40 =	vmul.f32 v15, v4;
	v62 =	vadd.f32 v56, v55;
	[tilespmem:s19+$0xFA60] =	vst v35  }
0x1c2: {  	v57 =	vld [tilespmem:s19+$0x4250];
	v51 =	vmul.f32 v20, v3;
	v52 =	vmul.f32 v21, v4;
	v38 =	vadd.f32 v10, v34;
	[tilespmem:s19+$0xFE30] =	vst v54  }
0x1c3: {  	v28 =	vld [tilespmem:s19+$0x4200];
	v63 =	vmul.f32 v26, v3;
	v41 =	vmul.f32 v41, v3;
	v42 =	vadd.f32 v37, v36;
	[tilespmem:s19+$0xFE50] =	vst v62  }
0x1c4: {  	v61 =	vld [tilespmem:s19+$0xA250];
	v46 =	vadd.f32 v40, v39;
	v59 =	vmul.f32 v24, v3;
	v60 =	vmul.f32 v25, v4;
	[tilespmem:s19+$0xFA70] =	vst v38  }
0x1c5: {  	v58 =	vadd.f32 v52, v51;
	v35 =	vld [tilespmem:s19+$0x4270];
	v37 =	vmul.f32 v11, v3;
	v24 =	vmul.f32 v27, v4;
	[tilespmem:s19+$0xFE00] =	vst v42  }
0x1c6: {  	v39 =	vld [tilespmem:s19+$0xA270];
	v33 =	vmul.f32 v30, v3;
	v34 =	vmul.f32 v31, v4;
	[tilespmem:s19+$0xFE10] =	vst v46;
	v26 =	vadd.f32 v60, v59  }
0x1c7: {  	v25 =	vld [tilespmem:s19+$0x4260];
	[tilespmem:s19+$0xFE40] =	vst v58;
	v38 =	vmul.f32 v12, v4;
	v42 =	vmul.f32 v45, v4;
	v32 =	vadd.f32 v24, v63  }
0x1c8: {  	v27 =	vmul.f32 v28, v3;
	v28 =	vmul.f32 v29, v4;
	v29 =	vld [tilespmem:s19+$0xA260];
	v40 =	vadd.f32 v34, v33;
	[tilespmem:s19+$0xFE60] =	vst v26  }
0x1c9: {  	v44 =	vmul.f32 v49, v3;
	v45 =	vmul.f32 v53, v4;
	v43 =	vadd.f32 v38, v37;
	[tilespmem:s19+$0xFE70] =	vst v32  }
0x1ca: {  	v46 =	vadd.f32 v42, v41;
	[tilespmem:s19+$0x10210] =	vst v40  }
0x1cb: {  	v47 =	vmul.f32 v57, v3;
	v48 =	vmul.f32 v61, v4;
	v49 =	vadd.f32 v45, v44;
	[tilespmem:s19+$0x10220] =	vst v43  }
0x1cc: {  	v36 =	vadd.f32 v28, v27;
	v53 =	vmul.f32 v35, v3;
	v54 =	vmul.f32 v39, v4;
	[tilespmem:s19+$0x10230] =	vst v46  }
0x1cd: {  	v52 =	vadd.f32 v48, v47;
	v50 =	vmul.f32 v25, v3;
	[tilespmem:s19+$0x10240] =	vst v49;
	v51 =	vmul.f32 v29, v4  }
0x1ce: {  	[tilespmem:s19+$0x10200] =	vst v36;
	v56 =	vadd.f32 v54, v53  }
0x1cf: {  	[tilespmem:s19+$0x10250] =	vst v52;
	v55 =	vadd.f32 v51, v50  }
0x1d0: {  	s18 =	sadd.s32 s18, s4;
	[tilespmem:s19+$0x10270] =	vst v56  }
0x1d1: {  	s20 =	sor.u32 $0x4400, s18;
	[tilespmem:s19+$0x10260] =	vst v55  }
0x1d2: {  	v5 =	vld [tilespmem:s20+$0x200]  }
0x1d3: {  	v6 =	vld [tilespmem:s20+$0x6200];
	_ =	sdelay $0x4  }
0x1d4: {  	v5 =	vmul.f32 v5, v3;
	v6 =	vmul.f32 v6, v4;
	_ =	sdelay $0x1  }
0x1d5: {  	v5 =	vadd.f32 v6, v5;
	_ =	sdelay $0x1  }
0x1d6: {  	[tilespmem:s20+$0xC200] =	vst v5;
	s20 =	sor.u32 $0x4410, s18  }
0x1d7: {  	v5 =	vld [tilespmem:s20+$0x200]  }
0x1d8: {  	v57 =	vld [tilespmem:s20+$0x6200];
	_ =	sdelay $0x4  }
0x1d9: {  	v5 =	vmul.f32 v5, v3;
	v6 =	vmul.f32 v57, v4;
	_ =	sdelay $0x1  }
0x1da: {  	v5 =	vadd.f32 v6, v5;
	_ =	sdelay $0x1  }
0x1db: {  	[tilespmem:s20+$0xC200] =	vst v5;
	s20 =	sor.u32 $0x4420, s18  }
0x1dc: {  	v5 =	vld [tilespmem:s20+$0x200]  }
0x1dd: {  	v58 =	vld [tilespmem:s20+$0x6200];
	_ =	sdelay $0x4  }
0x1de: {  	v5 =	vmul.f32 v5, v3;
	v6 =	vmul.f32 v58, v4;
	_ =	sdelay $0x1  }
0x1df: {  	v5 =	vadd.f32 v6, v5;
	_ =	sdelay $0x1  }
0x1e0: {  	[tilespmem:s20+$0xC200] =	vst v5;
	s20 =	sor.u32 $0x4430, s18  }
0x1e1: {  	v5 =	vld [tilespmem:s20+$0x200]  }
0x1e2: {  	v59 =	vld [tilespmem:s20+$0x6200];
	_ =	sdelay $0x4  }
0x1e3: {  	v5 =	vmul.f32 v5, v3;
	v6 =	vmul.f32 v59, v4;
	_ =	sdelay $0x1  }
0x1e4: {  	v5 =	vadd.f32 v6, v5;
	_ =	sdelay $0x1  }
0x1e5: {  	[tilespmem:s20+$0xC200] =	vst v5;
	s20 =	sor.u32 $0x4440, s18  }
0x1e6: {  	v5 =	vld [tilespmem:s20+$0x200]  }
0x1e7: {  	v60 =	vld [tilespmem:s20+$0x6200];
	_ =	sdelay $0x4  }
0x1e8: {  	v5 =	vmul.f32 v5, v3;
	v6 =	vmul.f32 v60, v4;
	_ =	sdelay $0x1  }
0x1e9: {  	v5 =	vadd.f32 v6, v5;
	_ =	sdelay $0x1  }
0x1ea: {  	[tilespmem:s20+$0xC200] =	vst v5;
	s20 =	sor.u32 $0x4450, s18  }
0x1eb: {  	v5 =	vld [tilespmem:s20+$0x200]  }
0x1ec: {  	v61 =	vld [tilespmem:s20+$0x6200];
	_ =	sdelay $0x4  }
0x1ed: {  	v5 =	vmul.f32 v5, v3;
	v6 =	vmul.f32 v61, v4;
	_ =	sdelay $0x1  }
0x1ee: {  	v5 =	vadd.f32 v6, v5;
	_ =	sdelay $0x1  }
0x1ef: {  	[tilespmem:s20+$0xC200] =	vst v5;
	s20 =	sor.u32 $0x4460, s18  }
0x1f0: {  	v5 =	vld [tilespmem:s20+$0x200]  }
0x1f1: {  	v62 =	vld [tilespmem:s20+$0x6200];
	_ =	sdelay $0x4  }
0x1f2: {  	v5 =	vmul.f32 v5, v3;
	v6 =	vmul.f32 v62, v4;
	_ =	sdelay $0x1  }
0x1f3: {  	v5 =	vadd.f32 v6, v5;
	_ =	sdelay $0x1  }
0x1f4: {  	s18 =	sor.u32 $0x4470, s18;
	[tilespmem:s20+$0xC200] =	vst v5  }
0x1f5: {  	v5 =	vld [tilespmem:s18+$0x200]  }
0x1f6: {  	v63 =	vld [tilespmem:s18+$0x6200];
	_ =	sdelay $0x3  }
0x1f7: {  	p0 =	sne.s32 s17, $0xF  }
.Ltmp1:
0x1f8: {  	v3 =	vmul.f32 v5, v3;
	v4 =	vmul.f32 v63, v4;
	(pc) =	sbr.rel @p0 .LBB2_4-.Ltmp1, $3  }
0x1f9: {  	_ = 	snop  }
0x1fa: {  	v3 =	vadd.f32 v4, v3;
	_ =	sdelay $0x1  }
0x1fb: {  	s17 =	sadd.s32 $0x1, s17;
	s4 =	sadd.s32 $0x80, s4;
	[tilespmem:s18+$0xC200] =	vst v3  }
0x1fc: {  	s18 =	simm.s32 $0x0  }
0x1fd: {  	[hbm4b:s11+s18] =	stream.linear.scatter [tilespmem:s30], [sflag:$0x2], $0x3000, $0x38;
	[tilespmem:$0x12200] =	vst v63  }
0x1fe: {  	_ =	swait.ge [sflag:s0], $0x3000  }
0x1ff: {  	[sflag:s0] =	ssyncset.done $0x0  }
0x200: {  	[sflag:s0] =	ssyncadd.s32 $0xFFFFD000  }
0x201: {  	_ =	swait.ge [sflag:s0], $0x3000  }
0x202: {  	[sflag:s0] =	ssyncset.done $0x0  }
0x203: {  	[sflag:s0] =	ssyncadd.s32 $0xFFFFD000  }
0x204: {  	v3 =	vld [tilespmem:$0x130];
	_ =	sdelay $0x4  }
0x205: {  	v4 =	vshrl.u32 v3, $0x3  }
0x206: {  	v4 =	vmul.u32 $0x30, v4  }
0x207: {  	v3 =	vand.u32 $0x7, v3  }
0x208: {  	v3 =	vor.u32 v3, v4  }
0x209: {  	v4 =	vperm.xlane v3, v0;
	_ =	sdelay $0x1  }
0x20a: {  	v4 =	vadd.s32 v1, v4;
	_ =	sdelay $0x3  }
0x20b: {  	s4 =	simm.s32 $0x3200;
	v3 =	vperm.xlane v3, v2  }
0x20c: {  	[tilespmem:s4], [sflag:$0x1] =	stream.indirect_vreg.gather [hbm4b:s3+s18], $0x80, v4, vm0, $0xb8;
	[tilespmem:$0x12200] =	vst v63  }
0x20d: {  	s17 =	simm.s32 $0x3A00;
	v3 =	vadd.s32 v1, v3  }
0x20e: {  	[tilespmem:s17], [sflag:$0x1] =	stream.indirect_vreg.gather [hbm4b:s8+s18], $0x80, v4, vm0, $0xb8;
	[tilespmem:$0x12200] =	vst v63  }
0x20f: {  	s19 =	simm.s32 $0x4200  }
0x210: {  	[tilespmem:s19], [sflag:$0x1] =	stream.indirect_vreg.gather [hbm4b:s10+s18], $0x80, v4, vm0, $0xb8;
	[tilespmem:$0x12200] =	vst v63  }
0x211: {  	s20 =	simm.s32 $0x4A00  }
0x212: {  	[tilespmem:s20], [sflag:$0x1] =	stream.indirect_vreg.gather [hbm4b:s3+s18], $0x80, v3, vm0, $0xb8;
	[tilespmem:$0x12200] =	vst v63  }
0x213: {  	s17 =	simm.s32 $0x5200  }
0x214: {  	[tilespmem:s17], [sflag:$0x1] =	stream.indirect_vreg.gather [hbm4b:s8+s18], $0x80, v3, vm0, $0xb8;
	[tilespmem:$0x12200] =	vst v63  }
0x215: {  	_ = 	snop  }
0x216: {  	[tilespmem:s21], [sflag:$0x1] =	stream.indirect_vreg.gather [hbm4b:s10+s18], $0x80, v3, vm0, $0xb8;
	[tilespmem:$0x12200] =	vst v63  }
0x217: {  	v3 =	vld [tilespmem:$0x1B0];
	_ =	sdelay $0x4  }
0x218: {  	v4 =	vshrl.u32 v3, $0x3  }
0x219: {  	v4 =	vmul.u32 $0x30, v4  }
0x21a: {  	v3 =	vand.u32 $0x7, v3  }
0x21b: {  	v3 =	vor.u32 v3, v4  }
0x21c: {  	v4 =	vperm.xlane v3, v0;
	_ =	sdelay $0x1  }
0x21d: {  	v4 =	vadd.s32 v1, v4;
	_ =	sdelay $0x3  }
0x21e: {  	v3 =	vperm.xlane v3, v2  }
0x21f: {  	[tilespmem:s22], [sflag:$0x1] =	stream.indirect_vreg.gather [hbm4b:s3+s18], $0x80, v4, vm0, $0xb8;
	[tilespmem:$0x12200] =	vst v63  }
0x220: {  	v3 =	vadd.s32 v1, v3  }
0x221: {  	[tilespmem:s23], [sflag:$0x1] =	stream.indirect_vreg.gather [hbm4b:s8+s18], $0x80, v4, vm0, $0xb8;
	[tilespmem:$0x12200] =	vst v63  }
0x222: {  	_ = 	snop  }
0x223: {  	[tilespmem:s24], [sflag:$0x1] =	stream.indirect_vreg.gather [hbm4b:s10+s18], $0x80, v4, vm0, $0xb8;
	[tilespmem:$0x12200] =	vst v63  }
0x224: {  	_ = 	snop  }
0x225: {  	[tilespmem:s25], [sflag:$0x1] =	stream.indirect_vreg.gather [hbm4b:s3+s18], $0x80, v3, vm0, $0xb8;
	[tilespmem:$0x12200] =	vst v63  }
0x226: {  	_ = 	snop  }
0x227: {  	[tilespmem:s26], [sflag:$0x1] =	stream.indirect_vreg.gather [hbm4b:s8+s18], $0x80, v3, vm0, $0xb8;
	[tilespmem:$0x12200] =	vst v63  }
0x228: {  	s19 =	simm.s32 $0x0  }
0x229: {  	[tilespmem:s28], [sflag:$0x1] =	stream.indirect_vreg.gather [hbm4b:s10+s18], $0x80, v3, vm0, $0xb8;
	[tilespmem:$0x12200] =	vst v63  }
0x22a: {  	s4 =	smul.u32 $0x1800, s19;
	_ =	swait.ge [sflag:s31], $0x3000  }
0x22b: {  	s17 =	sand.u32 $0x380, s18;
	[sflag:s31] =	ssyncset.done $0x0  }
0x22c: {  	s17 =	sor.u32 s17, s4;
	[sflag:s31] =	ssyncadd.s32 $0xFFFFD000  }
0x22d: {  	v3 =	vld [tilespmem:s17+$0x200]  }
0x22e: {  	v5 =	vld [tilespmem:s17+$0x210]  }
0x22f: {  	v4 =	vld [tilespmem:s17+$0x6210]  }
0x230: {  	v7 =	vld [tilespmem:s17+$0x220]  }
0x231: {  	v6 =	vld [tilespmem:s17+$0x6220]  }
0x232: {  	v9 =	vld [tilespmem:s17+$0x230]  }
0x233: {  	v8 =	vld [tilespmem:s17+$0x6230]  }
0x234: {  	v11 =	vld [tilespmem:s17+$0x240]  }
0x235: {  	v10 =	vld [tilespmem:s17+$0x6240]  }
0x236: {  	v12 =	vld [tilespmem:s17+$0x250]  }
0x237: {  	v13 =	vld [tilespmem:s17+$0x260]  }
0x238: {  	v14 =	vld [tilespmem:s17+$0x270]  }
0x239: {  	v15 =	vld [tilespmem:s17+$0x600]  }
0x23a: {  	v16 =	vld [tilespmem:s17+$0x610]  }
0x23b: {  	v17 =	vld [tilespmem:s17+$0x620]  }
0x23c: {  	v18 =	vld [tilespmem:s17+$0x630]  }
0x23d: {  	v19 =	vld [tilespmem:s17+$0x640]  }
0x23e: {  	v20 =	vld [tilespmem:s17+$0x650]  }
0x23f: {  	v21 =	vld [tilespmem:s17+$0x660]  }
0x240: {  	v22 =	vld [tilespmem:s17+$0x670]  }
0x241: {  	v23 =	vld [tilespmem:s17+$0xA00]  }
0x242: {  	v24 =	vld [tilespmem:s17+$0xA10]  }
0x243: {  	v25 =	vld [tilespmem:s17+$0xA20]  }
0x244: {  	v26 =	vld [tilespmem:s17+$0xA30]  }
0x245: {  	v27 =	vld [tilespmem:s17+$0xA40]  }
0x246: {  	v28 =	vld [tilespmem:s17+$0xA50]  }
0x247: {  	v29 =	vld [tilespmem:s17+$0xA60]  }
0x248: {  	v30 =	vld [tilespmem:s17+$0xA70]  }
0x249: {  	v33 =	vld [tilespmem:s17+$0xE00]  }
0x24a: {  	v34 =	vld [tilespmem:s17+$0xE10]  }
0x24b: {  	v35 =	vld [tilespmem:s17+$0xE20]  }
0x24c: {  	v36 =	vld [tilespmem:s17+$0xE30]  }
0x24d: {  	v37 =	vld [tilespmem:s17+$0xE40]  }
0x24e: {  	v38 =	vld [tilespmem:s17+$0xE50]  }
0x24f: {  	v39 =	vld [tilespmem:s17+$0xE60]  }
0x250: {  	v40 =	vld [tilespmem:s17+$0xE70]  }
0x251: {  	v41 =	vld [tilespmem:s17+$0x1200]  }
0x252: {  	v42 =	vld [tilespmem:s17+$0x1210]  }
0x253: {  	v43 =	vld [tilespmem:s17+$0x1220]  }
0x254: {  	v44 =	vld [tilespmem:s17+$0x1230]  }
0x255: {  	v45 =	vld [tilespmem:s17+$0x1240]  }
0x256: {  	v46 =	vld [tilespmem:s17+$0x1250]  }
0x257: {  	s20 =	simm.s32 $0x20;
	v47 =	vld [tilespmem:s17+$0x1260]  }
0x258: {  	v49 =	vmov s20;
	s4 =	simm.s32 $0x1;
	v48 =	vld [tilespmem:s17+$0x1600]  }
.LBB2_6:
0x259: {  	p0 =	sne.s32 s4, $0xF;
	v50 =	vld [tilespmem:s17+$0x1610]  }
0x25a: {  	v51 =	vld [tilespmem:s17+$0x7610]  }
0x25b: {  	v52 =	vld [tilespmem:s17+$0x1620]  }
0x25c: {  	v53 =	vld [tilespmem:s17+$0x1630]  }
0x25d: {  	v32 =	vld.idx.msk [tilespmem:v49+s2+$0x0], $0xffff  }
0x25e: {  	v31 =	vld.idx.msk [tilespmem:v49+s16+$0x0], $0xffff  }
0x25f: {  	v49 =	vld [tilespmem:s17+$0x7630]  }
0x260: {  	v54 =	vld [tilespmem:s17+$0x7620]  }
0x261: {  	v55 =	vld [tilespmem:s17+$0x7600]  }
0x262: {  	v56 =	vld [tilespmem:s17+$0x1270]  }
0x263: {  	v50 =	vmul.f32 v50, v32;
	v52 =	vmul.f32 v52, v32;
	v57 =	vld [tilespmem:s17+$0x7270]  }
0x264: {  	v53 =	vmul.f32 v53, v32;
	v58 =	vld [tilespmem:s17+$0x7260];
	v49 =	vmul.f32 v49, v31  }
0x265: {  	v51 =	vmul.f32 v51, v31;
	v59 =	vld [tilespmem:s17+$0x7250];
	v54 =	vmul.f32 v54, v31  }
0x266: {  	v48 =	vmul.f32 v48, v32;
	v60 =	vld [tilespmem:s17+$0x7240];
	v55 =	vmul.f32 v55, v31;
	v49 =	vadd.f32 v49, v53  }
0x267: {  	v50 =	vadd.f32 v51, v50;
	v53 =	vld [tilespmem:s17+$0x7230];
	v56 =	vmul.f32 v56, v32;
	v51 =	vadd.f32 v54, v52  }
0x268: {  	v47 =	vmul.f32 v47, v32;
	v52 =	vld [tilespmem:s17+$0x7220];
	v54 =	vmul.f32 v57, v31;
	v48 =	vadd.f32 v55, v48;
	[tilespmem:s17+$0xD630] =	vst v49  }
0x269: {  	v46 =	vmul.f32 v46, v32;
	v49 =	vld [tilespmem:s17+$0x7210];
	v55 =	vmul.f32 v58, v31;
	[tilespmem:s17+$0xD620] =	vst v51  }
0x26a: {  	v45 =	vmul.f32 v45, v32;
	v51 =	vld [tilespmem:s17+$0x7200];
	v57 =	vmul.f32 v59, v31;
	v54 =	vadd.f32 v54, v56;
	[tilespmem:s17+$0xD610] =	vst v50  }
0x26b: {  	v44 =	vmul.f32 v44, v32;
	v50 =	vld [tilespmem:s17+$0x6E70];
	v56 =	vmul.f32 v60, v31;
	v47 =	vadd.f32 v55, v47;
	[tilespmem:s17+$0xD600] =	vst v48  }
0x26c: {  	v43 =	vmul.f32 v43, v32;
	v48 =	vld [tilespmem:s17+$0x6E60];
	v53 =	vmul.f32 v53, v31;
	v46 =	vadd.f32 v57, v46;
	[tilespmem:s17+$0xD270] =	vst v54  }
0x26d: {  	v42 =	vmul.f32 v42, v32;
	v54 =	vld [tilespmem:s17+$0x6E50];
	v52 =	vmul.f32 v52, v31;
	v45 =	vadd.f32 v56, v45;
	[tilespmem:s17+$0xD260] =	vst v47  }
0x26e: {  	v41 =	vmul.f32 v41, v32;
	v47 =	vld [tilespmem:s17+$0x6E40];
	v49 =	vmul.f32 v49, v31;
	v44 =	vadd.f32 v53, v44;
	[tilespmem:s17+$0xD250] =	vst v46  }
0x26f: {  	v40 =	vmul.f32 v40, v32;
	v46 =	vld [tilespmem:s17+$0x6E30];
	v51 =	vmul.f32 v51, v31;
	v43 =	vadd.f32 v52, v43;
	[tilespmem:s17+$0xD240] =	vst v45  }
0x270: {  	v39 =	vmul.f32 v39, v32;
	v45 =	vld [tilespmem:s17+$0x6E20];
	v50 =	vmul.f32 v50, v31;
	v42 =	vadd.f32 v49, v42;
	[tilespmem:s17+$0xD230] =	vst v44  }
0x271: {  	v38 =	vmul.f32 v38, v32;
	v44 =	vld [tilespmem:s17+$0x6E10];
	v48 =	vmul.f32 v48, v31;
	v41 =	vadd.f32 v51, v41;
	[tilespmem:s17+$0xD220] =	vst v43  }
0x272: {  	v37 =	vmul.f32 v37, v32;
	v43 =	vld [tilespmem:s17+$0x6E00];
	v49 =	vmul.f32 v54, v31;
	v40 =	vadd.f32 v50, v40;
	[tilespmem:s17+$0xD210] =	vst v42  }
0x273: {  	v36 =	vmul.f32 v36, v32;
	v42 =	vld [tilespmem:s17+$0x6A70];
	v47 =	vmul.f32 v47, v31;
	v39 =	vadd.f32 v48, v39;
	[tilespmem:s17+$0xD200] =	vst v41  }
0x274: {  	v35 =	vmul.f32 v35, v32;
	v41 =	vld [tilespmem:s17+$0x6A60];
	v46 =	vmul.f32 v46, v31;
	v38 =	vadd.f32 v49, v38;
	[tilespmem:s17+$0xCE70] =	vst v40  }
0x275: {  	v34 =	vmul.f32 v34, v32;
	v40 =	vld [tilespmem:s17+$0x6A50];
	v45 =	vmul.f32 v45, v31;
	v37 =	vadd.f32 v47, v37;
	[tilespmem:s17+$0xCE60] =	vst v39  }
0x276: {  	v33 =	vmul.f32 v33, v32;
	v39 =	vld [tilespmem:s17+$0x6A40];
	v44 =	vmul.f32 v44, v31;
	v36 =	vadd.f32 v46, v36;
	[tilespmem:s17+$0xCE50] =	vst v38  }
0x277: {  	v30 =	vmul.f32 v30, v32;
	v38 =	vld [tilespmem:s17+$0x6A30];
	v43 =	vmul.f32 v43, v31;
	v35 =	vadd.f32 v45, v35;
	[tilespmem:s17+$0xCE40] =	vst v37  }
0x278: {  	v29 =	vmul.f32 v29, v32;
	v37 =	vld [tilespmem:s17+$0x6A20];
	v42 =	vmul.f32 v42, v31;
	v34 =	vadd.f32 v44, v34;
	[tilespmem:s17+$0xCE30] =	vst v36  }
0x279: {  	v28 =	vmul.f32 v28, v32;
	v36 =	vld [tilespmem:s17+$0x6A10];
	v41 =	vmul.f32 v41, v31;
	v33 =	vadd.f32 v43, v33;
	[tilespmem:s17+$0xCE20] =	vst v35  }
0x27a: {  	v27 =	vmul.f32 v27, v32;
	v35 =	vld [tilespmem:s17+$0x6A00];
	v40 =	vmul.f32 v40, v31;
	v30 =	vadd.f32 v42, v30;
	[tilespmem:s17+$0xCE10] =	vst v34  }
0x27b: {  	v26 =	vmul.f32 v26, v32;
	v34 =	vld [tilespmem:s17+$0x6670];
	v39 =	vmul.f32 v39, v31;
	v29 =	vadd.f32 v41, v29;
	[tilespmem:s17+$0xCE00] =	vst v33  }
0x27c: {  	v25 =	vmul.f32 v25, v32;
	v33 =	vld [tilespmem:s17+$0x6660];
	v38 =	vmul.f32 v38, v31;
	v28 =	vadd.f32 v40, v28;
	[tilespmem:s17+$0xCA70] =	vst v30  }
0x27d: {  	v24 =	vmul.f32 v24, v32;
	v30 =	vld [tilespmem:s17+$0x6650];
	v37 =	vmul.f32 v37, v31;
	v27 =	vadd.f32 v39, v27;
	[tilespmem:s17+$0xCA60] =	vst v29  }
0x27e: {  	v23 =	vmul.f32 v23, v32;
	v29 =	vld [tilespmem:s17+$0x6640];
	v36 =	vmul.f32 v36, v31;
	v26 =	vadd.f32 v38, v26;
	[tilespmem:s17+$0xCA50] =	vst v28  }
0x27f: {  	v22 =	vmul.f32 v22, v32;
	v28 =	vld [tilespmem:s17+$0x6630];
	v35 =	vmul.f32 v35, v31;
	v25 =	vadd.f32 v37, v25;
	[tilespmem:s17+$0xCA40] =	vst v27  }
0x280: {  	v21 =	vmul.f32 v21, v32;
	v27 =	vld [tilespmem:s17+$0x6620];
	v34 =	vmul.f32 v34, v31;
	v24 =	vadd.f32 v36, v24;
	[tilespmem:s17+$0xCA30] =	vst v26  }
0x281: {  	v20 =	vmul.f32 v20, v32;
	v26 =	vld [tilespmem:s17+$0x6610];
	v33 =	vmul.f32 v33, v31;
	v23 =	vadd.f32 v35, v23;
	[tilespmem:s17+$0xCA20] =	vst v25  }
0x282: {  	v19 =	vmul.f32 v19, v32;
	v25 =	vld [tilespmem:s17+$0x6600];
	v30 =	vmul.f32 v30, v31;
	v22 =	vadd.f32 v34, v22;
	[tilespmem:s17+$0xCA10] =	vst v24  }
0x283: {  	v18 =	vmul.f32 v18, v32;
	v24 =	vld [tilespmem:s17+$0x6270];
	v29 =	vmul.f32 v29, v31;
	v21 =	vadd.f32 v33, v21;
	[tilespmem:s17+$0xCA00] =	vst v23  }
0x284: {  	v17 =	vmul.f32 v17, v32;
	v23 =	vld [tilespmem:s17+$0x6260];
	v28 =	vmul.f32 v28, v31;
	v20 =	vadd.f32 v30, v20;
	[tilespmem:s17+$0xC670] =	vst v22  }
0x285: {  	v16 =	vmul.f32 v16, v32;
	v22 =	vld [tilespmem:s17+$0x6250];
	v27 =	vmul.f32 v27, v31;
	v19 =	vadd.f32 v29, v19;
	[tilespmem:s17+$0xC660] =	vst v21  }
0x286: {  	v15 =	vmul.f32 v15, v32;
	v21 =	vmul.f32 v26, v31;
	v18 =	vadd.f32 v28, v18;
	[tilespmem:s17+$0xC650] =	vst v20;
	v20 =	vld [tilespmem:s17+$0x1640]  }
0x287: {  	v14 =	vmul.f32 v14, v32;
	v25 =	vmul.f32 v25, v31;
	v17 =	vadd.f32 v27, v17;
	[tilespmem:s17+$0xC640] =	vst v19;
	v19 =	vld [tilespmem:s17+$0x7640]  }
0x288: {  	v13 =	vmul.f32 v13, v32;
	v24 =	vmul.f32 v24, v31;
	v16 =	vadd.f32 v21, v16;
	[tilespmem:s17+$0xC630] =	vst v18;
	v18 =	vld [tilespmem:s17+$0x1650]  }
0x289: {  	v12 =	vmul.f32 v12, v32;
	v21 =	vmul.f32 v23, v31;
	v15 =	vadd.f32 v25, v15;
	[tilespmem:s17+$0xC620] =	vst v17;
	v17 =	vld [tilespmem:s17+$0x7650]  }
0x28a: {  	v11 =	vmul.f32 v11, v32;
	v22 =	vmul.f32 v22, v31;
	v14 =	vadd.f32 v24, v14;
	[tilespmem:s17+$0xC610] =	vst v16;
	v16 =	vld [tilespmem:s17+$0x1660]  }
0x28b: {  	s19 =	sshrl.u32 s4, $0x3;
	v9 =	vmul.f32 v9, v32;
	v10 =	vmul.f32 v10, v31;
	v13 =	vadd.f32 v21, v13;
	[tilespmem:s17+$0xC600] =	vst v15;
	v15 =	vld [tilespmem:s17+$0x7660]  }
0x28c: {  	s18 =	sadd.s32 $0x80, s18;
	s19 =	smul.u32 $0x1800, s19;
	v7 =	vmul.f32 v7, v32;
	v8 =	vmul.f32 v8, v31;
	v12 =	vadd.f32 v22, v12;
	[tilespmem:s17+$0xC270] =	vst v14;
	v14 =	vld [tilespmem:s17+$0x1670]  }
0x28d: {  	s20 =	sand.u32 $0x380, s18;
	v21 =	vmul.f32 v5, v32;
	v5 =	vmul.f32 v6, v31;
	v6 =	vadd.f32 v10, v11;
	[tilespmem:s17+$0xC260] =	vst v13;
	v10 =	vld [tilespmem:s17+$0x7670]  }
0x28e: {  	s19 =	sor.u32 s20, s19;
	v4 =	vmul.f32 v4, v31;
	v8 =	vadd.f32 v8, v9;
	v9 =	vmul.f32 v20, v32;
	v11 =	vld [tilespmem:s17+$0x6200];
	[tilespmem:s17+$0xC250] =	vst v12  }
0x28f: {  	v7 =	vadd.f32 v5, v7;
	v13 =	vmul.f32 v18, v32;
	v12 =	vld [tilespmem:s19+$0x200];
	[tilespmem:s17+$0xC240] =	vst v6;
	v6 =	vmul.f32 v19, v31  }
0x290: {  	v18 =	vadd.f32 v4, v21;
	v16 =	vmul.f32 v16, v32;
	v5 =	vld [tilespmem:s19+$0x210];
	[tilespmem:s17+$0xC230] =	vst v8;
	v8 =	vmul.f32 v17, v31  }
0x291: {  	v15 =	vmul.f32 v15, v31;
	v4 =	vld [tilespmem:s19+$0x6210];
	[tilespmem:s17+$0xC220] =	vst v7;
	v9 =	vadd.f32 v6, v9;
	v14 =	vmul.f32 v14, v32  }
0x292: {  	v17 =	vmul.f32 v3, v32;
	v7 =	vld [tilespmem:s19+$0x220];
	[tilespmem:s17+$0xC210] =	vst v18;
	v18 =	vadd.f32 v8, v13;
	v8 =	vmul.f32 v10, v31  }
0x293: {  	v6 =	vld [tilespmem:s19+$0x6220];
	v10 =	vmul.f32 v11, v31;
	[tilespmem:s17+$0xD640] =	vst v9;
	v11 =	vadd.f32 v15, v16  }
0x294: {  	v9 =	vld [tilespmem:s19+$0x230];
	[tilespmem:s17+$0xD650] =	vst v18;
	v13 =	vadd.f32 v8, v14;
	v3 =	vmov v12  }
0x295: {  	v8 =	vld [tilespmem:s19+$0x6230];
	v12 =	vadd.f32 v10, v17;
	[tilespmem:s17+$0xD660] =	vst v11  }
0x296: {  	v11 =	vld [tilespmem:s19+$0x240];
	[tilespmem:s17+$0xD670] =	vst v13  }
0x297: {  	v10 =	vld [tilespmem:s19+$0x6240];
	[tilespmem:s17+$0xC200] =	vst v12;
	s17 =	smov.u32 s19  }
0x298: {  	v12 =	vld [tilespmem:s17+$0x250]  }
0x299: {  	v13 =	vld [tilespmem:s17+$0x260]  }
0x29a: {  	v14 =	vld [tilespmem:s17+$0x270]  }
0x29b: {  	v15 =	vld [tilespmem:s17+$0x600]  }
0x29c: {  	v16 =	vld [tilespmem:s17+$0x610]  }
0x29d: {  	v17 =	vld [tilespmem:s17+$0x620]  }
0x29e: {  	v18 =	vld [tilespmem:s17+$0x630]  }
0x29f: {  	v19 =	vld [tilespmem:s17+$0x640]  }
0x2a0: {  	v20 =	vld [tilespmem:s17+$0x650]  }
0x2a1: {  	v21 =	vld [tilespmem:s17+$0x660]  }
0x2a2: {  	v22 =	vld [tilespmem:s17+$0x670]  }
0x2a3: {  	v23 =	vld [tilespmem:s17+$0xA00]  }
0x2a4: {  	v24 =	vld [tilespmem:s17+$0xA10]  }
0x2a5: {  	v25 =	vld [tilespmem:s17+$0xA20]  }
0x2a6: {  	v26 =	vld [tilespmem:s17+$0xA30]  }
0x2a7: {  	v27 =	vld [tilespmem:s17+$0xA40]  }
0x2a8: {  	v28 =	vld [tilespmem:s17+$0xA50]  }
0x2a9: {  	v29 =	vld [tilespmem:s17+$0xA60]  }
0x2aa: {  	v30 =	vld [tilespmem:s17+$0xA70]  }
0x2ab: {  	v33 =	vld [tilespmem:s17+$0xE00]  }
0x2ac: {  	v34 =	vld [tilespmem:s17+$0xE10]  }
0x2ad: {  	v35 =	vld [tilespmem:s17+$0xE20]  }
0x2ae: {  	v36 =	vld [tilespmem:s17+$0xE30]  }
0x2af: {  	v37 =	vld [tilespmem:s17+$0xE40]  }
0x2b0: {  	v38 =	vld [tilespmem:s17+$0xE50]  }
0x2b1: {  	v39 =	vld [tilespmem:s17+$0xE60]  }
0x2b2: {  	v40 =	vld [tilespmem:s17+$0xE70]  }
0x2b3: {  	v41 =	vld [tilespmem:s17+$0x1200]  }
0x2b4: {  	v42 =	vld [tilespmem:s17+$0x1210]  }
0x2b5: {  	v43 =	vld [tilespmem:s17+$0x1220]  }
.Ltmp2:
0x2b6: {  	v44 =	vld [tilespmem:s17+$0x1230];
	(pc) =	sbr.rel @p0 .LBB2_6-.Ltmp2, $4  }
0x2b7: {  	v45 =	vld [tilespmem:s17+$0x1240]  }
0x2b8: {  	v46 =	vld [tilespmem:s17+$0x1250]  }
0x2b9: {  	s19 =	sadd.s32 $0x20, s4;
	v47 =	vld [tilespmem:s17+$0x1260]  }
0x2ba: {  	s4 =	sadd.s32 $0x1, s4;
	v49 =	vmov s19;
	v48 =	vld [tilespmem:s17+$0x1600]  }
0x2bb: {  	v50 =	vld [tilespmem:s17+$0x1610]  }
0x2bc: {  	v51 =	vld [tilespmem:s17+$0x7610]  }
0x2bd: {  	v52 =	vld [tilespmem:s17+$0x1620]  }
0x2be: {  	v53 =	vld [tilespmem:s17+$0x1630]  }
0x2bf: {  	v31 =	vld.idx.msk [tilespmem:v49+s2+$0x0], $0xffff  }
0x2c0: {  	v32 =	vld.idx.msk [tilespmem:v49+s16+$0x0], $0xffff  }
0x2c1: {  	v61 =	vld [tilespmem:s17+$0x7630]  }
0x2c2: {  	v54 =	vld [tilespmem:s17+$0x7620]  }
0x2c3: {  	v55 =	vld [tilespmem:s17+$0x7600]  }
0x2c4: {  	v56 =	vld [tilespmem:s17+$0x1270]  }
0x2c5: {  	v57 =	vld [tilespmem:s17+$0x7270]  }
0x2c6: {  	v58 =	vld [tilespmem:s17+$0x7260];
	v53 =	vmul.f32 v53, v31;
	v49 =	vmul.f32 v61, v32  }
0x2c7: {  	v59 =	vld [tilespmem:s17+$0x7250];
	v52 =	vmul.f32 v52, v31;
	v54 =	vmul.f32 v54, v32  }
0x2c8: {  	v50 =	vmul.f32 v50, v31;
	v51 =	vmul.f32 v51, v32  }
0x2c9: {  	v60 =	vld [tilespmem:s17+$0x7240];
	v48 =	vmul.f32 v48, v31;
	v62 =	vmul.f32 v55, v32;
	v49 =	vadd.f32 v49, v53  }
0x2ca: {  	v61 =	vld [tilespmem:s17+$0x7220];
	v63 =	vmul.f32 v56, v31;
	v57 =	vmul.f32 v57, v32;
	v52 =	vadd.f32 v54, v52  }
0x2cb: {  	v47 =	vmul.f32 v47, v31;
	v58 =	vmul.f32 v58, v32;
	v56 =	vld [tilespmem:s17+$0x6E20];
	v50 =	vadd.f32 v51, v50;
	[tilespmem:s17+$0xD630] =	vst v49  }
0x2cc: {  	v46 =	vmul.f32 v46, v31;
	v59 =	vmul.f32 v59, v32;
	v55 =	vld [tilespmem:s17+$0x6650];
	v48 =	vadd.f32 v62, v48;
	[tilespmem:s17+$0xD620] =	vst v52  }
0x2cd: {  	v11 =	vmul.f32 v11, v31;
	v10 =	vmul.f32 v10, v32;
	v53 =	vld [tilespmem:s17+$0x7230];
	v47 =	vadd.f32 v58, v47;
	[tilespmem:s17+$0xD610] =	vst v50  }
0x2ce: {  	v9 =	vmul.f32 v9, v31;
	v8 =	vmul.f32 v8, v32;
	v51 =	vld [tilespmem:s17+$0x7200];
	v46 =	vadd.f32 v59, v46;
	[tilespmem:s17+$0xD600] =	vst v48  }
0x2cf: {  	v7 =	vmul.f32 v7, v31;
	v6 =	vmul.f32 v6, v32;
	v58 =	vld [tilespmem:s17+$0x6E00];
	v10 =	vadd.f32 v10, v11;
	[tilespmem:s17+$0xD260] =	vst v47  }
0x2d0: {  	v45 =	vmul.f32 v45, v31;
	v62 =	vmul.f32 v60, v32;
	v60 =	vld [tilespmem:s17+$0x6A70];
	v8 =	vadd.f32 v8, v9;
	[tilespmem:s17+$0xD250] =	vst v46  }
0x2d1: {  	v5 =	vmul.f32 v5, v31;
	v4 =	vmul.f32 v4, v32;
	v54 =	vld [tilespmem:s17+$0x6660];
	v6 =	vadd.f32 v6, v7;
	[tilespmem:s17+$0xC240] =	vst v10  }
0x2d2: {  	v43 =	vmul.f32 v43, v31;
	v49 =	vld [tilespmem:s17+$0x7210];
	v45 =	vadd.f32 v62, v45;
	[tilespmem:s17+$0xC230] =	vst v8  }
0x2d3: {  	v4 =	vadd.f32 v4, v5;
	v50 =	vld [tilespmem:s17+$0x6E70];
	v52 =	vadd.f32 v57, v63;
	[tilespmem:s17+$0xC220] =	vst v6;
	v63 =	vmul.f32 v61, v32  }
0x2d4: {  	v35 =	vmul.f32 v35, v31;
	v48 =	vld [tilespmem:s17+$0x6E60];
	[tilespmem:s17+$0xD240] =	vst v45;
	v45 =	vmul.f32 v56, v32  }
0x2d5: {  	v44 =	vmul.f32 v44, v31;
	v47 =	vld [tilespmem:s17+$0x6E40];
	[tilespmem:s17+$0xC210] =	vst v4;
	v53 =	vmul.f32 v53, v32;
	v43 =	vadd.f32 v63, v43  }
0x2d6: {  	v41 =	vmul.f32 v41, v31;
	v46 =	vld [tilespmem:s17+$0x6E30];
	[tilespmem:s17+$0xD270] =	vst v52;
	v51 =	vmul.f32 v51, v32;
	v35 =	vadd.f32 v45, v35  }
0x2d7: {  	v42 =	vmul.f32 v42, v31;
	v57 =	vld [tilespmem:s17+$0x6E10];
	v44 =	vadd.f32 v53, v44;
	v49 =	vmul.f32 v49, v32;
	[tilespmem:s17+$0xD220] =	vst v43  }
0x2d8: {  	v40 =	vmul.f32 v40, v31;
	v52 =	vld [tilespmem:s17+$0x6E50];
	v59 =	vmul.f32 v50, v32;
	v41 =	vadd.f32 v51, v41;
	[tilespmem:s17+$0xCE20] =	vst v35  }
0x2d9: {  	v39 =	vmul.f32 v39, v31;
	v61 =	vld [tilespmem:s17+$0x6A60];
	v48 =	vmul.f32 v48, v32;
	[tilespmem:s17+$0xD230] =	vst v44;
	v42 =	vadd.f32 v49, v42  }
0x2da: {  	v37 =	vmul.f32 v37, v31;
	v56 =	vld [tilespmem:s17+$0x6640];
	v47 =	vmul.f32 v47, v32;
	v40 =	vadd.f32 v59, v40;
	[tilespmem:s17+$0xD200] =	vst v41  }
0x2db: {  	v36 =	vmul.f32 v36, v31;
	v63 =	vld [tilespmem:s17+$0x6A50];
	v46 =	vmul.f32 v46, v32;
	v39 =	vadd.f32 v48, v39;
	[tilespmem:s17+$0xD210] =	vst v42  }
0x2dc: {  	v33 =	vmul.f32 v33, v31;
	v50 =	vld [tilespmem:s17+$0x6A20];
	v43 =	vmul.f32 v58, v32;
	v37 =	vadd.f32 v47, v37;
	[tilespmem:s17+$0xCE70] =	vst v40  }
0x2dd: {  	v38 =	vmul.f32 v38, v31;
	v51 =	vld [tilespmem:s17+$0x6A10];
	v62 =	vmul.f32 v52, v32;
	v36 =	vadd.f32 v46, v36;
	[tilespmem:s17+$0xCE60] =	vst v39  }
0x2de: {  	v34 =	vmul.f32 v34, v31;
	v53 =	vld [tilespmem:s17+$0x6670];
	v44 =	vmul.f32 v57, v32;
	v33 =	vadd.f32 v43, v33;
	[tilespmem:s17+$0xCE40] =	vst v37  }
0x2df: {  	v29 =	vmul.f32 v29, v31;
	v58 =	vld [tilespmem:s17+$0x6620];
	v41 =	vmul.f32 v61, v32;
	v38 =	vadd.f32 v62, v38;
	[tilespmem:s17+$0xCE30] =	vst v36  }
0x2e0: {  	v30 =	vmul.f32 v30, v31;
	v48 =	vld [tilespmem:s17+$0x6A40];
	v34 =	vadd.f32 v44, v34;
	v42 =	vmul.f32 v60, v32;
	[tilespmem:s17+$0xCE00] =	vst v33  }
0x2e1: {  	v28 =	vmul.f32 v28, v31;
	v49 =	vld [tilespmem:s17+$0x6A30];
	v40 =	vmul.f32 v63, v32;
	v29 =	vadd.f32 v41, v29;
	[tilespmem:s17+$0xCE50] =	vst v38  }
0x2e2: {  	v21 =	vmul.f32 v21, v31;
	v52 =	vld [tilespmem:s17+$0x6A00];
	v33 =	vmul.f32 v54, v32;
	[tilespmem:s17+$0xCE10] =	vst v34;
	v30 =	vadd.f32 v42, v30  }
0x2e3: {  	v20 =	vmul.f32 v20, v31;
	v57 =	vld [tilespmem:s17+$0x6630];
	v62 =	vmul.f32 v55, v32;
	v28 =	vadd.f32 v40, v28;
	[tilespmem:s17+$0xCA60] =	vst v29  }
0x2e4: {  	v25 =	vmul.f32 v25, v31;
	v59 =	vld [tilespmem:s17+$0x6610];
	v37 =	vmul.f32 v50, v32;
	v21 =	vadd.f32 v33, v21;
	[tilespmem:s17+$0xCA70] =	vst v30  }
0x2e5: {  	v24 =	vmul.f32 v24, v31;
	v61 =	vld [tilespmem:s17+$0x6270];
	v36 =	vmul.f32 v51, v32;
	v20 =	vadd.f32 v62, v20;
	[tilespmem:s17+$0xCA50] =	vst v28  }
0x2e6: {  	v22 =	vmul.f32 v22, v31;
	v46 =	vld [tilespmem:s17+$0x7660];
	v34 =	vmul.f32 v53, v32;
	v25 =	vadd.f32 v37, v25;
	[tilespmem:s17+$0xC660] =	vst v21  }
0x2e7: {  	v19 =	vmul.f32 v19, v31;
	v60 =	vld [tilespmem:s17+$0x6600];
	v33 =	vmul.f32 v56, v32;
	v24 =	vadd.f32 v36, v24;
	[tilespmem:s17+$0xC650] =	vst v20  }
0x2e8: {  	v27 =	vmul.f32 v27, v31;
	v63 =	vld [tilespmem:s17+$0x6260];
	v39 =	vmul.f32 v48, v32;
	v22 =	vadd.f32 v34, v22;
	[tilespmem:s17+$0xCA20] =	vst v25  }
0x2e9: {  	v26 =	vmul.f32 v26, v31;
	v44 =	vld [tilespmem:s17+$0x1660];
	v38 =	vmul.f32 v49, v32;
	v19 =	vadd.f32 v33, v19;
	[tilespmem:s17+$0xCA10] =	vst v24  }
0x2ea: {  	v23 =	vmul.f32 v23, v31;
	v50 =	vld [tilespmem:s17+$0x6200];
	v35 =	vmul.f32 v52, v32;
	v27 =	vadd.f32 v39, v27;
	[tilespmem:s17+$0xC670] =	vst v22  }
0x2eb: {  	v17 =	vmul.f32 v17, v31;
	v40 =	vld [tilespmem:s17+$0x1650];
	v37 =	vmul.f32 v58, v32;
	v26 =	vadd.f32 v38, v26;
	[tilespmem:s17+$0xC640] =	vst v19  }
0x2ec: {  	v14 =	vmul.f32 v14, v31;
	v42 =	vld [tilespmem:s17+$0x7650];
	v43 =	vmul.f32 v61, v32;
	v23 =	vadd.f32 v35, v23;
	[tilespmem:s17+$0xCA40] =	vst v27  }
0x2ed: {  	v18 =	vmul.f32 v18, v31;
	v36 =	vld [tilespmem:s17+$0x1640];
	v35 =	vmul.f32 v57, v32;
	v17 =	vadd.f32 v37, v17;
	[tilespmem:s17+$0xCA30] =	vst v26  }
0x2ee: {  	v16 =	vmul.f32 v16, v31;
	v48 =	vld [tilespmem:s17+$0x1670];
	v39 =	vmul.f32 v59, v32;
	v14 =	vadd.f32 v43, v14;
	[tilespmem:s17+$0xCA00] =	vst v23  }
0x2ef: {  	v15 =	vmul.f32 v15, v31;
	v49 =	vld [tilespmem:s17+$0x7670];
	v41 =	vmul.f32 v60, v32;
	v18 =	vadd.f32 v35, v18;
	[tilespmem:s17+$0xC620] =	vst v17  }
0x2f0: {  	v13 =	vmul.f32 v13, v31;
	v34 =	vld [tilespmem:s17+$0x6250];
	v45 =	vmul.f32 v63, v32;
	v16 =	vadd.f32 v39, v16;
	[tilespmem:s17+$0xC270] =	vst v14  }
0x2f1: {  	v38 =	vld [tilespmem:s17+$0x7640];
	v55 =	vmul.f32 v44, v31;
	v57 =	vmul.f32 v46, v32;
	v15 =	vadd.f32 v41, v15;
	[tilespmem:s17+$0xC630] =	vst v18  }
0x2f2: {  	v3 =	vmul.f32 v3, v31;
	v61 =	vmul.f32 v50, v32;
	v13 =	vadd.f32 v45, v13;
	[tilespmem:s17+$0xC610] =	vst v16  }
0x2f3: {  	v53 =	vmul.f32 v40, v31;
	v54 =	vmul.f32 v42, v32;
	v62 =	vadd.f32 v57, v55;
	[tilespmem:s17+$0xC600] =	vst v15  }
0x2f4: {  	v58 =	vmul.f32 v48, v31;
	v60 =	vmul.f32 v49, v32;
	v3 =	vadd.f32 v61, v3;
	[tilespmem:s17+$0xC260] =	vst v13  }
0x2f5: {  	v12 =	vmul.f32 v12, v31;
	v47 =	vmul.f32 v34, v32;
	v59 =	vadd.f32 v54, v53;
	[tilespmem:s17+$0xD660] =	vst v62  }
0x2f6: {  	v51 =	vmul.f32 v36, v31;
	v52 =	vmul.f32 v38, v32;
	v63 =	vadd.f32 v60, v58;
	[tilespmem:s17+$0xC200] =	vst v3  }
0x2f7: {  	v12 =	vadd.f32 v47, v12;
	[tilespmem:s17+$0xD650] =	vst v59  }
0x2f8: {  	v56 =	vadd.f32 v52, v51;
	[tilespmem:s17+$0xD670] =	vst v63  }
0x2f9: {  	[tilespmem:s17+$0xC250] =	vst v12  }
0x2fa: {  	s4 =	simm.s32 $0x0;
	[tilespmem:s17+$0xD640] =	vst v56  }
0x2fb: {  	[hbm4b:s12+s4] =	stream.linear.scatter [tilespmem:s29], [sflag:$0x2], $0x3000, $0x38;
	[tilespmem:$0x12200] =	vst v63  }
0x2fc: {  	_ =	swait.ge [sflag:s0], $0x3000  }
0x2fd: {  	[sflag:s0] =	ssyncset.done $0x0  }
0x2fe: {  	[sflag:s0] =	ssyncadd.s32 $0xFFFFD000  }
0x2ff: {  	_ =	swait.ge [sflag:s0], $0x3000  }
0x300: {  	[sflag:s0] =	ssyncset.done $0x0  }
0x301: {  	[sflag:s0] =	ssyncadd.s32 $0xFFFFD000  }
0x302: {  	_ =	swait.ge [sflag:s31], $0x3000  }
0x303: {  	[sflag:s31] =	ssyncset.done $0x0  }
0x304: {  	s17 =	simm.s32 $0x0;
	[sflag:s31] =	ssyncadd.s32 $0xFFFFD000  }
.LBB2_8:
0x305: {  	s18 =	sadd.s32 $0x30, s17;
	s19 =	sshrl.u32 s17, $0x3  }
0x306: {  	v4 =	vmov s18;
	s18 =	smul.u32 $0x1800, s19  }
0x307: {  	s19 =	sand.u32 $0x380, s4  }
0x308: {  	s19 =	sor.u32 s19, s18  }
0x309: {  	v5 =	vld [tilespmem:s19+$0x3200]  }
0x30a: {  	v6 =	vld [tilespmem:s19+$0x9200]  }
0x30b: {  	v7 =	vld [tilespmem:s19+$0x3210]  }
0x30c: {  	v8 =	vld [tilespmem:s19+$0x9210]  }
0x30d: {  	v9 =	vld [tilespmem:s19+$0x3220]  }
0x30e: {  	v10 =	vld [tilespmem:s19+$0x9220]  }
0x30f: {  	v11 =	vld [tilespmem:s19+$0x3230]  }
0x310: {  	v12 =	vld [tilespmem:s19+$0x9230]  }
0x311: {  	v13 =	vld [tilespmem:s19+$0x3240]  }
0x312: {  	v14 =	vld [tilespmem:s19+$0x9240]  }
0x313: {  	v15 =	vld [tilespmem:s19+$0x3250]  }
0x314: {  	v16 =	vld [tilespmem:s19+$0x9250]  }
0x315: {  	v17 =	vld [tilespmem:s19+$0x3260]  }
0x316: {  	v18 =	vld [tilespmem:s19+$0x9260]  }
0x317: {  	v19 =	vld [tilespmem:s19+$0x3270]  }
0x318: {  	v20 =	vld [tilespmem:s19+$0x9270]  }
0x319: {  	v21 =	vld [tilespmem:s19+$0x3600]  }
0x31a: {  	v22 =	vld [tilespmem:s19+$0x9600]  }
0x31b: {  	v23 =	vld [tilespmem:s19+$0x3610]  }
0x31c: {  	v24 =	vld [tilespmem:s19+$0x9610]  }
0x31d: {  	v25 =	vld [tilespmem:s19+$0x3620]  }
0x31e: {  	v26 =	vld [tilespmem:s19+$0x9620]  }
0x31f: {  	v27 =	vld [tilespmem:s19+$0x3630]  }
0x320: {  	v28 =	vld [tilespmem:s19+$0x9630]  }
0x321: {  	v29 =	vld [tilespmem:s19+$0x3640]  }
0x322: {  	v30 =	vld [tilespmem:s19+$0x9640]  }
0x323: {  	v31 =	vld [tilespmem:s19+$0x3650]  }
0x324: {  	v32 =	vld [tilespmem:s19+$0x9650]  }
0x325: {  	v33 =	vld [tilespmem:s19+$0x3660]  }
0x326: {  	v34 =	vld [tilespmem:s19+$0x9660]  }
0x327: {  	v35 =	vld [tilespmem:s19+$0x3670]  }
0x328: {  	v36 =	vld [tilespmem:s19+$0x9670]  }
0x329: {  	v37 =	vld [tilespmem:s19+$0x3A00]  }
0x32a: {  	v38 =	vld [tilespmem:s19+$0x9A00]  }
0x32b: {  	v39 =	vld [tilespmem:s19+$0x3A10]  }
0x32c: {  	v40 =	vld [tilespmem:s19+$0x9A10]  }
0x32d: {  	v41 =	vld [tilespmem:s19+$0x3A20]  }
0x32e: {  	v42 =	vld [tilespmem:s19+$0x9A20]  }
0x32f: {  	v43 =	vld [tilespmem:s19+$0x3A30]  }
0x330: {  	v44 =	vld [tilespmem:s19+$0x9A30]  }
0x331: {  	v3 =	vld.idx.msk [tilespmem:v4+s2+$0x0], $0xffff  }
0x332: {  	v4 =	vld.idx.msk [tilespmem:v4+s16+$0x0], $0xffff  }
0x333: {  	v45 =	vld [tilespmem:s19+$0x3A40]  }
0x334: {  	v46 =	vld [tilespmem:s19+$0x9A40]  }
0x335: {  	v47 =	vld [tilespmem:s19+$0x3A50]  }
0x336: {  	v48 =	vld [tilespmem:s19+$0x9A50]  }
0x337: {  	v49 =	vld [tilespmem:s19+$0x3A60];
	v5 =	vmul.f32 v5, v3;
	v6 =	vmul.f32 v6, v4  }
0x338: {  	v50 =	vld [tilespmem:s19+$0x9A60];
	v7 =	vmul.f32 v7, v3;
	v8 =	vmul.f32 v8, v4  }
0x339: {  	v51 =	vld [tilespmem:s19+$0x3A70];
	v59 =	vmul.f32 v9, v3;
	v60 =	vmul.f32 v10, v4  }
0x33a: {  	v10 =	vld [tilespmem:s19+$0x9A70];
	v61 =	vmul.f32 v11, v3;
	v62 =	vmul.f32 v12, v4;
	v5 =	vadd.f32 v6, v5  }
0x33b: {  	v12 =	vld [tilespmem:s19+$0x3E00];
	v52 =	vmul.f32 v13, v3;
	v53 =	vmul.f32 v14, v4;
	v7 =	vadd.f32 v8, v7  }
0x33c: {  	v13 =	vld [tilespmem:s19+$0x9E00];
	v55 =	vmul.f32 v15, v3;
	v56 =	vmul.f32 v16, v4;
	v63 =	vadd.f32 v60, v59;
	[tilespmem:s19+$0xF200] =	vst v5  }
0x33d: {  	v14 =	vld [tilespmem:s19+$0x3E10];
	v58 =	vmul.f32 v17, v3;
	v21 =	vmul.f32 v21, v3;
	v54 =	vadd.f32 v62, v61;
	[tilespmem:s19+$0xF210] =	vst v7  }
0x33e: {  	v15 =	vld [tilespmem:s19+$0x9E10];
	v41 =	vmul.f32 v41, v3;
	v57 =	vadd.f32 v53, v52;
	v59 =	vmul.f32 v18, v4;
	[tilespmem:s19+$0xF220] =	vst v63  }
0x33f: {  	v16 =	vld [tilespmem:s19+$0x3E20];
	v60 =	vadd.f32 v56, v55;
	v61 =	vmul.f32 v19, v3;
	v62 =	vmul.f32 v20, v4;
	[tilespmem:s19+$0xF230] =	vst v54  }
0x340: {  	v17 =	vld [tilespmem:s19+$0x9E20];
	v42 =	vmul.f32 v42, v4;
	v52 =	vmul.f32 v22, v4;
	[tilespmem:s19+$0xF240] =	vst v57;
	v63 =	vadd.f32 v59, v58  }
0x341: {  	v11 =	vld [tilespmem:s19+$0x4220];
	v55 =	vmul.f32 v24, v4;
	[tilespmem:s19+$0xF250] =	vst v60;
	v53 =	vadd.f32 v62, v61;
	v54 =	vmul.f32 v23, v3  }
0x342: {  	v18 =	vld [tilespmem:s19+$0x3E30];
	v56 =	vadd.f32 v52, v21;
	v57 =	vmul.f32 v25, v3;
	v58 =	vmul.f32 v26, v4;
	[tilespmem:s19+$0xF260] =	vst v63  }
0x343: {  	v19 =	vld [tilespmem:s19+$0x9E30];
	v60 =	vmul.f32 v27, v3;
	v61 =	vmul.f32 v28, v4;
	[tilespmem:s19+$0xF270] =	vst v53;
	v59 =	vadd.f32 v55, v54  }
0x344: {  	v20 =	vld [tilespmem:s19+$0x3E40];
	v26 =	vmul.f32 v31, v3;
	v27 =	vmul.f32 v32, v4;
	[tilespmem:s19+$0xF600] =	vst v56;
	v62 =	vadd.f32 v58, v57  }
0x345: {  	v24 =	vmul.f32 v30, v4;
	v22 =	vld [tilespmem:s19+$0x3E50];
	v30 =	vmul.f32 v34, v4;
	v25 =	vadd.f32 v61, v60;
	[tilespmem:s19+$0xF610] =	vst v59  }
0x346: {  	v21 =	vld [tilespmem:s19+$0x9E40];
	v32 =	vmul.f32 v35, v3;
	v63 =	vmul.f32 v29, v3;
	v31 =	vadd.f32 v27, v26;
	[tilespmem:s19+$0xF620] =	vst v62  }
0x347: {  	v23 =	vld [tilespmem:s19+$0x9E50];
	v35 =	vmul.f32 v37, v3;
	v29 =	vmul.f32 v33, v3;
	v55 =	vadd.f32 v42, v41;
	[tilespmem:s19+$0xF630] =	vst v25  }
0x348: {  	v10 =	vmul.f32 v10, v4;
	v33 =	vmul.f32 v36, v4;
	v26 =	vld [tilespmem:s19+$0x3E70];
	v28 =	vadd.f32 v24, v63;
	[tilespmem:s19+$0xF650] =	vst v31  }
0x349: {  	v36 =	vmul.f32 v38, v4;
	v38 =	vmul.f32 v39, v3;
	v27 =	vld [tilespmem:s19+$0x9E70];
	v34 =	vadd.f32 v30, v29;
	[tilespmem:s19+$0xFA20] =	vst v55  }
0x34a: {  	v39 =	vmul.f32 v40, v4;
	v53 =	vmul.f32 v43, v3;
	v41 =	vld [tilespmem:s19+$0x4230];
	v37 =	vadd.f32 v33, v32;
	[tilespmem:s19+$0xF640] =	vst v28  }
0x34b: {  	v54 =	vmul.f32 v44, v4;
	v56 =	vmul.f32 v45, v3;
	v45 =	vld [tilespmem:s19+$0xA230];
	v40 =	vadd.f32 v36, v35;
	[tilespmem:s19+$0xF660] =	vst v34  }
0x34c: {  	v57 =	vmul.f32 v46, v4;
	v60 =	vmul.f32 v48, v4;
	v24 =	vld [tilespmem:s19+$0x3E60];
	v52 =	vadd.f32 v39, v38;
	[tilespmem:s19+$0xF670] =	vst v37  }
0x34d: {  	v43 =	vmul.f32 v16, v3;
	v44 =	vmul.f32 v17, v4;
	v25 =	vld [tilespmem:s19+$0x9E60];
	v58 =	vadd.f32 v54, v53;
	[tilespmem:s19+$0xFA00] =	vst v40  }
0x34e: {  	v48 =	vmul.f32 v19, v4;
	v29 =	vld [tilespmem:s19+$0xA200];
	v59 =	vmul.f32 v47, v3;
	v61 =	vadd.f32 v57, v56;
	[tilespmem:s19+$0xFA10] =	vst v52  }
0x34f: {  	v30 =	vld [tilespmem:s19+$0x4210];
	v62 =	vmul.f32 v49, v3;
	v63 =	vmul.f32 v50, v4;
	v50 =	vadd.f32 v44, v43;
	[tilespmem:s19+$0xFA30] =	vst v58  }
0x350: {  	v31 =	vld [tilespmem:s19+$0xA210];
	v36 =	vmul.f32 v12, v3;
	v47 =	vmul.f32 v18, v3;
	v33 =	vadd.f32 v60, v59;
	[tilespmem:s19+$0xFA40] =	vst v61  }
0x351: {  	v12 =	vld [tilespmem:s19+$0xA220];
	v55 =	vmul.f32 v22, v3;
	v56 =	vmul.f32 v23, v4;
	v35 =	vadd.f32 v63, v62;
	[tilespmem:s19+$0xFE20] =	vst v50  }
0x352: {  	v39 =	vmul.f32 v14, v3;
	v49 =	vld [tilespmem:s19+$0x4240];
	v34 =	vmul.f32 v51, v3;
	v54 =	vadd.f32 v48, v47;
	[tilespmem:s19+$0xFA50] =	vst v33  }
0x353: {  	v53 =	vld [tilespmem:s19+$0xA240];
	v37 =	vmul.f32 v13, v4;
	v40 =	vmul.f32 v15, v4;
	v62 =	vadd.f32 v56, v55;
	[tilespmem:s19+$0xFA60] =	vst v35  }
0x354: {  	v57 =	vld [tilespmem:s19+$0x4250];
	v51 =	vmul.f32 v20, v3;
	v52 =	vmul.f32 v21, v4;
	v38 =	vadd.f32 v10, v34;
	[tilespmem:s19+$0xFE30] =	vst v54  }
0x355: {  	v28 =	vld [tilespmem:s19+$0x4200];
	v63 =	vmul.f32 v26, v3;
	v41 =	vmul.f32 v41, v3;
	v42 =	vadd.f32 v37, v36;
	[tilespmem:s19+$0xFE50] =	vst v62  }
0x356: {  	v61 =	vld [tilespmem:s19+$0xA250];
	v46 =	vadd.f32 v40, v39;
	v59 =	vmul.f32 v24, v3;
	v60 =	vmul.f32 v25, v4;
	[tilespmem:s19+$0xFA70] =	vst v38  }
0x357: {  	v58 =	vadd.f32 v52, v51;
	v35 =	vld [tilespmem:s19+$0x4270];
	v37 =	vmul.f32 v11, v3;
	v24 =	vmul.f32 v27, v4;
	[tilespmem:s19+$0xFE00] =	vst v42  }
0x358: {  	v39 =	vld [tilespmem:s19+$0xA270];
	v33 =	vmul.f32 v30, v3;
	v34 =	vmul.f32 v31, v4;
	[tilespmem:s19+$0xFE10] =	vst v46;
	v26 =	vadd.f32 v60, v59  }
0x359: {  	v25 =	vld [tilespmem:s19+$0x4260];
	[tilespmem:s19+$0xFE40] =	vst v58;
	v38 =	vmul.f32 v12, v4;
	v42 =	vmul.f32 v45, v4;
	v32 =	vadd.f32 v24, v63  }
0x35a: {  	v27 =	vmul.f32 v28, v3;
	v28 =	vmul.f32 v29, v4;
	v29 =	vld [tilespmem:s19+$0xA260];
	v40 =	vadd.f32 v34, v33;
	[tilespmem:s19+$0xFE60] =	vst v26  }
0x35b: {  	v44 =	vmul.f32 v49, v3;
	v45 =	vmul.f32 v53, v4;
	v43 =	vadd.f32 v38, v37;
	[tilespmem:s19+$0xFE70] =	vst v32  }
0x35c: {  	v46 =	vadd.f32 v42, v41;
	[tilespmem:s19+$0x10210] =	vst v40  }
0x35d: {  	v47 =	vmul.f32 v57, v3;
	v48 =	vmul.f32 v61, v4;
	v49 =	vadd.f32 v45, v44;
	[tilespmem:s19+$0x10220] =	vst v43  }
0x35e: {  	v36 =	vadd.f32 v28, v27;
	v53 =	vmul.f32 v35, v3;
	v54 =	vmul.f32 v39, v4;
	[tilespmem:s19+$0x10230] =	vst v46  }
0x35f: {  	v52 =	vadd.f32 v48, v47;
	v50 =	vmul.f32 v25, v3;
	[tilespmem:s19+$0x10240] =	vst v49;
	v51 =	vmul.f32 v29, v4  }
0x360: {  	[tilespmem:s19+$0x10200] =	vst v36;
	v56 =	vadd.f32 v54, v53  }
0x361: {  	[tilespmem:s19+$0x10250] =	vst v52;
	v55 =	vadd.f32 v51, v50  }
0x362: {  	s18 =	sadd.s32 s18, s4;
	[tilespmem:s19+$0x10270] =	vst v56  }
0x363: {  	s20 =	sor.u32 $0x4400, s18;
	[tilespmem:s19+$0x10260] =	vst v55  }
0x364: {  	v5 =	vld [tilespmem:s20+$0x200]  }
0x365: {  	v6 =	vld [tilespmem:s20+$0x6200];
	_ =	sdelay $0x4  }
0x366: {  	v5 =	vmul.f32 v5, v3;
	v6 =	vmul.f32 v6, v4;
	_ =	sdelay $0x1  }
0x367: {  	v5 =	vadd.f32 v6, v5;
	_ =	sdelay $0x1  }
0x368: {  	[tilespmem:s20+$0xC200] =	vst v5;
	s20 =	sor.u32 $0x4410, s18  }
0x369: {  	v5 =	vld [tilespmem:s20+$0x200]  }
0x36a: {  	v57 =	vld [tilespmem:s20+$0x6200];
	_ =	sdelay $0x4  }
0x36b: {  	v5 =	vmul.f32 v5, v3;
	v6 =	vmul.f32 v57, v4;
	_ =	sdelay $0x1  }
0x36c: {  	v5 =	vadd.f32 v6, v5;
	_ =	sdelay $0x1  }
0x36d: {  	[tilespmem:s20+$0xC200] =	vst v5;
	s20 =	sor.u32 $0x4420, s18  }
0x36e: {  	v5 =	vld [tilespmem:s20+$0x200]  }
0x36f: {  	v58 =	vld [tilespmem:s20+$0x6200];
	_ =	sdelay $0x4  }
0x370: {  	v5 =	vmul.f32 v5, v3;
	v6 =	vmul.f32 v58, v4;
	_ =	sdelay $0x1  }
0x371: {  	v5 =	vadd.f32 v6, v5;
	_ =	sdelay $0x1  }
0x372: {  	[tilespmem:s20+$0xC200] =	vst v5;
	s20 =	sor.u32 $0x4430, s18  }
0x373: {  	v5 =	vld [tilespmem:s20+$0x200]  }
0x374: {  	v59 =	vld [tilespmem:s20+$0x6200];
	_ =	sdelay $0x4  }
0x375: {  	v5 =	vmul.f32 v5, v3;
	v6 =	vmul.f32 v59, v4;
	_ =	sdelay $0x1  }
0x376: {  	v5 =	vadd.f32 v6, v5;
	_ =	sdelay $0x1  }
0x377: {  	[tilespmem:s20+$0xC200] =	vst v5;
	s20 =	sor.u32 $0x4440, s18  }
0x378: {  	v5 =	vld [tilespmem:s20+$0x200]  }
0x379: {  	v60 =	vld [tilespmem:s20+$0x6200];
	_ =	sdelay $0x4  }
0x37a: {  	v5 =	vmul.f32 v5, v3;
	v6 =	vmul.f32 v60, v4;
	_ =	sdelay $0x1  }
0x37b: {  	v5 =	vadd.f32 v6, v5;
	_ =	sdelay $0x1  }
0x37c: {  	[tilespmem:s20+$0xC200] =	vst v5;
	s20 =	sor.u32 $0x4450, s18  }
0x37d: {  	v5 =	vld [tilespmem:s20+$0x200]  }
0x37e: {  	v61 =	vld [tilespmem:s20+$0x6200];
	_ =	sdelay $0x4  }
0x37f: {  	v5 =	vmul.f32 v5, v3;
	v6 =	vmul.f32 v61, v4;
	_ =	sdelay $0x1  }
0x380: {  	v5 =	vadd.f32 v6, v5;
	_ =	sdelay $0x1  }
0x381: {  	[tilespmem:s20+$0xC200] =	vst v5;
	s20 =	sor.u32 $0x4460, s18  }
0x382: {  	v5 =	vld [tilespmem:s20+$0x200]  }
0x383: {  	v62 =	vld [tilespmem:s20+$0x6200];
	_ =	sdelay $0x4  }
0x384: {  	v5 =	vmul.f32 v5, v3;
	v6 =	vmul.f32 v62, v4;
	_ =	sdelay $0x1  }
0x385: {  	v5 =	vadd.f32 v6, v5;
	_ =	sdelay $0x1  }
0x386: {  	s18 =	sor.u32 $0x4470, s18;
	[tilespmem:s20+$0xC200] =	vst v5  }
0x387: {  	v5 =	vld [tilespmem:s18+$0x200]  }
0x388: {  	v63 =	vld [tilespmem:s18+$0x6200];
	_ =	sdelay $0x3  }
0x389: {  	p0 =	sne.s32 s17, $0xF  }
.Ltmp3:
0x38a: {  	v3 =	vmul.f32 v5, v3;
	v4 =	vmul.f32 v63, v4;
	(pc) =	sbr.rel @p0 .LBB2_8-.Ltmp3, $3  }
0x38b: {  	_ = 	snop  }
0x38c: {  	v3 =	vadd.f32 v4, v3;
	_ =	sdelay $0x1  }
0x38d: {  	s17 =	sadd.s32 $0x1, s17;
	s4 =	sadd.s32 $0x80, s4;
	[tilespmem:s18+$0xC200] =	vst v3  }
0x38e: {  	[hbm4b:s13+s2] =	stream.linear.scatter [tilespmem:s30], [sflag:$0x2], $0x3000, $0x38;
	[tilespmem:$0x12200] =	vst v63  }
0x38f: {  	s1 =	sadd.s32 $0x1, s1  }
0x390: {  	_ =	swait.ge [sflag:s31], $0x3000;
	p0 =	sne.s32 s1, s14  }
.Ltmp4:
0x391: {  	[sflag:s31] =	ssyncset.done $0x0;
	(pc) =	sbr.rel @p0 .LBB2_1-.Ltmp4, $4  }
0x392: {  	[sflag:s31] =	ssyncadd.s32 $0xFFFFD000  }
0x393: {  	_ =	swait.ge [sflag:s31], $0x3000  }
0x394: {  	[sflag:s31] =	ssyncset.done $0x0  }
0x395: {  	[sflag:s31] =	ssyncadd.s32 $0xFFFFD000  }
0x396: {  	_ =	sfence.sel $0x180000  }
0x397: {  	[bflag:$0x0] =	sbarrier.arrive $0xFFFF  }
0x398: {  	_ =	strace $0x9000004A  }
0x399: {  	s0 =	stileid.u32;
	[bflag:$0x2] =	sbarrier.arrive $0xFFFF  }
0x39a: {  	p0 =	sne.s32 s0, $0x0;
	s0 =	rddreg [dreg:$0x2]  }
0x39b: {  	s0 =	sadd.s32 @!p0 $0x100000, s0  }
0x39c: {  	[sflag:s0] =	ssyncadd.tile.s32 @!p0 $0x1;
	_ =	shalt  }
.Lfunc_end2:
_tile_overlayer_lowered:
.L_overlay_start_2:
0x39d: {  	(tag) =	ssettag $0x2  }
0x39e: {  	s0 =	rddreg [dreg:$0x0];
	s2 =	stileid.u32  }
0x39f: {  	s1 =	rddreg [dreg:$0x1];
	p0 =	sne.s32 s2, $0x0  }
0x3a0: {  	s3 =	rddreg [dreg:$0x2];
	[bflag:$0x3] =	sbarrier.arrive $0xFFFF;
	s2 =	simm.s32 @!p0 $0x1C03  }
0x3a1: {  	[timem:s3], [sflag:s2] =	dma.local @!p0 [hbm:s0], s1  }
0x3a2: {  	s0 =	simm.s32 @!p0 $0x3  }
0x3a3: {  	_ =	swait.ge @!p0 [sflag:s0], s1  }
0x3a4: {  	s1 =	ssub.s32 @!p0 $0x0, s1;
	[sflag:s0] =	ssyncset.done @!p0 $0x0  }
0x3a5: {  	[sflag:s0] =	ssyncadd.s32 @!p0 s1  }
0x3a6: {  	[bflag:$0x3] =	sbarrier.arrive $0xFFFF  }
0x3a7: {  	_ =	shalt  }

</sc_bundles>
